<compile_context>
chip_gen: v7x
topology: tpu7x:2x2x1
jax: 0.10.2.dev20260603
libtpu: 0.0.44.dev20260713+nightly
codegen_flags: <defaults>
</compile_context>

<pallas_src>
import jax
import jax.numpy as jnp
from jax import lax
from jax.experimental import pallas as pl
from jax.experimental.pallas import tpu as pltpu
from jax.experimental.pallas import tpu_sc as plsc

N = 10000
C = 128
K = 32
NEG = 0.2

NC, NS, L = 2, 16, 16
NW = NC * NS
NPAD = 10240
PW = NPAD // NW
NB = 512
GRID = NPAD // NB

BLK = 1
NBLK = PW // BLK


def _tc_body(x_ref, w_ref, a_ref, hT_ref, ts_ref):
    xb = x_ref[...]
    hT = lax.dot_general(xb, w_ref[...], (((0,), (1,)), ((), ())),
                         preferred_element_type=jnp.float32)
    hT = jnp.maximum(hT, 0.0)
    hT_ref[...] = hT
    ts_ref[...] = lax.dot_general(a_ref[...], hT, (((1,), (1,)), ((), ())),
                                  preferred_element_type=jnp.float32)


def _tc_call(xpad, W, att2):
    return pl.pallas_call(
        _tc_body,
        grid=(GRID,),
        in_specs=[
            pl.BlockSpec((C, NB), lambda i: (0, i)),
            pl.BlockSpec((C, C), lambda i: (0, 0)),
            pl.BlockSpec((8, C), lambda i: (0, 0)),
        ],
        out_specs=[
            pl.BlockSpec((NB, C), lambda i: (i, 0)),
            pl.BlockSpec((8, NB), lambda i: (0, i)),
        ],
        out_shape=[
            jax.ShapeDtypeStruct((NPAD, C), jnp.float32),
            jax.ShapeDtypeStruct((8, NPAD), jnp.float32),
        ],
    )(xpad, W, att2)


def _sc_body(hT_hbm, t_hbm, s_hbm, inm_hbm, out_hbm,
             s_v, t_v, inm_v, w_v, l_v, rows_v, ob_v, h_sp,
             sem, hsem, stsem, osem):
    cid = lax.axis_index("c")
    sid = lax.axis_index("s")
    wid = sid * NC + cid
    base = jnp.minimum(wid * PW, N - PW)

    hrows = NPAD // NS
    pltpu.make_async_copy(
        hT_hbm.at[pl.ds(sid * hrows, hrows), :],
        h_sp.at[pl.ds(sid * hrows, hrows), :], hsem).start()

    pltpu.make_async_copy(s_hbm, s_v, stsem).start()
    pltpu.make_async_copy(t_hbm.at[pl.ds(base, PW)], t_v, stsem).start()
    pltpu.make_async_copy(
        inm_hbm.at[pl.ds(base * K, PW * K)], inm_v, stsem).start()
    pltpu.make_async_copy(s_hbm, s_v, stsem).wait()
    pltpu.make_async_copy(t_hbm.at[pl.ds(base, PW)], t_v, stsem).wait()
    pltpu.make_async_copy(
        inm_hbm.at[pl.ds(base * K, PW * K)], inm_v, stsem).wait()

    lane = lax.iota(jnp.int32, L)

    def group(g, _):
        tv = t_v[pl.ds(g * L, L)]
        pos0 = (g * L + lane) * K

        lgs = []
        m = jnp.full((L,), -jnp.inf, jnp.float32)
        for k in range(K):
            nbr = plsc.load_gather(inm_v, [pos0 + k])
            lg = tv + plsc.load_gather(s_v, [nbr])
            lg = jnp.maximum(lg, NEG * lg)
            lgs.append(lg)
            m = jnp.maximum(m, lg)
        es = [jnp.exp(lg - m) for lg in lgs]
        ssum = es[0]
        for k in range(1, K):
            ssum = ssum + es[k]
        inv = 1.0 / ssum
        for k in range(K):
            plsc.store_scatter(w_v, [pos0 + k], es[k] * inv)
        return 0
    lax.fori_loop(0, PW // L, group, 0)

    pltpu.make_async_copy(
        hT_hbm.at[pl.ds(sid * hrows, hrows), :],
        h_sp.at[pl.ds(sid * hrows, hrows), :], hsem).wait()
    plsc.subcore_barrier()

    def start(b, slot):
        pltpu.make_async_copy(
            h_sp.at[inm_v.at[pl.ds(b * (BLK * K), BLK * K)]],
            rows_v.at[slot], sem.at[slot]).start()

    def wait(b, slot):
        pltpu.make_async_copy(
            h_sp.at[inm_v.at[pl.ds(b * (BLK * K), BLK * K)]],
            rows_v.at[slot], sem.at[slot]).wait()

    def ostart(b, slot):
        pltpu.make_async_copy(
            ob_v.at[slot], out_hbm.at[pl.ds(base + b * BLK, BLK), :],
            osem.at[slot]).start()

    def owait(b, slot):
        pltpu.make_async_copy(
            ob_v.at[slot], out_hbm.at[pl.ds(base + b * BLK, BLK), :],
            osem.at[slot]).wait()

    start(0, 0)

    def blk_body(b, _):
        slot = lax.rem(b, 2)
        nxt = jnp.minimum(b + 1, NBLK - 1)
        start(nxt, 1 - slot)
        wait(b, slot)

        @pl.when(b >= 2)
        def _():
            owait(b - 2, slot)

        def node(j, _):
            n = b * BLK + j
            wv0 = w_v[pl.ds(n * K, L)]
            wv1 = w_v[pl.ds(n * K + L, L)]
            accs = [jnp.full((L,), -jnp.inf, jnp.float32)
                    for _ in range(C // L)]
            for k in range(K):
                wk = wv0[k] if k < L else wv1[k - L]
                r = j * K + k
                for c in range(C // L):
                    accs[c] = jnp.maximum(
                        accs[c], rows_v[slot, r, pl.ds(c * L, L)] * wk)
            for c in range(C // L):
                ob_v[slot, j, pl.ds(c * L, L)] = accs[c]
            return 0
        lax.fori_loop(0, BLK, node, 0)
        ostart(b, slot)
        return 0
    lax.fori_loop(0, NBLK, blk_body, 0)
    owait(NBLK - 2, 0)
    owait(NBLK - 1, 1)


def _sc_call(hT, t, s, inm):
    mesh = plsc.VectorSubcoreMesh(core_axis_name="c", subcore_axis_name="s",
                                  num_cores=NC, num_subcores=NS)
    return pl.kernel(
        _sc_body,
        out_type=jax.ShapeDtypeStruct((N, C), jnp.float32),
        mesh=mesh,
        compiler_params=pltpu.CompilerParams(needs_layout_passes=False),
        scratch_types=[
            pltpu.VMEM((NPAD,), jnp.float32),
            pltpu.VMEM((PW,), jnp.float32),
            pltpu.VMEM((PW * K,), jnp.int32),
            pltpu.VMEM((PW * K,), jnp.float32),
            pltpu.VMEM((K, L), jnp.float32),
            pltpu.VMEM((2, BLK * K, C), jnp.float32),
            pltpu.VMEM((2, BLK, C), jnp.float32),
            pltpu.VMEM_SHARED((NPAD, C), jnp.float32),
            pltpu.SemaphoreType.DMA((2,)),
            pltpu.SemaphoreType.DMA,
            pltpu.SemaphoreType.DMA,
            pltpu.SemaphoreType.DMA((2,)),
        ],
    )(hT, t, s, inm)


def kernel(x, edge_index, W, att, bias):
    x2 = x[0, :, :, 0]
    idx_nm = edge_index[0, 0].astype(jnp.int32)
    att2 = jnp.pad(att[0, :, 0, 0].reshape(2, C), ((0, 6), (0, 0)))
    hT, ts = _tc_call(x2, W, att2)
    out = _sc_call(hT, ts[0], ts[1], idx_nm.reshape(-1))
    out = out.T[None, :, :, None] + bias
    return out

# --- scband reference (transcript-rebuilt; emitter-appended) ---
"""Pipeline reference for scband-gatconv2d-60997125538362 (READ-ONLY COPY).

The authoritative reference and input builder live on the scoring server;
editing this copy changes nothing except your own understanding.
"""

import jax, jax.numpy as jnp
import numpy as np

B, C_IN, C_OUT, N, K = 1, 128, 128, 10000, 32
NEG_SLOPE = 0.2


def setup_inputs(seed: int = 0) -> dict:
    key = jax.random.key(seed)
    k1, k2, k3, k4 = jax.random.split(key, 4)
    x = jax.random.normal(k1, (B, C_IN, N, 1), dtype=jnp.float32)
    edge_index = jax.random.randint(k2, (2, B, N, K), 0, N, dtype=jnp.int64)
    # MLP2dLayer: single 1x1 conv, bias=False -> weight [C_out, C_in]
    W = jax.random.normal(k3, (C_OUT, C_IN), dtype=jnp.float32) * (1.0 / np.sqrt(C_IN))
    # att: glorot-initialized [1, 2*C_out, 1, 1]
    att = jax.random.normal(k4, (1, 2 * C_OUT, 1, 1), dtype=jnp.float32) * np.sqrt(2.0 / (2 * C_OUT + 1))
    bias = jnp.zeros((1, C_OUT, 1, 1), dtype=jnp.float32)
    return {"x": x, "edge_index": edge_index, "W": W, "att": att, "bias": bias}


def reference(x, edge_index, W, att, bias):
    # self.nn(x): 1x1 conv (bias=False) + relu
    h = jnp.einsum("oi,bins->bons", W, x)  # [B, C_out, N, 1]
    h = jax.nn.relu(h)
    k = edge_index.shape[-1]
    # get_center_feature(x, k): repeat center feature k times along last dim
    x_i = jnp.repeat(h, k, axis=-1)  # [B, C, N, k]
    # batched_index_select(x, edge_index[0]): gather neighbor features along node dim
    hb = h[:, :, :, 0]  # [B, C, N]
    idx = edge_index[0]  # [B, N, k]

    def gather_b(hb_b, idx_b):
        return hb_b[:, idx_b]  # [C, N, k]

    x_j = jax.vmap(gather_b)(hb, idx)  # [B, C, N, k]
    # attention logits
    alpha = (jnp.concatenate([x_i, x_j], axis=1) * att).sum(axis=1, keepdims=True)  # [B,1,N,k]
    alpha = jax.nn.leaky_relu(alpha, negative_slope=NEG_SLOPE)
    alpha = jax.nn.softmax(alpha, axis=-1)
    # dropout p=0 -> identity
    x_j = x_j * alpha
    # aggr='max' -> torch.max over last dim, keepdim
    aggr_out = jnp.max(x_j, axis=-1, keepdims=True)  # [B, C, N, 1]
    aggr_out = aggr_out + bias
    return aggr_out

if __name__ == "__main__":
    import jax
    _d = setup_inputs()
    print(jax.jit(kernel)(*tuple(_d.values())))

</pallas_src>

<mosaic_0001>
#map = affine_map<(d0, d1) -> (0, 0)>
#map1 = affine_map<(d0, d1) -> (0)>
module attributes {stable_mosaic.version = 14 : i64} {
  func.func @_sc_body(%arg0: i32, %arg1: i32, %arg2: memref<10240x128xf32, #tpu.memory_space<hbm>>, %arg3: memref<10240xf32, #tpu.memory_space<hbm>>, %arg4: memref<10240xf32, #tpu.memory_space<hbm>>, %arg5: memref<320000xi32, #tpu.memory_space<hbm>>, %arg6: memref<10000x128xf32, #tpu.memory_space<hbm>>, %arg7: memref<10240xf32, #tpu.memory_space<vmem>>, %arg8: memref<320xf32, #tpu.memory_space<vmem>>, %arg9: memref<10240xi32, #tpu.memory_space<vmem>>, %arg10: memref<10240xf32, #tpu.memory_space<vmem>>, %arg11: memref<32x16xf32, #tpu.memory_space<vmem>>, %arg12: memref<2x32x128xf32, #tpu.memory_space<vmem>>, %arg13: memref<2x1x128xf32, #tpu.memory_space<vmem>>, %arg14: memref<10240x128xf32, #tpu.memory_space<vmem_shared>>, %arg15: memref<2x!tpu.dma_semaphore, #tpu.memory_space<semaphore_mem>>, %arg16: memref<!tpu.dma_semaphore, #tpu.memory_space<semaphore_mem>>, %arg17: memref<!tpu.dma_semaphore, #tpu.memory_space<semaphore_mem>>, %arg18: memref<2x!tpu.dma_semaphore, #tpu.memory_space<semaphore_mem>>) attributes {dimension_semantics = [#tpu.dimension_semantics<core_parallel>, #tpu.dimension_semantics<subcore_parallel>], iteration_bounds = array<i64: 2, 16>, scalar_prefetch = 0 : i64, scratch_operands = 12 : i64, tpu.core_type = #tpu.core_type<sc_vector_subcore>, window_params = [{transform_indices = #map}, {transform_indices = #map1}, {transform_indices = #map1}, {transform_indices = #map1}, {transform_indices = #map}]} {
    %mul3A = arith.constant 2 : i32
    %mul3A_0 = arith.muli %arg1, %mul3A : i32
    %add3A = arith.addi %mul3A_0, %arg0 : i32
    %mul3A_1 = arith.constant 320 : i32
    %mul3A_2 = arith.muli %add3A, %mul3A_1 : i32
    %min3A = arith.constant 9680 : i32
    %min3A_3 = arith.minsi %mul3A_2, %min3A : i32
    %mul3A_4 = arith.constant 640 : i32
    %mul3A_5 = arith.muli %arg1, %mul3A_4 : i32
    %mul3A_6 = arith.constant 640 : i32
    %mul3A_7 = arith.muli %arg1, %mul3A_6 : i32
    %dma_start3A = arith.constant 0 : i32
    %dma_start3A_8 = tpu.memref_slice %arg14[%mul3A_7, %dma_start3A] : memref<10240x128xf32, #tpu.memory_space<vmem_shared>> -> memref<640x128xf32, #tpu.memory_space<vmem_shared>>
    %dma_start3A_9 = arith.constant 0 : i32
    %dma_start3A_10 = tpu.memref_slice %arg2[%mul3A_5, %dma_start3A_9] : memref<10240x128xf32, #tpu.memory_space<hbm>> -> memref<640x128xf32, #tpu.memory_space<hbm>>
    tpu.enqueue_dma source(%dma_start3A_10 : memref<640x128xf32, #tpu.memory_space<hbm>>) target(%dma_start3A_8 : memref<640x128xf32, #tpu.memory_space<vmem_shared>>) target_semaphore(%arg16 : memref<!tpu.dma_semaphore, #tpu.memory_space<semaphore_mem>>)
    tpu.enqueue_dma source(%arg4 : memref<10240xf32, #tpu.memory_space<hbm>>) target(%arg7 : memref<10240xf32, #tpu.memory_space<vmem>>) target_semaphore(%arg17 : memref<!tpu.dma_semaphore, #tpu.memory_space<semaphore_mem>>)
    %dma_start3A_11 = tpu.memref_slice %arg3[%min3A_3] : memref<10240xf32, #tpu.memory_space<hbm>> -> memref<320xf32, #tpu.memory_space<hbm>>
    %dma_start3A_12 = tpu.memref_slice %arg3[%min3A_3] : memref<10240xf32, #tpu.memory_space<hbm>> -> memref<320xf32, #tpu.memory_space<hbm>>
    tpu.enqueue_dma source(%dma_start3A_12 : memref<320xf32, #tpu.memory_space<hbm>>) target(%arg8 : memref<320xf32, #tpu.memory_space<vmem>>) target_semaphore(%arg17 : memref<!tpu.dma_semaphore, #tpu.memory_space<semaphore_mem>>)
    %mul3A_13 = arith.constant 32 : i32
    %mul3A_14 = arith.muli %min3A_3, %mul3A_13 : i32
    %dma_start3A_15 = tpu.memref_slice %arg5[%mul3A_14] : memref<320000xi32, #tpu.memory_space<hbm>> -> memref<10240xi32, #tpu.memory_space<hbm>>
    %dma_start3A_16 = tpu.memref_slice %arg5[%mul3A_14] : memref<320000xi32, #tpu.memory_space<hbm>> -> memref<10240xi32, #tpu.memory_space<hbm>>
    tpu.enqueue_dma source(%dma_start3A_16 : memref<10240xi32, #tpu.memory_space<hbm>>) target(%arg9 : memref<10240xi32, #tpu.memory_space<vmem>>) target_semaphore(%arg17 : memref<!tpu.dma_semaphore, #tpu.memory_space<semaphore_mem>>)
    tpu.wait_dma2 semaphore(%arg17 : memref<!tpu.dma_semaphore, #tpu.memory_space<semaphore_mem>>) src(%arg4 : memref<10240xf32, #tpu.memory_space<hbm>>) dst(%arg7 : memref<10240xf32, #tpu.memory_space<vmem>>)
    %dma_wait3A = tpu.memref_slice %arg3[%min3A_3] : memref<10240xf32, #tpu.memory_space<hbm>> -> memref<320xf32, #tpu.memory_space<hbm>>
    %dma_wait3A_17 = tpu.memref_slice %arg3[%min3A_3] : memref<10240xf32, #tpu.memory_space<hbm>> -> memref<320xf32, #tpu.memory_space<hbm>>
    tpu.wait_dma2 semaphore(%arg17 : memref<!tpu.dma_semaphore, #tpu.memory_space<semaphore_mem>>) src(%dma_wait3A_17 : memref<320xf32, #tpu.memory_space<hbm>>) dst(%arg8 : memref<320xf32, #tpu.memory_space<vmem>>)
    %mul3A_18 = arith.constant 32 : i32
    %mul3A_19 = arith.muli %min3A_3, %mul3A_18 : i32
    %dma_wait3A_20 = tpu.memref_slice %arg5[%mul3A_19] : memref<320000xi32, #tpu.memory_space<hbm>> -> memref<10240xi32, #tpu.memory_space<hbm>>
    %dma_wait3A_21 = tpu.memref_slice %arg5[%mul3A_19] : memref<320000xi32, #tpu.memory_space<hbm>> -> memref<10240xi32, #tpu.memory_space<hbm>>
    tpu.wait_dma2 semaphore(%arg17 : memref<!tpu.dma_semaphore, #tpu.memory_space<semaphore_mem>>) src(%dma_wait3A_21 : memref<10240xi32, #tpu.memory_space<hbm>>) dst(%arg9 : memref<10240xi32, #tpu.memory_space<vmem>>)
    %iota3A = tpu.iota {dimensions = array<i32: 0>} : vector<16xi32>
    %scan3A = arith.constant 0 : i32
    %scan3A_22 = arith.constant 0 : i32
    %scan3A_23 = arith.constant 20 : i32
    %scan3A_24 = arith.addi %scan3A_22, %scan3A_23 : i32
    %scan3A_25 = arith.constant 1 : i32
    %scan3A_26 = scf.for %scan3A_92 = %scan3A_22 to %scan3A_24 step %scan3A_25 iter_args(%scan3A_93 = %scan3A) -> (i32)  : i32 {
      %mul3A_94 = arith.constant 16 : i32
      %mul3A_95 = arith.muli %scan3A_92, %mul3A_94 : i32
      %get3A = arith.index_cast %mul3A_95 : i32 to index
      %get3A_96 = tpu.vector_load %arg8[%get3A] {strides = array<i32>} : memref<320xf32, #tpu.memory_space<vmem>>, vector<16xf32>,
      %mul3A_97 = arith.constant 16 : i32
      %mul3A_98 = arith.muli %scan3A_92, %mul3A_97 : i32
      %add3A_99 = vector.broadcast %mul3A_98 : i32 to vector<16xi32>
      %add3A_100 = arith.addi %add3A_99, %iota3A : vector<16xi32>
      %mul3A_101 = arith.constant 32 : i32
      %mul3A_102 = vector.broadcast %mul3A_101 : i32 to vector<16xi32>
      %mul3A_103 = arith.muli %add3A_100, %mul3A_102 : vector<16xi32>
      %broadcast_in_dim3A = arith.constant 0xFF800000 : f32
      %broadcast_in_dim3A_104 = vector.broadcast %broadcast_in_dim3A : f32 to vector<16xf32>
      %add3A_105 = arith.constant 0 : i32
      %add3A_106 = vector.broadcast %add3A_105 : i32 to vector<16xi32>
      %add3A_107 = arith.addi %mul3A_103, %add3A_106 : vector<16xi32>
      %gather3A = tpu.vector_load_idx %arg9[%add3A_107] : memref<10240xi32, #tpu.memory_space<vmem>>[vector<16xi32>], vector<16xi32>,
      %gather3A_108 = tpu.vector_load_idx %arg7[%gather3A] : memref<10240xf32, #tpu.memory_space<vmem>>[vector<16xi32>], vector<16xf32>,
      %add3A_109 = arith.addf %get3A_96, %gather3A_108 : vector<16xf32>
      %mul3A_110 = arith.constant 2.000000e-01 : f32
      %mul3A_111 = vector.broadcast %mul3A_110 : f32 to vector<16xf32>
      %mul3A_112 = arith.mulf %mul3A_111, %add3A_109 : vector<16xf32>
      %max3A = arith.maximumf %add3A_109, %mul3A_112 : vector<16xf32>
      %max3A_113 = arith.maximumf %broadcast_in_dim3A_104, %max3A : vector<16xf32>
      %add3A_114 = arith.constant 1 : i32
      %add3A_115 = vector.broadcast %add3A_114 : i32 to vector<16xi32>
      %add3A_116 = arith.addi %mul3A_103, %add3A_115 : vector<16xi32>
      %gather3A_117 = tpu.vector_load_idx %arg9[%add3A_116] : memref<10240xi32, #tpu.memory_space<vmem>>[vector<16xi32>], vector<16xi32>,
      %gather3A_118 = tpu.vector_load_idx %arg7[%gather3A_117] : memref<10240xf32, #tpu.memory_space<vmem>>[vector<16xi32>], vector<16xf32>,
      %add3A_119 = arith.addf %get3A_96, %gather3A_118 : vector<16xf32>
      %mul3A_120 = arith.constant 2.000000e-01 : f32
      %mul3A_121 = vector.broadcast %mul3A_120 : f32 to vector<16xf32>
      %mul3A_122 = arith.mulf %mul3A_121, %add3A_119 : vector<16xf32>
      %max3A_123 = arith.maximumf %add3A_119, %mul3A_122 : vector<16xf32>
      %max3A_124 = arith.maximumf %max3A_113, %max3A_123 : vector<16xf32>
      %add3A_125 = arith.constant 2 : i32
      %add3A_126 = vector.broadcast %add3A_125 : i32 to vector<16xi32>
      %add3A_127 = arith.addi %mul3A_103, %add3A_126 : vector<16xi32>
      %gather3A_128 = tpu.vector_load_idx %arg9[%add3A_127] : memref<10240xi32, #tpu.memory_space<vmem>>[vector<16xi32>], vector<16xi32>,
      %gather3A_129 = tpu.vector_load_idx %arg7[%gather3A_128] : memref<10240xf32, #tpu.memory_space<vmem>>[vector<16xi32>], vector<16xf32>,
      %add3A_130 = arith.addf %get3A_96, %gather3A_129 : vector<16xf32>
      %mul3A_131 = arith.constant 2.000000e-01 : f32
      %mul3A_132 = vector.broadcast %mul3A_131 : f32 to vector<16xf32>
      %mul3A_133 = arith.mulf %mul3A_132, %add3A_130 : vector<16xf32>
      %max3A_134 = arith.maximumf %add3A_130, %mul3A_133 : vector<16xf32>
      %max3A_135 = arith.maximumf %max3A_124, %max3A_134 : vector<16xf32>
      %add3A_136 = arith.constant 3 : i32
      %add3A_137 = vector.broadcast %add3A_136 : i32 to vector<16xi32>
      %add3A_138 = arith.addi %mul3A_103, %add3A_137 : vector<16xi32>
      %gather3A_139 = tpu.vector_load_idx %arg9[%add3A_138] : memref<10240xi32, #tpu.memory_space<vmem>>[vector<16xi32>], vector<16xi32>,
      %gather3A_140 = tpu.vector_load_idx %arg7[%gather3A_139] : memref<10240xf32, #tpu.memory_space<vmem>>[vector<16xi32>], vector<16xf32>,
      %add3A_141 = arith.addf %get3A_96, %gather3A_140 : vector<16xf32>
      %mul3A_142 = arith.constant 2.000000e-01 : f32
      %mul3A_143 = vector.broadcast %mul3A_142 : f32 to vector<16xf32>
      %mul3A_144 = arith.mulf %mul3A_143, %add3A_141 : vector<16xf32>
      %max3A_145 = arith.maximumf %add3A_141, %mul3A_144 : vector<16xf32>
      %max3A_146 = arith.maximumf %max3A_135, %max3A_145 : vector<16xf32>
      %add3A_147 = arith.constant 4 : i32
      %add3A_148 = vector.broadcast %add3A_147 : i32 to vector<16xi32>
      %add3A_149 = arith.addi %mul3A_103, %add3A_148 : vector<16xi32>
      %gather3A_150 = tpu.vector_load_idx %arg9[%add3A_149] : memref<10240xi32, #tpu.memory_space<vmem>>[vector<16xi32>], vector<16xi32>,
      %gather3A_151 = tpu.vector_load_idx %arg7[%gather3A_150] : memref<10240xf32, #tpu.memory_space<vmem>>[vector<16xi32>], vector<16xf32>,
      %add3A_152 = arith.addf %get3A_96, %gather3A_151 : vector<16xf32>
      %mul3A_153 = arith.constant 2.000000e-01 : f32
      %mul3A_154 = vector.broadcast %mul3A_153 : f32 to vector<16xf32>
      %mul3A_155 = arith.mulf %mul3A_154, %add3A_152 : vector<16xf32>
      %max3A_156 = arith.maximumf %add3A_152, %mul3A_155 : vector<16xf32>
      %max3A_157 = arith.maximumf %max3A_146, %max3A_156 : vector<16xf32>
      %add3A_158 = arith.constant 5 : i32
      %add3A_159 = vector.broadcast %add3A_158 : i32 to vector<16xi32>
      %add3A_160 = arith.addi %mul3A_103, %add3A_159 : vector<16xi32>
      %gather3A_161 = tpu.vector_load_idx %arg9[%add3A_160] : memref<10240xi32, #tpu.memory_space<vmem>>[vector<16xi32>], vector<16xi32>,
      %gather3A_162 = tpu.vector_load_idx %arg7[%gather3A_161] : memref<10240xf32, #tpu.memory_space<vmem>>[vector<16xi32>], vector<16xf32>,
      %add3A_163 = arith.addf %get3A_96, %gather3A_162 : vector<16xf32>
      %mul3A_164 = arith.constant 2.000000e-01 : f32
      %mul3A_165 = vector.broadcast %mul3A_164 : f32 to vector<16xf32>
      %mul3A_166 = arith.mulf %mul3A_165, %add3A_163 : vector<16xf32>
      %max3A_167 = arith.maximumf %add3A_163, %mul3A_166 : vector<16xf32>
      %max3A_168 = arith.maximumf %max3A_157, %max3A_167 : vector<16xf32>
      %add3A_169 = arith.constant 6 : i32
      %add3A_170 = vector.broadcast %add3A_169 : i32 to vector<16xi32>
      %add3A_171 = arith.addi %mul3A_103, %add3A_170 : vector<16xi32>
      %gather3A_172 = tpu.vector_load_idx %arg9[%add3A_171] : memref<10240xi32, #tpu.memory_space<vmem>>[vector<16xi32>], vector<16xi32>,
      %gather3A_173 = tpu.vector_load_idx %arg7[%gather3A_172] : memref<10240xf32, #tpu.memory_space<vmem>>[vector<16xi32>], vector<16xf32>,
      %add3A_174 = arith.addf %get3A_96, %gather3A_173 : vector<16xf32>
      %mul3A_175 = arith.constant 2.000000e-01 : f32
      %mul3A_176 = vector.broadcast %mul3A_175 : f32 to vector<16xf32>
      %mul3A_177 = arith.mulf %mul3A_176, %add3A_174 : vector<16xf32>
      %max3A_178 = arith.maximumf %add3A_174, %mul3A_177 : vector<16xf32>
      %max3A_179 = arith.maximumf %max3A_168, %max3A_178 : vector<16xf32>
      %add3A_180 = arith.constant 7 : i32
      %add3A_181 = vector.broadcast %add3A_180 : i32 to vector<16xi32>
      %add3A_182 = arith.addi %mul3A_103, %add3A_181 : vector<16xi32>
      %gather3A_183 = tpu.vector_load_idx %arg9[%add3A_182] : memref<10240xi32, #tpu.memory_space<vmem>>[vector<16xi32>], vector<16xi32>,
      %gather3A_184 = tpu.vector_load_idx %arg7[%gather3A_183] : memref<10240xf32, #tpu.memory_space<vmem>>[vector<16xi32>], vector<16xf32>,
      %add3A_185 = arith.addf %get3A_96, %gather3A_184 : vector<16xf32>
      %mul3A_186 = arith.constant 2.000000e-01 : f32
      %mul3A_187 = vector.broadcast %mul3A_186 : f32 to vector<16xf32>
      %mul3A_188 = arith.mulf %mul3A_187, %add3A_185 : vector<16xf32>
      %max3A_189 = arith.maximumf %add3A_185, %mul3A_188 : vector<16xf32>
      %max3A_190 = arith.maximumf %max3A_179, %max3A_189 : vector<16xf32>
      %add3A_191 = arith.constant 8 : i32
      %add3A_192 = vector.broadcast %add3A_191 : i32 to vector<16xi32>
      %add3A_193 = arith.addi %mul3A_103, %add3A_192 : vector<16xi32>
      %gather3A_194 = tpu.vector_load_idx %arg9[%add3A_193] : memref<10240xi32, #tpu.memory_space<vmem>>[vector<16xi32>], vector<16xi32>,
      %gather3A_195 = tpu.vector_load_idx %arg7[%gather3A_194] : memref<10240xf32, #tpu.memory_space<vmem>>[vector<16xi32>], vector<16xf32>,
      %add3A_196 = arith.addf %get3A_96, %gather3A_195 : vector<16xf32>
      %mul3A_197 = arith.constant 2.000000e-01 : f32
      %mul3A_198 = vector.broadcast %mul3A_197 : f32 to vector<16xf32>
      %mul3A_199 = arith.mulf %mul3A_198, %add3A_196 : vector<16xf32>
      %max3A_200 = arith.maximumf %add3A_196, %mul3A_199 : vector<16xf32>
      %max3A_201 = arith.maximumf %max3A_190, %max3A_200 : vector<16xf32>
      %add3A_202 = arith.constant 9 : i32
      %add3A_203 = vector.broadcast %add3A_202 : i32 to vector<16xi32>
      %add3A_204 = arith.addi %mul3A_103, %add3A_203 : vector<16xi32>
      %gather3A_205 = tpu.vector_load_idx %arg9[%add3A_204] : memref<10240xi32, #tpu.memory_space<vmem>>[vector<16xi32>], vector<16xi32>,
      %gather3A_206 = tpu.vector_load_idx %arg7[%gather3A_205] : memref<10240xf32, #tpu.memory_space<vmem>>[vector<16xi32>], vector<16xf32>,
      %add3A_207 = arith.addf %get3A_96, %gather3A_206 : vector<16xf32>
      %mul3A_208 = arith.constant 2.000000e-01 : f32
      %mul3A_209 = vector.broadcast %mul3A_208 : f32 to vector<16xf32>
      %mul3A_210 = arith.mulf %mul3A_209, %add3A_207 : vector<16xf32>
      %max3A_211 = arith.maximumf %add3A_207, %mul3A_210 : vector<16xf32>
      %max3A_212 = arith.maximumf %max3A_201, %max3A_211 : vector<16xf32>
      %add3A_213 = arith.constant 10 : i32
      %add3A_214 = vector.broadcast %add3A_213 : i32 to vector<16xi32>
      %add3A_215 = arith.addi %mul3A_103, %add3A_214 : vector<16xi32>
      %gather3A_216 = tpu.vector_load_idx %arg9[%add3A_215] : memref<10240xi32, #tpu.memory_space<vmem>>[vector<16xi32>], vector<16xi32>,
      %gather3A_217 = tpu.vector_load_idx %arg7[%gather3A_216] : memref<10240xf32, #tpu.memory_space<vmem>>[vector<16xi32>], vector<16xf32>,
      %add3A_218 = arith.addf %get3A_96, %gather3A_217 : vector<16xf32>
      %mul3A_219 = arith.constant 2.000000e-01 : f32
      %mul3A_220 = vector.broadcast %mul3A_219 : f32 to vector<16xf32>
      %mul3A_221 = arith.mulf %mul3A_220, %add3A_218 : vector<16xf32>
      %max3A_222 = arith.maximumf %add3A_218, %mul3A_221 : vector<16xf32>
      %max3A_223 = arith.maximumf %max3A_212, %max3A_222 : vector<16xf32>
      %add3A_224 = arith.constant 11 : i32
      %add3A_225 = vector.broadcast %add3A_224 : i32 to vector<16xi32>
      %add3A_226 = arith.addi %mul3A_103, %add3A_225 : vector<16xi32>
      %gather3A_227 = tpu.vector_load_idx %arg9[%add3A_226] : memref<10240xi32, #tpu.memory_space<vmem>>[vector<16xi32>], vector<16xi32>,
      %gather3A_228 = tpu.vector_load_idx %arg7[%gather3A_227] : memref<10240xf32, #tpu.memory_space<vmem>>[vector<16xi32>], vector<16xf32>,
      %add3A_229 = arith.addf %get3A_96, %gather3A_228 : vector<16xf32>
      %mul3A_230 = arith.constant 2.000000e-01 : f32
      %mul3A_231 = vector.broadcast %mul3A_230 : f32 to vector<16xf32>
      %mul3A_232 = arith.mulf %mul3A_231, %add3A_229 : vector<16xf32>
      %max3A_233 = arith.maximumf %add3A_229, %mul3A_232 : vector<16xf32>
      %max3A_234 = arith.maximumf %max3A_223, %max3A_233 : vector<16xf32>
      %add3A_235 = arith.constant 12 : i32
      %add3A_236 = vector.broadcast %add3A_235 : i32 to vector<16xi32>
      %add3A_237 = arith.addi %mul3A_103, %add3A_236 : vector<16xi32>
      %gather3A_238 = tpu.vector_load_idx %arg9[%add3A_237] : memref<10240xi32, #tpu.memory_space<vmem>>[vector<16xi32>], vector<16xi32>,
      %gather3A_239 = tpu.vector_load_idx %arg7[%gather3A_238] : memref<10240xf32, #tpu.memory_space<vmem>>[vector<16xi32>], vector<16xf32>,
      %add3A_240 = arith.addf %get3A_96, %gather3A_239 : vector<16xf32>
      %mul3A_241 = arith.constant 2.000000e-01 : f32
      %mul3A_242 = vector.broadcast %mul3A_241 : f32 to vector<16xf32>
      %mul3A_243 = arith.mulf %mul3A_242, %add3A_240 : vector<16xf32>
      %max3A_244 = arith.maximumf %add3A_240, %mul3A_243 : vector<16xf32>
      %max3A_245 = arith.maximumf %max3A_234, %max3A_244 : vector<16xf32>
      %add3A_246 = arith.constant 13 : i32
      %add3A_247 = vector.broadcast %add3A_246 : i32 to vector<16xi32>
      %add3A_248 = arith.addi %mul3A_103, %add3A_247 : vector<16xi32>
      %gather3A_249 = tpu.vector_load_idx %arg9[%add3A_248] : memref<10240xi32, #tpu.memory_space<vmem>>[vector<16xi32>], vector<16xi32>,
      %gather3A_250 = tpu.vector_load_idx %arg7[%gather3A_249] : memref<10240xf32, #tpu.memory_space<vmem>>[vector<16xi32>], vector<16xf32>,
      %add3A_251 = arith.addf %get3A_96, %gather3A_250 : vector<16xf32>
      %mul3A_252 = arith.constant 2.000000e-01 : f32
      %mul3A_253 = vector.broadcast %mul3A_252 : f32 to vector<16xf32>
      %mul3A_254 = arith.mulf %mul3A_253, %add3A_251 : vector<16xf32>
      %max3A_255 = arith.maximumf %add3A_251, %mul3A_254 : vector<16xf32>
      %max3A_256 = arith.maximumf %max3A_245, %max3A_255 : vector<16xf32>
      %add3A_257 = arith.constant 14 : i32
      %add3A_258 = vector.broadcast %add3A_257 : i32 to vector<16xi32>
      %add3A_259 = arith.addi %mul3A_103, %add3A_258 : vector<16xi32>
      %gather3A_260 = tpu.vector_load_idx %arg9[%add3A_259] : memref<10240xi32, #tpu.memory_space<vmem>>[vector<16xi32>], vector<16xi32>,
      %gather3A_261 = tpu.vector_load_idx %arg7[%gather3A_260] : memref<10240xf32, #tpu.memory_space<vmem>>[vector<16xi32>], vector<16xf32>,
      %add3A_262 = arith.addf %get3A_96, %gather3A_261 : vector<16xf32>
      %mul3A_263 = arith.constant 2.000000e-01 : f32
      %mul3A_264 = vector.broadcast %mul3A_263 : f32 to vector<16xf32>
      %mul3A_265 = arith.mulf %mul3A_264, %add3A_262 : vector<16xf32>
      %max3A_266 = arith.maximumf %add3A_262, %mul3A_265 : vector<16xf32>
      %max3A_267 = arith.maximumf %max3A_256, %max3A_266 : vector<16xf32>
      %add3A_268 = arith.constant 15 : i32
      %add3A_269 = vector.broadcast %add3A_268 : i32 to vector<16xi32>
      %add3A_270 = arith.addi %mul3A_103, %add3A_269 : vector<16xi32>
      %gather3A_271 = tpu.vector_load_idx %arg9[%add3A_270] : memref<10240xi32, #tpu.memory_space<vmem>>[vector<16xi32>], vector<16xi32>,
      %gather3A_272 = tpu.vector_load_idx %arg7[%gather3A_271] : memref<10240xf32, #tpu.memory_space<vmem>>[vector<16xi32>], vector<16xf32>,
      %add3A_273 = arith.addf %get3A_96, %gather3A_272 : vector<16xf32>
      %mul3A_274 = arith.constant 2.000000e-01 : f32
      %mul3A_275 = vector.broadcast %mul3A_274 : f32 to vector<16xf32>
      %mul3A_276 = arith.mulf %mul3A_275, %add3A_273 : vector<16xf32>
      %max3A_277 = arith.maximumf %add3A_273, %mul3A_276 : vector<16xf32>
      %max3A_278 = arith.maximumf %max3A_267, %max3A_277 : vector<16xf32>
      %add3A_279 = arith.constant 16 : i32
      %add3A_280 = vector.broadcast %add3A_279 : i32 to vector<16xi32>
      %add3A_281 = arith.addi %mul3A_103, %add3A_280 : vector<16xi32>
      %gather3A_282 = tpu.vector_load_idx %arg9[%add3A_281] : memref<10240xi32, #tpu.memory_space<vmem>>[vector<16xi32>], vector<16xi32>,
      %gather3A_283 = tpu.vector_load_idx %arg7[%gather3A_282] : memref<10240xf32, #tpu.memory_space<vmem>>[vector<16xi32>], vector<16xf32>,
      %add3A_284 = arith.addf %get3A_96, %gather3A_283 : vector<16xf32>
      %mul3A_285 = arith.constant 2.000000e-01 : f32
      %mul3A_286 = vector.broadcast %mul3A_285 : f32 to vector<16xf32>
      %mul3A_287 = arith.mulf %mul3A_286, %add3A_284 : vector<16xf32>
      %max3A_288 = arith.maximumf %add3A_284, %mul3A_287 : vector<16xf32>
      %max3A_289 = arith.maximumf %max3A_278, %max3A_288 : vector<16xf32>
      %add3A_290 = arith.constant 17 : i32
      %add3A_291 = vector.broadcast %add3A_290 : i32 to vector<16xi32>
      %add3A_292 = arith.addi %mul3A_103, %add3A_291 : vector<16xi32>
      %gather3A_293 = tpu.vector_load_idx %arg9[%add3A_292] : memref<10240xi32, #tpu.memory_space<vmem>>[vector<16xi32>], vector<16xi32>,
      %gather3A_294 = tpu.vector_load_idx %arg7[%gather3A_293] : memref<10240xf32, #tpu.memory_space<vmem>>[vector<16xi32>], vector<16xf32>,
      %add3A_295 = arith.addf %get3A_96, %gather3A_294 : vector<16xf32>
      %mul3A_296 = arith.constant 2.000000e-01 : f32
      %mul3A_297 = vector.broadcast %mul3A_296 : f32 to vector<16xf32>
      %mul3A_298 = arith.mulf %mul3A_297, %add3A_295 : vector<16xf32>
      %max3A_299 = arith.maximumf %add3A_295, %mul3A_298 : vector<16xf32>
      %max3A_300 = arith.maximumf %max3A_289, %max3A_299 : vector<16xf32>
      %add3A_301 = arith.constant 18 : i32
      %add3A_302 = vector.broadcast %add3A_301 : i32 to vector<16xi32>
      %add3A_303 = arith.addi %mul3A_103, %add3A_302 : vector<16xi32>
      %gather3A_304 = tpu.vector_load_idx %arg9[%add3A_303] : memref<10240xi32, #tpu.memory_space<vmem>>[vector<16xi32>], vector<16xi32>,
      %gather3A_305 = tpu.vector_load_idx %arg7[%gather3A_304] : memref<10240xf32, #tpu.memory_space<vmem>>[vector<16xi32>], vector<16xf32>,
      %add3A_306 = arith.addf %get3A_96, %gather3A_305 : vector<16xf32>
      %mul3A_307 = arith.constant 2.000000e-01 : f32
      %mul3A_308 = vector.broadcast %mul3A_307 : f32 to vector<16xf32>
      %mul3A_309 = arith.mulf %mul3A_308, %add3A_306 : vector<16xf32>
      %max3A_310 = arith.maximumf %add3A_306, %mul3A_309 : vector<16xf32>
      %max3A_311 = arith.maximumf %max3A_300, %max3A_310 : vector<16xf32>
      %add3A_312 = arith.constant 19 : i32
      %add3A_313 = vector.broadcast %add3A_312 : i32 to vector<16xi32>
      %add3A_314 = arith.addi %mul3A_103, %add3A_313 : vector<16xi32>
      %gather3A_315 = tpu.vector_load_idx %arg9[%add3A_314] : memref<10240xi32, #tpu.memory_space<vmem>>[vector<16xi32>], vector<16xi32>,
      %gather3A_316 = tpu.vector_load_idx %arg7[%gather3A_315] : memref<10240xf32, #tpu.memory_space<vmem>>[vector<16xi32>], vector<16xf32>,
      %add3A_317 = arith.addf %get3A_96, %gather3A_316 : vector<16xf32>
      %mul3A_318 = arith.constant 2.000000e-01 : f32
      %mul3A_319 = vector.broadcast %mul3A_318 : f32 to vector<16xf32>
      %mul3A_320 = arith.mulf %mul3A_319, %add3A_317 : vector<16xf32>
      %max3A_321 = arith.maximumf %add3A_317, %mul3A_320 : vector<16xf32>
      %max3A_322 = arith.maximumf %max3A_311, %max3A_321 : vector<16xf32>
      %add3A_323 = arith.constant 20 : i32
      %add3A_324 = vector.broadcast %add3A_323 : i32 to vector<16xi32>
      %add3A_325 = arith.addi %mul3A_103, %add3A_324 : vector<16xi32>
      %gather3A_326 = tpu.vector_load_idx %arg9[%add3A_325] : memref<10240xi32, #tpu.memory_space<vmem>>[vector<16xi32>], vector<16xi32>,
      %gather3A_327 = tpu.vector_load_idx %arg7[%gather3A_326] : memref<10240xf32, #tpu.memory_space<vmem>>[vector<16xi32>], vector<16xf32>,
      %add3A_328 = arith.addf %get3A_96, %gather3A_327 : vector<16xf32>
      %mul3A_329 = arith.constant 2.000000e-01 : f32
      %mul3A_330 = vector.broadcast %mul3A_329 : f32 to vector<16xf32>
      %mul3A_331 = arith.mulf %mul3A_330, %add3A_328 : vector<16xf32>
      %max3A_332 = arith.maximumf %add3A_328, %mul3A_331 : vector<16xf32>
      %max3A_333 = arith.maximumf %max3A_322, %max3A_332 : vector<16xf32>
      %add3A_334 = arith.constant 21 : i32
      %add3A_335 = vector.broadcast %add3A_334 : i32 to vector<16xi32>
      %add3A_336 = arith.addi %mul3A_103, %add3A_335 : vector<16xi32>
      %gather3A_337 = tpu.vector_load_idx %arg9[%add3A_336] : memref<10240xi32, #tpu.memory_space<vmem>>[vector<16xi32>], vector<16xi32>,
      %gather3A_338 = tpu.vector_load_idx %arg7[%gather3A_337] : memref<10240xf32, #tpu.memory_space<vmem>>[vector<16xi32>], vector<16xf32>,
      %add3A_339 = arith.addf %get3A_96, %gather3A_338 : vector<16xf32>
      %mul3A_340 = arith.constant 2.000000e-01 : f32
      %mul3A_341 = vector.broadcast %mul3A_340 : f32 to vector<16xf32>
      %mul3A_342 = arith.mulf %mul3A_341, %add3A_339 : vector<16xf32>
      %max3A_343 = arith.maximumf %add3A_339, %mul3A_342 : vector<16xf32>
      %max3A_344 = arith.maximumf %max3A_333, %max3A_343 : vector<16xf32>
      %add3A_345 = arith.constant 22 : i32
      %add3A_346 = vector.broadcast %add3A_345 : i32 to vector<16xi32>
      %add3A_347 = arith.addi %mul3A_103, %add3A_346 : vector<16xi32>
      %gather3A_348 = tpu.vector_load_idx %arg9[%add3A_347] : memref<10240xi32, #tpu.memory_space<vmem>>[vector<16xi32>], vector<16xi32>,
      %gather3A_349 = tpu.vector_load_idx %arg7[%gather3A_348] : memref<10240xf32, #tpu.memory_space<vmem>>[vector<16xi32>], vector<16xf32>,
      %add3A_350 = arith.addf %get3A_96, %gather3A_349 : vector<16xf32>
      %mul3A_351 = arith.constant 2.000000e-01 : f32
      %mul3A_352 = vector.broadcast %mul3A_351 : f32 to vector<16xf32>
      %mul3A_353 = arith.mulf %mul3A_352, %add3A_350 : vector<16xf32>
      %max3A_354 = arith.maximumf %add3A_350, %mul3A_353 : vector<16xf32>
      %max3A_355 = arith.maximumf %max3A_344, %max3A_354 : vector<16xf32>
      %add3A_356 = arith.constant 23 : i32
      %add3A_357 = vector.broadcast %add3A_356 : i32 to vector<16xi32>
      %add3A_358 = arith.addi %mul3A_103, %add3A_357 : vector<16xi32>
      %gather3A_359 = tpu.vector_load_idx %arg9[%add3A_358] : memref<10240xi32, #tpu.memory_space<vmem>>[vector<16xi32>], vector<16xi32>,
      %gather3A_360 = tpu.vector_load_idx %arg7[%gather3A_359] : memref<10240xf32, #tpu.memory_space<vmem>>[vector<16xi32>], vector<16xf32>,
      %add3A_361 = arith.addf %get3A_96, %gather3A_360 : vector<16xf32>
      %mul3A_362 = arith.constant 2.000000e-01 : f32
      %mul3A_363 = vector.broadcast %mul3A_362 : f32 to vector<16xf32>
      %mul3A_364 = arith.mulf %mul3A_363, %add3A_361 : vector<16xf32>
      %max3A_365 = arith.maximumf %add3A_361, %mul3A_364 : vector<16xf32>
      %max3A_366 = arith.maximumf %max3A_355, %max3A_365 : vector<16xf32>
      %add3A_367 = arith.constant 24 : i32
      %add3A_368 = vector.broadcast %add3A_367 : i32 to vector<16xi32>
      %add3A_369 = arith.addi %mul3A_103, %add3A_368 : vector<16xi32>
      %gather3A_370 = tpu.vector_load_idx %arg9[%add3A_369] : memref<10240xi32, #tpu.memory_space<vmem>>[vector<16xi32>], vector<16xi32>,
      %gather3A_371 = tpu.vector_load_idx %arg7[%gather3A_370] : memref<10240xf32, #tpu.memory_space<vmem>>[vector<16xi32>], vector<16xf32>,
      %add3A_372 = arith.addf %get3A_96, %gather3A_371 : vector<16xf32>
      %mul3A_373 = arith.constant 2.000000e-01 : f32
      %mul3A_374 = vector.broadcast %mul3A_373 : f32 to vector<16xf32>
      %mul3A_375 = arith.mulf %mul3A_374, %add3A_372 : vector<16xf32>
      %max3A_376 = arith.maximumf %add3A_372, %mul3A_375 : vector<16xf32>
      %max3A_377 = arith.maximumf %max3A_366, %max3A_376 : vector<16xf32>
      %add3A_378 = arith.constant 25 : i32
      %add3A_379 = vector.broadcast %add3A_378 : i32 to vector<16xi32>
      %add3A_380 = arith.addi %mul3A_103, %add3A_379 : vector<16xi32>
      %gather3A_381 = tpu.vector_load_idx %arg9[%add3A_380] : memref<10240xi32, #tpu.memory_space<vmem>>[vector<16xi32>], vector<16xi32>,
      %gather3A_382 = tpu.vector_load_idx %arg7[%gather3A_381] : memref<10240xf32, #tpu.memory_space<vmem>>[vector<16xi32>], vector<16xf32>,
      %add3A_383 = arith.addf %get3A_96, %gather3A_382 : vector<16xf32>
      %mul3A_384 = arith.constant 2.000000e-01 : f32
      %mul3A_385 = vector.broadcast %mul3A_384 : f32 to vector<16xf32>
      %mul3A_386 = arith.mulf %mul3A_385, %add3A_383 : vector<16xf32>
      %max3A_387 = arith.maximumf %add3A_383, %mul3A_386 : vector<16xf32>
      %max3A_388 = arith.maximumf %max3A_377, %max3A_387 : vector<16xf32>
      %add3A_389 = arith.constant 26 : i32
      %add3A_390 = vector.broadcast %add3A_389 : i32 to vector<16xi32>
      %add3A_391 = arith.addi %mul3A_103, %add3A_390 : vector<16xi32>
      %gather3A_392 = tpu.vector_load_idx %arg9[%add3A_391] : memref<10240xi32, #tpu.memory_space<vmem>>[vector<16xi32>], vector<16xi32>,
      %gather3A_393 = tpu.vector_load_idx %arg7[%gather3A_392] : memref<10240xf32, #tpu.memory_space<vmem>>[vector<16xi32>], vector<16xf32>,
      %add3A_394 = arith.addf %get3A_96, %gather3A_393 : vector<16xf32>
      %mul3A_395 = arith.constant 2.000000e-01 : f32
      %mul3A_396 = vector.broadcast %mul3A_395 : f32 to vector<16xf32>
      %mul3A_397 = arith.mulf %mul3A_396, %add3A_394 : vector<16xf32>
      %max3A_398 = arith.maximumf %add3A_394, %mul3A_397 : vector<16xf32>
      %max3A_399 = arith.maximumf %max3A_388, %max3A_398 : vector<16xf32>
      %add3A_400 = arith.constant 27 : i32
      %add3A_401 = vector.broadcast %add3A_400 : i32 to vector<16xi32>
      %add3A_402 = arith.addi %mul3A_103, %add3A_401 : vector<16xi32>
      %gather3A_403 = tpu.vector_load_idx %arg9[%add3A_402] : memref<10240xi32, #tpu.memory_space<vmem>>[vector<16xi32>], vector<16xi32>,
      %gather3A_404 = tpu.vector_load_idx %arg7[%gather3A_403] : memref<10240xf32, #tpu.memory_space<vmem>>[vector<16xi32>], vector<16xf32>,
      %add3A_405 = arith.addf %get3A_96, %gather3A_404 : vector<16xf32>
      %mul3A_406 = arith.constant 2.000000e-01 : f32
      %mul3A_407 = vector.broadcast %mul3A_406 : f32 to vector<16xf32>
      %mul3A_408 = arith.mulf %mul3A_407, %add3A_405 : vector<16xf32>
      %max3A_409 = arith.maximumf %add3A_405, %mul3A_408 : vector<16xf32>
      %max3A_410 = arith.maximumf %max3A_399, %max3A_409 : vector<16xf32>
      %add3A_411 = arith.constant 28 : i32
      %add3A_412 = vector.broadcast %add3A_411 : i32 to vector<16xi32>
      %add3A_413 = arith.addi %mul3A_103, %add3A_412 : vector<16xi32>
      %gather3A_414 = tpu.vector_load_idx %arg9[%add3A_413] : memref<10240xi32, #tpu.memory_space<vmem>>[vector<16xi32>], vector<16xi32>,
      %gather3A_415 = tpu.vector_load_idx %arg7[%gather3A_414] : memref<10240xf32, #tpu.memory_space<vmem>>[vector<16xi32>], vector<16xf32>,
      %add3A_416 = arith.addf %get3A_96, %gather3A_415 : vector<16xf32>
      %mul3A_417 = arith.constant 2.000000e-01 : f32
      %mul3A_418 = vector.broadcast %mul3A_417 : f32 to vector<16xf32>
      %mul3A_419 = arith.mulf %mul3A_418, %add3A_416 : vector<16xf32>
      %max3A_420 = arith.maximumf %add3A_416, %mul3A_419 : vector<16xf32>
      %max3A_421 = arith.maximumf %max3A_410, %max3A_420 : vector<16xf32>
      %add3A_422 = arith.constant 29 : i32
      %add3A_423 = vector.broadcast %add3A_422 : i32 to vector<16xi32>
      %add3A_424 = arith.addi %mul3A_103, %add3A_423 : vector<16xi32>
      %gather3A_425 = tpu.vector_load_idx %arg9[%add3A_424] : memref<10240xi32, #tpu.memory_space<vmem>>[vector<16xi32>], vector<16xi32>,
      %gather3A_426 = tpu.vector_load_idx %arg7[%gather3A_425] : memref<10240xf32, #tpu.memory_space<vmem>>[vector<16xi32>], vector<16xf32>,
      %add3A_427 = arith.addf %get3A_96, %gather3A_426 : vector<16xf32>
      %mul3A_428 = arith.constant 2.000000e-01 : f32
      %mul3A_429 = vector.broadcast %mul3A_428 : f32 to vector<16xf32>
      %mul3A_430 = arith.mulf %mul3A_429, %add3A_427 : vector<16xf32>
      %max3A_431 = arith.maximumf %add3A_427, %mul3A_430 : vector<16xf32>
      %max3A_432 = arith.maximumf %max3A_421, %max3A_431 : vector<16xf32>
      %add3A_433 = arith.constant 30 : i32
      %add3A_434 = vector.broadcast %add3A_433 : i32 to vector<16xi32>
      %add3A_435 = arith.addi %mul3A_103, %add3A_434 : vector<16xi32>
      %gather3A_436 = tpu.vector_load_idx %arg9[%add3A_435] : memref<10240xi32, #tpu.memory_space<vmem>>[vector<16xi32>], vector<16xi32>,
      %gather3A_437 = tpu.vector_load_idx %arg7[%gather3A_436] : memref<10240xf32, #tpu.memory_space<vmem>>[vector<16xi32>], vector<16xf32>,
      %add3A_438 = arith.addf %get3A_96, %gather3A_437 : vector<16xf32>
      %mul3A_439 = arith.constant 2.000000e-01 : f32
      %mul3A_440 = vector.broadcast %mul3A_439 : f32 to vector<16xf32>
      %mul3A_441 = arith.mulf %mul3A_440, %add3A_438 : vector<16xf32>
      %max3A_442 = arith.maximumf %add3A_438, %mul3A_441 : vector<16xf32>
      %max3A_443 = arith.maximumf %max3A_432, %max3A_442 : vector<16xf32>
      %add3A_444 = arith.constant 31 : i32
      %add3A_445 = vector.broadcast %add3A_444 : i32 to vector<16xi32>
      %add3A_446 = arith.addi %mul3A_103, %add3A_445 : vector<16xi32>
      %gather3A_447 = tpu.vector_load_idx %arg9[%add3A_446] : memref<10240xi32, #tpu.memory_space<vmem>>[vector<16xi32>], vector<16xi32>,
      %gather3A_448 = tpu.vector_load_idx %arg7[%gather3A_447] : memref<10240xf32, #tpu.memory_space<vmem>>[vector<16xi32>], vector<16xf32>,
      %add3A_449 = arith.addf %get3A_96, %gather3A_448 : vector<16xf32>
      %mul3A_450 = arith.constant 2.000000e-01 : f32
      %mul3A_451 = vector.broadcast %mul3A_450 : f32 to vector<16xf32>
      %mul3A_452 = arith.mulf %mul3A_451, %add3A_449 : vector<16xf32>
      %max3A_453 = arith.maximumf %add3A_449, %mul3A_452 : vector<16xf32>
      %max3A_454 = arith.maximumf %max3A_443, %max3A_453 : vector<16xf32>
      %sub3A = arith.subf %max3A, %max3A_454 : vector<16xf32>
      %exp3A = math.exp %sub3A : vector<16xf32>
      %sub3A_455 = arith.subf %max3A_123, %max3A_454 : vector<16xf32>
      %exp3A_456 = math.exp %sub3A_455 : vector<16xf32>
      %sub3A_457 = arith.subf %max3A_134, %max3A_454 : vector<16xf32>
      %exp3A_458 = math.exp %sub3A_457 : vector<16xf32>
      %sub3A_459 = arith.subf %max3A_145, %max3A_454 : vector<16xf32>
      %exp3A_460 = math.exp %sub3A_459 : vector<16xf32>
      %sub3A_461 = arith.subf %max3A_156, %max3A_454 : vector<16xf32>
      %exp3A_462 = math.exp %sub3A_461 : vector<16xf32>
      %sub3A_463 = arith.subf %max3A_167, %max3A_454 : vector<16xf32>
      %exp3A_464 = math.exp %sub3A_463 : vector<16xf32>
      %sub3A_465 = arith.subf %max3A_178, %max3A_454 : vector<16xf32>
      %exp3A_466 = math.exp %sub3A_465 : vector<16xf32>
      %sub3A_467 = arith.subf %max3A_189, %max3A_454 : vector<16xf32>
      %exp3A_468 = math.exp %sub3A_467 : vector<16xf32>
      %sub3A_469 = arith.subf %max3A_200, %max3A_454 : vector<16xf32>
      %exp3A_470 = math.exp %sub3A_469 : vector<16xf32>
      %sub3A_471 = arith.subf %max3A_211, %max3A_454 : vector<16xf32>
      %exp3A_472 = math.exp %sub3A_471 : vector<16xf32>
      %sub3A_473 = arith.subf %max3A_222, %max3A_454 : vector<16xf32>
      %exp3A_474 = math.exp %sub3A_473 : vector<16xf32>
      %sub3A_475 = arith.subf %max3A_233, %max3A_454 : vector<16xf32>
      %exp3A_476 = math.exp %sub3A_475 : vector<16xf32>
      %sub3A_477 = arith.subf %max3A_244, %max3A_454 : vector<16xf32>
      %exp3A_478 = math.exp %sub3A_477 : vector<16xf32>
      %sub3A_479 = arith.subf %max3A_255, %max3A_454 : vector<16xf32>
      %exp3A_480 = math.exp %sub3A_479 : vector<16xf32>
      %sub3A_481 = arith.subf %max3A_266, %max3A_454 : vector<16xf32>
      %exp3A_482 = math.exp %sub3A_481 : vector<16xf32>
      %sub3A_483 = arith.subf %max3A_277, %max3A_454 : vector<16xf32>
      %exp3A_484 = math.exp %sub3A_483 : vector<16xf32>
      %sub3A_485 = arith.subf %max3A_288, %max3A_454 : vector<16xf32>
      %exp3A_486 = math.exp %sub3A_485 : vector<16xf32>
      %sub3A_487 = arith.subf %max3A_299, %max3A_454 : vector<16xf32>
      %exp3A_488 = math.exp %sub3A_487 : vector<16xf32>
      %sub3A_489 = arith.subf %max3A_310, %max3A_454 : vector<16xf32>
      %exp3A_490 = math.exp %sub3A_489 : vector<16xf32>
      %sub3A_491 = arith.subf %max3A_321, %max3A_454 : vector<16xf32>
      %exp3A_492 = math.exp %sub3A_491 : vector<16xf32>
      %sub3A_493 = arith.subf %max3A_332, %max3A_454 : vector<16xf32>
      %exp3A_494 = math.exp %sub3A_493 : vector<16xf32>
      %sub3A_495 = arith.subf %max3A_343, %max3A_454 : vector<16xf32>
      %exp3A_496 = math.exp %sub3A_495 : vector<16xf32>
      %sub3A_497 = arith.subf %max3A_354, %max3A_454 : vector<16xf32>
      %exp3A_498 = math.exp %sub3A_497 : vector<16xf32>
      %sub3A_499 = arith.subf %max3A_365, %max3A_454 : vector<16xf32>
      %exp3A_500 = math.exp %sub3A_499 : vector<16xf32>
      %sub3A_501 = arith.subf %max3A_376, %max3A_454 : vector<16xf32>
      %exp3A_502 = math.exp %sub3A_501 : vector<16xf32>
      %sub3A_503 = arith.subf %max3A_387, %max3A_454 : vector<16xf32>
      %exp3A_504 = math.exp %sub3A_503 : vector<16xf32>
      %sub3A_505 = arith.subf %max3A_398, %max3A_454 : vector<16xf32>
      %exp3A_506 = math.exp %sub3A_505 : vector<16xf32>
      %sub3A_507 = arith.subf %max3A_409, %max3A_454 : vector<16xf32>
      %exp3A_508 = math.exp %sub3A_507 : vector<16xf32>
      %sub3A_509 = arith.subf %max3A_420, %max3A_454 : vector<16xf32>
      %exp3A_510 = math.exp %sub3A_509 : vector<16xf32>
      %sub3A_511 = arith.subf %max3A_431, %max3A_454 : vector<16xf32>
      %exp3A_512 = math.exp %sub3A_511 : vector<16xf32>
      %sub3A_513 = arith.subf %max3A_442, %max3A_454 : vector<16xf32>
      %exp3A_514 = math.exp %sub3A_513 : vector<16xf32>
      %sub3A_515 = arith.subf %max3A_453, %max3A_454 : vector<16xf32>
      %exp3A_516 = math.exp %sub3A_515 : vector<16xf32>
      %add3A_517 = arith.addf %exp3A, %exp3A_456 : vector<16xf32>
      %add3A_518 = arith.addf %add3A_517, %exp3A_458 : vector<16xf32>
      %add3A_519 = arith.addf %add3A_518, %exp3A_460 : vector<16xf32>
      %add3A_520 = arith.addf %add3A_519, %exp3A_462 : vector<16xf32>
      %add3A_521 = arith.addf %add3A_520, %exp3A_464 : vector<16xf32>
      %add3A_522 = arith.addf %add3A_521, %exp3A_466 : vector<16xf32>
      %add3A_523 = arith.addf %add3A_522, %exp3A_468 : vector<16xf32>
      %add3A_524 = arith.addf %add3A_523, %exp3A_470 : vector<16xf32>
      %add3A_525 = arith.addf %add3A_524, %exp3A_472 : vector<16xf32>
      %add3A_526 = arith.addf %add3A_525, %exp3A_474 : vector<16xf32>
      %add3A_527 = arith.addf %add3A_526, %exp3A_476 : vector<16xf32>
      %add3A_528 = arith.addf %add3A_527, %exp3A_478 : vector<16xf32>
      %add3A_529 = arith.addf %add3A_528, %exp3A_480 : vector<16xf32>
      %add3A_530 = arith.addf %add3A_529, %exp3A_482 : vector<16xf32>
      %add3A_531 = arith.addf %add3A_530, %exp3A_484 : vector<16xf32>
      %add3A_532 = arith.addf %add3A_531, %exp3A_486 : vector<16xf32>
      %add3A_533 = arith.addf %add3A_532, %exp3A_488 : vector<16xf32>
      %add3A_534 = arith.addf %add3A_533, %exp3A_490 : vector<16xf32>
      %add3A_535 = arith.addf %add3A_534, %exp3A_492 : vector<16xf32>
      %add3A_536 = arith.addf %add3A_535, %exp3A_494 : vector<16xf32>
      %add3A_537 = arith.addf %add3A_536, %exp3A_496 : vector<16xf32>
      %add3A_538 = arith.addf %add3A_537, %exp3A_498 : vector<16xf32>
      %add3A_539 = arith.addf %add3A_538, %exp3A_500 : vector<16xf32>
      %add3A_540 = arith.addf %add3A_539, %exp3A_502 : vector<16xf32>
      %add3A_541 = arith.addf %add3A_540, %exp3A_504 : vector<16xf32>
      %add3A_542 = arith.addf %add3A_541, %exp3A_506 : vector<16xf32>
      %add3A_543 = arith.addf %add3A_542, %exp3A_508 : vector<16xf32>
      %add3A_544 = arith.addf %add3A_543, %exp3A_510 : vector<16xf32>
      %add3A_545 = arith.addf %add3A_544, %exp3A_512 : vector<16xf32>
      %add3A_546 = arith.addf %add3A_545, %exp3A_514 : vector<16xf32>
      %add3A_547 = arith.addf %add3A_546, %exp3A_516 : vector<16xf32>
      %div3A = arith.constant 1.000000e+00 : f32
      %div3A_548 = vector.broadcast %div3A : f32 to vector<16xf32>
      %div3A_549 = arith.divf %div3A_548, %add3A_547 : vector<16xf32>
      %add3A_550 = arith.constant 0 : i32
      %add3A_551 = vector.broadcast %add3A_550 : i32 to vector<16xi32>
      %add3A_552 = arith.addi %mul3A_103, %add3A_551 : vector<16xi32>
      %mul3A_553 = arith.mulf %exp3A, %div3A_549 : vector<16xf32>
      tpu.vector_store_idx %arg10[%add3A_552], %mul3A_553 : memref<10240xf32, #tpu.memory_space<vmem>>[vector<16xi32>], vector<16xf32>,
      %add3A_554 = arith.constant 1 : i32
      %add3A_555 = vector.broadcast %add3A_554 : i32 to vector<16xi32>
      %add3A_556 = arith.addi %mul3A_103, %add3A_555 : vector<16xi32>
      %mul3A_557 = arith.mulf %exp3A_456, %div3A_549 : vector<16xf32>
      tpu.vector_store_idx %arg10[%add3A_556], %mul3A_557 : memref<10240xf32, #tpu.memory_space<vmem>>[vector<16xi32>], vector<16xf32>,
      %add3A_558 = arith.constant 2 : i32
      %add3A_559 = vector.broadcast %add3A_558 : i32 to vector<16xi32>
      %add3A_560 = arith.addi %mul3A_103, %add3A_559 : vector<16xi32>
      %mul3A_561 = arith.mulf %exp3A_458, %div3A_549 : vector<16xf32>
      tpu.vector_store_idx %arg10[%add3A_560], %mul3A_561 : memref<10240xf32, #tpu.memory_space<vmem>>[vector<16xi32>], vector<16xf32>,
      %add3A_562 = arith.constant 3 : i32
      %add3A_563 = vector.broadcast %add3A_562 : i32 to vector<16xi32>
      %add3A_564 = arith.addi %mul3A_103, %add3A_563 : vector<16xi32>
      %mul3A_565 = arith.mulf %exp3A_460, %div3A_549 : vector<16xf32>
      tpu.vector_store_idx %arg10[%add3A_564], %mul3A_565 : memref<10240xf32, #tpu.memory_space<vmem>>[vector<16xi32>], vector<16xf32>,
      %add3A_566 = arith.constant 4 : i32
      %add3A_567 = vector.broadcast %add3A_566 : i32 to vector<16xi32>
      %add3A_568 = arith.addi %mul3A_103, %add3A_567 : vector<16xi32>
      %mul3A_569 = arith.mulf %exp3A_462, %div3A_549 : vector<16xf32>
      tpu.vector_store_idx %arg10[%add3A_568], %mul3A_569 : memref<10240xf32, #tpu.memory_space<vmem>>[vector<16xi32>], vector<16xf32>,
      %add3A_570 = arith.constant 5 : i32
      %add3A_571 = vector.broadcast %add3A_570 : i32 to vector<16xi32>
      %add3A_572 = arith.addi %mul3A_103, %add3A_571 : vector<16xi32>
      %mul3A_573 = arith.mulf %exp3A_464, %div3A_549 : vector<16xf32>
      tpu.vector_store_idx %arg10[%add3A_572], %mul3A_573 : memref<10240xf32, #tpu.memory_space<vmem>>[vector<16xi32>], vector<16xf32>,
      %add3A_574 = arith.constant 6 : i32
      %add3A_575 = vector.broadcast %add3A_574 : i32 to vector<16xi32>
      %add3A_576 = arith.addi %mul3A_103, %add3A_575 : vector<16xi32>
      %mul3A_577 = arith.mulf %exp3A_466, %div3A_549 : vector<16xf32>
      tpu.vector_store_idx %arg10[%add3A_576], %mul3A_577 : memref<10240xf32, #tpu.memory_space<vmem>>[vector<16xi32>], vector<16xf32>,
      %add3A_578 = arith.constant 7 : i32
      %add3A_579 = vector.broadcast %add3A_578 : i32 to vector<16xi32>
      %add3A_580 = arith.addi %mul3A_103, %add3A_579 : vector<16xi32>
      %mul3A_581 = arith.mulf %exp3A_468, %div3A_549 : vector<16xf32>
      tpu.vector_store_idx %arg10[%add3A_580], %mul3A_581 : memref<10240xf32, #tpu.memory_space<vmem>>[vector<16xi32>], vector<16xf32>,
      %add3A_582 = arith.constant 8 : i32
      %add3A_583 = vector.broadcast %add3A_582 : i32 to vector<16xi32>
      %add3A_584 = arith.addi %mul3A_103, %add3A_583 : vector<16xi32>
      %mul3A_585 = arith.mulf %exp3A_470, %div3A_549 : vector<16xf32>
      tpu.vector_store_idx %arg10[%add3A_584], %mul3A_585 : memref<10240xf32, #tpu.memory_space<vmem>>[vector<16xi32>], vector<16xf32>,
      %add3A_586 = arith.constant 9 : i32
      %add3A_587 = vector.broadcast %add3A_586 : i32 to vector<16xi32>
      %add3A_588 = arith.addi %mul3A_103, %add3A_587 : vector<16xi32>
      %mul3A_589 = arith.mulf %exp3A_472, %div3A_549 : vector<16xf32>
      tpu.vector_store_idx %arg10[%add3A_588], %mul3A_589 : memref<10240xf32, #tpu.memory_space<vmem>>[vector<16xi32>], vector<16xf32>,
      %add3A_590 = arith.constant 10 : i32
      %add3A_591 = vector.broadcast %add3A_590 : i32 to vector<16xi32>
      %add3A_592 = arith.addi %mul3A_103, %add3A_591 : vector<16xi32>
      %mul3A_593 = arith.mulf %exp3A_474, %div3A_549 : vector<16xf32>
      tpu.vector_store_idx %arg10[%add3A_592], %mul3A_593 : memref<10240xf32, #tpu.memory_space<vmem>>[vector<16xi32>], vector<16xf32>,
      %add3A_594 = arith.constant 11 : i32
      %add3A_595 = vector.broadcast %add3A_594 : i32 to vector<16xi32>
      %add3A_596 = arith.addi %mul3A_103, %add3A_595 : vector<16xi32>
      %mul3A_597 = arith.mulf %exp3A_476, %div3A_549 : vector<16xf32>
      tpu.vector_store_idx %arg10[%add3A_596], %mul3A_597 : memref<10240xf32, #tpu.memory_space<vmem>>[vector<16xi32>], vector<16xf32>,
      %add3A_598 = arith.constant 12 : i32
      %add3A_599 = vector.broadcast %add3A_598 : i32 to vector<16xi32>
      %add3A_600 = arith.addi %mul3A_103, %add3A_599 : vector<16xi32>
      %mul3A_601 = arith.mulf %exp3A_478, %div3A_549 : vector<16xf32>
      tpu.vector_store_idx %arg10[%add3A_600], %mul3A_601 : memref<10240xf32, #tpu.memory_space<vmem>>[vector<16xi32>], vector<16xf32>,
      %add3A_602 = arith.constant 13 : i32
      %add3A_603 = vector.broadcast %add3A_602 : i32 to vector<16xi32>
      %add3A_604 = arith.addi %mul3A_103, %add3A_603 : vector<16xi32>
      %mul3A_605 = arith.mulf %exp3A_480, %div3A_549 : vector<16xf32>
      tpu.vector_store_idx %arg10[%add3A_604], %mul3A_605 : memref<10240xf32, #tpu.memory_space<vmem>>[vector<16xi32>], vector<16xf32>,
      %add3A_606 = arith.constant 14 : i32
      %add3A_607 = vector.broadcast %add3A_606 : i32 to vector<16xi32>
      %add3A_608 = arith.addi %mul3A_103, %add3A_607 : vector<16xi32>
      %mul3A_609 = arith.mulf %exp3A_482, %div3A_549 : vector<16xf32>
      tpu.vector_store_idx %arg10[%add3A_608], %mul3A_609 : memref<10240xf32, #tpu.memory_space<vmem>>[vector<16xi32>], vector<16xf32>,
      %add3A_610 = arith.constant 15 : i32
      %add3A_611 = vector.broadcast %add3A_610 : i32 to vector<16xi32>
      %add3A_612 = arith.addi %mul3A_103, %add3A_611 : vector<16xi32>
      %mul3A_613 = arith.mulf %exp3A_484, %div3A_549 : vector<16xf32>
      tpu.vector_store_idx %arg10[%add3A_612], %mul3A_613 : memref<10240xf32, #tpu.memory_space<vmem>>[vector<16xi32>], vector<16xf32>,
      %add3A_614 = arith.constant 16 : i32
      %add3A_615 = vector.broadcast %add3A_614 : i32 to vector<16xi32>
      %add3A_616 = arith.addi %mul3A_103, %add3A_615 : vector<16xi32>
      %mul3A_617 = arith.mulf %exp3A_486, %div3A_549 : vector<16xf32>
      tpu.vector_store_idx %arg10[%add3A_616], %mul3A_617 : memref<10240xf32, #tpu.memory_space<vmem>>[vector<16xi32>], vector<16xf32>,
      %add3A_618 = arith.constant 17 : i32
      %add3A_619 = vector.broadcast %add3A_618 : i32 to vector<16xi32>
      %add3A_620 = arith.addi %mul3A_103, %add3A_619 : vector<16xi32>
      %mul3A_621 = arith.mulf %exp3A_488, %div3A_549 : vector<16xf32>
      tpu.vector_store_idx %arg10[%add3A_620], %mul3A_621 : memref<10240xf32, #tpu.memory_space<vmem>>[vector<16xi32>], vector<16xf32>,
      %add3A_622 = arith.constant 18 : i32
      %add3A_623 = vector.broadcast %add3A_622 : i32 to vector<16xi32>
      %add3A_624 = arith.addi %mul3A_103, %add3A_623 : vector<16xi32>
      %mul3A_625 = arith.mulf %exp3A_490, %div3A_549 : vector<16xf32>
      tpu.vector_store_idx %arg10[%add3A_624], %mul3A_625 : memref<10240xf32, #tpu.memory_space<vmem>>[vector<16xi32>], vector<16xf32>,
      %add3A_626 = arith.constant 19 : i32
      %add3A_627 = vector.broadcast %add3A_626 : i32 to vector<16xi32>
      %add3A_628 = arith.addi %mul3A_103, %add3A_627 : vector<16xi32>
      %mul3A_629 = arith.mulf %exp3A_492, %div3A_549 : vector<16xf32>
      tpu.vector_store_idx %arg10[%add3A_628], %mul3A_629 : memref<10240xf32, #tpu.memory_space<vmem>>[vector<16xi32>], vector<16xf32>,
      %add3A_630 = arith.constant 20 : i32
      %add3A_631 = vector.broadcast %add3A_630 : i32 to vector<16xi32>
      %add3A_632 = arith.addi %mul3A_103, %add3A_631 : vector<16xi32>
      %mul3A_633 = arith.mulf %exp3A_494, %div3A_549 : vector<16xf32>
      tpu.vector_store_idx %arg10[%add3A_632], %mul3A_633 : memref<10240xf32, #tpu.memory_space<vmem>>[vector<16xi32>], vector<16xf32>,
      %add3A_634 = arith.constant 21 : i32
      %add3A_635 = vector.broadcast %add3A_634 : i32 to vector<16xi32>
      %add3A_636 = arith.addi %mul3A_103, %add3A_635 : vector<16xi32>
      %mul3A_637 = arith.mulf %exp3A_496, %div3A_549 : vector<16xf32>
      tpu.vector_store_idx %arg10[%add3A_636], %mul3A_637 : memref<10240xf32, #tpu.memory_space<vmem>>[vector<16xi32>], vector<16xf32>,
      %add3A_638 = arith.constant 22 : i32
      %add3A_639 = vector.broadcast %add3A_638 : i32 to vector<16xi32>
      %add3A_640 = arith.addi %mul3A_103, %add3A_639 : vector<16xi32>
      %mul3A_641 = arith.mulf %exp3A_498, %div3A_549 : vector<16xf32>
      tpu.vector_store_idx %arg10[%add3A_640], %mul3A_641 : memref<10240xf32, #tpu.memory_space<vmem>>[vector<16xi32>], vector<16xf32>,
      %add3A_642 = arith.constant 23 : i32
      %add3A_643 = vector.broadcast %add3A_642 : i32 to vector<16xi32>
      %add3A_644 = arith.addi %mul3A_103, %add3A_643 : vector<16xi32>
      %mul3A_645 = arith.mulf %exp3A_500, %div3A_549 : vector<16xf32>
      tpu.vector_store_idx %arg10[%add3A_644], %mul3A_645 : memref<10240xf32, #tpu.memory_space<vmem>>[vector<16xi32>], vector<16xf32>,
      %add3A_646 = arith.constant 24 : i32
      %add3A_647 = vector.broadcast %add3A_646 : i32 to vector<16xi32>
      %add3A_648 = arith.addi %mul3A_103, %add3A_647 : vector<16xi32>
      %mul3A_649 = arith.mulf %exp3A_502, %div3A_549 : vector<16xf32>
      tpu.vector_store_idx %arg10[%add3A_648], %mul3A_649 : memref<10240xf32, #tpu.memory_space<vmem>>[vector<16xi32>], vector<16xf32>,
      %add3A_650 = arith.constant 25 : i32
      %add3A_651 = vector.broadcast %add3A_650 : i32 to vector<16xi32>
      %add3A_652 = arith.addi %mul3A_103, %add3A_651 : vector<16xi32>
      %mul3A_653 = arith.mulf %exp3A_504, %div3A_549 : vector<16xf32>
      tpu.vector_store_idx %arg10[%add3A_652], %mul3A_653 : memref<10240xf32, #tpu.memory_space<vmem>>[vector<16xi32>], vector<16xf32>,
      %add3A_654 = arith.constant 26 : i32
      %add3A_655 = vector.broadcast %add3A_654 : i32 to vector<16xi32>
      %add3A_656 = arith.addi %mul3A_103, %add3A_655 : vector<16xi32>
      %mul3A_657 = arith.mulf %exp3A_506, %div3A_549 : vector<16xf32>
      tpu.vector_store_idx %arg10[%add3A_656], %mul3A_657 : memref<10240xf32, #tpu.memory_space<vmem>>[vector<16xi32>], vector<16xf32>,
      %add3A_658 = arith.constant 27 : i32
      %add3A_659 = vector.broadcast %add3A_658 : i32 to vector<16xi32>
      %add3A_660 = arith.addi %mul3A_103, %add3A_659 : vector<16xi32>
      %mul3A_661 = arith.mulf %exp3A_508, %div3A_549 : vector<16xf32>
      tpu.vector_store_idx %arg10[%add3A_660], %mul3A_661 : memref<10240xf32, #tpu.memory_space<vmem>>[vector<16xi32>], vector<16xf32>,
      %add3A_662 = arith.constant 28 : i32
      %add3A_663 = vector.broadcast %add3A_662 : i32 to vector<16xi32>
      %add3A_664 = arith.addi %mul3A_103, %add3A_663 : vector<16xi32>
      %mul3A_665 = arith.mulf %exp3A_510, %div3A_549 : vector<16xf32>
      tpu.vector_store_idx %arg10[%add3A_664], %mul3A_665 : memref<10240xf32, #tpu.memory_space<vmem>>[vector<16xi32>], vector<16xf32>,
      %add3A_666 = arith.constant 29 : i32
      %add3A_667 = vector.broadcast %add3A_666 : i32 to vector<16xi32>
      %add3A_668 = arith.addi %mul3A_103, %add3A_667 : vector<16xi32>
      %mul3A_669 = arith.mulf %exp3A_512, %div3A_549 : vector<16xf32>
      tpu.vector_store_idx %arg10[%add3A_668], %mul3A_669 : memref<10240xf32, #tpu.memory_space<vmem>>[vector<16xi32>], vector<16xf32>,
      %add3A_670 = arith.constant 30 : i32
      %add3A_671 = vector.broadcast %add3A_670 : i32 to vector<16xi32>
      %add3A_672 = arith.addi %mul3A_103, %add3A_671 : vector<16xi32>
      %mul3A_673 = arith.mulf %exp3A_514, %div3A_549 : vector<16xf32>
      tpu.vector_store_idx %arg10[%add3A_672], %mul3A_673 : memref<10240xf32, #tpu.memory_space<vmem>>[vector<16xi32>], vector<16xf32>,
      %add3A_674 = arith.constant 31 : i32
      %add3A_675 = vector.broadcast %add3A_674 : i32 to vector<16xi32>
      %add3A_676 = arith.addi %mul3A_103, %add3A_675 : vector<16xi32>
      %mul3A_677 = arith.mulf %exp3A_516, %div3A_549 : vector<16xf32>
      tpu.vector_store_idx %arg10[%add3A_676], %mul3A_677 : memref<10240xf32, #tpu.memory_space<vmem>>[vector<16xi32>], vector<16xf32>,
      %scan3A_678 = arith.constant 0 : i32
      scf.yield %scan3A_678 : i32
    }
    %scan3A_27 = arith.constant 20 : i32
    %mul3A_28 = arith.constant 640 : i32
    %mul3A_29 = arith.muli %arg1, %mul3A_28 : i32
    %mul3A_30 = arith.constant 640 : i32
    %mul3A_31 = arith.muli %arg1, %mul3A_30 : i32
    %dma_wait3A_32 = arith.constant 0 : i32
    %dma_wait3A_33 = tpu.memref_slice %arg14[%mul3A_31, %dma_wait3A_32] : memref<10240x128xf32, #tpu.memory_space<vmem_shared>> -> memref<640x128xf32, #tpu.memory_space<vmem_shared>>
    %dma_wait3A_34 = arith.constant 0 : i32
    %dma_wait3A_35 = tpu.memref_slice %arg2[%mul3A_29, %dma_wait3A_34] : memref<10240x128xf32, #tpu.memory_space<hbm>> -> memref<640x128xf32, #tpu.memory_space<hbm>>
    tpu.wait_dma2 semaphore(%arg16 : memref<!tpu.dma_semaphore, #tpu.memory_space<semaphore_mem>>) src(%dma_wait3A_35 : memref<640x128xf32, #tpu.memory_space<hbm>>) dst(%dma_wait3A_33 : memref<640x128xf32, #tpu.memory_space<vmem_shared>>)
    %barrier3A = arith.constant 0 : index
    tpu.barrier barrier_id(%barrier3A)
    %dma_start3A_36 = arith.constant 0 : i32
    %dma_start3A_37 = arith.constant 0 : i32
    %dma_start3A_38 = arith.constant 0 : i32
    %dma_start3A_39 = arith.constant 0 : i32
    %dma_start3A_40 = tpu.memref_slice %arg12[%dma_start3A_36, %dma_start3A_38, %dma_start3A_39] : memref<2x32x128xf32, #tpu.memory_space<vmem>> -> memref<1x32x128xf32, #tpu.memory_space<vmem>>
    %dma_start3A_41 = tpu.memref_squeeze %dma_start3A_40 : memref<1x32x128xf32, #tpu.memory_space<vmem>> -> memref<32x128xf32, #tpu.memory_space<vmem>>
    %dma_start3A_42 = arith.constant 0 : i32
    %dma_start3A_43 = tpu.memref_slice %arg9[%dma_start3A_42] : memref<10240xi32, #tpu.memory_space<vmem>> -> memref<32xi32, #tpu.memory_space<vmem>>
    %dma_start3A_44 = arith.constant 0 : i32
    %dma_start3A_45 = arith.constant 0 : i32
    %dma_start3A_46 = tpu.memref_slice %arg14[%dma_start3A_44, %dma_start3A_45] : memref<10240x128xf32, #tpu.memory_space<vmem_shared>> -> memref<10240x128xf32, #tpu.memory_space<vmem_shared>>
    %dma_start3A_47 = tpu.memref_slice %arg15[%dma_start3A_37] : memref<2x!tpu.dma_semaphore, #tpu.memory_space<semaphore_mem>> -> memref<1x!tpu.dma_semaphore, #tpu.memory_space<semaphore_mem>>
    %dma_start3A_48 = tpu.memref_squeeze %dma_start3A_47 : memref<1x!tpu.dma_semaphore, #tpu.memory_space<semaphore_mem>> -> memref<!tpu.dma_semaphore, #tpu.memory_space<semaphore_mem>>
    tpu.enqueue_indirect_dma source(%dma_start3A_46 : memref<10240x128xf32, #tpu.memory_space<vmem_shared>>) target(%dma_start3A_41 : memref<32x128xf32, #tpu.memory_space<vmem>>) offsets(%dma_start3A_43 : memref<32xi32, #tpu.memory_space<vmem>>) semaphore(%dma_start3A_48 : memref<!tpu.dma_semaphore, #tpu.memory_space<semaphore_mem>>)
    %scan3A_49 = arith.constant 0 : i32
    %scan3A_50 = arith.constant 0 : i32
    %scan3A_51 = arith.constant 320 : i32
    %scan3A_52 = arith.addi %scan3A_50, %scan3A_51 : i32
    %scan3A_53 = arith.constant 1 : i32
    %scan3A_54 = scf.for %scan3A_92 = %scan3A_50 to %scan3A_52 step %scan3A_53 iter_args(%scan3A_93 = %scan3A_49) -> (i32)  : i32 {
      %rem3A = arith.constant 2 : i32
      %rem3A_94 = arith.remsi %scan3A_92, %rem3A : i32
      %add3A_95 = arith.constant 1 : i32
      %add3A_96 = arith.addi %scan3A_92, %add3A_95 : i32
      %min3A_97 = arith.constant 319 : i32
      %min3A_98 = arith.minsi %add3A_96, %min3A_97 : i32
      %sub3A = arith.constant 1 : i32
      %sub3A_99 = arith.subi %sub3A, %rem3A_94 : i32
      %mul3A_100 = arith.constant 32 : i32
      %mul3A_101 = arith.muli %min3A_98, %mul3A_100 : i32
      %dma_start3A_102 = arith.constant 0 : i32
      %dma_start3A_103 = arith.constant 0 : i32
      %dma_start3A_104 = tpu.memref_slice %arg12[%sub3A_99, %dma_start3A_102, %dma_start3A_103] : memref<2x32x128xf32, #tpu.memory_space<vmem>> -> memref<1x32x128xf32, #tpu.memory_space<vmem>>
      %dma_start3A_105 = tpu.memref_squeeze %dma_start3A_104 : memref<1x32x128xf32, #tpu.memory_space<vmem>> -> memref<32x128xf32, #tpu.memory_space<vmem>>
      %dma_start3A_106 = tpu.memref_slice %arg9[%mul3A_101] : memref<10240xi32, #tpu.memory_space<vmem>> -> memref<32xi32, #tpu.memory_space<vmem>>
      %dma_start3A_107 = arith.constant 0 : i32
      %dma_start3A_108 = arith.constant 0 : i32
      %dma_start3A_109 = tpu.memref_slice %arg14[%dma_start3A_107, %dma_start3A_108] : memref<10240x128xf32, #tpu.memory_space<vmem_shared>> -> memref<10240x128xf32, #tpu.memory_space<vmem_shared>>
      %dma_start3A_110 = tpu.memref_slice %arg15[%sub3A_99] : memref<2x!tpu.dma_semaphore, #tpu.memory_space<semaphore_mem>> -> memref<1x!tpu.dma_semaphore, #tpu.memory_space<semaphore_mem>>
      %dma_start3A_111 = tpu.memref_squeeze %dma_start3A_110 : memref<1x!tpu.dma_semaphore, #tpu.memory_space<semaphore_mem>> -> memref<!tpu.dma_semaphore, #tpu.memory_space<semaphore_mem>>
      tpu.enqueue_indirect_dma source(%dma_start3A_109 : memref<10240x128xf32, #tpu.memory_space<vmem_shared>>) target(%dma_start3A_105 : memref<32x128xf32, #tpu.memory_space<vmem>>) offsets(%dma_start3A_106 : memref<32xi32, #tpu.memory_space<vmem>>) semaphore(%dma_start3A_111 : memref<!tpu.dma_semaphore, #tpu.memory_space<semaphore_mem>>)
      %mul3A_112 = arith.constant 32 : i32
      %mul3A_113 = arith.muli %scan3A_92, %mul3A_112 : i32
      %dma_wait3A_114 = arith.constant 0 : i32
      %dma_wait3A_115 = arith.constant 0 : i32
      %dma_wait3A_116 = tpu.memref_slice %arg12[%rem3A_94, %dma_wait3A_114, %dma_wait3A_115] : memref<2x32x128xf32, #tpu.memory_space<vmem>> -> memref<1x32x128xf32, #tpu.memory_space<vmem>>
      %dma_wait3A_117 = tpu.memref_squeeze %dma_wait3A_116 : memref<1x32x128xf32, #tpu.memory_space<vmem>> -> memref<32x128xf32, #tpu.memory_space<vmem>>
      %dma_wait3A_118 = tpu.memref_slice %arg9[%mul3A_113] : memref<10240xi32, #tpu.memory_space<vmem>> -> memref<32xi32, #tpu.memory_space<vmem>>
      %dma_wait3A_119 = arith.constant 0 : i32
      %dma_wait3A_120 = arith.constant 0 : i32
      %dma_wait3A_121 = tpu.memref_slice %arg14[%dma_wait3A_119, %dma_wait3A_120] : memref<10240x128xf32, #tpu.memory_space<vmem_shared>> -> memref<10240x128xf32, #tpu.memory_space<vmem_shared>>
      %dma_wait3A_122 = tpu.memref_slice %arg15[%rem3A_94] : memref<2x!tpu.dma_semaphore, #tpu.memory_space<semaphore_mem>> -> memref<1x!tpu.dma_semaphore, #tpu.memory_space<semaphore_mem>>
      %dma_wait3A_123 = tpu.memref_squeeze %dma_wait3A_122 : memref<1x!tpu.dma_semaphore, #tpu.memory_space<semaphore_mem>> -> memref<!tpu.dma_semaphore, #tpu.memory_space<semaphore_mem>>
      tpu.wait_indirect_dma semaphore(%dma_wait3A_123 : memref<!tpu.dma_semaphore, #tpu.memory_space<semaphore_mem>>) src(%dma_wait3A_121 : memref<10240x128xf32, #tpu.memory_space<vmem_shared>>) dst(%dma_wait3A_117 : memref<32x128xf32, #tpu.memory_space<vmem>>)
      %ge3A = arith.constant 2 : i32
      %ge3A_124 = arith.cmpi sge, %scan3A_92, %ge3A : i32
      %convert_element_type3A = arith.extui %ge3A_124 : i1 to i32
      %cond3A = arith.constant 0 : i32
      %cond3A_125 = arith.cmpi ne, %convert_element_type3A, %cond3A : i32
      scf.if %cond3A_125 {
        %sub3A_2187 = arith.constant 2 : i32
        %sub3A_2188 = arith.subi %scan3A_92, %sub3A_2187 : i32
        %mul3A_2189 = arith.constant 1 : i32
        %mul3A_2190 = arith.muli %sub3A_2188, %mul3A_2189 : i32
        %add3A_2191 = arith.addi %min3A_3, %mul3A_2190 : i32
        %dma_wait3A_2192 = arith.constant 0 : i32
        %dma_wait3A_2193 = arith.constant 0 : i32
        %dma_wait3A_2194 = tpu.memref_slice %arg13[%rem3A_94, %dma_wait3A_2192, %dma_wait3A_2193] : memref<2x1x128xf32, #tpu.memory_space<vmem>> -> memref<1x1x128xf32, #tpu.memory_space<vmem>>
        %dma_wait3A_2195 = tpu.memref_squeeze %dma_wait3A_2194 : memref<1x1x128xf32, #tpu.memory_space<vmem>> -> memref<1x128xf32, #tpu.memory_space<vmem>>
        %dma_wait3A_2196 = arith.constant 0 : i32
        %dma_wait3A_2197 = tpu.memref_slice %arg6[%add3A_2191, %dma_wait3A_2196] : memref<10000x128xf32, #tpu.memory_space<hbm>> -> memref<1x128xf32, #tpu.memory_space<hbm>>
        %dma_wait3A_2198 = tpu.memref_slice %arg18[%rem3A_94] : memref<2x!tpu.dma_semaphore, #tpu.memory_space<semaphore_mem>> -> memref<1x!tpu.dma_semaphore, #tpu.memory_space<semaphore_mem>>
        %dma_wait3A_2199 = tpu.memref_squeeze %dma_wait3A_2198 : memref<1x!tpu.dma_semaphore, #tpu.memory_space<semaphore_mem>> -> memref<!tpu.dma_semaphore, #tpu.memory_space<semaphore_mem>>
        %dma_wait3A_2200 = arith.constant 0 : i32
        %dma_wait3A_2201 = tpu.memref_slice %arg6[%add3A_2191, %dma_wait3A_2200] : memref<10000x128xf32, #tpu.memory_space<hbm>> -> memref<1x128xf32, #tpu.memory_space<hbm>>
        %dma_wait3A_2202 = arith.constant 0 : i32
        %dma_wait3A_2203 = arith.constant 0 : i32
        %dma_wait3A_2204 = tpu.memref_slice %arg13[%rem3A_94, %dma_wait3A_2202, %dma_wait3A_2203] : memref<2x1x128xf32, #tpu.memory_space<vmem>> -> memref<1x1x128xf32, #tpu.memory_space<vmem>>
        %dma_wait3A_2205 = tpu.memref_squeeze %dma_wait3A_2204 : memref<1x1x128xf32, #tpu.memory_space<vmem>> -> memref<1x128xf32, #tpu.memory_space<vmem>>
        tpu.wait_dma2 semaphore(%dma_wait3A_2199 : memref<!tpu.dma_semaphore, #tpu.memory_space<semaphore_mem>>) src(%dma_wait3A_2205 : memref<1x128xf32, #tpu.memory_space<vmem>>) dst(%dma_wait3A_2201 : memref<1x128xf32, #tpu.memory_space<hbm>>)
      } else {
      }
      %scan3A_126 = arith.constant 0 : i32
      %scan3A_127 = arith.constant 0 : i32
      %mul3A_128 = arith.constant 1 : i32
      %mul3A_129 = arith.muli %scan3A_92, %mul3A_128 : i32
      %add3A_130 = arith.addi %mul3A_129, %scan3A_127 : i32
      %mul3A_131 = arith.constant 32 : i32
      %mul3A_132 = arith.muli %add3A_130, %mul3A_131 : i32
      %get3A = arith.index_cast %mul3A_132 : i32 to index
      %get3A_133 = tpu.vector_load %arg10[%get3A] {strides = array<i32>} : memref<10240xf32, #tpu.memory_space<vmem>>, vector<16xf32>,
      %mul3A_134 = arith.constant 32 : i32
      %mul3A_135 = arith.muli %add3A_130, %mul3A_134 : i32
      %add3A_136 = arith.constant 16 : i32
      %add3A_137 = arith.addi %mul3A_135, %add3A_136 : i32
      %get3A_138 = arith.index_cast %add3A_137 : i32 to index
      %get3A_139 = tpu.vector_load %arg10[%get3A_138] {strides = array<i32>} : memref<10240xf32, #tpu.memory_space<vmem>>, vector<16xf32>,
      %broadcast_in_dim3A = arith.constant 0xFF800000 : f32
      %broadcast_in_dim3A_140 = vector.broadcast %broadcast_in_dim3A : f32 to vector<16xf32>
      %broadcast_in_dim3A_141 = arith.constant 0xFF800000 : f32
      %broadcast_in_dim3A_142 = vector.broadcast %broadcast_in_dim3A_141 : f32 to vector<16xf32>
      %broadcast_in_dim3A_143 = arith.constant 0xFF800000 : f32
      %broadcast_in_dim3A_144 = vector.broadcast %broadcast_in_dim3A_143 : f32 to vector<16xf32>
      %broadcast_in_dim3A_145 = arith.constant 0xFF800000 : f32
      %broadcast_in_dim3A_146 = vector.broadcast %broadcast_in_dim3A_145 : f32 to vector<16xf32>
      %broadcast_in_dim3A_147 = arith.constant 0xFF800000 : f32
      %broadcast_in_dim3A_148 = vector.broadcast %broadcast_in_dim3A_147 : f32 to vector<16xf32>
      %broadcast_in_dim3A_149 = arith.constant 0xFF800000 : f32
      %broadcast_in_dim3A_150 = vector.broadcast %broadcast_in_dim3A_149 : f32 to vector<16xf32>
      %broadcast_in_dim3A_151 = arith.constant 0xFF800000 : f32
      %broadcast_in_dim3A_152 = vector.broadcast %broadcast_in_dim3A_151 : f32 to vector<16xf32>
      %broadcast_in_dim3A_153 = arith.constant 0xFF800000 : f32
      %broadcast_in_dim3A_154 = vector.broadcast %broadcast_in_dim3A_153 : f32 to vector<16xf32>
      %slice3A = vector.extract_strided_slice %get3A_133 {offsets = [0], sizes = [1], strides = [1]} : vector<16xf32> to vector<1xf32>
      %squeeze3A = vector.extract %slice3A[0] : f32 from vector<1xf32>
      %mul3A_155 = arith.constant 32 : i32
      %mul3A_156 = arith.muli %scan3A_127, %mul3A_155 : i32
      %add3A_157 = arith.constant 0 : i32
      %add3A_158 = arith.addi %mul3A_156, %add3A_157 : i32
      %get3A_159 = arith.index_cast %rem3A_94 : i32 to index
      %get3A_160 = arith.index_cast %add3A_158 : i32 to index
      %get3A_161 = arith.constant 0 : index
      %get3A_162 = tpu.vector_load %arg12[%get3A_159, %get3A_160, %get3A_161] {strides = array<i32>} : memref<2x32x128xf32, #tpu.memory_space<vmem>>, vector<16xf32>,
      %mul3A_163 = vector.broadcast %squeeze3A : f32 to vector<16xf32>
      %mul3A_164 = arith.mulf %get3A_162, %mul3A_163 : vector<16xf32>
      %max3A = arith.maximumf %broadcast_in_dim3A_140, %mul3A_164 : vector<16xf32>
      %get3A_165 = arith.index_cast %rem3A_94 : i32 to index
      %get3A_166 = arith.index_cast %add3A_158 : i32 to index
      %get3A_167 = arith.constant 16 : index
      %get3A_168 = tpu.vector_load %arg12[%get3A_165, %get3A_166, %get3A_167] {strides = array<i32>} : memref<2x32x128xf32, #tpu.memory_space<vmem>>, vector<16xf32>,
      %mul3A_169 = vector.broadcast %squeeze3A : f32 to vector<16xf32>
      %mul3A_170 = arith.mulf %get3A_168, %mul3A_169 : vector<16xf32>
      %max3A_171 = arith.maximumf %broadcast_in_dim3A_142, %mul3A_170 : vector<16xf32>
      %get3A_172 = arith.index_cast %rem3A_94 : i32 to index
      %get3A_173 = arith.index_cast %add3A_158 : i32 to index
      %get3A_174 = arith.constant 32 : index
      %get3A_175 = tpu.vector_load %arg12[%get3A_172, %get3A_173, %get3A_174] {strides = array<i32>} : memref<2x32x128xf32, #tpu.memory_space<vmem>>, vector<16xf32>,
      %mul3A_176 = vector.broadcast %squeeze3A : f32 to vector<16xf32>
      %mul3A_177 = arith.mulf %get3A_175, %mul3A_176 : vector<16xf32>
      %max3A_178 = arith.maximumf %broadcast_in_dim3A_144, %mul3A_177 : vector<16xf32>
      %get3A_179 = arith.index_cast %rem3A_94 : i32 to index
      %get3A_180 = arith.index_cast %add3A_158 : i32 to index
      %get3A_181 = arith.constant 48 : index
      %get3A_182 = tpu.vector_load %arg12[%get3A_179, %get3A_180, %get3A_181] {strides = array<i32>} : memref<2x32x128xf32, #tpu.memory_space<vmem>>, vector<16xf32>,
      %mul3A_183 = vector.broadcast %squeeze3A : f32 to vector<16xf32>
      %mul3A_184 = arith.mulf %get3A_182, %mul3A_183 : vector<16xf32>
      %max3A_185 = arith.maximumf %broadcast_in_dim3A_146, %mul3A_184 : vector<16xf32>
      %get3A_186 = arith.index_cast %rem3A_94 : i32 to index
      %get3A_187 = arith.index_cast %add3A_158 : i32 to index
      %get3A_188 = arith.constant 64 : index
      %get3A_189 = tpu.vector_load %arg12[%get3A_186, %get3A_187, %get3A_188] {strides = array<i32>} : memref<2x32x128xf32, #tpu.memory_space<vmem>>, vector<16xf32>,
      %mul3A_190 = vector.broadcast %squeeze3A : f32 to vector<16xf32>
      %mul3A_191 = arith.mulf %get3A_189, %mul3A_190 : vector<16xf32>
      %max3A_192 = arith.maximumf %broadcast_in_dim3A_148, %mul3A_191 : vector<16xf32>
      %get3A_193 = arith.index_cast %rem3A_94 : i32 to index
      %get3A_194 = arith.index_cast %add3A_158 : i32 to index
      %get3A_195 = arith.constant 80 : index
      %get3A_196 = tpu.vector_load %arg12[%get3A_193, %get3A_194, %get3A_195] {strides = array<i32>} : memref<2x32x128xf32, #tpu.memory_space<vmem>>, vector<16xf32>,
      %mul3A_197 = vector.broadcast %squeeze3A : f32 to vector<16xf32>
      %mul3A_198 = arith.mulf %get3A_196, %mul3A_197 : vector<16xf32>
      %max3A_199 = arith.maximumf %broadcast_in_dim3A_150, %mul3A_198 : vector<16xf32>
      %get3A_200 = arith.index_cast %rem3A_94 : i32 to index
      %get3A_201 = arith.index_cast %add3A_158 : i32 to index
      %get3A_202 = arith.constant 96 : index
      %get3A_203 = tpu.vector_load %arg12[%get3A_200, %get3A_201, %get3A_202] {strides = array<i32>} : memref<2x32x128xf32, #tpu.memory_space<vmem>>, vector<16xf32>,
      %mul3A_204 = vector.broadcast %squeeze3A : f32 to vector<16xf32>
      %mul3A_205 = arith.mulf %get3A_203, %mul3A_204 : vector<16xf32>
      %max3A_206 = arith.maximumf %broadcast_in_dim3A_152, %mul3A_205 : vector<16xf32>
      %get3A_207 = arith.index_cast %rem3A_94 : i32 to index
      %get3A_208 = arith.index_cast %add3A_158 : i32 to index
      %get3A_209 = arith.constant 112 : index
      %get3A_210 = tpu.vector_load %arg12[%get3A_207, %get3A_208, %get3A_209] {strides = array<i32>} : memref<2x32x128xf32, #tpu.memory_space<vmem>>, vector<16xf32>,
      %mul3A_211 = vector.broadcast %squeeze3A : f32 to vector<16xf32>
      %mul3A_212 = arith.mulf %get3A_210, %mul3A_211 : vector<16xf32>
      %max3A_213 = arith.maximumf %broadcast_in_dim3A_154, %mul3A_212 : vector<16xf32>
      %slice3A_214 = vector.extract_strided_slice %get3A_133 {offsets = [1], sizes = [1], strides = [1]} : vector<16xf32> to vector<1xf32>
      %squeeze3A_215 = vector.extract %slice3A_214[0] : f32 from vector<1xf32>
      %mul3A_216 = arith.constant 32 : i32
      %mul3A_217 = arith.muli %scan3A_127, %mul3A_216 : i32
      %add3A_218 = arith.constant 1 : i32
      %add3A_219 = arith.addi %mul3A_217, %add3A_218 : i32
      %get3A_220 = arith.index_cast %rem3A_94 : i32 to index
      %get3A_221 = arith.index_cast %add3A_219 : i32 to index
      %get3A_222 = arith.constant 0 : index
      %get3A_223 = tpu.vector_load %arg12[%get3A_220, %get3A_221, %get3A_222] {strides = array<i32>} : memref<2x32x128xf32, #tpu.memory_space<vmem>>, vector<16xf32>,
      %mul3A_224 = vector.broadcast %squeeze3A_215 : f32 to vector<16xf32>
      %mul3A_225 = arith.mulf %get3A_223, %mul3A_224 : vector<16xf32>
      %max3A_226 = arith.maximumf %max3A, %mul3A_225 : vector<16xf32>
      %get3A_227 = arith.index_cast %rem3A_94 : i32 to index
      %get3A_228 = arith.index_cast %add3A_219 : i32 to index
      %get3A_229 = arith.constant 16 : index
      %get3A_230 = tpu.vector_load %arg12[%get3A_227, %get3A_228, %get3A_229] {strides = array<i32>} : memref<2x32x128xf32, #tpu.memory_space<vmem>>, vector<16xf32>,
      %mul3A_231 = vector.broadcast %squeeze3A_215 : f32 to vector<16xf32>
      %mul3A_232 = arith.mulf %get3A_230, %mul3A_231 : vector<16xf32>
      %max3A_233 = arith.maximumf %max3A_171, %mul3A_232 : vector<16xf32>
      %get3A_234 = arith.index_cast %rem3A_94 : i32 to index
      %get3A_235 = arith.index_cast %add3A_219 : i32 to index
      %get3A_236 = arith.constant 32 : index
      %get3A_237 = tpu.vector_load %arg12[%get3A_234, %get3A_235, %get3A_236] {strides = array<i32>} : memref<2x32x128xf32, #tpu.memory_space<vmem>>, vector<16xf32>,
      %mul3A_238 = vector.broadcast %squeeze3A_215 : f32 to vector<16xf32>
      %mul3A_239 = arith.mulf %get3A_237, %mul3A_238 : vector<16xf32>
      %max3A_240 = arith.maximumf %max3A_178, %mul3A_239 : vector<16xf32>
      %get3A_241 = arith.index_cast %rem3A_94 : i32 to index
      %get3A_242 = arith.index_cast %add3A_219 : i32 to index
      %get3A_243 = arith.constant 48 : index
      %get3A_244 = tpu.vector_load %arg12[%get3A_241, %get3A_242, %get3A_243] {strides = array<i32>} : memref<2x32x128xf32, #tpu.memory_space<vmem>>, vector<16xf32>,
      %mul3A_245 = vector.broadcast %squeeze3A_215 : f32 to vector<16xf32>
      %mul3A_246 = arith.mulf %get3A_244, %mul3A_245 : vector<16xf32>
      %max3A_247 = arith.maximumf %max3A_185, %mul3A_246 : vector<16xf32>
      %get3A_248 = arith.index_cast %rem3A_94 : i32 to index
      %get3A_249 = arith.index_cast %add3A_219 : i32 to index
      %get3A_250 = arith.constant 64 : index
      %get3A_251 = tpu.vector_load %arg12[%get3A_248, %get3A_249, %get3A_250] {strides = array<i32>} : memref<2x32x128xf32, #tpu.memory_space<vmem>>, vector<16xf32>,
      %mul3A_252 = vector.broadcast %squeeze3A_215 : f32 to vector<16xf32>
      %mul3A_253 = arith.mulf %get3A_251, %mul3A_252 : vector<16xf32>
      %max3A_254 = arith.maximumf %max3A_192, %mul3A_253 : vector<16xf32>
      %get3A_255 = arith.index_cast %rem3A_94 : i32 to index
      %get3A_256 = arith.index_cast %add3A_219 : i32 to index
      %get3A_257 = arith.constant 80 : index
      %get3A_258 = tpu.vector_load %arg12[%get3A_255, %get3A_256, %get3A_257] {strides = array<i32>} : memref<2x32x128xf32, #tpu.memory_space<vmem>>, vector<16xf32>,
      %mul3A_259 = vector.broadcast %squeeze3A_215 : f32 to vector<16xf32>
      %mul3A_260 = arith.mulf %get3A_258, %mul3A_259 : vector<16xf32>
      %max3A_261 = arith.maximumf %max3A_199, %mul3A_260 : vector<16xf32>
      %get3A_262 = arith.index_cast %rem3A_94 : i32 to index
      %get3A_263 = arith.index_cast %add3A_219 : i32 to index
      %get3A_264 = arith.constant 96 : index
      %get3A_265 = tpu.vector_load %arg12[%get3A_262, %get3A_263, %get3A_264] {strides = array<i32>} : memref<2x32x128xf32, #tpu.memory_space<vmem>>, vector<16xf32>,
      %mul3A_266 = vector.broadcast %squeeze3A_215 : f32 to vector<16xf32>
      %mul3A_267 = arith.mulf %get3A_265, %mul3A_266 : vector<16xf32>
      %max3A_268 = arith.maximumf %max3A_206, %mul3A_267 : vector<16xf32>
      %get3A_269 = arith.index_cast %rem3A_94 : i32 to index
      %get3A_270 = arith.index_cast %add3A_219 : i32 to index
      %get3A_271 = arith.constant 112 : index
      %get3A_272 = tpu.vector_load %arg12[%get3A_269, %get3A_270, %get3A_271] {strides = array<i32>} : memref<2x32x128xf32, #tpu.memory_space<vmem>>, vector<16xf32>,
      %mul3A_273 = vector.broadcast %squeeze3A_215 : f32 to vector<16xf32>
      %mul3A_274 = arith.mulf %get3A_272, %mul3A_273 : vector<16xf32>
      %max3A_275 = arith.maximumf %max3A_213, %mul3A_274 : vector<16xf32>
      %slice3A_276 = vector.extract_strided_slice %get3A_133 {offsets = [2], sizes = [1], strides = [1]} : vector<16xf32> to vector<1xf32>
      %squeeze3A_277 = vector.extract %slice3A_276[0] : f32 from vector<1xf32>
      %mul3A_278 = arith.constant 32 : i32
      %mul3A_279 = arith.muli %scan3A_127, %mul3A_278 : i32
      %add3A_280 = arith.constant 2 : i32
      %add3A_281 = arith.addi %mul3A_279, %add3A_280 : i32
      %get3A_282 = arith.index_cast %rem3A_94 : i32 to index
      %get3A_283 = arith.index_cast %add3A_281 : i32 to index
      %get3A_284 = arith.constant 0 : index
      %get3A_285 = tpu.vector_load %arg12[%get3A_282, %get3A_283, %get3A_284] {strides = array<i32>} : memref<2x32x128xf32, #tpu.memory_space<vmem>>, vector<16xf32>,
      %mul3A_286 = vector.broadcast %squeeze3A_277 : f32 to vector<16xf32>
      %mul3A_287 = arith.mulf %get3A_285, %mul3A_286 : vector<16xf32>
      %max3A_288 = arith.maximumf %max3A_226, %mul3A_287 : vector<16xf32>
      %get3A_289 = arith.index_cast %rem3A_94 : i32 to index
      %get3A_290 = arith.index_cast %add3A_281 : i32 to index
      %get3A_291 = arith.constant 16 : index
      %get3A_292 = tpu.vector_load %arg12[%get3A_289, %get3A_290, %get3A_291] {strides = array<i32>} : memref<2x32x128xf32, #tpu.memory_space<vmem>>, vector<16xf32>,
      %mul3A_293 = vector.broadcast %squeeze3A_277 : f32 to vector<16xf32>
      %mul3A_294 = arith.mulf %get3A_292, %mul3A_293 : vector<16xf32>
      %max3A_295 = arith.maximumf %max3A_233, %mul3A_294 : vector<16xf32>
      %get3A_296 = arith.index_cast %rem3A_94 : i32 to index
      %get3A_297 = arith.index_cast %add3A_281 : i32 to index
      %get3A_298 = arith.constant 32 : index
      %get3A_299 = tpu.vector_load %arg12[%get3A_296, %get3A_297, %get3A_298] {strides = array<i32>} : memref<2x32x128xf32, #tpu.memory_space<vmem>>, vector<16xf32>,
      %mul3A_300 = vector.broadcast %squeeze3A_277 : f32 to vector<16xf32>
      %mul3A_301 = arith.mulf %get3A_299, %mul3A_300 : vector<16xf32>
      %max3A_302 = arith.maximumf %max3A_240, %mul3A_301 : vector<16xf32>
      %get3A_303 = arith.index_cast %rem3A_94 : i32 to index
      %get3A_304 = arith.index_cast %add3A_281 : i32 to index
      %get3A_305 = arith.constant 48 : index
      %get3A_306 = tpu.vector_load %arg12[%get3A_303, %get3A_304, %get3A_305] {strides = array<i32>} : memref<2x32x128xf32, #tpu.memory_space<vmem>>, vector<16xf32>,
      %mul3A_307 = vector.broadcast %squeeze3A_277 : f32 to vector<16xf32>
      %mul3A_308 = arith.mulf %get3A_306, %mul3A_307 : vector<16xf32>
      %max3A_309 = arith.maximumf %max3A_247, %mul3A_308 : vector<16xf32>
      %get3A_310 = arith.index_cast %rem3A_94 : i32 to index
      %get3A_311 = arith.index_cast %add3A_281 : i32 to index
      %get3A_312 = arith.constant 64 : index
      %get3A_313 = tpu.vector_load %arg12[%get3A_310, %get3A_311, %get3A_312] {strides = array<i32>} : memref<2x32x128xf32, #tpu.memory_space<vmem>>, vector<16xf32>,
      %mul3A_314 = vector.broadcast %squeeze3A_277 : f32 to vector<16xf32>
      %mul3A_315 = arith.mulf %get3A_313, %mul3A_314 : vector<16xf32>
      %max3A_316 = arith.maximumf %max3A_254, %mul3A_315 : vector<16xf32>
      %get3A_317 = arith.index_cast %rem3A_94 : i32 to index
      %get3A_318 = arith.index_cast %add3A_281 : i32 to index
      %get3A_319 = arith.constant 80 : index
      %get3A_320 = tpu.vector_load %arg12[%get3A_317, %get3A_318, %get3A_319] {strides = array<i32>} : memref<2x32x128xf32, #tpu.memory_space<vmem>>, vector<16xf32>,
      %mul3A_321 = vector.broadcast %squeeze3A_277 : f32 to vector<16xf32>
      %mul3A_322 = arith.mulf %get3A_320, %mul3A_321 : vector<16xf32>
      %max3A_323 = arith.maximumf %max3A_261, %mul3A_322 : vector<16xf32>
      %get3A_324 = arith.index_cast %rem3A_94 : i32 to index
      %get3A_325 = arith.index_cast %add3A_281 : i32 to index
      %get3A_326 = arith.constant 96 : index
      %get3A_327 = tpu.vector_load %arg12[%get3A_324, %get3A_325, %get3A_326] {strides = array<i32>} : memref<2x32x128xf32, #tpu.memory_space<vmem>>, vector<16xf32>,
      %mul3A_328 = vector.broadcast %squeeze3A_277 : f32 to vector<16xf32>
      %mul3A_329 = arith.mulf %get3A_327, %mul3A_328 : vector<16xf32>
      %max3A_330 = arith.maximumf %max3A_268, %mul3A_329 : vector<16xf32>
      %get3A_331 = arith.index_cast %rem3A_94 : i32 to index
      %get3A_332 = arith.index_cast %add3A_281 : i32 to index
      %get3A_333 = arith.constant 112 : index
      %get3A_334 = tpu.vector_load %arg12[%get3A_331, %get3A_332, %get3A_333] {strides = array<i32>} : memref<2x32x128xf32, #tpu.memory_space<vmem>>, vector<16xf32>,
      %mul3A_335 = vector.broadcast %squeeze3A_277 : f32 to vector<16xf32>
      %mul3A_336 = arith.mulf %get3A_334, %mul3A_335 : vector<16xf32>
      %max3A_337 = arith.maximumf %max3A_275, %mul3A_336 : vector<16xf32>
      %slice3A_338 = vector.extract_strided_slice %get3A_133 {offsets = [3], sizes = [1], strides = [1]} : vector<16xf32> to vector<1xf32>
      %squeeze3A_339 = vector.extract %slice3A_338[0] : f32 from vector<1xf32>
      %mul3A_340 = arith.constant 32 : i32
      %mul3A_341 = arith.muli %scan3A_127, %mul3A_340 : i32
      %add3A_342 = arith.constant 3 : i32
      %add3A_343 = arith.addi %mul3A_341, %add3A_342 : i32
      %get3A_344 = arith.index_cast %rem3A_94 : i32 to index
      %get3A_345 = arith.index_cast %add3A_343 : i32 to index
      %get3A_346 = arith.constant 0 : index
      %get3A_347 = tpu.vector_load %arg12[%get3A_344, %get3A_345, %get3A_346] {strides = array<i32>} : memref<2x32x128xf32, #tpu.memory_space<vmem>>, vector<16xf32>,
      %mul3A_348 = vector.broadcast %squeeze3A_339 : f32 to vector<16xf32>
      %mul3A_349 = arith.mulf %get3A_347, %mul3A_348 : vector<16xf32>
      %max3A_350 = arith.maximumf %max3A_288, %mul3A_349 : vector<16xf32>
      %get3A_351 = arith.index_cast %rem3A_94 : i32 to index
      %get3A_352 = arith.index_cast %add3A_343 : i32 to index
      %get3A_353 = arith.constant 16 : index
      %get3A_354 = tpu.vector_load %arg12[%get3A_351, %get3A_352, %get3A_353] {strides = array<i32>} : memref<2x32x128xf32, #tpu.memory_space<vmem>>, vector<16xf32>,
      %mul3A_355 = vector.broadcast %squeeze3A_339 : f32 to vector<16xf32>
      %mul3A_356 = arith.mulf %get3A_354, %mul3A_355 : vector<16xf32>
      %max3A_357 = arith.maximumf %max3A_295, %mul3A_356 : vector<16xf32>
      %get3A_358 = arith.index_cast %rem3A_94 : i32 to index
      %get3A_359 = arith.index_cast %add3A_343 : i32 to index
      %get3A_360 = arith.constant 32 : index
      %get3A_361 = tpu.vector_load %arg12[%get3A_358, %get3A_359, %get3A_360] {strides = array<i32>} : memref<2x32x128xf32, #tpu.memory_space<vmem>>, vector<16xf32>,
      %mul3A_362 = vector.broadcast %squeeze3A_339 : f32 to vector<16xf32>
      %mul3A_363 = arith.mulf %get3A_361, %mul3A_362 : vector<16xf32>
      %max3A_364 = arith.maximumf %max3A_302, %mul3A_363 : vector<16xf32>
      %get3A_365 = arith.index_cast %rem3A_94 : i32 to index
      %get3A_366 = arith.index_cast %add3A_343 : i32 to index
      %get3A_367 = arith.constant 48 : index
      %get3A_368 = tpu.vector_load %arg12[%get3A_365, %get3A_366, %get3A_367] {strides = array<i32>} : memref<2x32x128xf32, #tpu.memory_space<vmem>>, vector<16xf32>,
      %mul3A_369 = vector.broadcast %squeeze3A_339 : f32 to vector<16xf32>
      %mul3A_370 = arith.mulf %get3A_368, %mul3A_369 : vector<16xf32>
      %max3A_371 = arith.maximumf %max3A_309, %mul3A_370 : vector<16xf32>
      %get3A_372 = arith.index_cast %rem3A_94 : i32 to index
      %get3A_373 = arith.index_cast %add3A_343 : i32 to index
      %get3A_374 = arith.constant 64 : index
      %get3A_375 = tpu.vector_load %arg12[%get3A_372, %get3A_373, %get3A_374] {strides = array<i32>} : memref<2x32x128xf32, #tpu.memory_space<vmem>>, vector<16xf32>,
      %mul3A_376 = vector.broadcast %squeeze3A_339 : f32 to vector<16xf32>
      %mul3A_377 = arith.mulf %get3A_375, %mul3A_376 : vector<16xf32>
      %max3A_378 = arith.maximumf %max3A_316, %mul3A_377 : vector<16xf32>
      %get3A_379 = arith.index_cast %rem3A_94 : i32 to index
      %get3A_380 = arith.index_cast %add3A_343 : i32 to index
      %get3A_381 = arith.constant 80 : index
      %get3A_382 = tpu.vector_load %arg12[%get3A_379, %get3A_380, %get3A_381] {strides = array<i32>} : memref<2x32x128xf32, #tpu.memory_space<vmem>>, vector<16xf32>,
      %mul3A_383 = vector.broadcast %squeeze3A_339 : f32 to vector<16xf32>
      %mul3A_384 = arith.mulf %get3A_382, %mul3A_383 : vector<16xf32>
      %max3A_385 = arith.maximumf %max3A_323, %mul3A_384 : vector<16xf32>
      %get3A_386 = arith.index_cast %rem3A_94 : i32 to index
      %get3A_387 = arith.index_cast %add3A_343 : i32 to index
      %get3A_388 = arith.constant 96 : index
      %get3A_389 = tpu.vector_load %arg12[%get3A_386, %get3A_387, %get3A_388] {strides = array<i32>} : memref<2x32x128xf32, #tpu.memory_space<vmem>>, vector<16xf32>,
      %mul3A_390 = vector.broadcast %squeeze3A_339 : f32 to vector<16xf32>
      %mul3A_391 = arith.mulf %get3A_389, %mul3A_390 : vector<16xf32>
      %max3A_392 = arith.maximumf %max3A_330, %mul3A_391 : vector<16xf32>
      %get3A_393 = arith.index_cast %rem3A_94 : i32 to index
      %get3A_394 = arith.index_cast %add3A_343 : i32 to index
      %get3A_395 = arith.constant 112 : index
      %get3A_396 = tpu.vector_load %arg12[%get3A_393, %get3A_394, %get3A_395] {strides = array<i32>} : memref<2x32x128xf32, #tpu.memory_space<vmem>>, vector<16xf32>,
      %mul3A_397 = vector.broadcast %squeeze3A_339 : f32 to vector<16xf32>
      %mul3A_398 = arith.mulf %get3A_396, %mul3A_397 : vector<16xf32>
      %max3A_399 = arith.maximumf %max3A_337, %mul3A_398 : vector<16xf32>
      %slice3A_400 = vector.extract_strided_slice %get3A_133 {offsets = [4], sizes = [1], strides = [1]} : vector<16xf32> to vector<1xf32>
      %squeeze3A_401 = vector.extract %slice3A_400[0] : f32 from vector<1xf32>
      %mul3A_402 = arith.constant 32 : i32
      %mul3A_403 = arith.muli %scan3A_127, %mul3A_402 : i32
      %add3A_404 = arith.constant 4 : i32
      %add3A_405 = arith.addi %mul3A_403, %add3A_404 : i32
      %get3A_406 = arith.index_cast %rem3A_94 : i32 to index
      %get3A_407 = arith.index_cast %add3A_405 : i32 to index
      %get3A_408 = arith.constant 0 : index
      %get3A_409 = tpu.vector_load %arg12[%get3A_406, %get3A_407, %get3A_408] {strides = array<i32>} : memref<2x32x128xf32, #tpu.memory_space<vmem>>, vector<16xf32>,
      %mul3A_410 = vector.broadcast %squeeze3A_401 : f32 to vector<16xf32>
      %mul3A_411 = arith.mulf %get3A_409, %mul3A_410 : vector<16xf32>
      %max3A_412 = arith.maximumf %max3A_350, %mul3A_411 : vector<16xf32>
      %get3A_413 = arith.index_cast %rem3A_94 : i32 to index
      %get3A_414 = arith.index_cast %add3A_405 : i32 to index
      %get3A_415 = arith.constant 16 : index
      %get3A_416 = tpu.vector_load %arg12[%get3A_413, %get3A_414, %get3A_415] {strides = array<i32>} : memref<2x32x128xf32, #tpu.memory_space<vmem>>, vector<16xf32>,
      %mul3A_417 = vector.broadcast %squeeze3A_401 : f32 to vector<16xf32>
      %mul3A_418 = arith.mulf %get3A_416, %mul3A_417 : vector<16xf32>
      %max3A_419 = arith.maximumf %max3A_357, %mul3A_418 : vector<16xf32>
      %get3A_420 = arith.index_cast %rem3A_94 : i32 to index
      %get3A_421 = arith.index_cast %add3A_405 : i32 to index
      %get3A_422 = arith.constant 32 : index
      %get3A_423 = tpu.vector_load %arg12[%get3A_420, %get3A_421, %get3A_422] {strides = array<i32>} : memref<2x32x128xf32, #tpu.memory_space<vmem>>, vector<16xf32>,
      %mul3A_424 = vector.broadcast %squeeze3A_401 : f32 to vector<16xf32>
      %mul3A_425 = arith.mulf %get3A_423, %mul3A_424 : vector<16xf32>
      %max3A_426 = arith.maximumf %max3A_364, %mul3A_425 : vector<16xf32>
      %get3A_427 = arith.index_cast %rem3A_94 : i32 to index
      %get3A_428 = arith.index_cast %add3A_405 : i32 to index
      %get3A_429 = arith.constant 48 : index
      %get3A_430 = tpu.vector_load %arg12[%get3A_427, %get3A_428, %get3A_429] {strides = array<i32>} : memref<2x32x128xf32, #tpu.memory_space<vmem>>, vector<16xf32>,
      %mul3A_431 = vector.broadcast %squeeze3A_401 : f32 to vector<16xf32>
      %mul3A_432 = arith.mulf %get3A_430, %mul3A_431 : vector<16xf32>
      %max3A_433 = arith.maximumf %max3A_371, %mul3A_432 : vector<16xf32>
      %get3A_434 = arith.index_cast %rem3A_94 : i32 to index
      %get3A_435 = arith.index_cast %add3A_405 : i32 to index
      %get3A_436 = arith.constant 64 : index
      %get3A_437 = tpu.vector_load %arg12[%get3A_434, %get3A_435, %get3A_436] {strides = array<i32>} : memref<2x32x128xf32, #tpu.memory_space<vmem>>, vector<16xf32>,
      %mul3A_438 = vector.broadcast %squeeze3A_401 : f32 to vector<16xf32>
      %mul3A_439 = arith.mulf %get3A_437, %mul3A_438 : vector<16xf32>
      %max3A_440 = arith.maximumf %max3A_378, %mul3A_439 : vector<16xf32>
      %get3A_441 = arith.index_cast %rem3A_94 : i32 to index
      %get3A_442 = arith.index_cast %add3A_405 : i32 to index
      %get3A_443 = arith.constant 80 : index
      %get3A_444 = tpu.vector_load %arg12[%get3A_441, %get3A_442, %get3A_443] {strides = array<i32>} : memref<2x32x128xf32, #tpu.memory_space<vmem>>, vector<16xf32>,
      %mul3A_445 = vector.broadcast %squeeze3A_401 : f32 to vector<16xf32>
      %mul3A_446 = arith.mulf %get3A_444, %mul3A_445 : vector<16xf32>
      %max3A_447 = arith.maximumf %max3A_385, %mul3A_446 : vector<16xf32>
      %get3A_448 = arith.index_cast %rem3A_94 : i32 to index
      %get3A_449 = arith.index_cast %add3A_405 : i32 to index
      %get3A_450 = arith.constant 96 : index
      %get3A_451 = tpu.vector_load %arg12[%get3A_448, %get3A_449, %get3A_450] {strides = array<i32>} : memref<2x32x128xf32, #tpu.memory_space<vmem>>, vector<16xf32>,
      %mul3A_452 = vector.broadcast %squeeze3A_401 : f32 to vector<16xf32>
      %mul3A_453 = arith.mulf %get3A_451, %mul3A_452 : vector<16xf32>
      %max3A_454 = arith.maximumf %max3A_392, %mul3A_453 : vector<16xf32>
      %get3A_455 = arith.index_cast %rem3A_94 : i32 to index
      %get3A_456 = arith.index_cast %add3A_405 : i32 to index
      %get3A_457 = arith.constant 112 : index
      %get3A_458 = tpu.vector_load %arg12[%get3A_455, %get3A_456, %get3A_457] {strides = array<i32>} : memref<2x32x128xf32, #tpu.memory_space<vmem>>, vector<16xf32>,
      %mul3A_459 = vector.broadcast %squeeze3A_401 : f32 to vector<16xf32>
      %mul3A_460 = arith.mulf %get3A_458, %mul3A_459 : vector<16xf32>
      %max3A_461 = arith.maximumf %max3A_399, %mul3A_460 : vector<16xf32>
      %slice3A_462 = vector.extract_strided_slice %get3A_133 {offsets = [5], sizes = [1], strides = [1]} : vector<16xf32> to vector<1xf32>
      %squeeze3A_463 = vector.extract %slice3A_462[0] : f32 from vector<1xf32>
      %mul3A_464 = arith.constant 32 : i32
      %mul3A_465 = arith.muli %scan3A_127, %mul3A_464 : i32
      %add3A_466 = arith.constant 5 : i32
      %add3A_467 = arith.addi %mul3A_465, %add3A_466 : i32
      %get3A_468 = arith.index_cast %rem3A_94 : i32 to index
      %get3A_469 = arith.index_cast %add3A_467 : i32 to index
      %get3A_470 = arith.constant 0 : index
      %get3A_471 = tpu.vector_load %arg12[%get3A_468, %get3A_469, %get3A_470] {strides = array<i32>} : memref<2x32x128xf32, #tpu.memory_space<vmem>>, vector<16xf32>,
      %mul3A_472 = vector.broadcast %squeeze3A_463 : f32 to vector<16xf32>
      %mul3A_473 = arith.mulf %get3A_471, %mul3A_472 : vector<16xf32>
      %max3A_474 = arith.maximumf %max3A_412, %mul3A_473 : vector<16xf32>
      %get3A_475 = arith.index_cast %rem3A_94 : i32 to index
      %get3A_476 = arith.index_cast %add3A_467 : i32 to index
      %get3A_477 = arith.constant 16 : index
      %get3A_478 = tpu.vector_load %arg12[%get3A_475, %get3A_476, %get3A_477] {strides = array<i32>} : memref<2x32x128xf32, #tpu.memory_space<vmem>>, vector<16xf32>,
      %mul3A_479 = vector.broadcast %squeeze3A_463 : f32 to vector<16xf32>
      %mul3A_480 = arith.mulf %get3A_478, %mul3A_479 : vector<16xf32>
      %max3A_481 = arith.maximumf %max3A_419, %mul3A_480 : vector<16xf32>
      %get3A_482 = arith.index_cast %rem3A_94 : i32 to index
      %get3A_483 = arith.index_cast %add3A_467 : i32 to index
      %get3A_484 = arith.constant 32 : index
      %get3A_485 = tpu.vector_load %arg12[%get3A_482, %get3A_483, %get3A_484] {strides = array<i32>} : memref<2x32x128xf32, #tpu.memory_space<vmem>>, vector<16xf32>,
      %mul3A_486 = vector.broadcast %squeeze3A_463 : f32 to vector<16xf32>
      %mul3A_487 = arith.mulf %get3A_485, %mul3A_486 : vector<16xf32>
      %max3A_488 = arith.maximumf %max3A_426, %mul3A_487 : vector<16xf32>
      %get3A_489 = arith.index_cast %rem3A_94 : i32 to index
      %get3A_490 = arith.index_cast %add3A_467 : i32 to index
      %get3A_491 = arith.constant 48 : index
      %get3A_492 = tpu.vector_load %arg12[%get3A_489, %get3A_490, %get3A_491] {strides = array<i32>} : memref<2x32x128xf32, #tpu.memory_space<vmem>>, vector<16xf32>,
      %mul3A_493 = vector.broadcast %squeeze3A_463 : f32 to vector<16xf32>
      %mul3A_494 = arith.mulf %get3A_492, %mul3A_493 : vector<16xf32>
      %max3A_495 = arith.maximumf %max3A_433, %mul3A_494 : vector<16xf32>
      %get3A_496 = arith.index_cast %rem3A_94 : i32 to index
      %get3A_497 = arith.index_cast %add3A_467 : i32 to index
      %get3A_498 = arith.constant 64 : index
      %get3A_499 = tpu.vector_load %arg12[%get3A_496, %get3A_497, %get3A_498] {strides = array<i32>} : memref<2x32x128xf32, #tpu.memory_space<vmem>>, vector<16xf32>,
      %mul3A_500 = vector.broadcast %squeeze3A_463 : f32 to vector<16xf32>
      %mul3A_501 = arith.mulf %get3A_499, %mul3A_500 : vector<16xf32>
      %max3A_502 = arith.maximumf %max3A_440, %mul3A_501 : vector<16xf32>
      %get3A_503 = arith.index_cast %rem3A_94 : i32 to index
      %get3A_504 = arith.index_cast %add3A_467 : i32 to index
      %get3A_505 = arith.constant 80 : index
      %get3A_506 = tpu.vector_load %arg12[%get3A_503, %get3A_504, %get3A_505] {strides = array<i32>} : memref<2x32x128xf32, #tpu.memory_space<vmem>>, vector<16xf32>,
      %mul3A_507 = vector.broadcast %squeeze3A_463 : f32 to vector<16xf32>
      %mul3A_508 = arith.mulf %get3A_506, %mul3A_507 : vector<16xf32>
      %max3A_509 = arith.maximumf %max3A_447, %mul3A_508 : vector<16xf32>
      %get3A_510 = arith.index_cast %rem3A_94 : i32 to index
      %get3A_511 = arith.index_cast %add3A_467 : i32 to index
      %get3A_512 = arith.constant 96 : index
      %get3A_513 = tpu.vector_load %arg12[%get3A_510, %get3A_511, %get3A_512] {strides = array<i32>} : memref<2x32x128xf32, #tpu.memory_space<vmem>>, vector<16xf32>,
      %mul3A_514 = vector.broadcast %squeeze3A_463 : f32 to vector<16xf32>
      %mul3A_515 = arith.mulf %get3A_513, %mul3A_514 : vector<16xf32>
      %max3A_516 = arith.maximumf %max3A_454, %mul3A_515 : vector<16xf32>
      %get3A_517 = arith.index_cast %rem3A_94 : i32 to index
      %get3A_518 = arith.index_cast %add3A_467 : i32 to index
      %get3A_519 = arith.constant 112 : index
      %get3A_520 = tpu.vector_load %arg12[%get3A_517, %get3A_518, %get3A_519] {strides = array<i32>} : memref<2x32x128xf32, #tpu.memory_space<vmem>>, vector<16xf32>,
      %mul3A_521 = vector.broadcast %squeeze3A_463 : f32 to vector<16xf32>
      %mul3A_522 = arith.mulf %get3A_520, %mul3A_521 : vector<16xf32>
      %max3A_523 = arith.maximumf %max3A_461, %mul3A_522 : vector<16xf32>
      %slice3A_524 = vector.extract_strided_slice %get3A_133 {offsets = [6], sizes = [1], strides = [1]} : vector<16xf32> to vector<1xf32>
      %squeeze3A_525 = vector.extract %slice3A_524[0] : f32 from vector<1xf32>
      %mul3A_526 = arith.constant 32 : i32
      %mul3A_527 = arith.muli %scan3A_127, %mul3A_526 : i32
      %add3A_528 = arith.constant 6 : i32
      %add3A_529 = arith.addi %mul3A_527, %add3A_528 : i32
      %get3A_530 = arith.index_cast %rem3A_94 : i32 to index
      %get3A_531 = arith.index_cast %add3A_529 : i32 to index
      %get3A_532 = arith.constant 0 : index
      %get3A_533 = tpu.vector_load %arg12[%get3A_530, %get3A_531, %get3A_532] {strides = array<i32>} : memref<2x32x128xf32, #tpu.memory_space<vmem>>, vector<16xf32>,
      %mul3A_534 = vector.broadcast %squeeze3A_525 : f32 to vector<16xf32>
      %mul3A_535 = arith.mulf %get3A_533, %mul3A_534 : vector<16xf32>
      %max3A_536 = arith.maximumf %max3A_474, %mul3A_535 : vector<16xf32>
      %get3A_537 = arith.index_cast %rem3A_94 : i32 to index
      %get3A_538 = arith.index_cast %add3A_529 : i32 to index
      %get3A_539 = arith.constant 16 : index
      %get3A_540 = tpu.vector_load %arg12[%get3A_537, %get3A_538, %get3A_539] {strides = array<i32>} : memref<2x32x128xf32, #tpu.memory_space<vmem>>, vector<16xf32>,
      %mul3A_541 = vector.broadcast %squeeze3A_525 : f32 to vector<16xf32>
      %mul3A_542 = arith.mulf %get3A_540, %mul3A_541 : vector<16xf32>
      %max3A_543 = arith.maximumf %max3A_481, %mul3A_542 : vector<16xf32>
      %get3A_544 = arith.index_cast %rem3A_94 : i32 to index
      %get3A_545 = arith.index_cast %add3A_529 : i32 to index
      %get3A_546 = arith.constant 32 : index
      %get3A_547 = tpu.vector_load %arg12[%get3A_544, %get3A_545, %get3A_546] {strides = array<i32>} : memref<2x32x128xf32, #tpu.memory_space<vmem>>, vector<16xf32>,
      %mul3A_548 = vector.broadcast %squeeze3A_525 : f32 to vector<16xf32>
      %mul3A_549 = arith.mulf %get3A_547, %mul3A_548 : vector<16xf32>
      %max3A_550 = arith.maximumf %max3A_488, %mul3A_549 : vector<16xf32>
      %get3A_551 = arith.index_cast %rem3A_94 : i32 to index
      %get3A_552 = arith.index_cast %add3A_529 : i32 to index
      %get3A_553 = arith.constant 48 : index
      %get3A_554 = tpu.vector_load %arg12[%get3A_551, %get3A_552, %get3A_553] {strides = array<i32>} : memref<2x32x128xf32, #tpu.memory_space<vmem>>, vector<16xf32>,
      %mul3A_555 = vector.broadcast %squeeze3A_525 : f32 to vector<16xf32>
      %mul3A_556 = arith.mulf %get3A_554, %mul3A_555 : vector<16xf32>
      %max3A_557 = arith.maximumf %max3A_495, %mul3A_556 : vector<16xf32>
      %get3A_558 = arith.index_cast %rem3A_94 : i32 to index
      %get3A_559 = arith.index_cast %add3A_529 : i32 to index
      %get3A_560 = arith.constant 64 : index
      %get3A_561 = tpu.vector_load %arg12[%get3A_558, %get3A_559, %get3A_560] {strides = array<i32>} : memref<2x32x128xf32, #tpu.memory_space<vmem>>, vector<16xf32>,
      %mul3A_562 = vector.broadcast %squeeze3A_525 : f32 to vector<16xf32>
      %mul3A_563 = arith.mulf %get3A_561, %mul3A_562 : vector<16xf32>
      %max3A_564 = arith.maximumf %max3A_502, %mul3A_563 : vector<16xf32>
      %get3A_565 = arith.index_cast %rem3A_94 : i32 to index
      %get3A_566 = arith.index_cast %add3A_529 : i32 to index
      %get3A_567 = arith.constant 80 : index
      %get3A_568 = tpu.vector_load %arg12[%get3A_565, %get3A_566, %get3A_567] {strides = array<i32>} : memref<2x32x128xf32, #tpu.memory_space<vmem>>, vector<16xf32>,
      %mul3A_569 = vector.broadcast %squeeze3A_525 : f32 to vector<16xf32>
      %mul3A_570 = arith.mulf %get3A_568, %mul3A_569 : vector<16xf32>
      %max3A_571 = arith.maximumf %max3A_509, %mul3A_570 : vector<16xf32>
      %get3A_572 = arith.index_cast %rem3A_94 : i32 to index
      %get3A_573 = arith.index_cast %add3A_529 : i32 to index
      %get3A_574 = arith.constant 96 : index
      %get3A_575 = tpu.vector_load %arg12[%get3A_572, %get3A_573, %get3A_574] {strides = array<i32>} : memref<2x32x128xf32, #tpu.memory_space<vmem>>, vector<16xf32>,
      %mul3A_576 = vector.broadcast %squeeze3A_525 : f32 to vector<16xf32>
      %mul3A_577 = arith.mulf %get3A_575, %mul3A_576 : vector<16xf32>
      %max3A_578 = arith.maximumf %max3A_516, %mul3A_577 : vector<16xf32>
      %get3A_579 = arith.index_cast %rem3A_94 : i32 to index
      %get3A_580 = arith.index_cast %add3A_529 : i32 to index
      %get3A_581 = arith.constant 112 : index
      %get3A_582 = tpu.vector_load %arg12[%get3A_579, %get3A_580, %get3A_581] {strides = array<i32>} : memref<2x32x128xf32, #tpu.memory_space<vmem>>, vector<16xf32>,
      %mul3A_583 = vector.broadcast %squeeze3A_525 : f32 to vector<16xf32>
      %mul3A_584 = arith.mulf %get3A_582, %mul3A_583 : vector<16xf32>
      %max3A_585 = arith.maximumf %max3A_523, %mul3A_584 : vector<16xf32>
      %slice3A_586 = vector.extract_strided_slice %get3A_133 {offsets = [7], sizes = [1], strides = [1]} : vector<16xf32> to vector<1xf32>
      %squeeze3A_587 = vector.extract %slice3A_586[0] : f32 from vector<1xf32>
      %mul3A_588 = arith.constant 32 : i32
      %mul3A_589 = arith.muli %scan3A_127, %mul3A_588 : i32
      %add3A_590 = arith.constant 7 : i32
      %add3A_591 = arith.addi %mul3A_589, %add3A_590 : i32
      %get3A_592 = arith.index_cast %rem3A_94 : i32 to index
      %get3A_593 = arith.index_cast %add3A_591 : i32 to index
      %get3A_594 = arith.constant 0 : index
      %get3A_595 = tpu.vector_load %arg12[%get3A_592, %get3A_593, %get3A_594] {strides = array<i32>} : memref<2x32x128xf32, #tpu.memory_space<vmem>>, vector<16xf32>,
      %mul3A_596 = vector.broadcast %squeeze3A_587 : f32 to vector<16xf32>
      %mul3A_597 = arith.mulf %get3A_595, %mul3A_596 : vector<16xf32>
      %max3A_598 = arith.maximumf %max3A_536, %mul3A_597 : vector<16xf32>
      %get3A_599 = arith.index_cast %rem3A_94 : i32 to index
      %get3A_600 = arith.index_cast %add3A_591 : i32 to index
      %get3A_601 = arith.constant 16 : index
      %get3A_602 = tpu.vector_load %arg12[%get3A_599, %get3A_600, %get3A_601] {strides = array<i32>} : memref<2x32x128xf32, #tpu.memory_space<vmem>>, vector<16xf32>,
      %mul3A_603 = vector.broadcast %squeeze3A_587 : f32 to vector<16xf32>
      %mul3A_604 = arith.mulf %get3A_602, %mul3A_603 : vector<16xf32>
      %max3A_605 = arith.maximumf %max3A_543, %mul3A_604 : vector<16xf32>
      %get3A_606 = arith.index_cast %rem3A_94 : i32 to index
      %get3A_607 = arith.index_cast %add3A_591 : i32 to index
      %get3A_608 = arith.constant 32 : index
      %get3A_609 = tpu.vector_load %arg12[%get3A_606, %get3A_607, %get3A_608] {strides = array<i32>} : memref<2x32x128xf32, #tpu.memory_space<vmem>>, vector<16xf32>,
      %mul3A_610 = vector.broadcast %squeeze3A_587 : f32 to vector<16xf32>
      %mul3A_611 = arith.mulf %get3A_609, %mul3A_610 : vector<16xf32>
      %max3A_612 = arith.maximumf %max3A_550, %mul3A_611 : vector<16xf32>
      %get3A_613 = arith.index_cast %rem3A_94 : i32 to index
      %get3A_614 = arith.index_cast %add3A_591 : i32 to index
      %get3A_615 = arith.constant 48 : index
      %get3A_616 = tpu.vector_load %arg12[%get3A_613, %get3A_614, %get3A_615] {strides = array<i32>} : memref<2x32x128xf32, #tpu.memory_space<vmem>>, vector<16xf32>,
      %mul3A_617 = vector.broadcast %squeeze3A_587 : f32 to vector<16xf32>
      %mul3A_618 = arith.mulf %get3A_616, %mul3A_617 : vector<16xf32>
      %max3A_619 = arith.maximumf %max3A_557, %mul3A_618 : vector<16xf32>
      %get3A_620 = arith.index_cast %rem3A_94 : i32 to index
      %get3A_621 = arith.index_cast %add3A_591 : i32 to index
      %get3A_622 = arith.constant 64 : index
      %get3A_623 = tpu.vector_load %arg12[%get3A_620, %get3A_621, %get3A_622] {strides = array<i32>} : memref<2x32x128xf32, #tpu.memory_space<vmem>>, vector<16xf32>,
      %mul3A_624 = vector.broadcast %squeeze3A_587 : f32 to vector<16xf32>
      %mul3A_625 = arith.mulf %get3A_623, %mul3A_624 : vector<16xf32>
      %max3A_626 = arith.maximumf %max3A_564, %mul3A_625 : vector<16xf32>
      %get3A_627 = arith.index_cast %rem3A_94 : i32 to index
      %get3A_628 = arith.index_cast %add3A_591 : i32 to index
      %get3A_629 = arith.constant 80 : index
      %get3A_630 = tpu.vector_load %arg12[%get3A_627, %get3A_628, %get3A_629] {strides = array<i32>} : memref<2x32x128xf32, #tpu.memory_space<vmem>>, vector<16xf32>,
      %mul3A_631 = vector.broadcast %squeeze3A_587 : f32 to vector<16xf32>
      %mul3A_632 = arith.mulf %get3A_630, %mul3A_631 : vector<16xf32>
      %max3A_633 = arith.maximumf %max3A_571, %mul3A_632 : vector<16xf32>
      %get3A_634 = arith.index_cast %rem3A_94 : i32 to index
      %get3A_635 = arith.index_cast %add3A_591 : i32 to index
      %get3A_636 = arith.constant 96 : index
      %get3A_637 = tpu.vector_load %arg12[%get3A_634, %get3A_635, %get3A_636] {strides = array<i32>} : memref<2x32x128xf32, #tpu.memory_space<vmem>>, vector<16xf32>,
      %mul3A_638 = vector.broadcast %squeeze3A_587 : f32 to vector<16xf32>
      %mul3A_639 = arith.mulf %get3A_637, %mul3A_638 : vector<16xf32>
      %max3A_640 = arith.maximumf %max3A_578, %mul3A_639 : vector<16xf32>
      %get3A_641 = arith.index_cast %rem3A_94 : i32 to index
      %get3A_642 = arith.index_cast %add3A_591 : i32 to index
      %get3A_643 = arith.constant 112 : index
      %get3A_644 = tpu.vector_load %arg12[%get3A_641, %get3A_642, %get3A_643] {strides = array<i32>} : memref<2x32x128xf32, #tpu.memory_space<vmem>>, vector<16xf32>,
      %mul3A_645 = vector.broadcast %squeeze3A_587 : f32 to vector<16xf32>
      %mul3A_646 = arith.mulf %get3A_644, %mul3A_645 : vector<16xf32>
      %max3A_647 = arith.maximumf %max3A_585, %mul3A_646 : vector<16xf32>
      %slice3A_648 = vector.extract_strided_slice %get3A_133 {offsets = [8], sizes = [1], strides = [1]} : vector<16xf32> to vector<1xf32>
      %squeeze3A_649 = vector.extract %slice3A_648[0] : f32 from vector<1xf32>
      %mul3A_650 = arith.constant 32 : i32
      %mul3A_651 = arith.muli %scan3A_127, %mul3A_650 : i32
      %add3A_652 = arith.constant 8 : i32
      %add3A_653 = arith.addi %mul3A_651, %add3A_652 : i32
      %get3A_654 = arith.index_cast %rem3A_94 : i32 to index
      %get3A_655 = arith.index_cast %add3A_653 : i32 to index
      %get3A_656 = arith.constant 0 : index
      %get3A_657 = tpu.vector_load %arg12[%get3A_654, %get3A_655, %get3A_656] {strides = array<i32>} : memref<2x32x128xf32, #tpu.memory_space<vmem>>, vector<16xf32>,
      %mul3A_658 = vector.broadcast %squeeze3A_649 : f32 to vector<16xf32>
      %mul3A_659 = arith.mulf %get3A_657, %mul3A_658 : vector<16xf32>
      %max3A_660 = arith.maximumf %max3A_598, %mul3A_659 : vector<16xf32>
      %get3A_661 = arith.index_cast %rem3A_94 : i32 to index
      %get3A_662 = arith.index_cast %add3A_653 : i32 to index
      %get3A_663 = arith.constant 16 : index
      %get3A_664 = tpu.vector_load %arg12[%get3A_661, %get3A_662, %get3A_663] {strides = array<i32>} : memref<2x32x128xf32, #tpu.memory_space<vmem>>, vector<16xf32>,
      %mul3A_665 = vector.broadcast %squeeze3A_649 : f32 to vector<16xf32>
      %mul3A_666 = arith.mulf %get3A_664, %mul3A_665 : vector<16xf32>
      %max3A_667 = arith.maximumf %max3A_605, %mul3A_666 : vector<16xf32>
      %get3A_668 = arith.index_cast %rem3A_94 : i32 to index
      %get3A_669 = arith.index_cast %add3A_653 : i32 to index
      %get3A_670 = arith.constant 32 : index
      %get3A_671 = tpu.vector_load %arg12[%get3A_668, %get3A_669, %get3A_670] {strides = array<i32>} : memref<2x32x128xf32, #tpu.memory_space<vmem>>, vector<16xf32>,
      %mul3A_672 = vector.broadcast %squeeze3A_649 : f32 to vector<16xf32>
      %mul3A_673 = arith.mulf %get3A_671, %mul3A_672 : vector<16xf32>
      %max3A_674 = arith.maximumf %max3A_612, %mul3A_673 : vector<16xf32>
      %get3A_675 = arith.index_cast %rem3A_94 : i32 to index
      %get3A_676 = arith.index_cast %add3A_653 : i32 to index
      %get3A_677 = arith.constant 48 : index
      %get3A_678 = tpu.vector_load %arg12[%get3A_675, %get3A_676, %get3A_677] {strides = array<i32>} : memref<2x32x128xf32, #tpu.memory_space<vmem>>, vector<16xf32>,
      %mul3A_679 = vector.broadcast %squeeze3A_649 : f32 to vector<16xf32>
      %mul3A_680 = arith.mulf %get3A_678, %mul3A_679 : vector<16xf32>
      %max3A_681 = arith.maximumf %max3A_619, %mul3A_680 : vector<16xf32>
      %get3A_682 = arith.index_cast %rem3A_94 : i32 to index
      %get3A_683 = arith.index_cast %add3A_653 : i32 to index
      %get3A_684 = arith.constant 64 : index
      %get3A_685 = tpu.vector_load %arg12[%get3A_682, %get3A_683, %get3A_684] {strides = array<i32>} : memref<2x32x128xf32, #tpu.memory_space<vmem>>, vector<16xf32>,
      %mul3A_686 = vector.broadcast %squeeze3A_649 : f32 to vector<16xf32>
      %mul3A_687 = arith.mulf %get3A_685, %mul3A_686 : vector<16xf32>
      %max3A_688 = arith.maximumf %max3A_626, %mul3A_687 : vector<16xf32>
      %get3A_689 = arith.index_cast %rem3A_94 : i32 to index
      %get3A_690 = arith.index_cast %add3A_653 : i32 to index
      %get3A_691 = arith.constant 80 : index
      %get3A_692 = tpu.vector_load %arg12[%get3A_689, %get3A_690, %get3A_691] {strides = array<i32>} : memref<2x32x128xf32, #tpu.memory_space<vmem>>, vector<16xf32>,
      %mul3A_693 = vector.broadcast %squeeze3A_649 : f32 to vector<16xf32>
      %mul3A_694 = arith.mulf %get3A_692, %mul3A_693 : vector<16xf32>
      %max3A_695 = arith.maximumf %max3A_633, %mul3A_694 : vector<16xf32>
      %get3A_696 = arith.index_cast %rem3A_94 : i32 to index
      %get3A_697 = arith.index_cast %add3A_653 : i32 to index
      %get3A_698 = arith.constant 96 : index
      %get3A_699 = tpu.vector_load %arg12[%get3A_696, %get3A_697, %get3A_698] {strides = array<i32>} : memref<2x32x128xf32, #tpu.memory_space<vmem>>, vector<16xf32>,
      %mul3A_700 = vector.broadcast %squeeze3A_649 : f32 to vector<16xf32>
      %mul3A_701 = arith.mulf %get3A_699, %mul3A_700 : vector<16xf32>
      %max3A_702 = arith.maximumf %max3A_640, %mul3A_701 : vector<16xf32>
      %get3A_703 = arith.index_cast %rem3A_94 : i32 to index
      %get3A_704 = arith.index_cast %add3A_653 : i32 to index
      %get3A_705 = arith.constant 112 : index
      %get3A_706 = tpu.vector_load %arg12[%get3A_703, %get3A_704, %get3A_705] {strides = array<i32>} : memref<2x32x128xf32, #tpu.memory_space<vmem>>, vector<16xf32>,
      %mul3A_707 = vector.broadcast %squeeze3A_649 : f32 to vector<16xf32>
      %mul3A_708 = arith.mulf %get3A_706, %mul3A_707 : vector<16xf32>
      %max3A_709 = arith.maximumf %max3A_647, %mul3A_708 : vector<16xf32>
      %slice3A_710 = vector.extract_strided_slice %get3A_133 {offsets = [9], sizes = [1], strides = [1]} : vector<16xf32> to vector<1xf32>
      %squeeze3A_711 = vector.extract %slice3A_710[0] : f32 from vector<1xf32>
      %mul3A_712 = arith.constant 32 : i32
      %mul3A_713 = arith.muli %scan3A_127, %mul3A_712 : i32
      %add3A_714 = arith.constant 9 : i32
      %add3A_715 = arith.addi %mul3A_713, %add3A_714 : i32
      %get3A_716 = arith.index_cast %rem3A_94 : i32 to index
      %get3A_717 = arith.index_cast %add3A_715 : i32 to index
      %get3A_718 = arith.constant 0 : index
      %get3A_719 = tpu.vector_load %arg12[%get3A_716, %get3A_717, %get3A_718] {strides = array<i32>} : memref<2x32x128xf32, #tpu.memory_space<vmem>>, vector<16xf32>,
      %mul3A_720 = vector.broadcast %squeeze3A_711 : f32 to vector<16xf32>
      %mul3A_721 = arith.mulf %get3A_719, %mul3A_720 : vector<16xf32>
      %max3A_722 = arith.maximumf %max3A_660, %mul3A_721 : vector<16xf32>
      %get3A_723 = arith.index_cast %rem3A_94 : i32 to index
      %get3A_724 = arith.index_cast %add3A_715 : i32 to index
      %get3A_725 = arith.constant 16 : index
      %get3A_726 = tpu.vector_load %arg12[%get3A_723, %get3A_724, %get3A_725] {strides = array<i32>} : memref<2x32x128xf32, #tpu.memory_space<vmem>>, vector<16xf32>,
      %mul3A_727 = vector.broadcast %squeeze3A_711 : f32 to vector<16xf32>
      %mul3A_728 = arith.mulf %get3A_726, %mul3A_727 : vector<16xf32>
      %max3A_729 = arith.maximumf %max3A_667, %mul3A_728 : vector<16xf32>
      %get3A_730 = arith.index_cast %rem3A_94 : i32 to index
      %get3A_731 = arith.index_cast %add3A_715 : i32 to index
      %get3A_732 = arith.constant 32 : index
      %get3A_733 = tpu.vector_load %arg12[%get3A_730, %get3A_731, %get3A_732] {strides = array<i32>} : memref<2x32x128xf32, #tpu.memory_space<vmem>>, vector<16xf32>,
      %mul3A_734 = vector.broadcast %squeeze3A_711 : f32 to vector<16xf32>
      %mul3A_735 = arith.mulf %get3A_733, %mul3A_734 : vector<16xf32>
      %max3A_736 = arith.maximumf %max3A_674, %mul3A_735 : vector<16xf32>
      %get3A_737 = arith.index_cast %rem3A_94 : i32 to index
      %get3A_738 = arith.index_cast %add3A_715 : i32 to index
      %get3A_739 = arith.constant 48 : index
      %get3A_740 = tpu.vector_load %arg12[%get3A_737, %get3A_738, %get3A_739] {strides = array<i32>} : memref<2x32x128xf32, #tpu.memory_space<vmem>>, vector<16xf32>,
      %mul3A_741 = vector.broadcast %squeeze3A_711 : f32 to vector<16xf32>
      %mul3A_742 = arith.mulf %get3A_740, %mul3A_741 : vector<16xf32>
      %max3A_743 = arith.maximumf %max3A_681, %mul3A_742 : vector<16xf32>
      %get3A_744 = arith.index_cast %rem3A_94 : i32 to index
      %get3A_745 = arith.index_cast %add3A_715 : i32 to index
      %get3A_746 = arith.constant 64 : index
      %get3A_747 = tpu.vector_load %arg12[%get3A_744, %get3A_745, %get3A_746] {strides = array<i32>} : memref<2x32x128xf32, #tpu.memory_space<vmem>>, vector<16xf32>,
      %mul3A_748 = vector.broadcast %squeeze3A_711 : f32 to vector<16xf32>
      %mul3A_749 = arith.mulf %get3A_747, %mul3A_748 : vector<16xf32>
      %max3A_750 = arith.maximumf %max3A_688, %mul3A_749 : vector<16xf32>
      %get3A_751 = arith.index_cast %rem3A_94 : i32 to index
      %get3A_752 = arith.index_cast %add3A_715 : i32 to index
      %get3A_753 = arith.constant 80 : index
      %get3A_754 = tpu.vector_load %arg12[%get3A_751, %get3A_752, %get3A_753] {strides = array<i32>} : memref<2x32x128xf32, #tpu.memory_space<vmem>>, vector<16xf32>,
      %mul3A_755 = vector.broadcast %squeeze3A_711 : f32 to vector<16xf32>
      %mul3A_756 = arith.mulf %get3A_754, %mul3A_755 : vector<16xf32>
      %max3A_757 = arith.maximumf %max3A_695, %mul3A_756 : vector<16xf32>
      %get3A_758 = arith.index_cast %rem3A_94 : i32 to index
      %get3A_759 = arith.index_cast %add3A_715 : i32 to index
      %get3A_760 = arith.constant 96 : index
      %get3A_761 = tpu.vector_load %arg12[%get3A_758, %get3A_759, %get3A_760] {strides = array<i32>} : memref<2x32x128xf32, #tpu.memory_space<vmem>>, vector<16xf32>,
      %mul3A_762 = vector.broadcast %squeeze3A_711 : f32 to vector<16xf32>
      %mul3A_763 = arith.mulf %get3A_761, %mul3A_762 : vector<16xf32>
      %max3A_764 = arith.maximumf %max3A_702, %mul3A_763 : vector<16xf32>
      %get3A_765 = arith.index_cast %rem3A_94 : i32 to index
      %get3A_766 = arith.index_cast %add3A_715 : i32 to index
      %get3A_767 = arith.constant 112 : index
      %get3A_768 = tpu.vector_load %arg12[%get3A_765, %get3A_766, %get3A_767] {strides = array<i32>} : memref<2x32x128xf32, #tpu.memory_space<vmem>>, vector<16xf32>,
      %mul3A_769 = vector.broadcast %squeeze3A_711 : f32 to vector<16xf32>
      %mul3A_770 = arith.mulf %get3A_768, %mul3A_769 : vector<16xf32>
      %max3A_771 = arith.maximumf %max3A_709, %mul3A_770 : vector<16xf32>
      %slice3A_772 = vector.extract_strided_slice %get3A_133 {offsets = [10], sizes = [1], strides = [1]} : vector<16xf32> to vector<1xf32>
      %squeeze3A_773 = vector.extract %slice3A_772[0] : f32 from vector<1xf32>
      %mul3A_774 = arith.constant 32 : i32
      %mul3A_775 = arith.muli %scan3A_127, %mul3A_774 : i32
      %add3A_776 = arith.constant 10 : i32
      %add3A_777 = arith.addi %mul3A_775, %add3A_776 : i32
      %get3A_778 = arith.index_cast %rem3A_94 : i32 to index
      %get3A_779 = arith.index_cast %add3A_777 : i32 to index
      %get3A_780 = arith.constant 0 : index
      %get3A_781 = tpu.vector_load %arg12[%get3A_778, %get3A_779, %get3A_780] {strides = array<i32>} : memref<2x32x128xf32, #tpu.memory_space<vmem>>, vector<16xf32>,
      %mul3A_782 = vector.broadcast %squeeze3A_773 : f32 to vector<16xf32>
      %mul3A_783 = arith.mulf %get3A_781, %mul3A_782 : vector<16xf32>
      %max3A_784 = arith.maximumf %max3A_722, %mul3A_783 : vector<16xf32>
      %get3A_785 = arith.index_cast %rem3A_94 : i32 to index
      %get3A_786 = arith.index_cast %add3A_777 : i32 to index
      %get3A_787 = arith.constant 16 : index
      %get3A_788 = tpu.vector_load %arg12[%get3A_785, %get3A_786, %get3A_787] {strides = array<i32>} : memref<2x32x128xf32, #tpu.memory_space<vmem>>, vector<16xf32>,
      %mul3A_789 = vector.broadcast %squeeze3A_773 : f32 to vector<16xf32>
      %mul3A_790 = arith.mulf %get3A_788, %mul3A_789 : vector<16xf32>
      %max3A_791 = arith.maximumf %max3A_729, %mul3A_790 : vector<16xf32>
      %get3A_792 = arith.index_cast %rem3A_94 : i32 to index
      %get3A_793 = arith.index_cast %add3A_777 : i32 to index
      %get3A_794 = arith.constant 32 : index
      %get3A_795 = tpu.vector_load %arg12[%get3A_792, %get3A_793, %get3A_794] {strides = array<i32>} : memref<2x32x128xf32, #tpu.memory_space<vmem>>, vector<16xf32>,
      %mul3A_796 = vector.broadcast %squeeze3A_773 : f32 to vector<16xf32>
      %mul3A_797 = arith.mulf %get3A_795, %mul3A_796 : vector<16xf32>
      %max3A_798 = arith.maximumf %max3A_736, %mul3A_797 : vector<16xf32>
      %get3A_799 = arith.index_cast %rem3A_94 : i32 to index
      %get3A_800 = arith.index_cast %add3A_777 : i32 to index
      %get3A_801 = arith.constant 48 : index
      %get3A_802 = tpu.vector_load %arg12[%get3A_799, %get3A_800, %get3A_801] {strides = array<i32>} : memref<2x32x128xf32, #tpu.memory_space<vmem>>, vector<16xf32>,
      %mul3A_803 = vector.broadcast %squeeze3A_773 : f32 to vector<16xf32>
      %mul3A_804 = arith.mulf %get3A_802, %mul3A_803 : vector<16xf32>
      %max3A_805 = arith.maximumf %max3A_743, %mul3A_804 : vector<16xf32>
      %get3A_806 = arith.index_cast %rem3A_94 : i32 to index
      %get3A_807 = arith.index_cast %add3A_777 : i32 to index
      %get3A_808 = arith.constant 64 : index
      %get3A_809 = tpu.vector_load %arg12[%get3A_806, %get3A_807, %get3A_808] {strides = array<i32>} : memref<2x32x128xf32, #tpu.memory_space<vmem>>, vector<16xf32>,
      %mul3A_810 = vector.broadcast %squeeze3A_773 : f32 to vector<16xf32>
      %mul3A_811 = arith.mulf %get3A_809, %mul3A_810 : vector<16xf32>
      %max3A_812 = arith.maximumf %max3A_750, %mul3A_811 : vector<16xf32>
      %get3A_813 = arith.index_cast %rem3A_94 : i32 to index
      %get3A_814 = arith.index_cast %add3A_777 : i32 to index
      %get3A_815 = arith.constant 80 : index
      %get3A_816 = tpu.vector_load %arg12[%get3A_813, %get3A_814, %get3A_815] {strides = array<i32>} : memref<2x32x128xf32, #tpu.memory_space<vmem>>, vector<16xf32>,
      %mul3A_817 = vector.broadcast %squeeze3A_773 : f32 to vector<16xf32>
      %mul3A_818 = arith.mulf %get3A_816, %mul3A_817 : vector<16xf32>
      %max3A_819 = arith.maximumf %max3A_757, %mul3A_818 : vector<16xf32>
      %get3A_820 = arith.index_cast %rem3A_94 : i32 to index
      %get3A_821 = arith.index_cast %add3A_777 : i32 to index
      %get3A_822 = arith.constant 96 : index
      %get3A_823 = tpu.vector_load %arg12[%get3A_820, %get3A_821, %get3A_822] {strides = array<i32>} : memref<2x32x128xf32, #tpu.memory_space<vmem>>, vector<16xf32>,
      %mul3A_824 = vector.broadcast %squeeze3A_773 : f32 to vector<16xf32>
      %mul3A_825 = arith.mulf %get3A_823, %mul3A_824 : vector<16xf32>
      %max3A_826 = arith.maximumf %max3A_764, %mul3A_825 : vector<16xf32>
      %get3A_827 = arith.index_cast %rem3A_94 : i32 to index
      %get3A_828 = arith.index_cast %add3A_777 : i32 to index
      %get3A_829 = arith.constant 112 : index
      %get3A_830 = tpu.vector_load %arg12[%get3A_827, %get3A_828, %get3A_829] {strides = array<i32>} : memref<2x32x128xf32, #tpu.memory_space<vmem>>, vector<16xf32>,
      %mul3A_831 = vector.broadcast %squeeze3A_773 : f32 to vector<16xf32>
      %mul3A_832 = arith.mulf %get3A_830, %mul3A_831 : vector<16xf32>
      %max3A_833 = arith.maximumf %max3A_771, %mul3A_832 : vector<16xf32>
      %slice3A_834 = vector.extract_strided_slice %get3A_133 {offsets = [11], sizes = [1], strides = [1]} : vector<16xf32> to vector<1xf32>
      %squeeze3A_835 = vector.extract %slice3A_834[0] : f32 from vector<1xf32>
      %mul3A_836 = arith.constant 32 : i32
      %mul3A_837 = arith.muli %scan3A_127, %mul3A_836 : i32
      %add3A_838 = arith.constant 11 : i32
      %add3A_839 = arith.addi %mul3A_837, %add3A_838 : i32
      %get3A_840 = arith.index_cast %rem3A_94 : i32 to index
      %get3A_841 = arith.index_cast %add3A_839 : i32 to index
      %get3A_842 = arith.constant 0 : index
      %get3A_843 = tpu.vector_load %arg12[%get3A_840, %get3A_841, %get3A_842] {strides = array<i32>} : memref<2x32x128xf32, #tpu.memory_space<vmem>>, vector<16xf32>,
      %mul3A_844 = vector.broadcast %squeeze3A_835 : f32 to vector<16xf32>
      %mul3A_845 = arith.mulf %get3A_843, %mul3A_844 : vector<16xf32>
      %max3A_846 = arith.maximumf %max3A_784, %mul3A_845 : vector<16xf32>
      %get3A_847 = arith.index_cast %rem3A_94 : i32 to index
      %get3A_848 = arith.index_cast %add3A_839 : i32 to index
      %get3A_849 = arith.constant 16 : index
      %get3A_850 = tpu.vector_load %arg12[%get3A_847, %get3A_848, %get3A_849] {strides = array<i32>} : memref<2x32x128xf32, #tpu.memory_space<vmem>>, vector<16xf32>,
      %mul3A_851 = vector.broadcast %squeeze3A_835 : f32 to vector<16xf32>
      %mul3A_852 = arith.mulf %get3A_850, %mul3A_851 : vector<16xf32>
      %max3A_853 = arith.maximumf %max3A_791, %mul3A_852 : vector<16xf32>
      %get3A_854 = arith.index_cast %rem3A_94 : i32 to index
      %get3A_855 = arith.index_cast %add3A_839 : i32 to index
      %get3A_856 = arith.constant 32 : index
      %get3A_857 = tpu.vector_load %arg12[%get3A_854, %get3A_855, %get3A_856] {strides = array<i32>} : memref<2x32x128xf32, #tpu.memory_space<vmem>>, vector<16xf32>,
      %mul3A_858 = vector.broadcast %squeeze3A_835 : f32 to vector<16xf32>
      %mul3A_859 = arith.mulf %get3A_857, %mul3A_858 : vector<16xf32>
      %max3A_860 = arith.maximumf %max3A_798, %mul3A_859 : vector<16xf32>
      %get3A_861 = arith.index_cast %rem3A_94 : i32 to index
      %get3A_862 = arith.index_cast %add3A_839 : i32 to index
      %get3A_863 = arith.constant 48 : index
      %get3A_864 = tpu.vector_load %arg12[%get3A_861, %get3A_862, %get3A_863] {strides = array<i32>} : memref<2x32x128xf32, #tpu.memory_space<vmem>>, vector<16xf32>,
      %mul3A_865 = vector.broadcast %squeeze3A_835 : f32 to vector<16xf32>
      %mul3A_866 = arith.mulf %get3A_864, %mul3A_865 : vector<16xf32>
      %max3A_867 = arith.maximumf %max3A_805, %mul3A_866 : vector<16xf32>
      %get3A_868 = arith.index_cast %rem3A_94 : i32 to index
      %get3A_869 = arith.index_cast %add3A_839 : i32 to index
      %get3A_870 = arith.constant 64 : index
      %get3A_871 = tpu.vector_load %arg12[%get3A_868, %get3A_869, %get3A_870] {strides = array<i32>} : memref<2x32x128xf32, #tpu.memory_space<vmem>>, vector<16xf32>,
      %mul3A_872 = vector.broadcast %squeeze3A_835 : f32 to vector<16xf32>
      %mul3A_873 = arith.mulf %get3A_871, %mul3A_872 : vector<16xf32>
      %max3A_874 = arith.maximumf %max3A_812, %mul3A_873 : vector<16xf32>
      %get3A_875 = arith.index_cast %rem3A_94 : i32 to index
      %get3A_876 = arith.index_cast %add3A_839 : i32 to index
      %get3A_877 = arith.constant 80 : index
      %get3A_878 = tpu.vector_load %arg12[%get3A_875, %get3A_876, %get3A_877] {strides = array<i32>} : memref<2x32x128xf32, #tpu.memory_space<vmem>>, vector<16xf32>,
      %mul3A_879 = vector.broadcast %squeeze3A_835 : f32 to vector<16xf32>
      %mul3A_880 = arith.mulf %get3A_878, %mul3A_879 : vector<16xf32>
      %max3A_881 = arith.maximumf %max3A_819, %mul3A_880 : vector<16xf32>
      %get3A_882 = arith.index_cast %rem3A_94 : i32 to index
      %get3A_883 = arith.index_cast %add3A_839 : i32 to index
      %get3A_884 = arith.constant 96 : index
      %get3A_885 = tpu.vector_load %arg12[%get3A_882, %get3A_883, %get3A_884] {strides = array<i32>} : memref<2x32x128xf32, #tpu.memory_space<vmem>>, vector<16xf32>,
      %mul3A_886 = vector.broadcast %squeeze3A_835 : f32 to vector<16xf32>
      %mul3A_887 = arith.mulf %get3A_885, %mul3A_886 : vector<16xf32>
      %max3A_888 = arith.maximumf %max3A_826, %mul3A_887 : vector<16xf32>
      %get3A_889 = arith.index_cast %rem3A_94 : i32 to index
      %get3A_890 = arith.index_cast %add3A_839 : i32 to index
      %get3A_891 = arith.constant 112 : index
      %get3A_892 = tpu.vector_load %arg12[%get3A_889, %get3A_890, %get3A_891] {strides = array<i32>} : memref<2x32x128xf32, #tpu.memory_space<vmem>>, vector<16xf32>,
      %mul3A_893 = vector.broadcast %squeeze3A_835 : f32 to vector<16xf32>
      %mul3A_894 = arith.mulf %get3A_892, %mul3A_893 : vector<16xf32>
      %max3A_895 = arith.maximumf %max3A_833, %mul3A_894 : vector<16xf32>
      %slice3A_896 = vector.extract_strided_slice %get3A_133 {offsets = [12], sizes = [1], strides = [1]} : vector<16xf32> to vector<1xf32>
      %squeeze3A_897 = vector.extract %slice3A_896[0] : f32 from vector<1xf32>
      %mul3A_898 = arith.constant 32 : i32
      %mul3A_899 = arith.muli %scan3A_127, %mul3A_898 : i32
      %add3A_900 = arith.constant 12 : i32
      %add3A_901 = arith.addi %mul3A_899, %add3A_900 : i32
      %get3A_902 = arith.index_cast %rem3A_94 : i32 to index
      %get3A_903 = arith.index_cast %add3A_901 : i32 to index
      %get3A_904 = arith.constant 0 : index
      %get3A_905 = tpu.vector_load %arg12[%get3A_902, %get3A_903, %get3A_904] {strides = array<i32>} : memref<2x32x128xf32, #tpu.memory_space<vmem>>, vector<16xf32>,
      %mul3A_906 = vector.broadcast %squeeze3A_897 : f32 to vector<16xf32>
      %mul3A_907 = arith.mulf %get3A_905, %mul3A_906 : vector<16xf32>
      %max3A_908 = arith.maximumf %max3A_846, %mul3A_907 : vector<16xf32>
      %get3A_909 = arith.index_cast %rem3A_94 : i32 to index
      %get3A_910 = arith.index_cast %add3A_901 : i32 to index
      %get3A_911 = arith.constant 16 : index
      %get3A_912 = tpu.vector_load %arg12[%get3A_909, %get3A_910, %get3A_911] {strides = array<i32>} : memref<2x32x128xf32, #tpu.memory_space<vmem>>, vector<16xf32>,
      %mul3A_913 = vector.broadcast %squeeze3A_897 : f32 to vector<16xf32>
      %mul3A_914 = arith.mulf %get3A_912, %mul3A_913 : vector<16xf32>
      %max3A_915 = arith.maximumf %max3A_853, %mul3A_914 : vector<16xf32>
      %get3A_916 = arith.index_cast %rem3A_94 : i32 to index
      %get3A_917 = arith.index_cast %add3A_901 : i32 to index
      %get3A_918 = arith.constant 32 : index
      %get3A_919 = tpu.vector_load %arg12[%get3A_916, %get3A_917, %get3A_918] {strides = array<i32>} : memref<2x32x128xf32, #tpu.memory_space<vmem>>, vector<16xf32>,
      %mul3A_920 = vector.broadcast %squeeze3A_897 : f32 to vector<16xf32>
      %mul3A_921 = arith.mulf %get3A_919, %mul3A_920 : vector<16xf32>
      %max3A_922 = arith.maximumf %max3A_860, %mul3A_921 : vector<16xf32>
      %get3A_923 = arith.index_cast %rem3A_94 : i32 to index
      %get3A_924 = arith.index_cast %add3A_901 : i32 to index
      %get3A_925 = arith.constant 48 : index
      %get3A_926 = tpu.vector_load %arg12[%get3A_923, %get3A_924, %get3A_925] {strides = array<i32>} : memref<2x32x128xf32, #tpu.memory_space<vmem>>, vector<16xf32>,
      %mul3A_927 = vector.broadcast %squeeze3A_897 : f32 to vector<16xf32>
      %mul3A_928 = arith.mulf %get3A_926, %mul3A_927 : vector<16xf32>
      %max3A_929 = arith.maximumf %max3A_867, %mul3A_928 : vector<16xf32>
      %get3A_930 = arith.index_cast %rem3A_94 : i32 to index
      %get3A_931 = arith.index_cast %add3A_901 : i32 to index
      %get3A_932 = arith.constant 64 : index
      %get3A_933 = tpu.vector_load %arg12[%get3A_930, %get3A_931, %get3A_932] {strides = array<i32>} : memref<2x32x128xf32, #tpu.memory_space<vmem>>, vector<16xf32>,
      %mul3A_934 = vector.broadcast %squeeze3A_897 : f32 to vector<16xf32>
      %mul3A_935 = arith.mulf %get3A_933, %mul3A_934 : vector<16xf32>
      %max3A_936 = arith.maximumf %max3A_874, %mul3A_935 : vector<16xf32>
      %get3A_937 = arith.index_cast %rem3A_94 : i32 to index
      %get3A_938 = arith.index_cast %add3A_901 : i32 to index
      %get3A_939 = arith.constant 80 : index
      %get3A_940 = tpu.vector_load %arg12[%get3A_937, %get3A_938, %get3A_939] {strides = array<i32>} : memref<2x32x128xf32, #tpu.memory_space<vmem>>, vector<16xf32>,
      %mul3A_941 = vector.broadcast %squeeze3A_897 : f32 to vector<16xf32>
      %mul3A_942 = arith.mulf %get3A_940, %mul3A_941 : vector<16xf32>
      %max3A_943 = arith.maximumf %max3A_881, %mul3A_942 : vector<16xf32>
      %get3A_944 = arith.index_cast %rem3A_94 : i32 to index
      %get3A_945 = arith.index_cast %add3A_901 : i32 to index
      %get3A_946 = arith.constant 96 : index
      %get3A_947 = tpu.vector_load %arg12[%get3A_944, %get3A_945, %get3A_946] {strides = array<i32>} : memref<2x32x128xf32, #tpu.memory_space<vmem>>, vector<16xf32>,
      %mul3A_948 = vector.broadcast %squeeze3A_897 : f32 to vector<16xf32>
      %mul3A_949 = arith.mulf %get3A_947, %mul3A_948 : vector<16xf32>
      %max3A_950 = arith.maximumf %max3A_888, %mul3A_949 : vector<16xf32>
      %get3A_951 = arith.index_cast %rem3A_94 : i32 to index
      %get3A_952 = arith.index_cast %add3A_901 : i32 to index
      %get3A_953 = arith.constant 112 : index
      %get3A_954 = tpu.vector_load %arg12[%get3A_951, %get3A_952, %get3A_953] {strides = array<i32>} : memref<2x32x128xf32, #tpu.memory_space<vmem>>, vector<16xf32>,
      %mul3A_955 = vector.broadcast %squeeze3A_897 : f32 to vector<16xf32>
      %mul3A_956 = arith.mulf %get3A_954, %mul3A_955 : vector<16xf32>
      %max3A_957 = arith.maximumf %max3A_895, %mul3A_956 : vector<16xf32>
      %slice3A_958 = vector.extract_strided_slice %get3A_133 {offsets = [13], sizes = [1], strides = [1]} : vector<16xf32> to vector<1xf32>
      %squeeze3A_959 = vector.extract %slice3A_958[0] : f32 from vector<1xf32>
      %mul3A_960 = arith.constant 32 : i32
      %mul3A_961 = arith.muli %scan3A_127, %mul3A_960 : i32
      %add3A_962 = arith.constant 13 : i32
      %add3A_963 = arith.addi %mul3A_961, %add3A_962 : i32
      %get3A_964 = arith.index_cast %rem3A_94 : i32 to index
      %get3A_965 = arith.index_cast %add3A_963 : i32 to index
      %get3A_966 = arith.constant 0 : index
      %get3A_967 = tpu.vector_load %arg12[%get3A_964, %get3A_965, %get3A_966] {strides = array<i32>} : memref<2x32x128xf32, #tpu.memory_space<vmem>>, vector<16xf32>,
      %mul3A_968 = vector.broadcast %squeeze3A_959 : f32 to vector<16xf32>
      %mul3A_969 = arith.mulf %get3A_967, %mul3A_968 : vector<16xf32>
      %max3A_970 = arith.maximumf %max3A_908, %mul3A_969 : vector<16xf32>
      %get3A_971 = arith.index_cast %rem3A_94 : i32 to index
      %get3A_972 = arith.index_cast %add3A_963 : i32 to index
      %get3A_973 = arith.constant 16 : index
      %get3A_974 = tpu.vector_load %arg12[%get3A_971, %get3A_972, %get3A_973] {strides = array<i32>} : memref<2x32x128xf32, #tpu.memory_space<vmem>>, vector<16xf32>,
      %mul3A_975 = vector.broadcast %squeeze3A_959 : f32 to vector<16xf32>
      %mul3A_976 = arith.mulf %get3A_974, %mul3A_975 : vector<16xf32>
      %max3A_977 = arith.maximumf %max3A_915, %mul3A_976 : vector<16xf32>
      %get3A_978 = arith.index_cast %rem3A_94 : i32 to index
      %get3A_979 = arith.index_cast %add3A_963 : i32 to index
      %get3A_980 = arith.constant 32 : index
      %get3A_981 = tpu.vector_load %arg12[%get3A_978, %get3A_979, %get3A_980] {strides = array<i32>} : memref<2x32x128xf32, #tpu.memory_space<vmem>>, vector<16xf32>,
      %mul3A_982 = vector.broadcast %squeeze3A_959 : f32 to vector<16xf32>
      %mul3A_983 = arith.mulf %get3A_981, %mul3A_982 : vector<16xf32>
      %max3A_984 = arith.maximumf %max3A_922, %mul3A_983 : vector<16xf32>
      %get3A_985 = arith.index_cast %rem3A_94 : i32 to index
      %get3A_986 = arith.index_cast %add3A_963 : i32 to index
      %get3A_987 = arith.constant 48 : index
      %get3A_988 = tpu.vector_load %arg12[%get3A_985, %get3A_986, %get3A_987] {strides = array<i32>} : memref<2x32x128xf32, #tpu.memory_space<vmem>>, vector<16xf32>,
      %mul3A_989 = vector.broadcast %squeeze3A_959 : f32 to vector<16xf32>
      %mul3A_990 = arith.mulf %get3A_988, %mul3A_989 : vector<16xf32>
      %max3A_991 = arith.maximumf %max3A_929, %mul3A_990 : vector<16xf32>
      %get3A_992 = arith.index_cast %rem3A_94 : i32 to index
      %get3A_993 = arith.index_cast %add3A_963 : i32 to index
      %get3A_994 = arith.constant 64 : index
      %get3A_995 = tpu.vector_load %arg12[%get3A_992, %get3A_993, %get3A_994] {strides = array<i32>} : memref<2x32x128xf32, #tpu.memory_space<vmem>>, vector<16xf32>,
      %mul3A_996 = vector.broadcast %squeeze3A_959 : f32 to vector<16xf32>
      %mul3A_997 = arith.mulf %get3A_995, %mul3A_996 : vector<16xf32>
      %max3A_998 = arith.maximumf %max3A_936, %mul3A_997 : vector<16xf32>
      %get3A_999 = arith.index_cast %rem3A_94 : i32 to index
      %get3A_1000 = arith.index_cast %add3A_963 : i32 to index
      %get3A_1001 = arith.constant 80 : index
      %get3A_1002 = tpu.vector_load %arg12[%get3A_999, %get3A_1000, %get3A_1001] {strides = array<i32>} : memref<2x32x128xf32, #tpu.memory_space<vmem>>, vector<16xf32>,
      %mul3A_1003 = vector.broadcast %squeeze3A_959 : f32 to vector<16xf32>
      %mul3A_1004 = arith.mulf %get3A_1002, %mul3A_1003 : vector<16xf32>
      %max3A_1005 = arith.maximumf %max3A_943, %mul3A_1004 : vector<16xf32>
      %get3A_1006 = arith.index_cast %rem3A_94 : i32 to index
      %get3A_1007 = arith.index_cast %add3A_963 : i32 to index
      %get3A_1008 = arith.constant 96 : index
      %get3A_1009 = tpu.vector_load %arg12[%get3A_1006, %get3A_1007, %get3A_1008] {strides = array<i32>} : memref<2x32x128xf32, #tpu.memory_space<vmem>>, vector<16xf32>,
      %mul3A_1010 = vector.broadcast %squeeze3A_959 : f32 to vector<16xf32>
      %mul3A_1011 = arith.mulf %get3A_1009, %mul3A_1010 : vector<16xf32>
      %max3A_1012 = arith.maximumf %max3A_950, %mul3A_1011 : vector<16xf32>
      %get3A_1013 = arith.index_cast %rem3A_94 : i32 to index
      %get3A_1014 = arith.index_cast %add3A_963 : i32 to index
      %get3A_1015 = arith.constant 112 : index
      %get3A_1016 = tpu.vector_load %arg12[%get3A_1013, %get3A_1014, %get3A_1015] {strides = array<i32>} : memref<2x32x128xf32, #tpu.memory_space<vmem>>, vector<16xf32>,
      %mul3A_1017 = vector.broadcast %squeeze3A_959 : f32 to vector<16xf32>
      %mul3A_1018 = arith.mulf %get3A_1016, %mul3A_1017 : vector<16xf32>
      %max3A_1019 = arith.maximumf %max3A_957, %mul3A_1018 : vector<16xf32>
      %slice3A_1020 = vector.extract_strided_slice %get3A_133 {offsets = [14], sizes = [1], strides = [1]} : vector<16xf32> to vector<1xf32>
      %squeeze3A_1021 = vector.extract %slice3A_1020[0] : f32 from vector<1xf32>
      %mul3A_1022 = arith.constant 32 : i32
      %mul3A_1023 = arith.muli %scan3A_127, %mul3A_1022 : i32
      %add3A_1024 = arith.constant 14 : i32
      %add3A_1025 = arith.addi %mul3A_1023, %add3A_1024 : i32
      %get3A_1026 = arith.index_cast %rem3A_94 : i32 to index
      %get3A_1027 = arith.index_cast %add3A_1025 : i32 to index
      %get3A_1028 = arith.constant 0 : index
      %get3A_1029 = tpu.vector_load %arg12[%get3A_1026, %get3A_1027, %get3A_1028] {strides = array<i32>} : memref<2x32x128xf32, #tpu.memory_space<vmem>>, vector<16xf32>,
      %mul3A_1030 = vector.broadcast %squeeze3A_1021 : f32 to vector<16xf32>
      %mul3A_1031 = arith.mulf %get3A_1029, %mul3A_1030 : vector<16xf32>
      %max3A_1032 = arith.maximumf %max3A_970, %mul3A_1031 : vector<16xf32>
      %get3A_1033 = arith.index_cast %rem3A_94 : i32 to index
      %get3A_1034 = arith.index_cast %add3A_1025 : i32 to index
      %get3A_1035 = arith.constant 16 : index
      %get3A_1036 = tpu.vector_load %arg12[%get3A_1033, %get3A_1034, %get3A_1035] {strides = array<i32>} : memref<2x32x128xf32, #tpu.memory_space<vmem>>, vector<16xf32>,
      %mul3A_1037 = vector.broadcast %squeeze3A_1021 : f32 to vector<16xf32>
      %mul3A_1038 = arith.mulf %get3A_1036, %mul3A_1037 : vector<16xf32>
      %max3A_1039 = arith.maximumf %max3A_977, %mul3A_1038 : vector<16xf32>
      %get3A_1040 = arith.index_cast %rem3A_94 : i32 to index
      %get3A_1041 = arith.index_cast %add3A_1025 : i32 to index
      %get3A_1042 = arith.constant 32 : index
      %get3A_1043 = tpu.vector_load %arg12[%get3A_1040, %get3A_1041, %get3A_1042] {strides = array<i32>} : memref<2x32x128xf32, #tpu.memory_space<vmem>>, vector<16xf32>,
      %mul3A_1044 = vector.broadcast %squeeze3A_1021 : f32 to vector<16xf32>
      %mul3A_1045 = arith.mulf %get3A_1043, %mul3A_1044 : vector<16xf32>
      %max3A_1046 = arith.maximumf %max3A_984, %mul3A_1045 : vector<16xf32>
      %get3A_1047 = arith.index_cast %rem3A_94 : i32 to index
      %get3A_1048 = arith.index_cast %add3A_1025 : i32 to index
      %get3A_1049 = arith.constant 48 : index
      %get3A_1050 = tpu.vector_load %arg12[%get3A_1047, %get3A_1048, %get3A_1049] {strides = array<i32>} : memref<2x32x128xf32, #tpu.memory_space<vmem>>, vector<16xf32>,
      %mul3A_1051 = vector.broadcast %squeeze3A_1021 : f32 to vector<16xf32>
      %mul3A_1052 = arith.mulf %get3A_1050, %mul3A_1051 : vector<16xf32>
      %max3A_1053 = arith.maximumf %max3A_991, %mul3A_1052 : vector<16xf32>
      %get3A_1054 = arith.index_cast %rem3A_94 : i32 to index
      %get3A_1055 = arith.index_cast %add3A_1025 : i32 to index
      %get3A_1056 = arith.constant 64 : index
      %get3A_1057 = tpu.vector_load %arg12[%get3A_1054, %get3A_1055, %get3A_1056] {strides = array<i32>} : memref<2x32x128xf32, #tpu.memory_space<vmem>>, vector<16xf32>,
      %mul3A_1058 = vector.broadcast %squeeze3A_1021 : f32 to vector<16xf32>
      %mul3A_1059 = arith.mulf %get3A_1057, %mul3A_1058 : vector<16xf32>
      %max3A_1060 = arith.maximumf %max3A_998, %mul3A_1059 : vector<16xf32>
      %get3A_1061 = arith.index_cast %rem3A_94 : i32 to index
      %get3A_1062 = arith.index_cast %add3A_1025 : i32 to index
      %get3A_1063 = arith.constant 80 : index
      %get3A_1064 = tpu.vector_load %arg12[%get3A_1061, %get3A_1062, %get3A_1063] {strides = array<i32>} : memref<2x32x128xf32, #tpu.memory_space<vmem>>, vector<16xf32>,
      %mul3A_1065 = vector.broadcast %squeeze3A_1021 : f32 to vector<16xf32>
      %mul3A_1066 = arith.mulf %get3A_1064, %mul3A_1065 : vector<16xf32>
      %max3A_1067 = arith.maximumf %max3A_1005, %mul3A_1066 : vector<16xf32>
      %get3A_1068 = arith.index_cast %rem3A_94 : i32 to index
      %get3A_1069 = arith.index_cast %add3A_1025 : i32 to index
      %get3A_1070 = arith.constant 96 : index
      %get3A_1071 = tpu.vector_load %arg12[%get3A_1068, %get3A_1069, %get3A_1070] {strides = array<i32>} : memref<2x32x128xf32, #tpu.memory_space<vmem>>, vector<16xf32>,
      %mul3A_1072 = vector.broadcast %squeeze3A_1021 : f32 to vector<16xf32>
      %mul3A_1073 = arith.mulf %get3A_1071, %mul3A_1072 : vector<16xf32>
      %max3A_1074 = arith.maximumf %max3A_1012, %mul3A_1073 : vector<16xf32>
      %get3A_1075 = arith.index_cast %rem3A_94 : i32 to index
      %get3A_1076 = arith.index_cast %add3A_1025 : i32 to index
      %get3A_1077 = arith.constant 112 : index
      %get3A_1078 = tpu.vector_load %arg12[%get3A_1075, %get3A_1076, %get3A_1077] {strides = array<i32>} : memref<2x32x128xf32, #tpu.memory_space<vmem>>, vector<16xf32>,
      %mul3A_1079 = vector.broadcast %squeeze3A_1021 : f32 to vector<16xf32>
      %mul3A_1080 = arith.mulf %get3A_1078, %mul3A_1079 : vector<16xf32>
      %max3A_1081 = arith.maximumf %max3A_1019, %mul3A_1080 : vector<16xf32>
      %slice3A_1082 = vector.extract_strided_slice %get3A_133 {offsets = [15], sizes = [1], strides = [1]} : vector<16xf32> to vector<1xf32>
      %squeeze3A_1083 = vector.extract %slice3A_1082[0] : f32 from vector<1xf32>
      %mul3A_1084 = arith.constant 32 : i32
      %mul3A_1085 = arith.muli %scan3A_127, %mul3A_1084 : i32
      %add3A_1086 = arith.constant 15 : i32
      %add3A_1087 = arith.addi %mul3A_1085, %add3A_1086 : i32
      %get3A_1088 = arith.index_cast %rem3A_94 : i32 to index
      %get3A_1089 = arith.index_cast %add3A_1087 : i32 to index
      %get3A_1090 = arith.constant 0 : index
      %get3A_1091 = tpu.vector_load %arg12[%get3A_1088, %get3A_1089, %get3A_1090] {strides = array<i32>} : memref<2x32x128xf32, #tpu.memory_space<vmem>>, vector<16xf32>,
      %mul3A_1092 = vector.broadcast %squeeze3A_1083 : f32 to vector<16xf32>
      %mul3A_1093 = arith.mulf %get3A_1091, %mul3A_1092 : vector<16xf32>
      %max3A_1094 = arith.maximumf %max3A_1032, %mul3A_1093 : vector<16xf32>
      %get3A_1095 = arith.index_cast %rem3A_94 : i32 to index
      %get3A_1096 = arith.index_cast %add3A_1087 : i32 to index
      %get3A_1097 = arith.constant 16 : index
      %get3A_1098 = tpu.vector_load %arg12[%get3A_1095, %get3A_1096, %get3A_1097] {strides = array<i32>} : memref<2x32x128xf32, #tpu.memory_space<vmem>>, vector<16xf32>,
      %mul3A_1099 = vector.broadcast %squeeze3A_1083 : f32 to vector<16xf32>
      %mul3A_1100 = arith.mulf %get3A_1098, %mul3A_1099 : vector<16xf32>
      %max3A_1101 = arith.maximumf %max3A_1039, %mul3A_1100 : vector<16xf32>
      %get3A_1102 = arith.index_cast %rem3A_94 : i32 to index
      %get3A_1103 = arith.index_cast %add3A_1087 : i32 to index
      %get3A_1104 = arith.constant 32 : index
      %get3A_1105 = tpu.vector_load %arg12[%get3A_1102, %get3A_1103, %get3A_1104] {strides = array<i32>} : memref<2x32x128xf32, #tpu.memory_space<vmem>>, vector<16xf32>,
      %mul3A_1106 = vector.broadcast %squeeze3A_1083 : f32 to vector<16xf32>
      %mul3A_1107 = arith.mulf %get3A_1105, %mul3A_1106 : vector<16xf32>
      %max3A_1108 = arith.maximumf %max3A_1046, %mul3A_1107 : vector<16xf32>
      %get3A_1109 = arith.index_cast %rem3A_94 : i32 to index
      %get3A_1110 = arith.index_cast %add3A_1087 : i32 to index
      %get3A_1111 = arith.constant 48 : index
      %get3A_1112 = tpu.vector_load %arg12[%get3A_1109, %get3A_1110, %get3A_1111] {strides = array<i32>} : memref<2x32x128xf32, #tpu.memory_space<vmem>>, vector<16xf32>,
      %mul3A_1113 = vector.broadcast %squeeze3A_1083 : f32 to vector<16xf32>
      %mul3A_1114 = arith.mulf %get3A_1112, %mul3A_1113 : vector<16xf32>
      %max3A_1115 = arith.maximumf %max3A_1053, %mul3A_1114 : vector<16xf32>
      %get3A_1116 = arith.index_cast %rem3A_94 : i32 to index
      %get3A_1117 = arith.index_cast %add3A_1087 : i32 to index
      %get3A_1118 = arith.constant 64 : index
      %get3A_1119 = tpu.vector_load %arg12[%get3A_1116, %get3A_1117, %get3A_1118] {strides = array<i32>} : memref<2x32x128xf32, #tpu.memory_space<vmem>>, vector<16xf32>,
      %mul3A_1120 = vector.broadcast %squeeze3A_1083 : f32 to vector<16xf32>
      %mul3A_1121 = arith.mulf %get3A_1119, %mul3A_1120 : vector<16xf32>
      %max3A_1122 = arith.maximumf %max3A_1060, %mul3A_1121 : vector<16xf32>
      %get3A_1123 = arith.index_cast %rem3A_94 : i32 to index
      %get3A_1124 = arith.index_cast %add3A_1087 : i32 to index
      %get3A_1125 = arith.constant 80 : index
      %get3A_1126 = tpu.vector_load %arg12[%get3A_1123, %get3A_1124, %get3A_1125] {strides = array<i32>} : memref<2x32x128xf32, #tpu.memory_space<vmem>>, vector<16xf32>,
      %mul3A_1127 = vector.broadcast %squeeze3A_1083 : f32 to vector<16xf32>
      %mul3A_1128 = arith.mulf %get3A_1126, %mul3A_1127 : vector<16xf32>
      %max3A_1129 = arith.maximumf %max3A_1067, %mul3A_1128 : vector<16xf32>
      %get3A_1130 = arith.index_cast %rem3A_94 : i32 to index
      %get3A_1131 = arith.index_cast %add3A_1087 : i32 to index
      %get3A_1132 = arith.constant 96 : index
      %get3A_1133 = tpu.vector_load %arg12[%get3A_1130, %get3A_1131, %get3A_1132] {strides = array<i32>} : memref<2x32x128xf32, #tpu.memory_space<vmem>>, vector<16xf32>,
      %mul3A_1134 = vector.broadcast %squeeze3A_1083 : f32 to vector<16xf32>
      %mul3A_1135 = arith.mulf %get3A_1133, %mul3A_1134 : vector<16xf32>
      %max3A_1136 = arith.maximumf %max3A_1074, %mul3A_1135 : vector<16xf32>
      %get3A_1137 = arith.index_cast %rem3A_94 : i32 to index
      %get3A_1138 = arith.index_cast %add3A_1087 : i32 to index
      %get3A_1139 = arith.constant 112 : index
      %get3A_1140 = tpu.vector_load %arg12[%get3A_1137, %get3A_1138, %get3A_1139] {strides = array<i32>} : memref<2x32x128xf32, #tpu.memory_space<vmem>>, vector<16xf32>,
      %mul3A_1141 = vector.broadcast %squeeze3A_1083 : f32 to vector<16xf32>
      %mul3A_1142 = arith.mulf %get3A_1140, %mul3A_1141 : vector<16xf32>
      %max3A_1143 = arith.maximumf %max3A_1081, %mul3A_1142 : vector<16xf32>
      %slice3A_1144 = vector.extract_strided_slice %get3A_139 {offsets = [0], sizes = [1], strides = [1]} : vector<16xf32> to vector<1xf32>
      %squeeze3A_1145 = vector.extract %slice3A_1144[0] : f32 from vector<1xf32>
      %mul3A_1146 = arith.constant 32 : i32
      %mul3A_1147 = arith.muli %scan3A_127, %mul3A_1146 : i32
      %add3A_1148 = arith.constant 16 : i32
      %add3A_1149 = arith.addi %mul3A_1147, %add3A_1148 : i32
      %get3A_1150 = arith.index_cast %rem3A_94 : i32 to index
      %get3A_1151 = arith.index_cast %add3A_1149 : i32 to index
      %get3A_1152 = arith.constant 0 : index
      %get3A_1153 = tpu.vector_load %arg12[%get3A_1150, %get3A_1151, %get3A_1152] {strides = array<i32>} : memref<2x32x128xf32, #tpu.memory_space<vmem>>, vector<16xf32>,
      %mul3A_1154 = vector.broadcast %squeeze3A_1145 : f32 to vector<16xf32>
      %mul3A_1155 = arith.mulf %get3A_1153, %mul3A_1154 : vector<16xf32>
      %max3A_1156 = arith.maximumf %max3A_1094, %mul3A_1155 : vector<16xf32>
      %get3A_1157 = arith.index_cast %rem3A_94 : i32 to index
      %get3A_1158 = arith.index_cast %add3A_1149 : i32 to index
      %get3A_1159 = arith.constant 16 : index
      %get3A_1160 = tpu.vector_load %arg12[%get3A_1157, %get3A_1158, %get3A_1159] {strides = array<i32>} : memref<2x32x128xf32, #tpu.memory_space<vmem>>, vector<16xf32>,
      %mul3A_1161 = vector.broadcast %squeeze3A_1145 : f32 to vector<16xf32>
      %mul3A_1162 = arith.mulf %get3A_1160, %mul3A_1161 : vector<16xf32>
      %max3A_1163 = arith.maximumf %max3A_1101, %mul3A_1162 : vector<16xf32>
      %get3A_1164 = arith.index_cast %rem3A_94 : i32 to index
      %get3A_1165 = arith.index_cast %add3A_1149 : i32 to index
      %get3A_1166 = arith.constant 32 : index
      %get3A_1167 = tpu.vector_load %arg12[%get3A_1164, %get3A_1165, %get3A_1166] {strides = array<i32>} : memref<2x32x128xf32, #tpu.memory_space<vmem>>, vector<16xf32>,
      %mul3A_1168 = vector.broadcast %squeeze3A_1145 : f32 to vector<16xf32>
      %mul3A_1169 = arith.mulf %get3A_1167, %mul3A_1168 : vector<16xf32>
      %max3A_1170 = arith.maximumf %max3A_1108, %mul3A_1169 : vector<16xf32>
      %get3A_1171 = arith.index_cast %rem3A_94 : i32 to index
      %get3A_1172 = arith.index_cast %add3A_1149 : i32 to index
      %get3A_1173 = arith.constant 48 : index
      %get3A_1174 = tpu.vector_load %arg12[%get3A_1171, %get3A_1172, %get3A_1173] {strides = array<i32>} : memref<2x32x128xf32, #tpu.memory_space<vmem>>, vector<16xf32>,
      %mul3A_1175 = vector.broadcast %squeeze3A_1145 : f32 to vector<16xf32>
      %mul3A_1176 = arith.mulf %get3A_1174, %mul3A_1175 : vector<16xf32>
      %max3A_1177 = arith.maximumf %max3A_1115, %mul3A_1176 : vector<16xf32>
      %get3A_1178 = arith.index_cast %rem3A_94 : i32 to index
      %get3A_1179 = arith.index_cast %add3A_1149 : i32 to index
      %get3A_1180 = arith.constant 64 : index
      %get3A_1181 = tpu.vector_load %arg12[%get3A_1178, %get3A_1179, %get3A_1180] {strides = array<i32>} : memref<2x32x128xf32, #tpu.memory_space<vmem>>, vector<16xf32>,
      %mul3A_1182 = vector.broadcast %squeeze3A_1145 : f32 to vector<16xf32>
      %mul3A_1183 = arith.mulf %get3A_1181, %mul3A_1182 : vector<16xf32>
      %max3A_1184 = arith.maximumf %max3A_1122, %mul3A_1183 : vector<16xf32>
      %get3A_1185 = arith.index_cast %rem3A_94 : i32 to index
      %get3A_1186 = arith.index_cast %add3A_1149 : i32 to index
      %get3A_1187 = arith.constant 80 : index
      %get3A_1188 = tpu.vector_load %arg12[%get3A_1185, %get3A_1186, %get3A_1187] {strides = array<i32>} : memref<2x32x128xf32, #tpu.memory_space<vmem>>, vector<16xf32>,
      %mul3A_1189 = vector.broadcast %squeeze3A_1145 : f32 to vector<16xf32>
      %mul3A_1190 = arith.mulf %get3A_1188, %mul3A_1189 : vector<16xf32>
      %max3A_1191 = arith.maximumf %max3A_1129, %mul3A_1190 : vector<16xf32>
      %get3A_1192 = arith.index_cast %rem3A_94 : i32 to index
      %get3A_1193 = arith.index_cast %add3A_1149 : i32 to index
      %get3A_1194 = arith.constant 96 : index
      %get3A_1195 = tpu.vector_load %arg12[%get3A_1192, %get3A_1193, %get3A_1194] {strides = array<i32>} : memref<2x32x128xf32, #tpu.memory_space<vmem>>, vector<16xf32>,
      %mul3A_1196 = vector.broadcast %squeeze3A_1145 : f32 to vector<16xf32>
      %mul3A_1197 = arith.mulf %get3A_1195, %mul3A_1196 : vector<16xf32>
      %max3A_1198 = arith.maximumf %max3A_1136, %mul3A_1197 : vector<16xf32>
      %get3A_1199 = arith.index_cast %rem3A_94 : i32 to index
      %get3A_1200 = arith.index_cast %add3A_1149 : i32 to index
      %get3A_1201 = arith.constant 112 : index
      %get3A_1202 = tpu.vector_load %arg12[%get3A_1199, %get3A_1200, %get3A_1201] {strides = array<i32>} : memref<2x32x128xf32, #tpu.memory_space<vmem>>, vector<16xf32>,
      %mul3A_1203 = vector.broadcast %squeeze3A_1145 : f32 to vector<16xf32>
      %mul3A_1204 = arith.mulf %get3A_1202, %mul3A_1203 : vector<16xf32>
      %max3A_1205 = arith.maximumf %max3A_1143, %mul3A_1204 : vector<16xf32>
      %slice3A_1206 = vector.extract_strided_slice %get3A_139 {offsets = [1], sizes = [1], strides = [1]} : vector<16xf32> to vector<1xf32>
      %squeeze3A_1207 = vector.extract %slice3A_1206[0] : f32 from vector<1xf32>
      %mul3A_1208 = arith.constant 32 : i32
      %mul3A_1209 = arith.muli %scan3A_127, %mul3A_1208 : i32
      %add3A_1210 = arith.constant 17 : i32
      %add3A_1211 = arith.addi %mul3A_1209, %add3A_1210 : i32
      %get3A_1212 = arith.index_cast %rem3A_94 : i32 to index
      %get3A_1213 = arith.index_cast %add3A_1211 : i32 to index
      %get3A_1214 = arith.constant 0 : index
      %get3A_1215 = tpu.vector_load %arg12[%get3A_1212, %get3A_1213, %get3A_1214] {strides = array<i32>} : memref<2x32x128xf32, #tpu.memory_space<vmem>>, vector<16xf32>,
      %mul3A_1216 = vector.broadcast %squeeze3A_1207 : f32 to vector<16xf32>
      %mul3A_1217 = arith.mulf %get3A_1215, %mul3A_1216 : vector<16xf32>
      %max3A_1218 = arith.maximumf %max3A_1156, %mul3A_1217 : vector<16xf32>
      %get3A_1219 = arith.index_cast %rem3A_94 : i32 to index
      %get3A_1220 = arith.index_cast %add3A_1211 : i32 to index
      %get3A_1221 = arith.constant 16 : index
      %get3A_1222 = tpu.vector_load %arg12[%get3A_1219, %get3A_1220, %get3A_1221] {strides = array<i32>} : memref<2x32x128xf32, #tpu.memory_space<vmem>>, vector<16xf32>,
      %mul3A_1223 = vector.broadcast %squeeze3A_1207 : f32 to vector<16xf32>
      %mul3A_1224 = arith.mulf %get3A_1222, %mul3A_1223 : vector<16xf32>
      %max3A_1225 = arith.maximumf %max3A_1163, %mul3A_1224 : vector<16xf32>
      %get3A_1226 = arith.index_cast %rem3A_94 : i32 to index
      %get3A_1227 = arith.index_cast %add3A_1211 : i32 to index
      %get3A_1228 = arith.constant 32 : index
      %get3A_1229 = tpu.vector_load %arg12[%get3A_1226, %get3A_1227, %get3A_1228] {strides = array<i32>} : memref<2x32x128xf32, #tpu.memory_space<vmem>>, vector<16xf32>,
      %mul3A_1230 = vector.broadcast %squeeze3A_1207 : f32 to vector<16xf32>
      %mul3A_1231 = arith.mulf %get3A_1229, %mul3A_1230 : vector<16xf32>
      %max3A_1232 = arith.maximumf %max3A_1170, %mul3A_1231 : vector<16xf32>
      %get3A_1233 = arith.index_cast %rem3A_94 : i32 to index
      %get3A_1234 = arith.index_cast %add3A_1211 : i32 to index
      %get3A_1235 = arith.constant 48 : index
      %get3A_1236 = tpu.vector_load %arg12[%get3A_1233, %get3A_1234, %get3A_1235] {strides = array<i32>} : memref<2x32x128xf32, #tpu.memory_space<vmem>>, vector<16xf32>,
      %mul3A_1237 = vector.broadcast %squeeze3A_1207 : f32 to vector<16xf32>
      %mul3A_1238 = arith.mulf %get3A_1236, %mul3A_1237 : vector<16xf32>
      %max3A_1239 = arith.maximumf %max3A_1177, %mul3A_1238 : vector<16xf32>
      %get3A_1240 = arith.index_cast %rem3A_94 : i32 to index
      %get3A_1241 = arith.index_cast %add3A_1211 : i32 to index
      %get3A_1242 = arith.constant 64 : index
      %get3A_1243 = tpu.vector_load %arg12[%get3A_1240, %get3A_1241, %get3A_1242] {strides = array<i32>} : memref<2x32x128xf32, #tpu.memory_space<vmem>>, vector<16xf32>,
      %mul3A_1244 = vector.broadcast %squeeze3A_1207 : f32 to vector<16xf32>
      %mul3A_1245 = arith.mulf %get3A_1243, %mul3A_1244 : vector<16xf32>
      %max3A_1246 = arith.maximumf %max3A_1184, %mul3A_1245 : vector<16xf32>
      %get3A_1247 = arith.index_cast %rem3A_94 : i32 to index
      %get3A_1248 = arith.index_cast %add3A_1211 : i32 to index
      %get3A_1249 = arith.constant 80 : index
      %get3A_1250 = tpu.vector_load %arg12[%get3A_1247, %get3A_1248, %get3A_1249] {strides = array<i32>} : memref<2x32x128xf32, #tpu.memory_space<vmem>>, vector<16xf32>,
      %mul3A_1251 = vector.broadcast %squeeze3A_1207 : f32 to vector<16xf32>
      %mul3A_1252 = arith.mulf %get3A_1250, %mul3A_1251 : vector<16xf32>
      %max3A_1253 = arith.maximumf %max3A_1191, %mul3A_1252 : vector<16xf32>
      %get3A_1254 = arith.index_cast %rem3A_94 : i32 to index
      %get3A_1255 = arith.index_cast %add3A_1211 : i32 to index
      %get3A_1256 = arith.constant 96 : index
      %get3A_1257 = tpu.vector_load %arg12[%get3A_1254, %get3A_1255, %get3A_1256] {strides = array<i32>} : memref<2x32x128xf32, #tpu.memory_space<vmem>>, vector<16xf32>,
      %mul3A_1258 = vector.broadcast %squeeze3A_1207 : f32 to vector<16xf32>
      %mul3A_1259 = arith.mulf %get3A_1257, %mul3A_1258 : vector<16xf32>
      %max3A_1260 = arith.maximumf %max3A_1198, %mul3A_1259 : vector<16xf32>
      %get3A_1261 = arith.index_cast %rem3A_94 : i32 to index
      %get3A_1262 = arith.index_cast %add3A_1211 : i32 to index
      %get3A_1263 = arith.constant 112 : index
      %get3A_1264 = tpu.vector_load %arg12[%get3A_1261, %get3A_1262, %get3A_1263] {strides = array<i32>} : memref<2x32x128xf32, #tpu.memory_space<vmem>>, vector<16xf32>,
      %mul3A_1265 = vector.broadcast %squeeze3A_1207 : f32 to vector<16xf32>
      %mul3A_1266 = arith.mulf %get3A_1264, %mul3A_1265 : vector<16xf32>
      %max3A_1267 = arith.maximumf %max3A_1205, %mul3A_1266 : vector<16xf32>
      %slice3A_1268 = vector.extract_strided_slice %get3A_139 {offsets = [2], sizes = [1], strides = [1]} : vector<16xf32> to vector<1xf32>
      %squeeze3A_1269 = vector.extract %slice3A_1268[0] : f32 from vector<1xf32>
      %mul3A_1270 = arith.constant 32 : i32
      %mul3A_1271 = arith.muli %scan3A_127, %mul3A_1270 : i32
      %add3A_1272 = arith.constant 18 : i32
      %add3A_1273 = arith.addi %mul3A_1271, %add3A_1272 : i32
      %get3A_1274 = arith.index_cast %rem3A_94 : i32 to index
      %get3A_1275 = arith.index_cast %add3A_1273 : i32 to index
      %get3A_1276 = arith.constant 0 : index
      %get3A_1277 = tpu.vector_load %arg12[%get3A_1274, %get3A_1275, %get3A_1276] {strides = array<i32>} : memref<2x32x128xf32, #tpu.memory_space<vmem>>, vector<16xf32>,
      %mul3A_1278 = vector.broadcast %squeeze3A_1269 : f32 to vector<16xf32>
      %mul3A_1279 = arith.mulf %get3A_1277, %mul3A_1278 : vector<16xf32>
      %max3A_1280 = arith.maximumf %max3A_1218, %mul3A_1279 : vector<16xf32>
      %get3A_1281 = arith.index_cast %rem3A_94 : i32 to index
      %get3A_1282 = arith.index_cast %add3A_1273 : i32 to index
      %get3A_1283 = arith.constant 16 : index
      %get3A_1284 = tpu.vector_load %arg12[%get3A_1281, %get3A_1282, %get3A_1283] {strides = array<i32>} : memref<2x32x128xf32, #tpu.memory_space<vmem>>, vector<16xf32>,
      %mul3A_1285 = vector.broadcast %squeeze3A_1269 : f32 to vector<16xf32>
      %mul3A_1286 = arith.mulf %get3A_1284, %mul3A_1285 : vector<16xf32>
      %max3A_1287 = arith.maximumf %max3A_1225, %mul3A_1286 : vector<16xf32>
      %get3A_1288 = arith.index_cast %rem3A_94 : i32 to index
      %get3A_1289 = arith.index_cast %add3A_1273 : i32 to index
      %get3A_1290 = arith.constant 32 : index
      %get3A_1291 = tpu.vector_load %arg12[%get3A_1288, %get3A_1289, %get3A_1290] {strides = array<i32>} : memref<2x32x128xf32, #tpu.memory_space<vmem>>, vector<16xf32>,
      %mul3A_1292 = vector.broadcast %squeeze3A_1269 : f32 to vector<16xf32>
      %mul3A_1293 = arith.mulf %get3A_1291, %mul3A_1292 : vector<16xf32>
      %max3A_1294 = arith.maximumf %max3A_1232, %mul3A_1293 : vector<16xf32>
      %get3A_1295 = arith.index_cast %rem3A_94 : i32 to index
      %get3A_1296 = arith.index_cast %add3A_1273 : i32 to index
      %get3A_1297 = arith.constant 48 : index
      %get3A_1298 = tpu.vector_load %arg12[%get3A_1295, %get3A_1296, %get3A_1297] {strides = array<i32>} : memref<2x32x128xf32, #tpu.memory_space<vmem>>, vector<16xf32>,
      %mul3A_1299 = vector.broadcast %squeeze3A_1269 : f32 to vector<16xf32>
      %mul3A_1300 = arith.mulf %get3A_1298, %mul3A_1299 : vector<16xf32>
      %max3A_1301 = arith.maximumf %max3A_1239, %mul3A_1300 : vector<16xf32>
      %get3A_1302 = arith.index_cast %rem3A_94 : i32 to index
      %get3A_1303 = arith.index_cast %add3A_1273 : i32 to index
      %get3A_1304 = arith.constant 64 : index
      %get3A_1305 = tpu.vector_load %arg12[%get3A_1302, %get3A_1303, %get3A_1304] {strides = array<i32>} : memref<2x32x128xf32, #tpu.memory_space<vmem>>, vector<16xf32>,
      %mul3A_1306 = vector.broadcast %squeeze3A_1269 : f32 to vector<16xf32>
      %mul3A_1307 = arith.mulf %get3A_1305, %mul3A_1306 : vector<16xf32>
      %max3A_1308 = arith.maximumf %max3A_1246, %mul3A_1307 : vector<16xf32>
      %get3A_1309 = arith.index_cast %rem3A_94 : i32 to index
      %get3A_1310 = arith.index_cast %add3A_1273 : i32 to index
      %get3A_1311 = arith.constant 80 : index
      %get3A_1312 = tpu.vector_load %arg12[%get3A_1309, %get3A_1310, %get3A_1311] {strides = array<i32>} : memref<2x32x128xf32, #tpu.memory_space<vmem>>, vector<16xf32>,
      %mul3A_1313 = vector.broadcast %squeeze3A_1269 : f32 to vector<16xf32>
      %mul3A_1314 = arith.mulf %get3A_1312, %mul3A_1313 : vector<16xf32>
      %max3A_1315 = arith.maximumf %max3A_1253, %mul3A_1314 : vector<16xf32>
      %get3A_1316 = arith.index_cast %rem3A_94 : i32 to index
      %get3A_1317 = arith.index_cast %add3A_1273 : i32 to index
      %get3A_1318 = arith.constant 96 : index
      %get3A_1319 = tpu.vector_load %arg12[%get3A_1316, %get3A_1317, %get3A_1318] {strides = array<i32>} : memref<2x32x128xf32, #tpu.memory_space<vmem>>, vector<16xf32>,
      %mul3A_1320 = vector.broadcast %squeeze3A_1269 : f32 to vector<16xf32>
      %mul3A_1321 = arith.mulf %get3A_1319, %mul3A_1320 : vector<16xf32>
      %max3A_1322 = arith.maximumf %max3A_1260, %mul3A_1321 : vector<16xf32>
      %get3A_1323 = arith.index_cast %rem3A_94 : i32 to index
      %get3A_1324 = arith.index_cast %add3A_1273 : i32 to index
      %get3A_1325 = arith.constant 112 : index
      %get3A_1326 = tpu.vector_load %arg12[%get3A_1323, %get3A_1324, %get3A_1325] {strides = array<i32>} : memref<2x32x128xf32, #tpu.memory_space<vmem>>, vector<16xf32>,
      %mul3A_1327 = vector.broadcast %squeeze3A_1269 : f32 to vector<16xf32>
      %mul3A_1328 = arith.mulf %get3A_1326, %mul3A_1327 : vector<16xf32>
      %max3A_1329 = arith.maximumf %max3A_1267, %mul3A_1328 : vector<16xf32>
      %slice3A_1330 = vector.extract_strided_slice %get3A_139 {offsets = [3], sizes = [1], strides = [1]} : vector<16xf32> to vector<1xf32>
      %squeeze3A_1331 = vector.extract %slice3A_1330[0] : f32 from vector<1xf32>
      %mul3A_1332 = arith.constant 32 : i32
      %mul3A_1333 = arith.muli %scan3A_127, %mul3A_1332 : i32
      %add3A_1334 = arith.constant 19 : i32
      %add3A_1335 = arith.addi %mul3A_1333, %add3A_1334 : i32
      %get3A_1336 = arith.index_cast %rem3A_94 : i32 to index
      %get3A_1337 = arith.index_cast %add3A_1335 : i32 to index
      %get3A_1338 = arith.constant 0 : index
      %get3A_1339 = tpu.vector_load %arg12[%get3A_1336, %get3A_1337, %get3A_1338] {strides = array<i32>} : memref<2x32x128xf32, #tpu.memory_space<vmem>>, vector<16xf32>,
      %mul3A_1340 = vector.broadcast %squeeze3A_1331 : f32 to vector<16xf32>
      %mul3A_1341 = arith.mulf %get3A_1339, %mul3A_1340 : vector<16xf32>
      %max3A_1342 = arith.maximumf %max3A_1280, %mul3A_1341 : vector<16xf32>
      %get3A_1343 = arith.index_cast %rem3A_94 : i32 to index
      %get3A_1344 = arith.index_cast %add3A_1335 : i32 to index
      %get3A_1345 = arith.constant 16 : index
      %get3A_1346 = tpu.vector_load %arg12[%get3A_1343, %get3A_1344, %get3A_1345] {strides = array<i32>} : memref<2x32x128xf32, #tpu.memory_space<vmem>>, vector<16xf32>,
      %mul3A_1347 = vector.broadcast %squeeze3A_1331 : f32 to vector<16xf32>
      %mul3A_1348 = arith.mulf %get3A_1346, %mul3A_1347 : vector<16xf32>
      %max3A_1349 = arith.maximumf %max3A_1287, %mul3A_1348 : vector<16xf32>
      %get3A_1350 = arith.index_cast %rem3A_94 : i32 to index
      %get3A_1351 = arith.index_cast %add3A_1335 : i32 to index
      %get3A_1352 = arith.constant 32 : index
      %get3A_1353 = tpu.vector_load %arg12[%get3A_1350, %get3A_1351, %get3A_1352] {strides = array<i32>} : memref<2x32x128xf32, #tpu.memory_space<vmem>>, vector<16xf32>,
      %mul3A_1354 = vector.broadcast %squeeze3A_1331 : f32 to vector<16xf32>
      %mul3A_1355 = arith.mulf %get3A_1353, %mul3A_1354 : vector<16xf32>
      %max3A_1356 = arith.maximumf %max3A_1294, %mul3A_1355 : vector<16xf32>
      %get3A_1357 = arith.index_cast %rem3A_94 : i32 to index
      %get3A_1358 = arith.index_cast %add3A_1335 : i32 to index
      %get3A_1359 = arith.constant 48 : index
      %get3A_1360 = tpu.vector_load %arg12[%get3A_1357, %get3A_1358, %get3A_1359] {strides = array<i32>} : memref<2x32x128xf32, #tpu.memory_space<vmem>>, vector<16xf32>,
      %mul3A_1361 = vector.broadcast %squeeze3A_1331 : f32 to vector<16xf32>
      %mul3A_1362 = arith.mulf %get3A_1360, %mul3A_1361 : vector<16xf32>
      %max3A_1363 = arith.maximumf %max3A_1301, %mul3A_1362 : vector<16xf32>
      %get3A_1364 = arith.index_cast %rem3A_94 : i32 to index
      %get3A_1365 = arith.index_cast %add3A_1335 : i32 to index
      %get3A_1366 = arith.constant 64 : index
      %get3A_1367 = tpu.vector_load %arg12[%get3A_1364, %get3A_1365, %get3A_1366] {strides = array<i32>} : memref<2x32x128xf32, #tpu.memory_space<vmem>>, vector<16xf32>,
      %mul3A_1368 = vector.broadcast %squeeze3A_1331 : f32 to vector<16xf32>
      %mul3A_1369 = arith.mulf %get3A_1367, %mul3A_1368 : vector<16xf32>
      %max3A_1370 = arith.maximumf %max3A_1308, %mul3A_1369 : vector<16xf32>
      %get3A_1371 = arith.index_cast %rem3A_94 : i32 to index
      %get3A_1372 = arith.index_cast %add3A_1335 : i32 to index
      %get3A_1373 = arith.constant 80 : index
      %get3A_1374 = tpu.vector_load %arg12[%get3A_1371, %get3A_1372, %get3A_1373] {strides = array<i32>} : memref<2x32x128xf32, #tpu.memory_space<vmem>>, vector<16xf32>,
      %mul3A_1375 = vector.broadcast %squeeze3A_1331 : f32 to vector<16xf32>
      %mul3A_1376 = arith.mulf %get3A_1374, %mul3A_1375 : vector<16xf32>
      %max3A_1377 = arith.maximumf %max3A_1315, %mul3A_1376 : vector<16xf32>
      %get3A_1378 = arith.index_cast %rem3A_94 : i32 to index
      %get3A_1379 = arith.index_cast %add3A_1335 : i32 to index
      %get3A_1380 = arith.constant 96 : index
      %get3A_1381 = tpu.vector_load %arg12[%get3A_1378, %get3A_1379, %get3A_1380] {strides = array<i32>} : memref<2x32x128xf32, #tpu.memory_space<vmem>>, vector<16xf32>,
      %mul3A_1382 = vector.broadcast %squeeze3A_1331 : f32 to vector<16xf32>
      %mul3A_1383 = arith.mulf %get3A_1381, %mul3A_1382 : vector<16xf32>
      %max3A_1384 = arith.maximumf %max3A_1322, %mul3A_1383 : vector<16xf32>
      %get3A_1385 = arith.index_cast %rem3A_94 : i32 to index
      %get3A_1386 = arith.index_cast %add3A_1335 : i32 to index
      %get3A_1387 = arith.constant 112 : index
      %get3A_1388 = tpu.vector_load %arg12[%get3A_1385, %get3A_1386, %get3A_1387] {strides = array<i32>} : memref<2x32x128xf32, #tpu.memory_space<vmem>>, vector<16xf32>,
      %mul3A_1389 = vector.broadcast %squeeze3A_1331 : f32 to vector<16xf32>
      %mul3A_1390 = arith.mulf %get3A_1388, %mul3A_1389 : vector<16xf32>
      %max3A_1391 = arith.maximumf %max3A_1329, %mul3A_1390 : vector<16xf32>
      %slice3A_1392 = vector.extract_strided_slice %get3A_139 {offsets = [4], sizes = [1], strides = [1]} : vector<16xf32> to vector<1xf32>
      %squeeze3A_1393 = vector.extract %slice3A_1392[0] : f32 from vector<1xf32>
      %mul3A_1394 = arith.constant 32 : i32
      %mul3A_1395 = arith.muli %scan3A_127, %mul3A_1394 : i32
      %add3A_1396 = arith.constant 20 : i32
      %add3A_1397 = arith.addi %mul3A_1395, %add3A_1396 : i32
      %get3A_1398 = arith.index_cast %rem3A_94 : i32 to index
      %get3A_1399 = arith.index_cast %add3A_1397 : i32 to index
      %get3A_1400 = arith.constant 0 : index
      %get3A_1401 = tpu.vector_load %arg12[%get3A_1398, %get3A_1399, %get3A_1400] {strides = array<i32>} : memref<2x32x128xf32, #tpu.memory_space<vmem>>, vector<16xf32>,
      %mul3A_1402 = vector.broadcast %squeeze3A_1393 : f32 to vector<16xf32>
      %mul3A_1403 = arith.mulf %get3A_1401, %mul3A_1402 : vector<16xf32>
      %max3A_1404 = arith.maximumf %max3A_1342, %mul3A_1403 : vector<16xf32>
      %get3A_1405 = arith.index_cast %rem3A_94 : i32 to index
      %get3A_1406 = arith.index_cast %add3A_1397 : i32 to index
      %get3A_1407 = arith.constant 16 : index
      %get3A_1408 = tpu.vector_load %arg12[%get3A_1405, %get3A_1406, %get3A_1407] {strides = array<i32>} : memref<2x32x128xf32, #tpu.memory_space<vmem>>, vector<16xf32>,
      %mul3A_1409 = vector.broadcast %squeeze3A_1393 : f32 to vector<16xf32>
      %mul3A_1410 = arith.mulf %get3A_1408, %mul3A_1409 : vector<16xf32>
      %max3A_1411 = arith.maximumf %max3A_1349, %mul3A_1410 : vector<16xf32>
      %get3A_1412 = arith.index_cast %rem3A_94 : i32 to index
      %get3A_1413 = arith.index_cast %add3A_1397 : i32 to index
      %get3A_1414 = arith.constant 32 : index
      %get3A_1415 = tpu.vector_load %arg12[%get3A_1412, %get3A_1413, %get3A_1414] {strides = array<i32>} : memref<2x32x128xf32, #tpu.memory_space<vmem>>, vector<16xf32>,
      %mul3A_1416 = vector.broadcast %squeeze3A_1393 : f32 to vector<16xf32>
      %mul3A_1417 = arith.mulf %get3A_1415, %mul3A_1416 : vector<16xf32>
      %max3A_1418 = arith.maximumf %max3A_1356, %mul3A_1417 : vector<16xf32>
      %get3A_1419 = arith.index_cast %rem3A_94 : i32 to index
      %get3A_1420 = arith.index_cast %add3A_1397 : i32 to index
      %get3A_1421 = arith.constant 48 : index
      %get3A_1422 = tpu.vector_load %arg12[%get3A_1419, %get3A_1420, %get3A_1421] {strides = array<i32>} : memref<2x32x128xf32, #tpu.memory_space<vmem>>, vector<16xf32>,
      %mul3A_1423 = vector.broadcast %squeeze3A_1393 : f32 to vector<16xf32>
      %mul3A_1424 = arith.mulf %get3A_1422, %mul3A_1423 : vector<16xf32>
      %max3A_1425 = arith.maximumf %max3A_1363, %mul3A_1424 : vector<16xf32>
      %get3A_1426 = arith.index_cast %rem3A_94 : i32 to index
      %get3A_1427 = arith.index_cast %add3A_1397 : i32 to index
      %get3A_1428 = arith.constant 64 : index
      %get3A_1429 = tpu.vector_load %arg12[%get3A_1426, %get3A_1427, %get3A_1428] {strides = array<i32>} : memref<2x32x128xf32, #tpu.memory_space<vmem>>, vector<16xf32>,
      %mul3A_1430 = vector.broadcast %squeeze3A_1393 : f32 to vector<16xf32>
      %mul3A_1431 = arith.mulf %get3A_1429, %mul3A_1430 : vector<16xf32>
      %max3A_1432 = arith.maximumf %max3A_1370, %mul3A_1431 : vector<16xf32>
      %get3A_1433 = arith.index_cast %rem3A_94 : i32 to index
      %get3A_1434 = arith.index_cast %add3A_1397 : i32 to index
      %get3A_1435 = arith.constant 80 : index
      %get3A_1436 = tpu.vector_load %arg12[%get3A_1433, %get3A_1434, %get3A_1435] {strides = array<i32>} : memref<2x32x128xf32, #tpu.memory_space<vmem>>, vector<16xf32>,
      %mul3A_1437 = vector.broadcast %squeeze3A_1393 : f32 to vector<16xf32>
      %mul3A_1438 = arith.mulf %get3A_1436, %mul3A_1437 : vector<16xf32>
      %max3A_1439 = arith.maximumf %max3A_1377, %mul3A_1438 : vector<16xf32>
      %get3A_1440 = arith.index_cast %rem3A_94 : i32 to index
      %get3A_1441 = arith.index_cast %add3A_1397 : i32 to index
      %get3A_1442 = arith.constant 96 : index
      %get3A_1443 = tpu.vector_load %arg12[%get3A_1440, %get3A_1441, %get3A_1442] {strides = array<i32>} : memref<2x32x128xf32, #tpu.memory_space<vmem>>, vector<16xf32>,
      %mul3A_1444 = vector.broadcast %squeeze3A_1393 : f32 to vector<16xf32>
      %mul3A_1445 = arith.mulf %get3A_1443, %mul3A_1444 : vector<16xf32>
      %max3A_1446 = arith.maximumf %max3A_1384, %mul3A_1445 : vector<16xf32>
      %get3A_1447 = arith.index_cast %rem3A_94 : i32 to index
      %get3A_1448 = arith.index_cast %add3A_1397 : i32 to index
      %get3A_1449 = arith.constant 112 : index
      %get3A_1450 = tpu.vector_load %arg12[%get3A_1447, %get3A_1448, %get3A_1449] {strides = array<i32>} : memref<2x32x128xf32, #tpu.memory_space<vmem>>, vector<16xf32>,
      %mul3A_1451 = vector.broadcast %squeeze3A_1393 : f32 to vector<16xf32>
      %mul3A_1452 = arith.mulf %get3A_1450, %mul3A_1451 : vector<16xf32>
      %max3A_1453 = arith.maximumf %max3A_1391, %mul3A_1452 : vector<16xf32>
      %slice3A_1454 = vector.extract_strided_slice %get3A_139 {offsets = [5], sizes = [1], strides = [1]} : vector<16xf32> to vector<1xf32>
      %squeeze3A_1455 = vector.extract %slice3A_1454[0] : f32 from vector<1xf32>
      %mul3A_1456 = arith.constant 32 : i32
      %mul3A_1457 = arith.muli %scan3A_127, %mul3A_1456 : i32
      %add3A_1458 = arith.constant 21 : i32
      %add3A_1459 = arith.addi %mul3A_1457, %add3A_1458 : i32
      %get3A_1460 = arith.index_cast %rem3A_94 : i32 to index
      %get3A_1461 = arith.index_cast %add3A_1459 : i32 to index
      %get3A_1462 = arith.constant 0 : index
      %get3A_1463 = tpu.vector_load %arg12[%get3A_1460, %get3A_1461, %get3A_1462] {strides = array<i32>} : memref<2x32x128xf32, #tpu.memory_space<vmem>>, vector<16xf32>,
      %mul3A_1464 = vector.broadcast %squeeze3A_1455 : f32 to vector<16xf32>
      %mul3A_1465 = arith.mulf %get3A_1463, %mul3A_1464 : vector<16xf32>
      %max3A_1466 = arith.maximumf %max3A_1404, %mul3A_1465 : vector<16xf32>
      %get3A_1467 = arith.index_cast %rem3A_94 : i32 to index
      %get3A_1468 = arith.index_cast %add3A_1459 : i32 to index
      %get3A_1469 = arith.constant 16 : index
      %get3A_1470 = tpu.vector_load %arg12[%get3A_1467, %get3A_1468, %get3A_1469] {strides = array<i32>} : memref<2x32x128xf32, #tpu.memory_space<vmem>>, vector<16xf32>,
      %mul3A_1471 = vector.broadcast %squeeze3A_1455 : f32 to vector<16xf32>
      %mul3A_1472 = arith.mulf %get3A_1470, %mul3A_1471 : vector<16xf32>
      %max3A_1473 = arith.maximumf %max3A_1411, %mul3A_1472 : vector<16xf32>
      %get3A_1474 = arith.index_cast %rem3A_94 : i32 to index
      %get3A_1475 = arith.index_cast %add3A_1459 : i32 to index
      %get3A_1476 = arith.constant 32 : index
      %get3A_1477 = tpu.vector_load %arg12[%get3A_1474, %get3A_1475, %get3A_1476] {strides = array<i32>} : memref<2x32x128xf32, #tpu.memory_space<vmem>>, vector<16xf32>,
      %mul3A_1478 = vector.broadcast %squeeze3A_1455 : f32 to vector<16xf32>
      %mul3A_1479 = arith.mulf %get3A_1477, %mul3A_1478 : vector<16xf32>
      %max3A_1480 = arith.maximumf %max3A_1418, %mul3A_1479 : vector<16xf32>
      %get3A_1481 = arith.index_cast %rem3A_94 : i32 to index
      %get3A_1482 = arith.index_cast %add3A_1459 : i32 to index
      %get3A_1483 = arith.constant 48 : index
      %get3A_1484 = tpu.vector_load %arg12[%get3A_1481, %get3A_1482, %get3A_1483] {strides = array<i32>} : memref<2x32x128xf32, #tpu.memory_space<vmem>>, vector<16xf32>,
      %mul3A_1485 = vector.broadcast %squeeze3A_1455 : f32 to vector<16xf32>
      %mul3A_1486 = arith.mulf %get3A_1484, %mul3A_1485 : vector<16xf32>
      %max3A_1487 = arith.maximumf %max3A_1425, %mul3A_1486 : vector<16xf32>
      %get3A_1488 = arith.index_cast %rem3A_94 : i32 to index
      %get3A_1489 = arith.index_cast %add3A_1459 : i32 to index
      %get3A_1490 = arith.constant 64 : index
      %get3A_1491 = tpu.vector_load %arg12[%get3A_1488, %get3A_1489, %get3A_1490] {strides = array<i32>} : memref<2x32x128xf32, #tpu.memory_space<vmem>>, vector<16xf32>,
      %mul3A_1492 = vector.broadcast %squeeze3A_1455 : f32 to vector<16xf32>
      %mul3A_1493 = arith.mulf %get3A_1491, %mul3A_1492 : vector<16xf32>
      %max3A_1494 = arith.maximumf %max3A_1432, %mul3A_1493 : vector<16xf32>
      %get3A_1495 = arith.index_cast %rem3A_94 : i32 to index
      %get3A_1496 = arith.index_cast %add3A_1459 : i32 to index
      %get3A_1497 = arith.constant 80 : index
      %get3A_1498 = tpu.vector_load %arg12[%get3A_1495, %get3A_1496, %get3A_1497] {strides = array<i32>} : memref<2x32x128xf32, #tpu.memory_space<vmem>>, vector<16xf32>,
      %mul3A_1499 = vector.broadcast %squeeze3A_1455 : f32 to vector<16xf32>
      %mul3A_1500 = arith.mulf %get3A_1498, %mul3A_1499 : vector<16xf32>
      %max3A_1501 = arith.maximumf %max3A_1439, %mul3A_1500 : vector<16xf32>
      %get3A_1502 = arith.index_cast %rem3A_94 : i32 to index
      %get3A_1503 = arith.index_cast %add3A_1459 : i32 to index
      %get3A_1504 = arith.constant 96 : index
      %get3A_1505 = tpu.vector_load %arg12[%get3A_1502, %get3A_1503, %get3A_1504] {strides = array<i32>} : memref<2x32x128xf32, #tpu.memory_space<vmem>>, vector<16xf32>,
      %mul3A_1506 = vector.broadcast %squeeze3A_1455 : f32 to vector<16xf32>
      %mul3A_1507 = arith.mulf %get3A_1505, %mul3A_1506 : vector<16xf32>
      %max3A_1508 = arith.maximumf %max3A_1446, %mul3A_1507 : vector<16xf32>
      %get3A_1509 = arith.index_cast %rem3A_94 : i32 to index
      %get3A_1510 = arith.index_cast %add3A_1459 : i32 to index
      %get3A_1511 = arith.constant 112 : index
      %get3A_1512 = tpu.vector_load %arg12[%get3A_1509, %get3A_1510, %get3A_1511] {strides = array<i32>} : memref<2x32x128xf32, #tpu.memory_space<vmem>>, vector<16xf32>,
      %mul3A_1513 = vector.broadcast %squeeze3A_1455 : f32 to vector<16xf32>
      %mul3A_1514 = arith.mulf %get3A_1512, %mul3A_1513 : vector<16xf32>
      %max3A_1515 = arith.maximumf %max3A_1453, %mul3A_1514 : vector<16xf32>
      %slice3A_1516 = vector.extract_strided_slice %get3A_139 {offsets = [6], sizes = [1], strides = [1]} : vector<16xf32> to vector<1xf32>
      %squeeze3A_1517 = vector.extract %slice3A_1516[0] : f32 from vector<1xf32>
      %mul3A_1518 = arith.constant 32 : i32
      %mul3A_1519 = arith.muli %scan3A_127, %mul3A_1518 : i32
      %add3A_1520 = arith.constant 22 : i32
      %add3A_1521 = arith.addi %mul3A_1519, %add3A_1520 : i32
      %get3A_1522 = arith.index_cast %rem3A_94 : i32 to index
      %get3A_1523 = arith.index_cast %add3A_1521 : i32 to index
      %get3A_1524 = arith.constant 0 : index
      %get3A_1525 = tpu.vector_load %arg12[%get3A_1522, %get3A_1523, %get3A_1524] {strides = array<i32>} : memref<2x32x128xf32, #tpu.memory_space<vmem>>, vector<16xf32>,
      %mul3A_1526 = vector.broadcast %squeeze3A_1517 : f32 to vector<16xf32>
      %mul3A_1527 = arith.mulf %get3A_1525, %mul3A_1526 : vector<16xf32>
      %max3A_1528 = arith.maximumf %max3A_1466, %mul3A_1527 : vector<16xf32>
      %get3A_1529 = arith.index_cast %rem3A_94 : i32 to index
      %get3A_1530 = arith.index_cast %add3A_1521 : i32 to index
      %get3A_1531 = arith.constant 16 : index
      %get3A_1532 = tpu.vector_load %arg12[%get3A_1529, %get3A_1530, %get3A_1531] {strides = array<i32>} : memref<2x32x128xf32, #tpu.memory_space<vmem>>, vector<16xf32>,
      %mul3A_1533 = vector.broadcast %squeeze3A_1517 : f32 to vector<16xf32>
      %mul3A_1534 = arith.mulf %get3A_1532, %mul3A_1533 : vector<16xf32>
      %max3A_1535 = arith.maximumf %max3A_1473, %mul3A_1534 : vector<16xf32>
      %get3A_1536 = arith.index_cast %rem3A_94 : i32 to index
      %get3A_1537 = arith.index_cast %add3A_1521 : i32 to index
      %get3A_1538 = arith.constant 32 : index
      %get3A_1539 = tpu.vector_load %arg12[%get3A_1536, %get3A_1537, %get3A_1538] {strides = array<i32>} : memref<2x32x128xf32, #tpu.memory_space<vmem>>, vector<16xf32>,
      %mul3A_1540 = vector.broadcast %squeeze3A_1517 : f32 to vector<16xf32>
      %mul3A_1541 = arith.mulf %get3A_1539, %mul3A_1540 : vector<16xf32>
      %max3A_1542 = arith.maximumf %max3A_1480, %mul3A_1541 : vector<16xf32>
      %get3A_1543 = arith.index_cast %rem3A_94 : i32 to index
      %get3A_1544 = arith.index_cast %add3A_1521 : i32 to index
      %get3A_1545 = arith.constant 48 : index
      %get3A_1546 = tpu.vector_load %arg12[%get3A_1543, %get3A_1544, %get3A_1545] {strides = array<i32>} : memref<2x32x128xf32, #tpu.memory_space<vmem>>, vector<16xf32>,
      %mul3A_1547 = vector.broadcast %squeeze3A_1517 : f32 to vector<16xf32>
      %mul3A_1548 = arith.mulf %get3A_1546, %mul3A_1547 : vector<16xf32>
      %max3A_1549 = arith.maximumf %max3A_1487, %mul3A_1548 : vector<16xf32>
      %get3A_1550 = arith.index_cast %rem3A_94 : i32 to index
      %get3A_1551 = arith.index_cast %add3A_1521 : i32 to index
      %get3A_1552 = arith.constant 64 : index
      %get3A_1553 = tpu.vector_load %arg12[%get3A_1550, %get3A_1551, %get3A_1552] {strides = array<i32>} : memref<2x32x128xf32, #tpu.memory_space<vmem>>, vector<16xf32>,
      %mul3A_1554 = vector.broadcast %squeeze3A_1517 : f32 to vector<16xf32>
      %mul3A_1555 = arith.mulf %get3A_1553, %mul3A_1554 : vector<16xf32>
      %max3A_1556 = arith.maximumf %max3A_1494, %mul3A_1555 : vector<16xf32>
      %get3A_1557 = arith.index_cast %rem3A_94 : i32 to index
      %get3A_1558 = arith.index_cast %add3A_1521 : i32 to index
      %get3A_1559 = arith.constant 80 : index
      %get3A_1560 = tpu.vector_load %arg12[%get3A_1557, %get3A_1558, %get3A_1559] {strides = array<i32>} : memref<2x32x128xf32, #tpu.memory_space<vmem>>, vector<16xf32>,
      %mul3A_1561 = vector.broadcast %squeeze3A_1517 : f32 to vector<16xf32>
      %mul3A_1562 = arith.mulf %get3A_1560, %mul3A_1561 : vector<16xf32>
      %max3A_1563 = arith.maximumf %max3A_1501, %mul3A_1562 : vector<16xf32>
      %get3A_1564 = arith.index_cast %rem3A_94 : i32 to index
      %get3A_1565 = arith.index_cast %add3A_1521 : i32 to index
      %get3A_1566 = arith.constant 96 : index
      %get3A_1567 = tpu.vector_load %arg12[%get3A_1564, %get3A_1565, %get3A_1566] {strides = array<i32>} : memref<2x32x128xf32, #tpu.memory_space<vmem>>, vector<16xf32>,
      %mul3A_1568 = vector.broadcast %squeeze3A_1517 : f32 to vector<16xf32>
      %mul3A_1569 = arith.mulf %get3A_1567, %mul3A_1568 : vector<16xf32>
      %max3A_1570 = arith.maximumf %max3A_1508, %mul3A_1569 : vector<16xf32>
      %get3A_1571 = arith.index_cast %rem3A_94 : i32 to index
      %get3A_1572 = arith.index_cast %add3A_1521 : i32 to index
      %get3A_1573 = arith.constant 112 : index
      %get3A_1574 = tpu.vector_load %arg12[%get3A_1571, %get3A_1572, %get3A_1573] {strides = array<i32>} : memref<2x32x128xf32, #tpu.memory_space<vmem>>, vector<16xf32>,
      %mul3A_1575 = vector.broadcast %squeeze3A_1517 : f32 to vector<16xf32>
      %mul3A_1576 = arith.mulf %get3A_1574, %mul3A_1575 : vector<16xf32>
      %max3A_1577 = arith.maximumf %max3A_1515, %mul3A_1576 : vector<16xf32>
      %slice3A_1578 = vector.extract_strided_slice %get3A_139 {offsets = [7], sizes = [1], strides = [1]} : vector<16xf32> to vector<1xf32>
      %squeeze3A_1579 = vector.extract %slice3A_1578[0] : f32 from vector<1xf32>
      %mul3A_1580 = arith.constant 32 : i32
      %mul3A_1581 = arith.muli %scan3A_127, %mul3A_1580 : i32
      %add3A_1582 = arith.constant 23 : i32
      %add3A_1583 = arith.addi %mul3A_1581, %add3A_1582 : i32
      %get3A_1584 = arith.index_cast %rem3A_94 : i32 to index
      %get3A_1585 = arith.index_cast %add3A_1583 : i32 to index
      %get3A_1586 = arith.constant 0 : index
      %get3A_1587 = tpu.vector_load %arg12[%get3A_1584, %get3A_1585, %get3A_1586] {strides = array<i32>} : memref<2x32x128xf32, #tpu.memory_space<vmem>>, vector<16xf32>,
      %mul3A_1588 = vector.broadcast %squeeze3A_1579 : f32 to vector<16xf32>
      %mul3A_1589 = arith.mulf %get3A_1587, %mul3A_1588 : vector<16xf32>
      %max3A_1590 = arith.maximumf %max3A_1528, %mul3A_1589 : vector<16xf32>
      %get3A_1591 = arith.index_cast %rem3A_94 : i32 to index
      %get3A_1592 = arith.index_cast %add3A_1583 : i32 to index
      %get3A_1593 = arith.constant 16 : index
      %get3A_1594 = tpu.vector_load %arg12[%get3A_1591, %get3A_1592, %get3A_1593] {strides = array<i32>} : memref<2x32x128xf32, #tpu.memory_space<vmem>>, vector<16xf32>,
      %mul3A_1595 = vector.broadcast %squeeze3A_1579 : f32 to vector<16xf32>
      %mul3A_1596 = arith.mulf %get3A_1594, %mul3A_1595 : vector<16xf32>
      %max3A_1597 = arith.maximumf %max3A_1535, %mul3A_1596 : vector<16xf32>
      %get3A_1598 = arith.index_cast %rem3A_94 : i32 to index
      %get3A_1599 = arith.index_cast %add3A_1583 : i32 to index
      %get3A_1600 = arith.constant 32 : index
      %get3A_1601 = tpu.vector_load %arg12[%get3A_1598, %get3A_1599, %get3A_1600] {strides = array<i32>} : memref<2x32x128xf32, #tpu.memory_space<vmem>>, vector<16xf32>,
      %mul3A_1602 = vector.broadcast %squeeze3A_1579 : f32 to vector<16xf32>
      %mul3A_1603 = arith.mulf %get3A_1601, %mul3A_1602 : vector<16xf32>
      %max3A_1604 = arith.maximumf %max3A_1542, %mul3A_1603 : vector<16xf32>
      %get3A_1605 = arith.index_cast %rem3A_94 : i32 to index
      %get3A_1606 = arith.index_cast %add3A_1583 : i32 to index
      %get3A_1607 = arith.constant 48 : index
      %get3A_1608 = tpu.vector_load %arg12[%get3A_1605, %get3A_1606, %get3A_1607] {strides = array<i32>} : memref<2x32x128xf32, #tpu.memory_space<vmem>>, vector<16xf32>,
      %mul3A_1609 = vector.broadcast %squeeze3A_1579 : f32 to vector<16xf32>
      %mul3A_1610 = arith.mulf %get3A_1608, %mul3A_1609 : vector<16xf32>
      %max3A_1611 = arith.maximumf %max3A_1549, %mul3A_1610 : vector<16xf32>
      %get3A_1612 = arith.index_cast %rem3A_94 : i32 to index
      %get3A_1613 = arith.index_cast %add3A_1583 : i32 to index
      %get3A_1614 = arith.constant 64 : index
      %get3A_1615 = tpu.vector_load %arg12[%get3A_1612, %get3A_1613, %get3A_1614] {strides = array<i32>} : memref<2x32x128xf32, #tpu.memory_space<vmem>>, vector<16xf32>,
      %mul3A_1616 = vector.broadcast %squeeze3A_1579 : f32 to vector<16xf32>
      %mul3A_1617 = arith.mulf %get3A_1615, %mul3A_1616 : vector<16xf32>
      %max3A_1618 = arith.maximumf %max3A_1556, %mul3A_1617 : vector<16xf32>
      %get3A_1619 = arith.index_cast %rem3A_94 : i32 to index
      %get3A_1620 = arith.index_cast %add3A_1583 : i32 to index
      %get3A_1621 = arith.constant 80 : index
      %get3A_1622 = tpu.vector_load %arg12[%get3A_1619, %get3A_1620, %get3A_1621] {strides = array<i32>} : memref<2x32x128xf32, #tpu.memory_space<vmem>>, vector<16xf32>,
      %mul3A_1623 = vector.broadcast %squeeze3A_1579 : f32 to vector<16xf32>
      %mul3A_1624 = arith.mulf %get3A_1622, %mul3A_1623 : vector<16xf32>
      %max3A_1625 = arith.maximumf %max3A_1563, %mul3A_1624 : vector<16xf32>
      %get3A_1626 = arith.index_cast %rem3A_94 : i32 to index
      %get3A_1627 = arith.index_cast %add3A_1583 : i32 to index
      %get3A_1628 = arith.constant 96 : index
      %get3A_1629 = tpu.vector_load %arg12[%get3A_1626, %get3A_1627, %get3A_1628] {strides = array<i32>} : memref<2x32x128xf32, #tpu.memory_space<vmem>>, vector<16xf32>,
      %mul3A_1630 = vector.broadcast %squeeze3A_1579 : f32 to vector<16xf32>
      %mul3A_1631 = arith.mulf %get3A_1629, %mul3A_1630 : vector<16xf32>
      %max3A_1632 = arith.maximumf %max3A_1570, %mul3A_1631 : vector<16xf32>
      %get3A_1633 = arith.index_cast %rem3A_94 : i32 to index
      %get3A_1634 = arith.index_cast %add3A_1583 : i32 to index
      %get3A_1635 = arith.constant 112 : index
      %get3A_1636 = tpu.vector_load %arg12[%get3A_1633, %get3A_1634, %get3A_1635] {strides = array<i32>} : memref<2x32x128xf32, #tpu.memory_space<vmem>>, vector<16xf32>,
      %mul3A_1637 = vector.broadcast %squeeze3A_1579 : f32 to vector<16xf32>
      %mul3A_1638 = arith.mulf %get3A_1636, %mul3A_1637 : vector<16xf32>
      %max3A_1639 = arith.maximumf %max3A_1577, %mul3A_1638 : vector<16xf32>
      %slice3A_1640 = vector.extract_strided_slice %get3A_139 {offsets = [8], sizes = [1], strides = [1]} : vector<16xf32> to vector<1xf32>
      %squeeze3A_1641 = vector.extract %slice3A_1640[0] : f32 from vector<1xf32>
      %mul3A_1642 = arith.constant 32 : i32
      %mul3A_1643 = arith.muli %scan3A_127, %mul3A_1642 : i32
      %add3A_1644 = arith.constant 24 : i32
      %add3A_1645 = arith.addi %mul3A_1643, %add3A_1644 : i32
      %get3A_1646 = arith.index_cast %rem3A_94 : i32 to index
      %get3A_1647 = arith.index_cast %add3A_1645 : i32 to index
      %get3A_1648 = arith.constant 0 : index
      %get3A_1649 = tpu.vector_load %arg12[%get3A_1646, %get3A_1647, %get3A_1648] {strides = array<i32>} : memref<2x32x128xf32, #tpu.memory_space<vmem>>, vector<16xf32>,
      %mul3A_1650 = vector.broadcast %squeeze3A_1641 : f32 to vector<16xf32>
      %mul3A_1651 = arith.mulf %get3A_1649, %mul3A_1650 : vector<16xf32>
      %max3A_1652 = arith.maximumf %max3A_1590, %mul3A_1651 : vector<16xf32>
      %get3A_1653 = arith.index_cast %rem3A_94 : i32 to index
      %get3A_1654 = arith.index_cast %add3A_1645 : i32 to index
      %get3A_1655 = arith.constant 16 : index
      %get3A_1656 = tpu.vector_load %arg12[%get3A_1653, %get3A_1654, %get3A_1655] {strides = array<i32>} : memref<2x32x128xf32, #tpu.memory_space<vmem>>, vector<16xf32>,
      %mul3A_1657 = vector.broadcast %squeeze3A_1641 : f32 to vector<16xf32>
      %mul3A_1658 = arith.mulf %get3A_1656, %mul3A_1657 : vector<16xf32>
      %max3A_1659 = arith.maximumf %max3A_1597, %mul3A_1658 : vector<16xf32>
      %get3A_1660 = arith.index_cast %rem3A_94 : i32 to index
      %get3A_1661 = arith.index_cast %add3A_1645 : i32 to index
      %get3A_1662 = arith.constant 32 : index
      %get3A_1663 = tpu.vector_load %arg12[%get3A_1660, %get3A_1661, %get3A_1662] {strides = array<i32>} : memref<2x32x128xf32, #tpu.memory_space<vmem>>, vector<16xf32>,
      %mul3A_1664 = vector.broadcast %squeeze3A_1641 : f32 to vector<16xf32>
      %mul3A_1665 = arith.mulf %get3A_1663, %mul3A_1664 : vector<16xf32>
      %max3A_1666 = arith.maximumf %max3A_1604, %mul3A_1665 : vector<16xf32>
      %get3A_1667 = arith.index_cast %rem3A_94 : i32 to index
      %get3A_1668 = arith.index_cast %add3A_1645 : i32 to index
      %get3A_1669 = arith.constant 48 : index
      %get3A_1670 = tpu.vector_load %arg12[%get3A_1667, %get3A_1668, %get3A_1669] {strides = array<i32>} : memref<2x32x128xf32, #tpu.memory_space<vmem>>, vector<16xf32>,
      %mul3A_1671 = vector.broadcast %squeeze3A_1641 : f32 to vector<16xf32>
      %mul3A_1672 = arith.mulf %get3A_1670, %mul3A_1671 : vector<16xf32>
      %max3A_1673 = arith.maximumf %max3A_1611, %mul3A_1672 : vector<16xf32>
      %get3A_1674 = arith.index_cast %rem3A_94 : i32 to index
      %get3A_1675 = arith.index_cast %add3A_1645 : i32 to index
      %get3A_1676 = arith.constant 64 : index
      %get3A_1677 = tpu.vector_load %arg12[%get3A_1674, %get3A_1675, %get3A_1676] {strides = array<i32>} : memref<2x32x128xf32, #tpu.memory_space<vmem>>, vector<16xf32>,
      %mul3A_1678 = vector.broadcast %squeeze3A_1641 : f32 to vector<16xf32>
      %mul3A_1679 = arith.mulf %get3A_1677, %mul3A_1678 : vector<16xf32>
      %max3A_1680 = arith.maximumf %max3A_1618, %mul3A_1679 : vector<16xf32>
      %get3A_1681 = arith.index_cast %rem3A_94 : i32 to index
      %get3A_1682 = arith.index_cast %add3A_1645 : i32 to index
      %get3A_1683 = arith.constant 80 : index
      %get3A_1684 = tpu.vector_load %arg12[%get3A_1681, %get3A_1682, %get3A_1683] {strides = array<i32>} : memref<2x32x128xf32, #tpu.memory_space<vmem>>, vector<16xf32>,
      %mul3A_1685 = vector.broadcast %squeeze3A_1641 : f32 to vector<16xf32>
      %mul3A_1686 = arith.mulf %get3A_1684, %mul3A_1685 : vector<16xf32>
      %max3A_1687 = arith.maximumf %max3A_1625, %mul3A_1686 : vector<16xf32>
      %get3A_1688 = arith.index_cast %rem3A_94 : i32 to index
      %get3A_1689 = arith.index_cast %add3A_1645 : i32 to index
      %get3A_1690 = arith.constant 96 : index
      %get3A_1691 = tpu.vector_load %arg12[%get3A_1688, %get3A_1689, %get3A_1690] {strides = array<i32>} : memref<2x32x128xf32, #tpu.memory_space<vmem>>, vector<16xf32>,
      %mul3A_1692 = vector.broadcast %squeeze3A_1641 : f32 to vector<16xf32>
      %mul3A_1693 = arith.mulf %get3A_1691, %mul3A_1692 : vector<16xf32>
      %max3A_1694 = arith.maximumf %max3A_1632, %mul3A_1693 : vector<16xf32>
      %get3A_1695 = arith.index_cast %rem3A_94 : i32 to index
      %get3A_1696 = arith.index_cast %add3A_1645 : i32 to index
      %get3A_1697 = arith.constant 112 : index
      %get3A_1698 = tpu.vector_load %arg12[%get3A_1695, %get3A_1696, %get3A_1697] {strides = array<i32>} : memref<2x32x128xf32, #tpu.memory_space<vmem>>, vector<16xf32>,
      %mul3A_1699 = vector.broadcast %squeeze3A_1641 : f32 to vector<16xf32>
      %mul3A_1700 = arith.mulf %get3A_1698, %mul3A_1699 : vector<16xf32>
      %max3A_1701 = arith.maximumf %max3A_1639, %mul3A_1700 : vector<16xf32>
      %slice3A_1702 = vector.extract_strided_slice %get3A_139 {offsets = [9], sizes = [1], strides = [1]} : vector<16xf32> to vector<1xf32>
      %squeeze3A_1703 = vector.extract %slice3A_1702[0] : f32 from vector<1xf32>
      %mul3A_1704 = arith.constant 32 : i32
      %mul3A_1705 = arith.muli %scan3A_127, %mul3A_1704 : i32
      %add3A_1706 = arith.constant 25 : i32
      %add3A_1707 = arith.addi %mul3A_1705, %add3A_1706 : i32
      %get3A_1708 = arith.index_cast %rem3A_94 : i32 to index
      %get3A_1709 = arith.index_cast %add3A_1707 : i32 to index
      %get3A_1710 = arith.constant 0 : index
      %get3A_1711 = tpu.vector_load %arg12[%get3A_1708, %get3A_1709, %get3A_1710] {strides = array<i32>} : memref<2x32x128xf32, #tpu.memory_space<vmem>>, vector<16xf32>,
      %mul3A_1712 = vector.broadcast %squeeze3A_1703 : f32 to vector<16xf32>
      %mul3A_1713 = arith.mulf %get3A_1711, %mul3A_1712 : vector<16xf32>
      %max3A_1714 = arith.maximumf %max3A_1652, %mul3A_1713 : vector<16xf32>
      %get3A_1715 = arith.index_cast %rem3A_94 : i32 to index
      %get3A_1716 = arith.index_cast %add3A_1707 : i32 to index
      %get3A_1717 = arith.constant 16 : index
      %get3A_1718 = tpu.vector_load %arg12[%get3A_1715, %get3A_1716, %get3A_1717] {strides = array<i32>} : memref<2x32x128xf32, #tpu.memory_space<vmem>>, vector<16xf32>,
      %mul3A_1719 = vector.broadcast %squeeze3A_1703 : f32 to vector<16xf32>
      %mul3A_1720 = arith.mulf %get3A_1718, %mul3A_1719 : vector<16xf32>
      %max3A_1721 = arith.maximumf %max3A_1659, %mul3A_1720 : vector<16xf32>
      %get3A_1722 = arith.index_cast %rem3A_94 : i32 to index
      %get3A_1723 = arith.index_cast %add3A_1707 : i32 to index
      %get3A_1724 = arith.constant 32 : index
      %get3A_1725 = tpu.vector_load %arg12[%get3A_1722, %get3A_1723, %get3A_1724] {strides = array<i32>} : memref<2x32x128xf32, #tpu.memory_space<vmem>>, vector<16xf32>,
      %mul3A_1726 = vector.broadcast %squeeze3A_1703 : f32 to vector<16xf32>
      %mul3A_1727 = arith.mulf %get3A_1725, %mul3A_1726 : vector<16xf32>
      %max3A_1728 = arith.maximumf %max3A_1666, %mul3A_1727 : vector<16xf32>
      %get3A_1729 = arith.index_cast %rem3A_94 : i32 to index
      %get3A_1730 = arith.index_cast %add3A_1707 : i32 to index
      %get3A_1731 = arith.constant 48 : index
      %get3A_1732 = tpu.vector_load %arg12[%get3A_1729, %get3A_1730, %get3A_1731] {strides = array<i32>} : memref<2x32x128xf32, #tpu.memory_space<vmem>>, vector<16xf32>,
      %mul3A_1733 = vector.broadcast %squeeze3A_1703 : f32 to vector<16xf32>
      %mul3A_1734 = arith.mulf %get3A_1732, %mul3A_1733 : vector<16xf32>
      %max3A_1735 = arith.maximumf %max3A_1673, %mul3A_1734 : vector<16xf32>
      %get3A_1736 = arith.index_cast %rem3A_94 : i32 to index
      %get3A_1737 = arith.index_cast %add3A_1707 : i32 to index
      %get3A_1738 = arith.constant 64 : index
      %get3A_1739 = tpu.vector_load %arg12[%get3A_1736, %get3A_1737, %get3A_1738] {strides = array<i32>} : memref<2x32x128xf32, #tpu.memory_space<vmem>>, vector<16xf32>,
      %mul3A_1740 = vector.broadcast %squeeze3A_1703 : f32 to vector<16xf32>
      %mul3A_1741 = arith.mulf %get3A_1739, %mul3A_1740 : vector<16xf32>
      %max3A_1742 = arith.maximumf %max3A_1680, %mul3A_1741 : vector<16xf32>
      %get3A_1743 = arith.index_cast %rem3A_94 : i32 to index
      %get3A_1744 = arith.index_cast %add3A_1707 : i32 to index
      %get3A_1745 = arith.constant 80 : index
      %get3A_1746 = tpu.vector_load %arg12[%get3A_1743, %get3A_1744, %get3A_1745] {strides = array<i32>} : memref<2x32x128xf32, #tpu.memory_space<vmem>>, vector<16xf32>,
      %mul3A_1747 = vector.broadcast %squeeze3A_1703 : f32 to vector<16xf32>
      %mul3A_1748 = arith.mulf %get3A_1746, %mul3A_1747 : vector<16xf32>
      %max3A_1749 = arith.maximumf %max3A_1687, %mul3A_1748 : vector<16xf32>
      %get3A_1750 = arith.index_cast %rem3A_94 : i32 to index
      %get3A_1751 = arith.index_cast %add3A_1707 : i32 to index
      %get3A_1752 = arith.constant 96 : index
      %get3A_1753 = tpu.vector_load %arg12[%get3A_1750, %get3A_1751, %get3A_1752] {strides = array<i32>} : memref<2x32x128xf32, #tpu.memory_space<vmem>>, vector<16xf32>,
      %mul3A_1754 = vector.broadcast %squeeze3A_1703 : f32 to vector<16xf32>
      %mul3A_1755 = arith.mulf %get3A_1753, %mul3A_1754 : vector<16xf32>
      %max3A_1756 = arith.maximumf %max3A_1694, %mul3A_1755 : vector<16xf32>
      %get3A_1757 = arith.index_cast %rem3A_94 : i32 to index
      %get3A_1758 = arith.index_cast %add3A_1707 : i32 to index
      %get3A_1759 = arith.constant 112 : index
      %get3A_1760 = tpu.vector_load %arg12[%get3A_1757, %get3A_1758, %get3A_1759] {strides = array<i32>} : memref<2x32x128xf32, #tpu.memory_space<vmem>>, vector<16xf32>,
      %mul3A_1761 = vector.broadcast %squeeze3A_1703 : f32 to vector<16xf32>
      %mul3A_1762 = arith.mulf %get3A_1760, %mul3A_1761 : vector<16xf32>
      %max3A_1763 = arith.maximumf %max3A_1701, %mul3A_1762 : vector<16xf32>
      %slice3A_1764 = vector.extract_strided_slice %get3A_139 {offsets = [10], sizes = [1], strides = [1]} : vector<16xf32> to vector<1xf32>
      %squeeze3A_1765 = vector.extract %slice3A_1764[0] : f32 from vector<1xf32>
      %mul3A_1766 = arith.constant 32 : i32
      %mul3A_1767 = arith.muli %scan3A_127, %mul3A_1766 : i32
      %add3A_1768 = arith.constant 26 : i32
      %add3A_1769 = arith.addi %mul3A_1767, %add3A_1768 : i32
      %get3A_1770 = arith.index_cast %rem3A_94 : i32 to index
      %get3A_1771 = arith.index_cast %add3A_1769 : i32 to index
      %get3A_1772 = arith.constant 0 : index
      %get3A_1773 = tpu.vector_load %arg12[%get3A_1770, %get3A_1771, %get3A_1772] {strides = array<i32>} : memref<2x32x128xf32, #tpu.memory_space<vmem>>, vector<16xf32>,
      %mul3A_1774 = vector.broadcast %squeeze3A_1765 : f32 to vector<16xf32>
      %mul3A_1775 = arith.mulf %get3A_1773, %mul3A_1774 : vector<16xf32>
      %max3A_1776 = arith.maximumf %max3A_1714, %mul3A_1775 : vector<16xf32>
      %get3A_1777 = arith.index_cast %rem3A_94 : i32 to index
      %get3A_1778 = arith.index_cast %add3A_1769 : i32 to index
      %get3A_1779 = arith.constant 16 : index
      %get3A_1780 = tpu.vector_load %arg12[%get3A_1777, %get3A_1778, %get3A_1779] {strides = array<i32>} : memref<2x32x128xf32, #tpu.memory_space<vmem>>, vector<16xf32>,
      %mul3A_1781 = vector.broadcast %squeeze3A_1765 : f32 to vector<16xf32>
      %mul3A_1782 = arith.mulf %get3A_1780, %mul3A_1781 : vector<16xf32>
      %max3A_1783 = arith.maximumf %max3A_1721, %mul3A_1782 : vector<16xf32>
      %get3A_1784 = arith.index_cast %rem3A_94 : i32 to index
      %get3A_1785 = arith.index_cast %add3A_1769 : i32 to index
      %get3A_1786 = arith.constant 32 : index
      %get3A_1787 = tpu.vector_load %arg12[%get3A_1784, %get3A_1785, %get3A_1786] {strides = array<i32>} : memref<2x32x128xf32, #tpu.memory_space<vmem>>, vector<16xf32>,
      %mul3A_1788 = vector.broadcast %squeeze3A_1765 : f32 to vector<16xf32>
      %mul3A_1789 = arith.mulf %get3A_1787, %mul3A_1788 : vector<16xf32>
      %max3A_1790 = arith.maximumf %max3A_1728, %mul3A_1789 : vector<16xf32>
      %get3A_1791 = arith.index_cast %rem3A_94 : i32 to index
      %get3A_1792 = arith.index_cast %add3A_1769 : i32 to index
      %get3A_1793 = arith.constant 48 : index
      %get3A_1794 = tpu.vector_load %arg12[%get3A_1791, %get3A_1792, %get3A_1793] {strides = array<i32>} : memref<2x32x128xf32, #tpu.memory_space<vmem>>, vector<16xf32>,
      %mul3A_1795 = vector.broadcast %squeeze3A_1765 : f32 to vector<16xf32>
      %mul3A_1796 = arith.mulf %get3A_1794, %mul3A_1795 : vector<16xf32>
      %max3A_1797 = arith.maximumf %max3A_1735, %mul3A_1796 : vector<16xf32>
      %get3A_1798 = arith.index_cast %rem3A_94 : i32 to index
      %get3A_1799 = arith.index_cast %add3A_1769 : i32 to index
      %get3A_1800 = arith.constant 64 : index
      %get3A_1801 = tpu.vector_load %arg12[%get3A_1798, %get3A_1799, %get3A_1800] {strides = array<i32>} : memref<2x32x128xf32, #tpu.memory_space<vmem>>, vector<16xf32>,
      %mul3A_1802 = vector.broadcast %squeeze3A_1765 : f32 to vector<16xf32>
      %mul3A_1803 = arith.mulf %get3A_1801, %mul3A_1802 : vector<16xf32>
      %max3A_1804 = arith.maximumf %max3A_1742, %mul3A_1803 : vector<16xf32>
      %get3A_1805 = arith.index_cast %rem3A_94 : i32 to index
      %get3A_1806 = arith.index_cast %add3A_1769 : i32 to index
      %get3A_1807 = arith.constant 80 : index
      %get3A_1808 = tpu.vector_load %arg12[%get3A_1805, %get3A_1806, %get3A_1807] {strides = array<i32>} : memref<2x32x128xf32, #tpu.memory_space<vmem>>, vector<16xf32>,
      %mul3A_1809 = vector.broadcast %squeeze3A_1765 : f32 to vector<16xf32>
      %mul3A_1810 = arith.mulf %get3A_1808, %mul3A_1809 : vector<16xf32>
      %max3A_1811 = arith.maximumf %max3A_1749, %mul3A_1810 : vector<16xf32>
      %get3A_1812 = arith.index_cast %rem3A_94 : i32 to index
      %get3A_1813 = arith.index_cast %add3A_1769 : i32 to index
      %get3A_1814 = arith.constant 96 : index
      %get3A_1815 = tpu.vector_load %arg12[%get3A_1812, %get3A_1813, %get3A_1814] {strides = array<i32>} : memref<2x32x128xf32, #tpu.memory_space<vmem>>, vector<16xf32>,
      %mul3A_1816 = vector.broadcast %squeeze3A_1765 : f32 to vector<16xf32>
      %mul3A_1817 = arith.mulf %get3A_1815, %mul3A_1816 : vector<16xf32>
      %max3A_1818 = arith.maximumf %max3A_1756, %mul3A_1817 : vector<16xf32>
      %get3A_1819 = arith.index_cast %rem3A_94 : i32 to index
      %get3A_1820 = arith.index_cast %add3A_1769 : i32 to index
      %get3A_1821 = arith.constant 112 : index
      %get3A_1822 = tpu.vector_load %arg12[%get3A_1819, %get3A_1820, %get3A_1821] {strides = array<i32>} : memref<2x32x128xf32, #tpu.memory_space<vmem>>, vector<16xf32>,
      %mul3A_1823 = vector.broadcast %squeeze3A_1765 : f32 to vector<16xf32>
      %mul3A_1824 = arith.mulf %get3A_1822, %mul3A_1823 : vector<16xf32>
      %max3A_1825 = arith.maximumf %max3A_1763, %mul3A_1824 : vector<16xf32>
      %slice3A_1826 = vector.extract_strided_slice %get3A_139 {offsets = [11], sizes = [1], strides = [1]} : vector<16xf32> to vector<1xf32>
      %squeeze3A_1827 = vector.extract %slice3A_1826[0] : f32 from vector<1xf32>
      %mul3A_1828 = arith.constant 32 : i32
      %mul3A_1829 = arith.muli %scan3A_127, %mul3A_1828 : i32
      %add3A_1830 = arith.constant 27 : i32
      %add3A_1831 = arith.addi %mul3A_1829, %add3A_1830 : i32
      %get3A_1832 = arith.index_cast %rem3A_94 : i32 to index
      %get3A_1833 = arith.index_cast %add3A_1831 : i32 to index
      %get3A_1834 = arith.constant 0 : index
      %get3A_1835 = tpu.vector_load %arg12[%get3A_1832, %get3A_1833, %get3A_1834] {strides = array<i32>} : memref<2x32x128xf32, #tpu.memory_space<vmem>>, vector<16xf32>,
      %mul3A_1836 = vector.broadcast %squeeze3A_1827 : f32 to vector<16xf32>
      %mul3A_1837 = arith.mulf %get3A_1835, %mul3A_1836 : vector<16xf32>
      %max3A_1838 = arith.maximumf %max3A_1776, %mul3A_1837 : vector<16xf32>
      %get3A_1839 = arith.index_cast %rem3A_94 : i32 to index
      %get3A_1840 = arith.index_cast %add3A_1831 : i32 to index
      %get3A_1841 = arith.constant 16 : index
      %get3A_1842 = tpu.vector_load %arg12[%get3A_1839, %get3A_1840, %get3A_1841] {strides = array<i32>} : memref<2x32x128xf32, #tpu.memory_space<vmem>>, vector<16xf32>,
      %mul3A_1843 = vector.broadcast %squeeze3A_1827 : f32 to vector<16xf32>
      %mul3A_1844 = arith.mulf %get3A_1842, %mul3A_1843 : vector<16xf32>
      %max3A_1845 = arith.maximumf %max3A_1783, %mul3A_1844 : vector<16xf32>
      %get3A_1846 = arith.index_cast %rem3A_94 : i32 to index
      %get3A_1847 = arith.index_cast %add3A_1831 : i32 to index
      %get3A_1848 = arith.constant 32 : index
      %get3A_1849 = tpu.vector_load %arg12[%get3A_1846, %get3A_1847, %get3A_1848] {strides = array<i32>} : memref<2x32x128xf32, #tpu.memory_space<vmem>>, vector<16xf32>,
      %mul3A_1850 = vector.broadcast %squeeze3A_1827 : f32 to vector<16xf32>
      %mul3A_1851 = arith.mulf %get3A_1849, %mul3A_1850 : vector<16xf32>
      %max3A_1852 = arith.maximumf %max3A_1790, %mul3A_1851 : vector<16xf32>
      %get3A_1853 = arith.index_cast %rem3A_94 : i32 to index
      %get3A_1854 = arith.index_cast %add3A_1831 : i32 to index
      %get3A_1855 = arith.constant 48 : index
      %get3A_1856 = tpu.vector_load %arg12[%get3A_1853, %get3A_1854, %get3A_1855] {strides = array<i32>} : memref<2x32x128xf32, #tpu.memory_space<vmem>>, vector<16xf32>,
      %mul3A_1857 = vector.broadcast %squeeze3A_1827 : f32 to vector<16xf32>
      %mul3A_1858 = arith.mulf %get3A_1856, %mul3A_1857 : vector<16xf32>
      %max3A_1859 = arith.maximumf %max3A_1797, %mul3A_1858 : vector<16xf32>
      %get3A_1860 = arith.index_cast %rem3A_94 : i32 to index
      %get3A_1861 = arith.index_cast %add3A_1831 : i32 to index
      %get3A_1862 = arith.constant 64 : index
      %get3A_1863 = tpu.vector_load %arg12[%get3A_1860, %get3A_1861, %get3A_1862] {strides = array<i32>} : memref<2x32x128xf32, #tpu.memory_space<vmem>>, vector<16xf32>,
      %mul3A_1864 = vector.broadcast %squeeze3A_1827 : f32 to vector<16xf32>
      %mul3A_1865 = arith.mulf %get3A_1863, %mul3A_1864 : vector<16xf32>
      %max3A_1866 = arith.maximumf %max3A_1804, %mul3A_1865 : vector<16xf32>
      %get3A_1867 = arith.index_cast %rem3A_94 : i32 to index
      %get3A_1868 = arith.index_cast %add3A_1831 : i32 to index
      %get3A_1869 = arith.constant 80 : index
      %get3A_1870 = tpu.vector_load %arg12[%get3A_1867, %get3A_1868, %get3A_1869] {strides = array<i32>} : memref<2x32x128xf32, #tpu.memory_space<vmem>>, vector<16xf32>,
      %mul3A_1871 = vector.broadcast %squeeze3A_1827 : f32 to vector<16xf32>
      %mul3A_1872 = arith.mulf %get3A_1870, %mul3A_1871 : vector<16xf32>
      %max3A_1873 = arith.maximumf %max3A_1811, %mul3A_1872 : vector<16xf32>
      %get3A_1874 = arith.index_cast %rem3A_94 : i32 to index
      %get3A_1875 = arith.index_cast %add3A_1831 : i32 to index
      %get3A_1876 = arith.constant 96 : index
      %get3A_1877 = tpu.vector_load %arg12[%get3A_1874, %get3A_1875, %get3A_1876] {strides = array<i32>} : memref<2x32x128xf32, #tpu.memory_space<vmem>>, vector<16xf32>,
      %mul3A_1878 = vector.broadcast %squeeze3A_1827 : f32 to vector<16xf32>
      %mul3A_1879 = arith.mulf %get3A_1877, %mul3A_1878 : vector<16xf32>
      %max3A_1880 = arith.maximumf %max3A_1818, %mul3A_1879 : vector<16xf32>
      %get3A_1881 = arith.index_cast %rem3A_94 : i32 to index
      %get3A_1882 = arith.index_cast %add3A_1831 : i32 to index
      %get3A_1883 = arith.constant 112 : index
      %get3A_1884 = tpu.vector_load %arg12[%get3A_1881, %get3A_1882, %get3A_1883] {strides = array<i32>} : memref<2x32x128xf32, #tpu.memory_space<vmem>>, vector<16xf32>,
      %mul3A_1885 = vector.broadcast %squeeze3A_1827 : f32 to vector<16xf32>
      %mul3A_1886 = arith.mulf %get3A_1884, %mul3A_1885 : vector<16xf32>
      %max3A_1887 = arith.maximumf %max3A_1825, %mul3A_1886 : vector<16xf32>
      %slice3A_1888 = vector.extract_strided_slice %get3A_139 {offsets = [12], sizes = [1], strides = [1]} : vector<16xf32> to vector<1xf32>
      %squeeze3A_1889 = vector.extract %slice3A_1888[0] : f32 from vector<1xf32>
      %mul3A_1890 = arith.constant 32 : i32
      %mul3A_1891 = arith.muli %scan3A_127, %mul3A_1890 : i32
      %add3A_1892 = arith.constant 28 : i32
      %add3A_1893 = arith.addi %mul3A_1891, %add3A_1892 : i32
      %get3A_1894 = arith.index_cast %rem3A_94 : i32 to index
      %get3A_1895 = arith.index_cast %add3A_1893 : i32 to index
      %get3A_1896 = arith.constant 0 : index
      %get3A_1897 = tpu.vector_load %arg12[%get3A_1894, %get3A_1895, %get3A_1896] {strides = array<i32>} : memref<2x32x128xf32, #tpu.memory_space<vmem>>, vector<16xf32>,
      %mul3A_1898 = vector.broadcast %squeeze3A_1889 : f32 to vector<16xf32>
      %mul3A_1899 = arith.mulf %get3A_1897, %mul3A_1898 : vector<16xf32>
      %max3A_1900 = arith.maximumf %max3A_1838, %mul3A_1899 : vector<16xf32>
      %get3A_1901 = arith.index_cast %rem3A_94 : i32 to index
      %get3A_1902 = arith.index_cast %add3A_1893 : i32 to index
      %get3A_1903 = arith.constant 16 : index
      %get3A_1904 = tpu.vector_load %arg12[%get3A_1901, %get3A_1902, %get3A_1903] {strides = array<i32>} : memref<2x32x128xf32, #tpu.memory_space<vmem>>, vector<16xf32>,
      %mul3A_1905 = vector.broadcast %squeeze3A_1889 : f32 to vector<16xf32>
      %mul3A_1906 = arith.mulf %get3A_1904, %mul3A_1905 : vector<16xf32>
      %max3A_1907 = arith.maximumf %max3A_1845, %mul3A_1906 : vector<16xf32>
      %get3A_1908 = arith.index_cast %rem3A_94 : i32 to index
      %get3A_1909 = arith.index_cast %add3A_1893 : i32 to index
      %get3A_1910 = arith.constant 32 : index
      %get3A_1911 = tpu.vector_load %arg12[%get3A_1908, %get3A_1909, %get3A_1910] {strides = array<i32>} : memref<2x32x128xf32, #tpu.memory_space<vmem>>, vector<16xf32>,
      %mul3A_1912 = vector.broadcast %squeeze3A_1889 : f32 to vector<16xf32>
      %mul3A_1913 = arith.mulf %get3A_1911, %mul3A_1912 : vector<16xf32>
      %max3A_1914 = arith.maximumf %max3A_1852, %mul3A_1913 : vector<16xf32>
      %get3A_1915 = arith.index_cast %rem3A_94 : i32 to index
      %get3A_1916 = arith.index_cast %add3A_1893 : i32 to index
      %get3A_1917 = arith.constant 48 : index
      %get3A_1918 = tpu.vector_load %arg12[%get3A_1915, %get3A_1916, %get3A_1917] {strides = array<i32>} : memref<2x32x128xf32, #tpu.memory_space<vmem>>, vector<16xf32>,
      %mul3A_1919 = vector.broadcast %squeeze3A_1889 : f32 to vector<16xf32>
      %mul3A_1920 = arith.mulf %get3A_1918, %mul3A_1919 : vector<16xf32>
      %max3A_1921 = arith.maximumf %max3A_1859, %mul3A_1920 : vector<16xf32>
      %get3A_1922 = arith.index_cast %rem3A_94 : i32 to index
      %get3A_1923 = arith.index_cast %add3A_1893 : i32 to index
      %get3A_1924 = arith.constant 64 : index
      %get3A_1925 = tpu.vector_load %arg12[%get3A_1922, %get3A_1923, %get3A_1924] {strides = array<i32>} : memref<2x32x128xf32, #tpu.memory_space<vmem>>, vector<16xf32>,
      %mul3A_1926 = vector.broadcast %squeeze3A_1889 : f32 to vector<16xf32>
      %mul3A_1927 = arith.mulf %get3A_1925, %mul3A_1926 : vector<16xf32>
      %max3A_1928 = arith.maximumf %max3A_1866, %mul3A_1927 : vector<16xf32>
      %get3A_1929 = arith.index_cast %rem3A_94 : i32 to index
      %get3A_1930 = arith.index_cast %add3A_1893 : i32 to index
      %get3A_1931 = arith.constant 80 : index
      %get3A_1932 = tpu.vector_load %arg12[%get3A_1929, %get3A_1930, %get3A_1931] {strides = array<i32>} : memref<2x32x128xf32, #tpu.memory_space<vmem>>, vector<16xf32>,
      %mul3A_1933 = vector.broadcast %squeeze3A_1889 : f32 to vector<16xf32>
      %mul3A_1934 = arith.mulf %get3A_1932, %mul3A_1933 : vector<16xf32>
      %max3A_1935 = arith.maximumf %max3A_1873, %mul3A_1934 : vector<16xf32>
      %get3A_1936 = arith.index_cast %rem3A_94 : i32 to index
      %get3A_1937 = arith.index_cast %add3A_1893 : i32 to index
      %get3A_1938 = arith.constant 96 : index
      %get3A_1939 = tpu.vector_load %arg12[%get3A_1936, %get3A_1937, %get3A_1938] {strides = array<i32>} : memref<2x32x128xf32, #tpu.memory_space<vmem>>, vector<16xf32>,
      %mul3A_1940 = vector.broadcast %squeeze3A_1889 : f32 to vector<16xf32>
      %mul3A_1941 = arith.mulf %get3A_1939, %mul3A_1940 : vector<16xf32>
      %max3A_1942 = arith.maximumf %max3A_1880, %mul3A_1941 : vector<16xf32>
      %get3A_1943 = arith.index_cast %rem3A_94 : i32 to index
      %get3A_1944 = arith.index_cast %add3A_1893 : i32 to index
      %get3A_1945 = arith.constant 112 : index
      %get3A_1946 = tpu.vector_load %arg12[%get3A_1943, %get3A_1944, %get3A_1945] {strides = array<i32>} : memref<2x32x128xf32, #tpu.memory_space<vmem>>, vector<16xf32>,
      %mul3A_1947 = vector.broadcast %squeeze3A_1889 : f32 to vector<16xf32>
      %mul3A_1948 = arith.mulf %get3A_1946, %mul3A_1947 : vector<16xf32>
      %max3A_1949 = arith.maximumf %max3A_1887, %mul3A_1948 : vector<16xf32>
      %slice3A_1950 = vector.extract_strided_slice %get3A_139 {offsets = [13], sizes = [1], strides = [1]} : vector<16xf32> to vector<1xf32>
      %squeeze3A_1951 = vector.extract %slice3A_1950[0] : f32 from vector<1xf32>
      %mul3A_1952 = arith.constant 32 : i32
      %mul3A_1953 = arith.muli %scan3A_127, %mul3A_1952 : i32
      %add3A_1954 = arith.constant 29 : i32
      %add3A_1955 = arith.addi %mul3A_1953, %add3A_1954 : i32
      %get3A_1956 = arith.index_cast %rem3A_94 : i32 to index
      %get3A_1957 = arith.index_cast %add3A_1955 : i32 to index
      %get3A_1958 = arith.constant 0 : index
      %get3A_1959 = tpu.vector_load %arg12[%get3A_1956, %get3A_1957, %get3A_1958] {strides = array<i32>} : memref<2x32x128xf32, #tpu.memory_space<vmem>>, vector<16xf32>,
      %mul3A_1960 = vector.broadcast %squeeze3A_1951 : f32 to vector<16xf32>
      %mul3A_1961 = arith.mulf %get3A_1959, %mul3A_1960 : vector<16xf32>
      %max3A_1962 = arith.maximumf %max3A_1900, %mul3A_1961 : vector<16xf32>
      %get3A_1963 = arith.index_cast %rem3A_94 : i32 to index
      %get3A_1964 = arith.index_cast %add3A_1955 : i32 to index
      %get3A_1965 = arith.constant 16 : index
      %get3A_1966 = tpu.vector_load %arg12[%get3A_1963, %get3A_1964, %get3A_1965] {strides = array<i32>} : memref<2x32x128xf32, #tpu.memory_space<vmem>>, vector<16xf32>,
      %mul3A_1967 = vector.broadcast %squeeze3A_1951 : f32 to vector<16xf32>
      %mul3A_1968 = arith.mulf %get3A_1966, %mul3A_1967 : vector<16xf32>
      %max3A_1969 = arith.maximumf %max3A_1907, %mul3A_1968 : vector<16xf32>
      %get3A_1970 = arith.index_cast %rem3A_94 : i32 to index
      %get3A_1971 = arith.index_cast %add3A_1955 : i32 to index
      %get3A_1972 = arith.constant 32 : index
      %get3A_1973 = tpu.vector_load %arg12[%get3A_1970, %get3A_1971, %get3A_1972] {strides = array<i32>} : memref<2x32x128xf32, #tpu.memory_space<vmem>>, vector<16xf32>,
      %mul3A_1974 = vector.broadcast %squeeze3A_1951 : f32 to vector<16xf32>
      %mul3A_1975 = arith.mulf %get3A_1973, %mul3A_1974 : vector<16xf32>
      %max3A_1976 = arith.maximumf %max3A_1914, %mul3A_1975 : vector<16xf32>
      %get3A_1977 = arith.index_cast %rem3A_94 : i32 to index
      %get3A_1978 = arith.index_cast %add3A_1955 : i32 to index
      %get3A_1979 = arith.constant 48 : index
      %get3A_1980 = tpu.vector_load %arg12[%get3A_1977, %get3A_1978, %get3A_1979] {strides = array<i32>} : memref<2x32x128xf32, #tpu.memory_space<vmem>>, vector<16xf32>,
      %mul3A_1981 = vector.broadcast %squeeze3A_1951 : f32 to vector<16xf32>
      %mul3A_1982 = arith.mulf %get3A_1980, %mul3A_1981 : vector<16xf32>
      %max3A_1983 = arith.maximumf %max3A_1921, %mul3A_1982 : vector<16xf32>
      %get3A_1984 = arith.index_cast %rem3A_94 : i32 to index
      %get3A_1985 = arith.index_cast %add3A_1955 : i32 to index
      %get3A_1986 = arith.constant 64 : index
      %get3A_1987 = tpu.vector_load %arg12[%get3A_1984, %get3A_1985, %get3A_1986] {strides = array<i32>} : memref<2x32x128xf32, #tpu.memory_space<vmem>>, vector<16xf32>,
      %mul3A_1988 = vector.broadcast %squeeze3A_1951 : f32 to vector<16xf32>
      %mul3A_1989 = arith.mulf %get3A_1987, %mul3A_1988 : vector<16xf32>
      %max3A_1990 = arith.maximumf %max3A_1928, %mul3A_1989 : vector<16xf32>
      %get3A_1991 = arith.index_cast %rem3A_94 : i32 to index
      %get3A_1992 = arith.index_cast %add3A_1955 : i32 to index
      %get3A_1993 = arith.constant 80 : index
      %get3A_1994 = tpu.vector_load %arg12[%get3A_1991, %get3A_1992, %get3A_1993] {strides = array<i32>} : memref<2x32x128xf32, #tpu.memory_space<vmem>>, vector<16xf32>,
      %mul3A_1995 = vector.broadcast %squeeze3A_1951 : f32 to vector<16xf32>
      %mul3A_1996 = arith.mulf %get3A_1994, %mul3A_1995 : vector<16xf32>
      %max3A_1997 = arith.maximumf %max3A_1935, %mul3A_1996 : vector<16xf32>
      %get3A_1998 = arith.index_cast %rem3A_94 : i32 to index
      %get3A_1999 = arith.index_cast %add3A_1955 : i32 to index
      %get3A_2000 = arith.constant 96 : index
      %get3A_2001 = tpu.vector_load %arg12[%get3A_1998, %get3A_1999, %get3A_2000] {strides = array<i32>} : memref<2x32x128xf32, #tpu.memory_space<vmem>>, vector<16xf32>,
      %mul3A_2002 = vector.broadcast %squeeze3A_1951 : f32 to vector<16xf32>
      %mul3A_2003 = arith.mulf %get3A_2001, %mul3A_2002 : vector<16xf32>
      %max3A_2004 = arith.maximumf %max3A_1942, %mul3A_2003 : vector<16xf32>
      %get3A_2005 = arith.index_cast %rem3A_94 : i32 to index
      %get3A_2006 = arith.index_cast %add3A_1955 : i32 to index
      %get3A_2007 = arith.constant 112 : index
      %get3A_2008 = tpu.vector_load %arg12[%get3A_2005, %get3A_2006, %get3A_2007] {strides = array<i32>} : memref<2x32x128xf32, #tpu.memory_space<vmem>>, vector<16xf32>,
      %mul3A_2009 = vector.broadcast %squeeze3A_1951 : f32 to vector<16xf32>
      %mul3A_2010 = arith.mulf %get3A_2008, %mul3A_2009 : vector<16xf32>
      %max3A_2011 = arith.maximumf %max3A_1949, %mul3A_2010 : vector<16xf32>
      %slice3A_2012 = vector.extract_strided_slice %get3A_139 {offsets = [14], sizes = [1], strides = [1]} : vector<16xf32> to vector<1xf32>
      %squeeze3A_2013 = vector.extract %slice3A_2012[0] : f32 from vector<1xf32>
      %mul3A_2014 = arith.constant 32 : i32
      %mul3A_2015 = arith.muli %scan3A_127, %mul3A_2014 : i32
      %add3A_2016 = arith.constant 30 : i32
      %add3A_2017 = arith.addi %mul3A_2015, %add3A_2016 : i32
      %get3A_2018 = arith.index_cast %rem3A_94 : i32 to index
      %get3A_2019 = arith.index_cast %add3A_2017 : i32 to index
      %get3A_2020 = arith.constant 0 : index
      %get3A_2021 = tpu.vector_load %arg12[%get3A_2018, %get3A_2019, %get3A_2020] {strides = array<i32>} : memref<2x32x128xf32, #tpu.memory_space<vmem>>, vector<16xf32>,
      %mul3A_2022 = vector.broadcast %squeeze3A_2013 : f32 to vector<16xf32>
      %mul3A_2023 = arith.mulf %get3A_2021, %mul3A_2022 : vector<16xf32>
      %max3A_2024 = arith.maximumf %max3A_1962, %mul3A_2023 : vector<16xf32>
      %get3A_2025 = arith.index_cast %rem3A_94 : i32 to index
      %get3A_2026 = arith.index_cast %add3A_2017 : i32 to index
      %get3A_2027 = arith.constant 16 : index
      %get3A_2028 = tpu.vector_load %arg12[%get3A_2025, %get3A_2026, %get3A_2027] {strides = array<i32>} : memref<2x32x128xf32, #tpu.memory_space<vmem>>, vector<16xf32>,
      %mul3A_2029 = vector.broadcast %squeeze3A_2013 : f32 to vector<16xf32>
      %mul3A_2030 = arith.mulf %get3A_2028, %mul3A_2029 : vector<16xf32>
      %max3A_2031 = arith.maximumf %max3A_1969, %mul3A_2030 : vector<16xf32>
      %get3A_2032 = arith.index_cast %rem3A_94 : i32 to index
      %get3A_2033 = arith.index_cast %add3A_2017 : i32 to index
      %get3A_2034 = arith.constant 32 : index
      %get3A_2035 = tpu.vector_load %arg12[%get3A_2032, %get3A_2033, %get3A_2034] {strides = array<i32>} : memref<2x32x128xf32, #tpu.memory_space<vmem>>, vector<16xf32>,
      %mul3A_2036 = vector.broadcast %squeeze3A_2013 : f32 to vector<16xf32>
      %mul3A_2037 = arith.mulf %get3A_2035, %mul3A_2036 : vector<16xf32>
      %max3A_2038 = arith.maximumf %max3A_1976, %mul3A_2037 : vector<16xf32>
      %get3A_2039 = arith.index_cast %rem3A_94 : i32 to index
      %get3A_2040 = arith.index_cast %add3A_2017 : i32 to index
      %get3A_2041 = arith.constant 48 : index
      %get3A_2042 = tpu.vector_load %arg12[%get3A_2039, %get3A_2040, %get3A_2041] {strides = array<i32>} : memref<2x32x128xf32, #tpu.memory_space<vmem>>, vector<16xf32>,
      %mul3A_2043 = vector.broadcast %squeeze3A_2013 : f32 to vector<16xf32>
      %mul3A_2044 = arith.mulf %get3A_2042, %mul3A_2043 : vector<16xf32>
      %max3A_2045 = arith.maximumf %max3A_1983, %mul3A_2044 : vector<16xf32>
      %get3A_2046 = arith.index_cast %rem3A_94 : i32 to index
      %get3A_2047 = arith.index_cast %add3A_2017 : i32 to index
      %get3A_2048 = arith.constant 64 : index
      %get3A_2049 = tpu.vector_load %arg12[%get3A_2046, %get3A_2047, %get3A_2048] {strides = array<i32>} : memref<2x32x128xf32, #tpu.memory_space<vmem>>, vector<16xf32>,
      %mul3A_2050 = vector.broadcast %squeeze3A_2013 : f32 to vector<16xf32>
      %mul3A_2051 = arith.mulf %get3A_2049, %mul3A_2050 : vector<16xf32>
      %max3A_2052 = arith.maximumf %max3A_1990, %mul3A_2051 : vector<16xf32>
      %get3A_2053 = arith.index_cast %rem3A_94 : i32 to index
      %get3A_2054 = arith.index_cast %add3A_2017 : i32 to index
      %get3A_2055 = arith.constant 80 : index
      %get3A_2056 = tpu.vector_load %arg12[%get3A_2053, %get3A_2054, %get3A_2055] {strides = array<i32>} : memref<2x32x128xf32, #tpu.memory_space<vmem>>, vector<16xf32>,
      %mul3A_2057 = vector.broadcast %squeeze3A_2013 : f32 to vector<16xf32>
      %mul3A_2058 = arith.mulf %get3A_2056, %mul3A_2057 : vector<16xf32>
      %max3A_2059 = arith.maximumf %max3A_1997, %mul3A_2058 : vector<16xf32>
      %get3A_2060 = arith.index_cast %rem3A_94 : i32 to index
      %get3A_2061 = arith.index_cast %add3A_2017 : i32 to index
      %get3A_2062 = arith.constant 96 : index
      %get3A_2063 = tpu.vector_load %arg12[%get3A_2060, %get3A_2061, %get3A_2062] {strides = array<i32>} : memref<2x32x128xf32, #tpu.memory_space<vmem>>, vector<16xf32>,
      %mul3A_2064 = vector.broadcast %squeeze3A_2013 : f32 to vector<16xf32>
      %mul3A_2065 = arith.mulf %get3A_2063, %mul3A_2064 : vector<16xf32>
      %max3A_2066 = arith.maximumf %max3A_2004, %mul3A_2065 : vector<16xf32>
      %get3A_2067 = arith.index_cast %rem3A_94 : i32 to index
      %get3A_2068 = arith.index_cast %add3A_2017 : i32 to index
      %get3A_2069 = arith.constant 112 : index
      %get3A_2070 = tpu.vector_load %arg12[%get3A_2067, %get3A_2068, %get3A_2069] {strides = array<i32>} : memref<2x32x128xf32, #tpu.memory_space<vmem>>, vector<16xf32>,
      %mul3A_2071 = vector.broadcast %squeeze3A_2013 : f32 to vector<16xf32>
      %mul3A_2072 = arith.mulf %get3A_2070, %mul3A_2071 : vector<16xf32>
      %max3A_2073 = arith.maximumf %max3A_2011, %mul3A_2072 : vector<16xf32>
      %slice3A_2074 = vector.extract_strided_slice %get3A_139 {offsets = [15], sizes = [1], strides = [1]} : vector<16xf32> to vector<1xf32>
      %squeeze3A_2075 = vector.extract %slice3A_2074[0] : f32 from vector<1xf32>
      %mul3A_2076 = arith.constant 32 : i32
      %mul3A_2077 = arith.muli %scan3A_127, %mul3A_2076 : i32
      %add3A_2078 = arith.constant 31 : i32
      %add3A_2079 = arith.addi %mul3A_2077, %add3A_2078 : i32
      %get3A_2080 = arith.index_cast %rem3A_94 : i32 to index
      %get3A_2081 = arith.index_cast %add3A_2079 : i32 to index
      %get3A_2082 = arith.constant 0 : index
      %get3A_2083 = tpu.vector_load %arg12[%get3A_2080, %get3A_2081, %get3A_2082] {strides = array<i32>} : memref<2x32x128xf32, #tpu.memory_space<vmem>>, vector<16xf32>,
      %mul3A_2084 = vector.broadcast %squeeze3A_2075 : f32 to vector<16xf32>
      %mul3A_2085 = arith.mulf %get3A_2083, %mul3A_2084 : vector<16xf32>
      %max3A_2086 = arith.maximumf %max3A_2024, %mul3A_2085 : vector<16xf32>
      %get3A_2087 = arith.index_cast %rem3A_94 : i32 to index
      %get3A_2088 = arith.index_cast %add3A_2079 : i32 to index
      %get3A_2089 = arith.constant 16 : index
      %get3A_2090 = tpu.vector_load %arg12[%get3A_2087, %get3A_2088, %get3A_2089] {strides = array<i32>} : memref<2x32x128xf32, #tpu.memory_space<vmem>>, vector<16xf32>,
      %mul3A_2091 = vector.broadcast %squeeze3A_2075 : f32 to vector<16xf32>
      %mul3A_2092 = arith.mulf %get3A_2090, %mul3A_2091 : vector<16xf32>
      %max3A_2093 = arith.maximumf %max3A_2031, %mul3A_2092 : vector<16xf32>
      %get3A_2094 = arith.index_cast %rem3A_94 : i32 to index
      %get3A_2095 = arith.index_cast %add3A_2079 : i32 to index
      %get3A_2096 = arith.constant 32 : index
      %get3A_2097 = tpu.vector_load %arg12[%get3A_2094, %get3A_2095, %get3A_2096] {strides = array<i32>} : memref<2x32x128xf32, #tpu.memory_space<vmem>>, vector<16xf32>,
      %mul3A_2098 = vector.broadcast %squeeze3A_2075 : f32 to vector<16xf32>
      %mul3A_2099 = arith.mulf %get3A_2097, %mul3A_2098 : vector<16xf32>
      %max3A_2100 = arith.maximumf %max3A_2038, %mul3A_2099 : vector<16xf32>
      %get3A_2101 = arith.index_cast %rem3A_94 : i32 to index
      %get3A_2102 = arith.index_cast %add3A_2079 : i32 to index
      %get3A_2103 = arith.constant 48 : index
      %get3A_2104 = tpu.vector_load %arg12[%get3A_2101, %get3A_2102, %get3A_2103] {strides = array<i32>} : memref<2x32x128xf32, #tpu.memory_space<vmem>>, vector<16xf32>,
      %mul3A_2105 = vector.broadcast %squeeze3A_2075 : f32 to vector<16xf32>
      %mul3A_2106 = arith.mulf %get3A_2104, %mul3A_2105 : vector<16xf32>
      %max3A_2107 = arith.maximumf %max3A_2045, %mul3A_2106 : vector<16xf32>
      %get3A_2108 = arith.index_cast %rem3A_94 : i32 to index
      %get3A_2109 = arith.index_cast %add3A_2079 : i32 to index
      %get3A_2110 = arith.constant 64 : index
      %get3A_2111 = tpu.vector_load %arg12[%get3A_2108, %get3A_2109, %get3A_2110] {strides = array<i32>} : memref<2x32x128xf32, #tpu.memory_space<vmem>>, vector<16xf32>,
      %mul3A_2112 = vector.broadcast %squeeze3A_2075 : f32 to vector<16xf32>
      %mul3A_2113 = arith.mulf %get3A_2111, %mul3A_2112 : vector<16xf32>
      %max3A_2114 = arith.maximumf %max3A_2052, %mul3A_2113 : vector<16xf32>
      %get3A_2115 = arith.index_cast %rem3A_94 : i32 to index
      %get3A_2116 = arith.index_cast %add3A_2079 : i32 to index
      %get3A_2117 = arith.constant 80 : index
      %get3A_2118 = tpu.vector_load %arg12[%get3A_2115, %get3A_2116, %get3A_2117] {strides = array<i32>} : memref<2x32x128xf32, #tpu.memory_space<vmem>>, vector<16xf32>,
      %mul3A_2119 = vector.broadcast %squeeze3A_2075 : f32 to vector<16xf32>
      %mul3A_2120 = arith.mulf %get3A_2118, %mul3A_2119 : vector<16xf32>
      %max3A_2121 = arith.maximumf %max3A_2059, %mul3A_2120 : vector<16xf32>
      %get3A_2122 = arith.index_cast %rem3A_94 : i32 to index
      %get3A_2123 = arith.index_cast %add3A_2079 : i32 to index
      %get3A_2124 = arith.constant 96 : index
      %get3A_2125 = tpu.vector_load %arg12[%get3A_2122, %get3A_2123, %get3A_2124] {strides = array<i32>} : memref<2x32x128xf32, #tpu.memory_space<vmem>>, vector<16xf32>,
      %mul3A_2126 = vector.broadcast %squeeze3A_2075 : f32 to vector<16xf32>
      %mul3A_2127 = arith.mulf %get3A_2125, %mul3A_2126 : vector<16xf32>
      %max3A_2128 = arith.maximumf %max3A_2066, %mul3A_2127 : vector<16xf32>
      %get3A_2129 = arith.index_cast %rem3A_94 : i32 to index
      %get3A_2130 = arith.index_cast %add3A_2079 : i32 to index
      %get3A_2131 = arith.constant 112 : index
      %get3A_2132 = tpu.vector_load %arg12[%get3A_2129, %get3A_2130, %get3A_2131] {strides = array<i32>} : memref<2x32x128xf32, #tpu.memory_space<vmem>>, vector<16xf32>,
      %mul3A_2133 = vector.broadcast %squeeze3A_2075 : f32 to vector<16xf32>
      %mul3A_2134 = arith.mulf %get3A_2132, %mul3A_2133 : vector<16xf32>
      %max3A_2135 = arith.maximumf %max3A_2073, %mul3A_2134 : vector<16xf32>
      %swap3A = arith.index_cast %rem3A_94 : i32 to index
      %swap3A_2136 = arith.index_cast %scan3A_127 : i32 to index
      %swap3A_2137 = arith.constant 0 : index
      %swap3A_2138 = tpu.vector_load %arg13[%swap3A, %swap3A_2136, %swap3A_2137] {strides = array<i32>} : memref<2x1x128xf32, #tpu.memory_space<vmem>>, vector<16xf32>,
      tpu.vector_store %arg13[%swap3A, %swap3A_2136, %swap3A_2137], %max3A_2086 {strides = array<i32>} : memref<2x1x128xf32, #tpu.memory_space<vmem>>, vector<16xf32>,
      %swap3A_2139 = arith.index_cast %rem3A_94 : i32 to index
      %swap3A_2140 = arith.index_cast %scan3A_127 : i32 to index
      %swap3A_2141 = arith.constant 16 : index
      %swap3A_2142 = tpu.vector_load %arg13[%swap3A_2139, %swap3A_2140, %swap3A_2141] {strides = array<i32>} : memref<2x1x128xf32, #tpu.memory_space<vmem>>, vector<16xf32>,
      tpu.vector_store %arg13[%swap3A_2139, %swap3A_2140, %swap3A_2141], %max3A_2093 {strides = array<i32>} : memref<2x1x128xf32, #tpu.memory_space<vmem>>, vector<16xf32>,
      %swap3A_2143 = arith.index_cast %rem3A_94 : i32 to index
      %swap3A_2144 = arith.index_cast %scan3A_127 : i32 to index
      %swap3A_2145 = arith.constant 32 : index
      %swap3A_2146 = tpu.vector_load %arg13[%swap3A_2143, %swap3A_2144, %swap3A_2145] {strides = array<i32>} : memref<2x1x128xf32, #tpu.memory_space<vmem>>, vector<16xf32>,
      tpu.vector_store %arg13[%swap3A_2143, %swap3A_2144, %swap3A_2145], %max3A_2100 {strides = array<i32>} : memref<2x1x128xf32, #tpu.memory_space<vmem>>, vector<16xf32>,
      %swap3A_2147 = arith.index_cast %rem3A_94 : i32 to index
      %swap3A_2148 = arith.index_cast %scan3A_127 : i32 to index
      %swap3A_2149 = arith.constant 48 : index
      %swap3A_2150 = tpu.vector_load %arg13[%swap3A_2147, %swap3A_2148, %swap3A_2149] {strides = array<i32>} : memref<2x1x128xf32, #tpu.memory_space<vmem>>, vector<16xf32>,
      tpu.vector_store %arg13[%swap3A_2147, %swap3A_2148, %swap3A_2149], %max3A_2107 {strides = array<i32>} : memref<2x1x128xf32, #tpu.memory_space<vmem>>, vector<16xf32>,
      %swap3A_2151 = arith.index_cast %rem3A_94 : i32 to index
      %swap3A_2152 = arith.index_cast %scan3A_127 : i32 to index
      %swap3A_2153 = arith.constant 64 : index
      %swap3A_2154 = tpu.vector_load %arg13[%swap3A_2151, %swap3A_2152, %swap3A_2153] {strides = array<i32>} : memref<2x1x128xf32, #tpu.memory_space<vmem>>, vector<16xf32>,
      tpu.vector_store %arg13[%swap3A_2151, %swap3A_2152, %swap3A_2153], %max3A_2114 {strides = array<i32>} : memref<2x1x128xf32, #tpu.memory_space<vmem>>, vector<16xf32>,
      %swap3A_2155 = arith.index_cast %rem3A_94 : i32 to index
      %swap3A_2156 = arith.index_cast %scan3A_127 : i32 to index
      %swap3A_2157 = arith.constant 80 : index
      %swap3A_2158 = tpu.vector_load %arg13[%swap3A_2155, %swap3A_2156, %swap3A_2157] {strides = array<i32>} : memref<2x1x128xf32, #tpu.memory_space<vmem>>, vector<16xf32>,
      tpu.vector_store %arg13[%swap3A_2155, %swap3A_2156, %swap3A_2157], %max3A_2121 {strides = array<i32>} : memref<2x1x128xf32, #tpu.memory_space<vmem>>, vector<16xf32>,
      %swap3A_2159 = arith.index_cast %rem3A_94 : i32 to index
      %swap3A_2160 = arith.index_cast %scan3A_127 : i32 to index
      %swap3A_2161 = arith.constant 96 : index
      %swap3A_2162 = tpu.vector_load %arg13[%swap3A_2159, %swap3A_2160, %swap3A_2161] {strides = array<i32>} : memref<2x1x128xf32, #tpu.memory_space<vmem>>, vector<16xf32>,
      tpu.vector_store %arg13[%swap3A_2159, %swap3A_2160, %swap3A_2161], %max3A_2128 {strides = array<i32>} : memref<2x1x128xf32, #tpu.memory_space<vmem>>, vector<16xf32>,
      %swap3A_2163 = arith.index_cast %rem3A_94 : i32 to index
      %swap3A_2164 = arith.index_cast %scan3A_127 : i32 to index
      %swap3A_2165 = arith.constant 112 : index
      %swap3A_2166 = tpu.vector_load %arg13[%swap3A_2163, %swap3A_2164, %swap3A_2165] {strides = array<i32>} : memref<2x1x128xf32, #tpu.memory_space<vmem>>, vector<16xf32>,
      tpu.vector_store %arg13[%swap3A_2163, %swap3A_2164, %swap3A_2165], %max3A_2135 {strides = array<i32>} : memref<2x1x128xf32, #tpu.memory_space<vmem>>, vector<16xf32>,
      %scan3A_2167 = arith.constant 0 : i32
      %scan3A_2168 = arith.constant 1 : i32
      %mul3A_2169 = arith.constant 1 : i32
      %mul3A_2170 = arith.muli %scan3A_92, %mul3A_2169 : i32
      %add3A_2171 = arith.addi %min3A_3, %mul3A_2170 : i32
      %dma_start3A_2172 = arith.constant 0 : i32
      %dma_start3A_2173 = arith.constant 0 : i32
      %dma_start3A_2174 = tpu.memref_slice %arg13[%rem3A_94, %dma_start3A_2172, %dma_start3A_2173] : memref<2x1x128xf32, #tpu.memory_space<vmem>> -> memref<1x1x128xf32, #tpu.memory_space<vmem>>
      %dma_start3A_2175 = tpu.memref_squeeze %dma_start3A_2174 : memref<1x1x128xf32, #tpu.memory_space<vmem>> -> memref<1x128xf32, #tpu.memory_space<vmem>>
      %dma_start3A_2176 = arith.constant 0 : i32
      %dma_start3A_2177 = tpu.memref_slice %arg6[%add3A_2171, %dma_start3A_2176] : memref<10000x128xf32, #tpu.memory_space<hbm>> -> memref<1x128xf32, #tpu.memory_space<hbm>>
      %dma_start3A_2178 = tpu.memref_slice %arg18[%rem3A_94] : memref<2x!tpu.dma_semaphore, #tpu.memory_space<semaphore_mem>> -> memref<1x!tpu.dma_semaphore, #tpu.memory_space<semaphore_mem>>
      %dma_start3A_2179 = tpu.memref_squeeze %dma_start3A_2178 : memref<1x!tpu.dma_semaphore, #tpu.memory_space<semaphore_mem>> -> memref<!tpu.dma_semaphore, #tpu.memory_space<semaphore_mem>>
      %dma_start3A_2180 = arith.constant 0 : i32
      %dma_start3A_2181 = tpu.memref_slice %arg6[%add3A_2171, %dma_start3A_2180] : memref<10000x128xf32, #tpu.memory_space<hbm>> -> memref<1x128xf32, #tpu.memory_space<hbm>>
      %dma_start3A_2182 = arith.constant 0 : i32
      %dma_start3A_2183 = arith.constant 0 : i32
      %dma_start3A_2184 = tpu.memref_slice %arg13[%rem3A_94, %dma_start3A_2182, %dma_start3A_2183] : memref<2x1x128xf32, #tpu.memory_space<vmem>> -> memref<1x1x128xf32, #tpu.memory_space<vmem>>
      %dma_start3A_2185 = tpu.memref_squeeze %dma_start3A_2184 : memref<1x1x128xf32, #tpu.memory_space<vmem>> -> memref<1x128xf32, #tpu.memory_space<vmem>>
      tpu.enqueue_dma source(%dma_start3A_2185 : memref<1x128xf32, #tpu.memory_space<vmem>>) target(%dma_start3A_2181 : memref<1x128xf32, #tpu.memory_space<hbm>>) target_semaphore(%dma_start3A_2179 : memref<!tpu.dma_semaphore, #tpu.memory_space<semaphore_mem>>)
      %scan3A_2186 = arith.constant 0 : i32
      scf.yield %scan3A_2186 : i32
    }
    %scan3A_55 = arith.constant 320 : i32
    %add3A_56 = arith.constant 318 : i32
    %add3A_57 = arith.addi %min3A_3, %add3A_56 : i32
    %dma_wait3A_58 = arith.constant 0 : i32
    %dma_wait3A_59 = arith.constant 0 : i32
    %dma_wait3A_60 = arith.constant 0 : i32
    %dma_wait3A_61 = arith.constant 0 : i32
    %dma_wait3A_62 = tpu.memref_slice %arg13[%dma_wait3A_58, %dma_wait3A_60, %dma_wait3A_61] : memref<2x1x128xf32, #tpu.memory_space<vmem>> -> memref<1x1x128xf32, #tpu.memory_space<vmem>>
    %dma_wait3A_63 = tpu.memref_squeeze %dma_wait3A_62 : memref<1x1x128xf32, #tpu.memory_space<vmem>> -> memref<1x128xf32, #tpu.memory_space<vmem>>
    %dma_wait3A_64 = arith.constant 0 : i32
    %dma_wait3A_65 = tpu.memref_slice %arg6[%add3A_57, %dma_wait3A_64] : memref<10000x128xf32, #tpu.memory_space<hbm>> -> memref<1x128xf32, #tpu.memory_space<hbm>>
    %dma_wait3A_66 = tpu.memref_slice %arg18[%dma_wait3A_59] : memref<2x!tpu.dma_semaphore, #tpu.memory_space<semaphore_mem>> -> memref<1x!tpu.dma_semaphore, #tpu.memory_space<semaphore_mem>>
    %dma_wait3A_67 = tpu.memref_squeeze %dma_wait3A_66 : memref<1x!tpu.dma_semaphore, #tpu.memory_space<semaphore_mem>> -> memref<!tpu.dma_semaphore, #tpu.memory_space<semaphore_mem>>
    %dma_wait3A_68 = arith.constant 0 : i32
    %dma_wait3A_69 = tpu.memref_slice %arg6[%add3A_57, %dma_wait3A_68] : memref<10000x128xf32, #tpu.memory_space<hbm>> -> memref<1x128xf32, #tpu.memory_space<hbm>>
    %dma_wait3A_70 = arith.constant 0 : i32
    %dma_wait3A_71 = arith.constant 0 : i32
    %dma_wait3A_72 = tpu.memref_slice %arg13[%dma_wait3A_58, %dma_wait3A_70, %dma_wait3A_71] : memref<2x1x128xf32, #tpu.memory_space<vmem>> -> memref<1x1x128xf32, #tpu.memory_space<vmem>>
    %dma_wait3A_73 = tpu.memref_squeeze %dma_wait3A_72 : memref<1x1x128xf32, #tpu.memory_space<vmem>> -> memref<1x128xf32, #tpu.memory_space<vmem>>
    tpu.wait_dma2 semaphore(%dma_wait3A_67 : memref<!tpu.dma_semaphore, #tpu.memory_space<semaphore_mem>>) src(%dma_wait3A_73 : memref<1x128xf32, #tpu.memory_space<vmem>>) dst(%dma_wait3A_69 : memref<1x128xf32, #tpu.memory_space<hbm>>)
    %add3A_74 = arith.constant 319 : i32
    %add3A_75 = arith.addi %min3A_3, %add3A_74 : i32
    %dma_wait3A_76 = arith.constant 1 : i32
    %dma_wait3A_77 = arith.constant 1 : i32
    %dma_wait3A_78 = arith.constant 0 : i32
    %dma_wait3A_79 = arith.constant 0 : i32
    %dma_wait3A_80 = tpu.memref_slice %arg13[%dma_wait3A_76, %dma_wait3A_78, %dma_wait3A_79] : memref<2x1x128xf32, #tpu.memory_space<vmem>> -> memref<1x1x128xf32, #tpu.memory_space<vmem>>
    %dma_wait3A_81 = tpu.memref_squeeze %dma_wait3A_80 : memref<1x1x128xf32, #tpu.memory_space<vmem>> -> memref<1x128xf32, #tpu.memory_space<vmem>>
    %dma_wait3A_82 = arith.constant 0 : i32
    %dma_wait3A_83 = tpu.memref_slice %arg6[%add3A_75, %dma_wait3A_82] : memref<10000x128xf32, #tpu.memory_space<hbm>> -> memref<1x128xf32, #tpu.memory_space<hbm>>
    %dma_wait3A_84 = tpu.memref_slice %arg18[%dma_wait3A_77] : memref<2x!tpu.dma_semaphore, #tpu.memory_space<semaphore_mem>> -> memref<1x!tpu.dma_semaphore, #tpu.memory_space<semaphore_mem>>
    %dma_wait3A_85 = tpu.memref_squeeze %dma_wait3A_84 : memref<1x!tpu.dma_semaphore, #tpu.memory_space<semaphore_mem>> -> memref<!tpu.dma_semaphore, #tpu.memory_space<semaphore_mem>>
    %dma_wait3A_86 = arith.constant 0 : i32
    %dma_wait3A_87 = tpu.memref_slice %arg6[%add3A_75, %dma_wait3A_86] : memref<10000x128xf32, #tpu.memory_space<hbm>> -> memref<1x128xf32, #tpu.memory_space<hbm>>
    %dma_wait3A_88 = arith.constant 0 : i32
    %dma_wait3A_89 = arith.constant 0 : i32
    %dma_wait3A_90 = tpu.memref_slice %arg13[%dma_wait3A_76, %dma_wait3A_88, %dma_wait3A_89] : memref<2x1x128xf32, #tpu.memory_space<vmem>> -> memref<1x1x128xf32, #tpu.memory_space<vmem>>
    %dma_wait3A_91 = tpu.memref_squeeze %dma_wait3A_90 : memref<1x1x128xf32, #tpu.memory_space<vmem>> -> memref<1x128xf32, #tpu.memory_space<vmem>>
    tpu.wait_dma2 semaphore(%dma_wait3A_85 : memref<!tpu.dma_semaphore, #tpu.memory_space<semaphore_mem>>) src(%dma_wait3A_91 : memref<1x128xf32, #tpu.memory_space<vmem>>) dst(%dma_wait3A_87 : memref<1x128xf32, #tpu.memory_space<hbm>>)
    return
  }
}

module attributes {stable_mosaic.version = 14 : i64} {
  func.func @_tc_body(%arg0: i32, %arg1: memref<128x512xf32, #tpu.memory_space<vmem>>, %arg2: memref<128x128xf32, #tpu.memory_space<vmem>>, %arg3: memref<8x128xf32, #tpu.memory_space<vmem>>, %arg4: memref<512x128xf32, #tpu.memory_space<vmem>>, %arg5: memref<8x512xf32, #tpu.memory_space<vmem>>) attributes {dimension_semantics = [#tpu.dimension_semantics<arbitrary>], iteration_bounds = array<i64: 20>, scalar_prefetch = 0 : i64, scratch_operands = 0 : i64, tpu.core_type = #tpu.core_type<tc>, window_params = [{transform_indices = @transform_0, window_bounds = array<i64: 128, 512>}, {pipeline_mode = #tpu.pipeline_mode<synchronous>, transform_indices = @transform_1, window_bounds = array<i64: 128, 128>}, {pipeline_mode = #tpu.pipeline_mode<synchronous>, transform_indices = @transform_2, window_bounds = array<i64: 8, 128>}, {transform_indices = @transform_3, window_bounds = array<i64: 512, 128>}, {transform_indices = @transform_4, window_bounds = array<i64: 8, 512>}]} {
    %get3A = arith.constant 0 : index
    %get3A_0 = arith.constant 0 : index
    %get3A_1 = vector.load %arg1[%get3A, %get3A_0] : memref<128x512xf32, #tpu.memory_space<vmem>>, vector<128x512xf32>
    %get3A_2 = arith.constant 0 : index
    %get3A_3 = arith.constant 0 : index
    %get3A_4 = vector.load %arg2[%get3A_2, %get3A_3] : memref<128x128xf32, #tpu.memory_space<vmem>>, vector<128x128xf32>
    %dot_general3A = arith.constant dense<0.000000e+00> : vector<512x128xf32>
    %dot_general3A_5 = tpu.matmul %get3A_1, %get3A_4, %dot_general3A {dimension_numbers = #tpu.dot_dimension_numbers<[0], [1], [1], [0], [0, 1, 1, 0], [], []>, transpose_lhs_hint = false} : vector<128x512xf32>, vector<128x128xf32>, vector<512x128xf32> -> vector<512x128xf32>
    %max3A = arith.constant 0.000000e+00 : f32
    %max3A_6 = vector.broadcast %max3A : f32 to vector<512x128xf32>
    %max3A_7 = arith.maximumf %dot_general3A_5, %max3A_6 : vector<512x128xf32>
    %swap3A = arith.constant 0 : index
    %swap3A_8 = arith.constant 0 : index
    %swap3A_9 = vector.load %arg4[%swap3A, %swap3A_8] : memref<512x128xf32, #tpu.memory_space<vmem>>, vector<512x128xf32>
    tpu.vector_store %arg4[%swap3A, %swap3A_8], %max3A_7 {strides = array<i32>} : memref<512x128xf32, #tpu.memory_space<vmem>>, vector<512x128xf32>,
    %get3A_10 = arith.constant 0 : index
    %get3A_11 = arith.constant 0 : index
    %get3A_12 = vector.load %arg3[%get3A_10, %get3A_11] : memref<8x128xf32, #tpu.memory_space<vmem>>, vector<8x128xf32>
    %dot_general3A_13 = arith.constant dense<0.000000e+00> : vector<8x512xf32>
    %dot_general3A_14 = tpu.matmul %get3A_12, %max3A_7, %dot_general3A_13 {dimension_numbers = #tpu.dot_dimension_numbers<[1], [1], [0], [0], [0, 0, 1, 0], [], []>, transpose_lhs_hint = false} : vector<8x128xf32>, vector<512x128xf32>, vector<8x512xf32> -> vector<8x512xf32>
    %swap3A_15 = arith.constant 0 : index
    %swap3A_16 = arith.constant 0 : index
    %swap3A_17 = vector.load %arg5[%swap3A_15, %swap3A_16] : memref<8x512xf32, #tpu.memory_space<vmem>>, vector<8x512xf32>
    tpu.vector_store %arg5[%swap3A_15, %swap3A_16], %dot_general3A_14 {strides = array<i32>} : memref<8x512xf32, #tpu.memory_space<vmem>>, vector<8x512xf32>,
    return
  }
  func.func @transform_0(%arg0: i32) -> (i32, i32) {
    %c0_i32 = arith.constant 0 : i32
    %c0_i32_0 = arith.constant 0 : i32
    return %c0_i32, %arg0 : i32, i32
  }
  func.func @transform_1(%arg0: i32) -> (i32, i32) {
    %c0_i32 = arith.constant 0 : i32
    %c0_i32_0 = arith.constant 0 : i32
    %c0_i32_1 = arith.constant 0 : i32
    return %c0_i32, %c0_i32_0 : i32, i32
  }
  func.func @transform_2(%arg0: i32) -> (i32, i32) {
    %c0_i32 = arith.constant 0 : i32
    %c0_i32_0 = arith.constant 0 : i32
    %c0_i32_1 = arith.constant 0 : i32
    return %c0_i32, %c0_i32_0 : i32, i32
  }
  func.func @transform_3(%arg0: i32) -> (i32, i32) {
    %c0_i32 = arith.constant 0 : i32
    %c0_i32_0 = arith.constant 0 : i32
    return %arg0, %c0_i32 : i32, i32
  }
  func.func @transform_4(%arg0: i32) -> (i32, i32) {
    %c0_i32 = arith.constant 0 : i32
    %c0_i32_0 = arith.constant 0 : i32
    return %c0_i32, %arg0 : i32, i32
  }
}

</mosaic_0001>

<sc_bundles>
// kernel: kernel.4.cloned.1.call-start
scs
__scs_entry_jumppad:
0x0: {  	(pc) =	sbr.rel $0x88, $3  }
0x1: {  	(tag) =	ssettag $0x0;
	lr =	simm.s32 $0x1  }
0x2: {  	[smem:$0x3F9C] =	sst lr;
	_ =	strace $0xD0000000  }
0x3: {  	_ = 	snop  }
0x4: {  	_ = 	snop  }
0x5: {  	_ = 	snop  }
0x6: {  	_ = 	snop  }
0x7: {  	_ = 	snop  }
__scs_overlays_trampoline_lowered:
0x8: {  	[smem:$0x3FAB] =	sst s0  }
0x9: {  	[smem:$0x3FAC] =	sst s1  }
0xa: {  	[smem:$0x3FAD] =	sst s2  }
0xb: {  	[smem:$0x3FAE] =	sst s3  }
0xc: {  	[smem:$0x3FAF] =	sst s4  }
0xd: {  	[smem:$0x3FB0] =	sst s5  }
0xe: {  	[smem:$0x3FB1] =	sst s6  }
0xf: {  	[smem:$0x3FB2] =	sst s7  }
0x10: {  	[smem:$0x3FB3] =	sst s8  }
0x11: {  	[smem:$0x3FB4] =	sst s9;
	s0 =	simm.s32 @!p0 $0x0  }
0x12: {  	s1 =	sld [smem:$0x3F9A];
	s0 =	simm.s32 @p0 $0x1  }
0x13: {  	[smem:$0x3FB5] =	sst s0;
	s0 =	simm.s32 @!p1 $0x0  }
0x14: {  	s2 =	sld [smem:$0x3F99];
	s0 =	simm.s32 @p1 $0x1  }
0x15: {  	[smem:$0x3FB6] =	sst s0;
	s0 =	simm.s32 @!p2 $0x0  }
0x16: {  	s3 =	sld [smem:$0x3FDB];
	s0 =	simm.s32 @p2 $0x1  }
0x17: {  	s4 =	simm.s32 $0x1BF5;
	[smem:$0x3FB8] =	sst s0  }
0x18: {  	s0 =	sld [smem:$0x3F9B];
	_ =	swait.ge [sflag:s4], $0x0  }
0x19: {  	s7 =	sld [smem:$0x3F9C]  }
0x1a: {  	s8 =	sadd.s32 $0xFFFFE003, lr  }
0x1b: {  	s9 =	sadd.s32 $0xFFFFFEF7, lr;
	s5 =	simm.s32 $0xFFFFFFFF;
	p2 =	slt.u32 s8, $0xFFFFF086  }
0x1c: {  	p1 =	slt.u32 s9, $0xF7A;
	s5 =	simm.s32 @!p2 $0x0  }
0x1d: {  	s5 =	simm.s32 @p1 $0x1;
	p0 =	seq.s32 s7, s2  }
0x1e: {  	s7 =	smul.u32 @!p0 $0xF7A, s2;
	p2 =	seq.s32 @!p0 s5, $0x0  }
0x1f: {  	s9 =	smul.u32 $0xF7A, s1;
	s8 =	simm.s32 @!p0 $0x1BF5;
	p2 =	por !p2, p0  }
0x20: {  	[sflag:s8] =	ssyncset.s32 @!p0 $0xFFFFF086;
	s6 =	sadd.s32 @!p0 s3, s7;
	s7 =	simm.s32 @!p0 $0x108  }
0x21: {  	s3 =	sadd.s32 s3, s9;
	s6 =	sadd.s32 @!p0 $0x88, s6;
	s7 =	simm.s32 @p2 $0x1082  }
0x22: {  	[simem:s7], [sflag:s8] =	dma.local @!p0 [hbm:s6], $0xF7A  }
0x23: {  	s9 =	sor.u32 $0xD0000000, s2;
	s6 =	simm.s32 $0x108;
	_ =	swait.ge @!p0 [sflag:s8], $0x0  }
0x24: {  	s3 =	sadd.s32 $0x88, s3;
	s6 =	simm.s32 @!p1 $0x1082;
	[sflag:s4] =	ssyncset.s32 $0xFFFFF086  }
0x25: {  	[simem:s6], [sflag:s4] =	dma.local [hbm:s3], $0xF7A  }
0x26: {  	[smem:$0x3F9C] =	sst s1;
	(tag) =	ssettag s2;
	_ =	strace s9  }
0x27: {  	s1 =	sld [smem:$0x3FAC]  }
0x28: {  	s2 =	sld [smem:$0x3FAD]  }
0x29: {  	s4 =	sld [smem:$0x3FAF]  }
0x2a: {  	p0 =	seq.s32 s5, $0x0;
	s5 =	sld [smem:$0x3FB0]  }
0x2b: {  	s6 =	sld [smem:$0x3FB1]  }
0x2c: {  	s7 =	sld [smem:$0x3FB2]  }
0x2d: {  	s3 =	simm.s32 $0x108;
	s8 =	sld [smem:$0x3FB3]  }
0x2e: {  	s3 =	simm.s32 @!p0 $0x1082;
	s9 =	sld [smem:$0x3FB4]  }
0x2f: {  	lr =	sadd.s32 s0, s3;
	s0 =	sld [smem:$0x3FAB]  }
0x30: {  	s3 =	sld [smem:$0x3FAE]  }
0x31: {  	[smem:$0x3FB7] =	sst s10  }
0x32: {  	s10 =	sld [smem:$0x3FB5];
	_ =	sdelay $0x3  }
0x33: {  	p0 =	seq.s32 s10, $0x1;
	s10 =	sld [smem:$0x3FB7];
	_ =	sdelay $0x3  }
0x34: {  	[smem:$0x3FB7] =	sst s10  }
0x35: {  	s10 =	sld [smem:$0x3FB6];
	_ =	sdelay $0x3  }
0x36: {  	p1 =	seq.s32 s10, $0x1;
	s10 =	sld [smem:$0x3FB7];
	_ =	sdelay $0x3  }
0x37: {  	[smem:$0x3FB7] =	sst s10  }
0x38: {  	s10 =	sld [smem:$0x3FB8]  }
0x39: {  	_ = 	snop;
	(pc) =	sbr.ind lr, $3  }
0x3a: {  	_ = 	snop  }
0x3b: {  	_ = 	snop  }
0x3c: {  	p2 =	seq.s32 s10, $0x1;
	s10 =	sld [smem:$0x3FB7]  }
0x3d: {  	_ =	shalt  }
0x3e: {  	_ =	shalt  }
0x3f: {  	_ =	shalt  }
0x40: {  	_ =	shalt  }
0x41: {  	_ =	shalt  }
0x42: {  	_ =	shalt  }
0x43: {  	_ =	shalt  }
0x44: {  	_ =	shalt  }
0x45: {  	_ =	shalt  }
0x46: {  	_ =	shalt  }
0x47: {  	_ =	shalt  }
0x48: {  	_ =	shalt  }
0x49: {  	_ =	shalt  }
0x4a: {  	_ =	shalt  }
0x4b: {  	_ =	shalt  }
0x4c: {  	_ =	shalt  }
0x4d: {  	_ =	shalt  }
0x4e: {  	_ =	shalt  }
0x4f: {  	_ =	shalt  }
0x50: {  	_ =	shalt  }
0x51: {  	_ =	shalt  }
0x52: {  	_ =	shalt  }
0x53: {  	_ =	shalt  }
0x54: {  	_ =	shalt  }
0x55: {  	_ =	shalt  }
0x56: {  	_ =	shalt  }
0x57: {  	_ =	shalt  }
0x58: {  	_ =	shalt  }
0x59: {  	_ =	shalt  }
0x5a: {  	_ =	shalt  }
0x5b: {  	_ =	shalt  }
0x5c: {  	_ =	shalt  }
0x5d: {  	_ =	shalt  }
0x5e: {  	_ =	shalt  }
0x5f: {  	_ =	shalt  }
0x60: {  	_ =	shalt  }
0x61: {  	_ =	shalt  }
0x62: {  	_ =	shalt  }
0x63: {  	_ =	shalt  }
0x64: {  	_ =	shalt  }
0x65: {  	_ =	shalt  }
0x66: {  	_ =	shalt  }
0x67: {  	_ =	shalt  }
0x68: {  	_ =	shalt  }
0x69: {  	_ =	shalt  }
0x6a: {  	_ =	shalt  }
0x6b: {  	_ =	shalt  }
0x6c: {  	_ =	shalt  }
0x6d: {  	_ =	shalt  }
0x6e: {  	_ =	shalt  }
0x6f: {  	_ =	shalt  }
0x70: {  	_ =	shalt  }
0x71: {  	_ =	shalt  }
0x72: {  	_ =	shalt  }
0x73: {  	_ =	shalt  }
0x74: {  	_ =	shalt  }
0x75: {  	_ =	shalt  }
0x76: {  	_ =	shalt  }
0x77: {  	_ =	shalt  }
0x78: {  	_ =	shalt  }
0x79: {  	_ =	shalt  }
0x7a: {  	_ =	shalt  }
0x7b: {  	_ =	shalt  }
0x7c: {  	_ =	shalt  }
0x7d: {  	_ =	shalt  }
0x7e: {  	_ =	shalt  }
0x7f: {  	_ =	shalt  }
0x80: {  	_ =	shalt  }
0x81: {  	_ =	shalt  }
0x82: {  	_ =	shalt  }
0x83: {  	_ =	shalt  }
0x84: {  	_ =	shalt  }
0x85: {  	_ =	shalt  }
0x86: {  	_ =	shalt  }
0x87: {  	_ =	shalt  }
.Lfunc_end0:
.L_simem_size_0:
called_computation_lowered:
.L_overlay_start_0:
0x88: {  	s2 =	sld [smem:$0x3FD9]  }
0x89: {  	s3 =	sld [smem:$0x3FFE];
	_ =	sdelay $0x1  }
0x8a: {  	s1 =	srdreg.scid  }
0x8b: {  	s0 =	sand.u32 $0x1, s1  }
0x8c: {  	s17 =	sshll.u32 s0, $0xA;
	s2 =	sadd.s32 s3, s2  }
0x8d: {  	s2 =	sadd.s32 s2, s17  }
0x8e: {  	[smem:$0x3FC3] =	sst s2  }
0x8f: {  	_ = 	snop  }
0x90: {  	s2 =	sld [smem:$0x3FD0];
	(tm) =	ssettm $0x1  }
0x91: {  	s18 =	sld [smem:$0x3FFB];
	_ =	sdelay $0x3  }
0x92: {  	_ =	strace s18  }
0x93: {  	s3 =	sld [smem:$0x3FFC];
	_ =	sdelay $0x3  }
0x94: {  	_ =	strace s3  }
0x95: {  	s3 =	sld [smem:$0x3FFD];
	_ =	sdelay $0x3  }
0x96: {  	_ =	strace s3  }
0x97: {  	_ =	strace $0x8FFFFFFF  }
0x98: {  	s19 =	sld [smem:$0x3FDB];
	_ =	sdelay $0x1  }
0x99: {  	s4 =	simm.s32 $_scs_section_size  }
0x9a: {  	s5 =	simm.s32 $_size__tile_overlayer_lowered;
	s6 =	simm.s32 $_tile_overlayer_lowered  }
0x9b: {  	s22 =	simm.s32 $0x1BFF;
	s21 =	sshll.u32 s6, $0x1;
	s3 =	sadd.s32 s4, s19  }
0x9c: {  	s7 =	simm.s32 $0x0;
	s20 =	sshll.u32 s5, $0x1;
	s5 =	sadd.s32 s21, s3  }
0x9d: {  	[timem:s7], [sflag:s22] =	dma.local [hbm:s5], s20  }
0x9e: {  	_ =	swait.ge [sflag:s22], s20  }
0x9f: {  	s4 =	ssub.s32 $0x0, s20;
	[sflag:s22] =	ssyncset.done $0x0  }
0xa0: {  	[sflag:s22] =	ssyncadd.s32 s4;
	_ =	sdelay $0x1  }
0xa1: {  	s23 =	simm.s32 $0x1B8B  }
0xa2: {  	_ =	swait.ge [sflag:s23], $0x1  }
0xa3: {  	[sflag:s23] =	ssyncset.done $0x0  }
0xa4: {  	s25 =	simm.s32 $0x1B8E;
	s24 =	sld [smem:$0x3FFE];
	[sflag:s23] =	ssyncadd.s32 $0xFFFFFFFF  }
0xa5: {  	s26 =	simm.s32 $execute0_lowered;
	[smem:$0x3FD2] =	sst s25  }
0xa6: {  	s5 =	sshll.u32 s26, $0x1;
	_ =	strace $0x80000046;
	[dreg:$0x1] =	wrdreg $0xFFFFFFFF  }
0xa7: {  	s28 =	simm.s32 $_size_execute0_lowered;
	s3 =	sadd.s32 s3, s5;
	[dreg:$0x0] =	wrdreg $0x0  }
0xa8: {  	s5 =	sshll.u32 s28, $0x1;
	[dreg:$0x2] =	wrdreg s3  }
0xa9: {  	[dreg:$0x3] =	wrdreg s5  }
0xaa: {  	[dreg:$0x4] =	wrdreg $0xC0  }
0xab: {  	_ =	task [dreg:s7], $0x5FFFF  }
0xac: {  	[dreg:$0x1] =	wrdreg $0xFFFFFFFF  }
0xad: {  	[dreg:$0x0] =	wrdreg $0x60  }
0xae: {  	[dreg:$0x2] =	wrdreg s24  }
0xaf: {  	[dreg:$0x3] =	wrdreg s2  }
0xb0: {  	[dreg:$0x4] =	wrdreg $0x9A800  }
0xb1: {  	[dreg:$0x5] =	wrdreg $0x9  }
0xb2: {  	_ =	task.clear_ibuf [dreg:s7], $0x6FFFF;
	_ =	strace $0x90000046  }
0xb3: {  	s29 =	simm.s32 $0x9;
	_ =	strace $0x80000048  }
0xb4: {  	_ =	swait.ge [sflag:s29], $0x1  }
0xb5: {  	[sflag:s29] =	ssyncadd.s32 $0xFFFFFFFF  }
0xb6: {  	_ =	strace $0x90000048  }
0xb7: {  	_ =	sfence  }
0xb8: {  	s30 =	sld [smem:$0x0];
	_ =	sdelay $0x2  }
0xb9: {  	s31 =	sshll.u32 s1, $0xD;
	s1 =	sshrl.u32 s1, $0x2  }
0xba: {  	s3 =	sand.u32 $0x4000, s31;
	s1 =	sadd.s32 s1, s30  }
0xbb: {  	s0 =	sor.u32 s3, s0;
	s1 =	sshll.u32 s1, $0x11  }
0xbc: {  	s0 =	sor.u32 s1, s0  }
0xbd: {  	s0 =	sadd.s32 $0x8F2B, s0  }
0xbe: {  	[sflag:s0] =	ssyncadd.remote.s32 $0x1  }
0xbf: {  	_ =	sfence.sel $0xFFFF  }
0xc0: {  	[dreg:$0x0] =	wrdreg $0xFFFFFFFF;
	(pc) =	sbr.abs _section_cstart, $3  }
0xc1: {  	[dreg:$0x1] =	wrdreg $0xFFFFFFFF  }
0xc2: {  	_ =	task.clear_ibuf [dreg:s7], $0x2FFFF;
	_ =	strace $0x9FFFFFFF  }
0xc3: {  	(tm) =	ssettm $0x7FFFFFFF  }
tec
execute0_lowered:
.L_overlay_start_1:
0x0: {  	(tag) =	ssettag $0x1  }
0x1: {  	s6 =	rddreg [dreg:$0x0]  }
0x2: {  	s0 =	stileid.u32;
	s2 =	rddreg [dreg:$0x1]  }
0x3: {  	s1 =	srdreg.scid;
	s3 =	rddreg [dreg:$0x2];
	s4 =	simm.s32 $0x0  }
0x4: {  	s16 =	simm.s32 $0x3;
	s17 =	simm.s32 $0x20;
	s18 =	simm.s32 $0x7980  }
0x5: {  	s19 =	simm.s32 $0x5;
	s20 =	simm.s32 $0x6;
	s8 =	smul.u32 $0x2800, s0  }
0x6: {  	s21 =	simm.s32 $0x0;
	s7 =	sand.u32 $0x1, s1;
	s11 =	smul.u32 $0x50000, s0  }
0x7: {  	s28 =	sshll.u32 s0, $0x1;
	[smem:$0x7FF] =	sst s4;
	s12 =	smul.u32 $0x280, s0  }
0x8: {  	s30 =	sshll.u32 s0, $0x6;
	s1 =	sor.u32 s7, s28;
	s14 =	smul.u32 $0x140, s7  }
0x9: {  	s29 =	ssub.s32 $0x2, s7;
	s7 =	sor.u32 $0x1C03, s30;
	s5 =	smul.u32 $0x140, s1  }
0xa: {  	s1 =	rddreg [dreg:$0x3];
	_ =	strace $0x80000047;
	s13 =	sshrl.u32 s29, $0x1  }
0xb: {  	s8 =	sadd.s32 s8, s6;
	s11 =	sshrl.u32 s11, $0x2;
	s13 =	ssub.s32 s29, s13  }
0xc: {  	s15 =	sadd.s32 s11, s3;
	s31 =	sadd.s32 s14, s12;
	s14 =	simm.s32 $0x4  }
0xd: {  	s9 =	smin.u32 s5, $0x25D0;
	s11 =	smin.u32 s31, $0x25D0;
	s12 =	sshrl.u32 s15, $0x3  }
0xe: {  	v0 =	vlaneseq.u32;
	s15 =	simm.s32 $0x5180;
	s5 =	sshrl.u32 s9, $0x3;
	s9 =	sshll.u32 s9, $0x2  }
0xf: {  	v1 =	vmul.u32 $0x20, v0;
	s11 =	sshll.u32 s11, $0x4;
	s10 =	sadd.s32 s5, s6;
	s5 =	sadd.s32 $0x29400, s6  }
0x10: {  	s9 =	sadd.s32 s9, s6;
	s6 =	sadd.s32 $0x1400, s8;
	s8 =	sadd.s32 $0x29A00, s10  }
0x11: {  	[tilespmem:$0x1FFF0] =	vst v1;
	s9 =	sadd.s32 $0x2A000, s9;
	s10 =	smax.u32 s13, $0x1;
	s13 =	simm.s32 $0x2980  }
.LBB2_1:
0x12: {  	[spmem:s12], [sflag:s7] =	dma.local [hbm:s6], $0x2800  }
0x13: {  	[tilespmem:s4], [sflag:$0x4] =	stream.linear.gather [hbm4b:s5+s4], $0x2800, $0x38;
	[tilespmem:$0x1DA80] =	vst v63  }
0x14: {  	s22 =	simm.s32 $0x2800  }
0x15: {  	[tilespmem:s22], [sflag:$0x4] =	stream.linear.gather [hbm4b:s8+s4], $0x140, $0x38;
	[tilespmem:$0x1DA80] =	vst v63  }
0x16: {  	_ = 	snop  }
0x17: {  	[tilespmem:s13], [sflag:$0x4] =	stream.linear.gather [hbm4b:s9+s4], $0x2800, $0x38;
	[tilespmem:$0x1DA80] =	vst v63  }
0x18: {  	_ =	swait.ge [sflag:s14], $0x2800  }
0x19: {  	v0 =	vmov s4;
	[sflag:s14] =	ssyncset.done $0x0  }
0x1a: {  	v0 =	vshll.u32 v0, $0x5;
	[sflag:s14] =	ssyncadd.s32 $0xFFFFD800  }
0x1b: {  	v2 =	vor.u32 v1, v0;
	_ =	swait.ge [sflag:s14], $0x140  }
0x1c: {  	v7 =	vor.u32 $0x2, v2;
	[sflag:s14] =	ssyncset.done $0x0  }
0x1d: {  	v9 =	vor.u32 $0x3, v2;
	[sflag:s14] =	ssyncadd.s32 $0xFFFFFEC0  }
0x1e: {  	v6 =	vor.u32 $0x4, v2;
	_ =	swait.ge [sflag:s14], $0x2800  }
0x1f: {  	v11 =	vor.u32 $0x5, v2;
	[sflag:s14] =	ssyncset.done $0x0  }
0x20: {  	v5 =	vor.u32 $0x13, v2;
	[sflag:s14] =	ssyncadd.s32 $0xFFFFD800  }
0x21: {  	v0 =	vld.idx.msk [tilespmem:v7+s13+$0x0], $0xffff  }
0x22: {  	v8 =	vor.u32 $0x7, v2;
	v1 =	vld.idx.msk [tilespmem:v9+s13+$0x0], $0xffff  }
0x23: {  	v15 =	vor.u32 $0x9, v2;
	v3 =	vld.idx.msk [tilespmem:v6+s13+$0x0], $0xffff  }
0x24: {  	v13 =	vor.u32 $0x1, v2;
	v4 =	vld.idx.msk [tilespmem:v11+s13+$0x0], $0xffff  }
0x25: {  	v12 =	vor.u32 $0x6, v2;
	v27 =	vld.idx.msk [tilespmem:v5+s13+$0x0], $0xffff  }
0x26: {  	v33 =	vld [tilespmem:s22+$0x0]  }
0x27: {  	[tilespmem:$0x1FFA0] =	vst v8;
	v18 =	vld.idx.msk [tilespmem:v8+s13+$0x0], $0xffff;
	v8 =	vor.u32 $0x8, v2  }
0x28: {  	[tilespmem:$0x1FFC0] =	vst v15;
	v20 =	vld.idx.msk [tilespmem:v15+s13+$0x0], $0xffff;
	v15 =	vor.u32 $0xD, v2  }
0x29: {  	v14 =	vld.idx.msk [tilespmem:v13+s13+$0x0], $0xffff  }
0x2a: {  	v16 =	vld.idx.msk [tilespmem:v12+s13+$0x0], $0xffff  }
0x2b: {  	v17 =	vld.idx.msk [tilespmem:v2+s13+$0x0], $0xffff  }
0x2c: {  	v19 =	vld.idx.msk [tilespmem:v8+s13+$0x0], $0xffff  }
0x2d: {  	v28 =	vld.idx.msk [tilespmem:v15+s13+$0x0], $0xffff  }
0x2e: {  	v0 =	vld.idx.msk [tilespmem:v0+s4+$0x0], $0xffff  }
0x2f: {  	v10 =	vor.u32 $0xA, v2;
	v1 =	vld.idx.msk [tilespmem:v1+s4+$0x0], $0xffff  }
0x30: {  	v3 =	vld.idx.msk [tilespmem:v3+s4+$0x0], $0xffff  }
0x31: {  	v22 =	vld.idx.msk [tilespmem:v4+s4+$0x0], $0xffff  }
0x32: {  	v23 =	vld.idx.msk [tilespmem:v14+s4+$0x0], $0xffff  }
0x33: {  	v24 =	vld.idx.msk [tilespmem:v18+s4+$0x0], $0xffff  }
0x34: {  	[tilespmem:$0x1FFB0] =	vst v8;
	v8 =	vor.u32 $0xC, v2;
	v18 =	vld.idx.msk [tilespmem:v10+s13+$0x0], $0xffff  }
0x35: {  	v14 =	vor.u32 $0xB, v2;
	v25 =	vld.idx.msk [tilespmem:v17+s4+$0x0], $0xffff  }
0x36: {  	v4 =	vor.u32 $0xE, v2;
	v26 =	vld.idx.msk [tilespmem:v16+s4+$0x0], $0xffff  }
0x37: {  	v31 =	vld.idx.msk [tilespmem:v20+s4+$0x0], $0xffff  }
0x38: {  	v17 =	vor.u32 $0xF, v2;
	v53 =	vld.idx.msk [tilespmem:v27+s4+$0x0], $0xffff  }
0x39: {  	v36 =	vld.idx.msk [tilespmem:v8+s13+$0x0], $0xffff  }
0x3a: {  	v20 =	vor.u32 $0x11, v2;
	v21 =	vld.idx.msk [tilespmem:v14+s13+$0x0], $0xffff  }
0x3b: {  	v29 =	vld.idx.msk [tilespmem:v4+s13+$0x0], $0xffff  }
0x3c: {  	v30 =	vld.idx.msk [tilespmem:v19+s4+$0x0], $0xffff;
	v19 =	vor.u32 $0x10, v2;
	v0 =	vadd.f32 v0, v33;
	v1 =	vadd.f32 v1, v33  }
0x3d: {  	v3 =	vadd.f32 v3, v33;
	v40 =	vld.idx.msk [tilespmem:v17+s13+$0x0], $0xffff;
	v34 =	vadd.f32 v22, v33  }
0x3e: {  	v23 =	vadd.f32 v23, v33;
	v28 =	vld.idx.msk [tilespmem:v28+s4+$0x0], $0xffff;
	v22 =	vor.u32 $0x12, v2;
	v24 =	vadd.f32 v24, v33  }
0x3f: {  	v43 =	vld.idx.msk [tilespmem:v20+s13+$0x0], $0xffff;
	v25 =	vadd.f32 v25, v33;
	v37 =	vmul.f32 $2.000000030e-01, v0;
	v41 =	vmul.f32 $2.000000030e-01, v3  }
0x40: {  	v26 =	vadd.f32 v26, v33;
	v35 =	vmul.f32 $2.000000030e-01, v34;
	v39 =	vmul.f32 $2.000000030e-01, v23;
	v32 =	vld.idx.msk [tilespmem:v18+s4+$0x0], $0xffff  }
0x41: {  	v31 =	vadd.f32 v31, v33;
	v44 =	vmul.f32 $2.000000030e-01, v1;
	v57 =	vmul.f32 $2.000000030e-01, v25;
	v42 =	vld.idx.msk [tilespmem:v19+s13+$0x0], $0xffff  }
0x42: {  	v16 =	vmovc v4;
	v58 =	vmul.f32 $2.000000030e-01, v26;
	v18 =	vor.u32 $0x15, v2;
	v38 =	vld.idx.msk [tilespmem:v21+s4+$0x0], $0xffff;
	v21 =	vor.u32 $0x14, v2  }
0x43: {  	v4 =	vmax.f32 v34, v35;
	v59 =	vmax.f32 v23, v39;
	v46 =	vmax.f32 v1, v44;
	v47 =	vld.idx.msk [tilespmem:v36+s4+$0x0], $0xffff  }
0x44: {  	v1 =	vmul.f32 $2.000000030e-01, v24;
	v37 =	vmax.f32 v0, v37;
	v35 =	vmax.f32 v25, v57;
	v48 =	vld.idx.msk [tilespmem:v22+s13+$0x0], $0xffff  }
0x45: {  	v23 =	vor.u32 $0x16, v2;
	v56 =	vmax.f32 v26, v58;
	v25 =	vmax.f32 v35, v59;
	v45 =	vld.idx.msk [tilespmem:v29+s4+$0x0], $0xffff  }
0x46: {  	v60 =	vmax.f32 v24, v1;
	v26 =	vmax.f32 v25, v37;
	v25 =	vor.u32 $0x18, v2;
	v1 =	vld.idx.msk [tilespmem:v40+s4+$0x0], $0xffff  }
0x47: {  	v0 =	vadd.f32 v30, v33;
	v62 =	vmax.f32 v26, v46;
	v26 =	vor.u32 $0x19, v2;
	v29 =	vld.idx.msk [tilespmem:v21+s13+$0x0], $0xffff  }
0x48: {  	v53 =	vadd.f32 v53, v33;
	v61 =	vmul.f32 $2.000000030e-01, v31;
	v49 =	vld.idx.msk [tilespmem:v18+s13+$0x0], $0xffff  }
0x49: {  	v44 =	vmax.f32 v3, v41;
	v24 =	vor.u32 $0x17, v2;
	v30 =	vmul.f32 $2.000000030e-01, v0;
	v3 =	vld.idx.msk [tilespmem:v43+s4+$0x0], $0xffff  }
0x4a: {  	v34 =	vmax.f32 v31, v61;
	v32 =	vadd.f32 v32, v33;
	v50 =	vmax.f32 v62, v44;
	v43 =	vld.idx.msk [tilespmem:v23+s13+$0x0], $0xffff  }
0x4b: {  	v31 =	vor.u32 $0x1C, v2;
	v40 =	vmax.f32 v0, v30;
	v0 =	vmax.f32 v50, v4;
	v55 =	vld.idx.msk [tilespmem:v25+s13+$0x0], $0xffff  }
0x4c: {  	v50 =	vadd.f32 v28, v33;
	v63 =	vmul.f32 $2.000000030e-01, v32;
	v58 =	vld.idx.msk [tilespmem:v26+s13+$0x0], $0xffff;
	v51 =	vadd.f32 v38, v33  }
0x4d: {  	v30 =	vor.u32 $0x1B, v2;
	v28 =	vor.u32 $0x1E, v2;
	v0 =	vmax.f32 v0, v56;
	v42 =	vld.idx.msk [tilespmem:v42+s4+$0x0], $0xffff  }
0x4e: {  	v0 =	vmax.f32 v0, v60;
	v38 =	vmax.f32 v32, v63;
	v32 =	vld.idx.msk [tilespmem:v24+s13+$0x0], $0xffff;
	v27 =	vmul.f32 $2.000000030e-01, v51  }
0x4f: {  	[tilespmem:$0x1FFD0] =	vst v46;
	v54 =	vmul.f32 $2.000000030e-01, v50;
	v57 =	vmax.f32 v0, v40;
	v45 =	vadd.f32 v45, v33;
	v52 =	vld.idx.msk [tilespmem:v29+s4+$0x0], $0xffff  }
0x50: {  	[tilespmem:$0x1FFE0] =	vst v60;
	v48 =	vld.idx.msk [tilespmem:v48+s4+$0x0], $0xffff;
	v46 =	vmax.f32 v51, v27;
	v51 =	vadd.f32 v47, v33;
	v29 =	vor.u32 $0x1A, v2  }
0x51: {  	v60 =	vadd.f32 v1, v33;
	v41 =	vmax.f32 v50, v54;
	v3 =	vadd.f32 v3, v33;
	v61 =	vld.idx.msk [tilespmem:v49+s4+$0x0], $0xffff  }
0x52: {  	v57 =	vmax.f32 v57, v34;
	v36 =	vmul.f32 $2.000000030e-01, v45;
	v54 =	vld.idx.msk [tilespmem:v43+s4+$0x0], $0xffff;
	v1 =	vmul.f32 $2.000000030e-01, v51  }
0x53: {  	v27 =	vor.u32 $0x1D, v2;
	v43 =	vmul.f32 $2.000000030e-01, v60;
	v49 =	vadd.f32 v42, v33;
	v55 =	vld.idx.msk [tilespmem:v55+s4+$0x0], $0xffff  }
0x54: {  	v47 =	vmax.f32 v45, v36;
	v36 =	vmax.f32 v51, v1;
	v51 =	vld.idx.msk [tilespmem:v30+s13+$0x0], $0xffff;
	v45 =	vadd.f32 v52, v33  }
0x55: {  	v39 =	vmax.f32 v60, v43;
	v60 =	vmul.f32 $2.000000030e-01, v3;
	v50 =	vmul.f32 $2.000000030e-01, v49;
	v62 =	vld.idx.msk [tilespmem:v29+s13+$0x0], $0xffff  }
0x56: {  	v57 =	vmax.f32 v57, v38;
	v52 =	vld.idx.msk [tilespmem:v32+s4+$0x0], $0xffff;
	v32 =	vor.u32 $0x1F, v2;
	v43 =	vmul.f32 $2.000000030e-01, v45  }
0x57: {  	v58 =	vld.idx.msk [tilespmem:v58+s4+$0x0], $0xffff;
	v50 =	vmax.f32 v49, v50;
	v49 =	vmax.f32 v3, v60;
	v3 =	vmul.f32 $2.000000030e-01, v53  }
0x58: {  	v57 =	vmax.f32 v57, v46;
	v48 =	vadd.f32 v48, v33;
	v60 =	vld.idx.msk [tilespmem:v31+s13+$0x0], $0xffff;
	v45 =	vmax.f32 v45, v43  }
0x59: {  	v63 =	vld.idx.msk [tilespmem:v27+s13+$0x0], $0xffff;
	v43 =	vmax.f32 v53, v3;
	v3 =	vmax.f32 v57, v36;
	v53 =	vadd.f32 v61, v33  }
0x5a: {  	v42 =	vmul.f32 $2.000000030e-01, v48;
	v54 =	vadd.f32 v54, v33;
	v57 =	vld.idx.msk [tilespmem:v28+s13+$0x0], $0xffff;
	v3 =	vmax.f32 v3, v41  }
0x5b: {  	v1 =	vld.idx.msk [tilespmem:v32+s13+$0x0], $0xffff;
	v52 =	vadd.f32 v52, v33;
	v3 =	vmax.f32 v3, v47;
	v0 =	vmul.f32 $2.000000030e-01, v53  }
0x5c: {  	v42 =	vmax.f32 v48, v42;
	v48 =	vmul.f32 $2.000000030e-01, v54;
	v61 =	vld.idx.msk [tilespmem:v51+s4+$0x0], $0xffff;
	v3 =	vmax.f32 v3, v39  }
0x5d: {  	v62 =	vld.idx.msk [tilespmem:v62+s4+$0x0], $0xffff;
	v53 =	vmax.f32 v53, v0;
	v0 =	vmax.f32 v3, v50;
	v3 =	vmul.f32 $2.000000030e-01, v52  }
0x5e: {  	v51 =	vmax.f32 v54, v48  }
0x5f: {  	v0 =	vmax.f32 v0, v49;
	v48 =	vmax.f32 v52, v3;
	v3 =	vadd.f32 v58, v33  }
0x60: {  	v54 =	vadd.f32 v55, v33;
	v0 =	vmax.f32 v0, v42;
	v52 =	vld.idx.msk [tilespmem:v60+s4+$0x0], $0xffff  }
0x61: {  	v55 =	vld.idx.msk [tilespmem:v63+s4+$0x0], $0xffff;
	v61 =	vadd.f32 v61, v33;
	v0 =	vmax.f32 v0, v43;
	v63 =	vmul.f32 $2.000000030e-01, v3  }
0x62: {  	v60 =	vmul.f32 $2.000000030e-01, v54;
	v0 =	vmax.f32 v0, v45;
	v57 =	vld.idx.msk [tilespmem:v57+s4+$0x0], $0xffff;
	v58 =	vadd.f32 v62, v33  }
0x63: {  	v0 =	vmax.f32 v0, v53;
	v1 =	vld.idx.msk [tilespmem:v1+s4+$0x0], $0xffff;
	v63 =	vmax.f32 v3, v63;
	v3 =	vmul.f32 $2.000000030e-01, v61  }
0x64: {  	v62 =	vmax.f32 v54, v60;
	v0 =	vmax.f32 v0, v51;
	v54 =	vmul.f32 $2.000000030e-01, v58  }
0x65: {  	v0 =	vmax.f32 v0, v48;
	v60 =	vadd.f32 v52, v33;
	v52 =	vmax.f32 v61, v3  }
0x66: {  	v0 =	vmax.f32 v0, v62;
	v3 =	vadd.f32 v55, v33;
	v58 =	vmax.f32 v58, v54  }
0x67: {  	v0 =	vmax.f32 v0, v63;
	v55 =	vadd.f32 v57, v33;
	v61 =	vmul.f32 $2.000000030e-01, v60  }
0x68: {  	v1 =	vadd.f32 v1, v33;
	v0 =	vmax.f32 v0, v58;
	v33 =	vmul.f32 $2.000000030e-01, v3  }
0x69: {  	v61 =	vmax.f32 v60, v61;
	v0 =	vmax.f32 v0, v52;
	v57 =	vmul.f32 $2.000000030e-01, v55  }
0x6a: {  	v60 =	vmax.f32 v3, v33;
	v0 =	vmax.f32 v0, v61;
	v3 =	vmul.f32 $2.000000030e-01, v1  }
0x6b: {  	v54 =	vmax.f32 v55, v57;
	v0 =	vmax.f32 v0, v60  }
0x6c: {  	v55 =	vmax.f32 v1, v3;
	v0 =	vmax.f32 v0, v54  }
0x6d: {  	v57 =	vmax.f32 v0, v55  }
0x6e: {  	v0 =	vsub.f32 v35, v57;
	_ =	sdelay $0x1  }
0x6f: {  	v0 =	vmul.f32 $1.442695020e+00, v0;
	_ =	sdelay $0x1  }
0x70: {  	(erf) = vpow2.f32 v0;
	v0 =	vld [tilespmem:$0x1FFD0]  }
0x71: {  	v1 =	vsub.f32 v59, v57;
	_ =	sdelay $0x1  }
0x72: {  	v3 =	vsub.f32 v37, v57;
	v1 =	vmul.f32 $1.442695020e+00, v1;
	_ =	sdelay $0x1  }
0x73: {  	v3 =	vmul.f32 $1.442695020e+00, v3;
	(erf) = vpow2.f32 v1;
	v0 =	vsub.f32 v0, v57  }
0x74: {  	v1 =	vsub.f32 v44, v57  }
0x75: {  	(erf) = vpow2.f32 v3;
	v0 =	vmul.f32 $1.442695020e+00, v0  }
0x76: {  	v1 =	vmul.f32 $1.442695020e+00, v1  }
0x77: {  	(erf) = vpow2.f32 v0  }
0x78: {  	(erf) = vpow2.f32 v1;
	v1 =	vld [tilespmem:$0x1FFE0]  }
0x79: {  	v3 =	vsub.f32 v4, v57  }
0x7a: {  	v0 =	vsub.f32 v56, v57  }
0x7b: {  	v3 =	vmul.f32 $1.442695020e+00, v3;
	v56 =	vpop (erf)  }
0x7c: {  	v59 =	vpop (erf);
	v0 =	vmul.f32 $1.442695020e+00, v0  }
0x7d: {  	(erf) = vpow2.f32 v3;
	v37 =	vadd.f32 v59, v56;
	v1 =	vsub.f32 v1, v57  }
0x7e: {  	v33 =	vpop (erf)  }
0x7f: {  	(erf) = vpow2.f32 v0;
	v35 =	vadd.f32 v37, v33;
	v1 =	vmul.f32 $1.442695020e+00, v1  }
0x80: {  	v3 =	vsub.f32 v40, v57  }
0x81: {  	v0 =	vsub.f32 v34, v57;
	v34 =	vpop (erf);
	(erf) = vpow2.f32 v1  }
0x82: {  	v3 =	vmul.f32 $1.442695020e+00, v3;
	v40 =	vadd.f32 v35, v34  }
0x83: {  	v0 =	vmul.f32 $1.442695020e+00, v0;
	v35 =	vpop (erf)  }
0x84: {  	v1 =	vsub.f32 v38, v57;
	(erf) = vpow2.f32 v3;
	v37 =	vadd.f32 v40, v35  }
0x85: {  	v3 =	vsub.f32 v46, v57  }
0x86: {  	v1 =	vmul.f32 $1.442695020e+00, v1;
	(erf) = vpow2.f32 v0;
	v0 =	vsub.f32 v36, v57;
	v36 =	vpop (erf)  }
0x87: {  	v44 =	vadd.f32 v37, v36  }
0x88: {  	v3 =	vmul.f32 $1.442695020e+00, v3;
	(erf) = vpow2.f32 v1;
	v37 =	vpop (erf)  }
0x89: {  	v46 =	vadd.f32 v44, v37  }
0x8a: {  	(erf) = vpow2.f32 v3;
	v38 =	vpop (erf)  }
0x8b: {  	v1 =	vsub.f32 v41, v57;
	v0 =	vmul.f32 $1.442695020e+00, v0;
	v40 =	vadd.f32 v46, v38;
	_ =	sdelay $0x1  }
0x8c: {  	v1 =	vmul.f32 $1.442695020e+00, v1;
	(erf) = vpow2.f32 v0;
	v0 =	vsub.f32 v39, v57;
	v39 =	vpop (erf)  }
0x8d: {  	v3 =	vsub.f32 v47, v57;
	v47 =	vadd.f32 v40, v39  }
0x8e: {  	(erf) = vpow2.f32 v1;
	v40 =	vpop (erf)  }
0x8f: {  	v3 =	vmul.f32 $1.442695020e+00, v3;
	v1 =	vsub.f32 v50, v57;
	v50 =	vadd.f32 v47, v40  }
0x90: {  	v0 =	vmul.f32 $1.442695020e+00, v0;
	v41 =	vpop (erf)  }
0x91: {  	(erf) = vpow2.f32 v3;
	v44 =	vadd.f32 v50, v41  }
0x92: {  	(erf) = vpow2.f32 v0;
	v0 =	vsub.f32 v42, v57;
	v42 =	vpop (erf)  }
0x93: {  	v1 =	vmul.f32 $1.442695020e+00, v1;
	v44 =	vadd.f32 v44, v42  }
0x94: {  	v3 =	vsub.f32 v49, v57  }
0x95: {  	(erf) = vpow2.f32 v1;
	v1 =	vsub.f32 v43, v57;
	v43 =	vpop (erf)  }
0x96: {  	v3 =	vmul.f32 $1.442695020e+00, v3;
	v49 =	vadd.f32 v44, v43  }
0x97: {  	v44 =	vpop (erf)  }
0x98: {  	v0 =	vmul.f32 $1.442695020e+00, v0;
	(erf) = vpow2.f32 v3;
	v46 =	vadd.f32 v49, v44;
	_ =	sdelay $0x1  }
0x99: {  	v1 =	vmul.f32 $1.442695020e+00, v1;
	v3 =	vsub.f32 v45, v57;
	(erf) = vpow2.f32 v0;
	v45 =	vpop (erf)  }
0x9a: {  	v50 =	vadd.f32 v46, v45  }
0x9b: {  	v3 =	vmul.f32 $1.442695020e+00, v3;
	(erf) = vpow2.f32 v1;
	v46 =	vpop (erf)  }
0x9c: {  	v0 =	vsub.f32 v53, v57;
	v53 =	vadd.f32 v50, v46  }
0x9d: {  	(erf) = vpow2.f32 v3;
	v47 =	vpop (erf)  }
0x9e: {  	v1 =	vsub.f32 v51, v57;
	v0 =	vmul.f32 $1.442695020e+00, v0;
	v49 =	vadd.f32 v53, v47  }
0x9f: {  	v3 =	vsub.f32 v48, v57  }
0xa0: {  	v1 =	vmul.f32 $1.442695020e+00, v1;
	(erf) = vpow2.f32 v0;
	v48 =	vpop (erf)  }
0xa1: {  	v0 =	vmul.f32 $1.442695020e+00, v3;
	v3 =	vsub.f32 v62, v57;
	v62 =	vadd.f32 v49, v48  }
0xa2: {  	(erf) = vpow2.f32 v1;
	v49 =	vpop (erf)  }
0xa3: {  	v1 =	vsub.f32 v63, v57;
	v63 =	vadd.f32 v62, v49  }
0xa4: {  	v3 =	vmul.f32 $1.442695020e+00, v3;
	(erf) = vpow2.f32 v0;
	v50 =	vpop (erf)  }
0xa5: {  	v62 =	vadd.f32 v63, v50  }
0xa6: {  	(erf) = vpow2.f32 v3;
	v51 =	vpop (erf)  }
0xa7: {  	v1 =	vmul.f32 $1.442695020e+00, v1;
	v0 =	vsub.f32 v58, v57;
	v53 =	vadd.f32 v62, v51;
	_ =	sdelay $0x1  }
0xa8: {  	v3 =	vsub.f32 v52, v57;
	v0 =	vmul.f32 $1.442695020e+00, v0;
	(erf) = vpow2.f32 v1;
	v52 =	vpop (erf)  }
0xa9: {  	v63 =	vadd.f32 v53, v52  }
0xaa: {  	v1 =	vmul.f32 $1.442695020e+00, v3;
	v3 =	vsub.f32 v61, v57;
	(erf) = vpow2.f32 v0;
	v53 =	vpop (erf)  }
0xab: {  	v0 =	vsub.f32 v60, v57;
	v58 =	vadd.f32 v63, v53  }
0xac: {  	v3 =	vmul.f32 $1.442695020e+00, v3;
	(erf) = vpow2.f32 v1;
	v1 =	vsub.f32 v54, v57;
	v54 =	vpop (erf)  }
0xad: {  	v58 =	vadd.f32 v58, v54  }
0xae: {  	v0 =	vmul.f32 $1.442695020e+00, v0;
	(erf) = vpow2.f32 v3;
	v3 =	vsub.f32 v55, v57;
	v55 =	vpop (erf)  }
0xaf: {  	v58 =	vadd.f32 v58, v55  }
0xb0: {  	(erf) = vpow2.f32 v0  }
0xb1: {  	v1 =	vmul.f32 $1.442695020e+00, v1;
	v57 =	vpop (erf)  }
0xb2: {  	v0 =	vmul.f32 $1.442695020e+00, v3;
	v3 =	vadd.f32 v58, v57  }
0xb3: {  	(erf) = vpow2.f32 v1;
	v58 =	vpop (erf)  }
0xb4: {  	v1 =	vadd.f32 v3, v58  }
0xb5: {  	(erf) = vpow2.f32 v0;
	v60 =	vpop (erf)  }
0xb6: {  	v0 =	vadd.f32 v1, v60  }
0xb7: {  	v61 =	vpop (erf)  }
0xb8: {  	v0 =	vadd.f32 v0, v61  }
0xb9: {  	v62 =	vpop (erf)  }
0xba: {  	v0 =	vadd.f32 v0, v62;
	_ =	sdelay $0x1  }
0xbb: {  	v63 =	vpop (erf)  }
0xbc: {  	v1 =	vadd.f32 v0, v63  }
0xbd: {  	v0 =	vpop (erf)  }
0xbe: {  	v1 =	vadd.f32 v1, v0;
	_ =	sdelay $0x1  }
0xbf: {  	(erf) = vrcp.f32 v1;
	_ =	sdelay $0x8  }
0xc0: {  	v1 =	vpop (erf)  }
0xc1: {  	s23 =	simm.s32 $0x10;
	v3 =	vmul.f32 v1, v56;
	v56 =	vmul.f32 v1, v59  }
.LBB2_2:
0xc2: {  	_ =	sdelay $0x3  }
0xc3: {  	v4 =	vld [tilespmem:$0x1FFA0]  }
0xc4: {  	[tilespmem:v2+s15+$0x0] =	vst.idx.msk $0xffff, v3;
	v2 =	vmul.f32 v1, v33  }
0xc5: {  	v3 =	vmul.f32 v1, v34;
	[tilespmem:v13+s15+$0x0] =	vst.idx.msk $0xffff, v56  }
0xc6: {  	[tilespmem:v7+s15+$0x0] =	vst.idx.msk $0xffff, v2;
	v2 =	vmul.f32 v1, v35  }
0xc7: {  	[tilespmem:v9+s15+$0x0] =	vst.idx.msk $0xffff, v3;
	v3 =	vmul.f32 v1, v36  }
0xc8: {  	[tilespmem:v6+s15+$0x0] =	vst.idx.msk $0xffff, v2;
	v2 =	vmul.f32 v1, v37  }
0xc9: {  	[tilespmem:v11+s15+$0x0] =	vst.idx.msk $0xffff, v3;
	v3 =	vmul.f32 v1, v38  }
0xca: {  	[tilespmem:v12+s15+$0x0] =	vst.idx.msk $0xffff, v2  }
0xcb: {  	[tilespmem:v4+s15+$0x0] =	vst.idx.msk $0xffff, v3;
	v4 =	vld [tilespmem:$0x1FFB0];
	_ =	sdelay $0x5  }
0xcc: {  	v2 =	vmul.f32 v1, v39;
	_ =	sdelay $0x1  }
0xcd: {  	[tilespmem:v4+s15+$0x0] =	vst.idx.msk $0xffff, v2;
	v4 =	vld [tilespmem:$0x1FFC0];
	_ =	sdelay $0x5  }
0xce: {  	v3 =	vmul.f32 v1, v40  }
0xcf: {  	v2 =	vmul.f32 v1, v41  }
0xd0: {  	[tilespmem:v4+s15+$0x0] =	vst.idx.msk $0xffff, v3;
	v3 =	vmul.f32 v1, v42  }
0xd1: {  	[tilespmem:v10+s15+$0x0] =	vst.idx.msk $0xffff, v2;
	v2 =	vmul.f32 v1, v43  }
0xd2: {  	[tilespmem:v14+s15+$0x0] =	vst.idx.msk $0xffff, v3;
	v3 =	vmul.f32 v1, v44  }
0xd3: {  	[tilespmem:v8+s15+$0x0] =	vst.idx.msk $0xffff, v2;
	v2 =	vmul.f32 v1, v45  }
0xd4: {  	[tilespmem:v15+s15+$0x0] =	vst.idx.msk $0xffff, v3;
	v3 =	vmul.f32 v1, v46  }
0xd5: {  	[tilespmem:v16+s15+$0x0] =	vst.idx.msk $0xffff, v2;
	v2 =	vmul.f32 v1, v47  }
0xd6: {  	[tilespmem:v17+s15+$0x0] =	vst.idx.msk $0xffff, v3;
	v3 =	vmul.f32 v1, v48  }
0xd7: {  	[tilespmem:v19+s15+$0x0] =	vst.idx.msk $0xffff, v2;
	v2 =	vmul.f32 v1, v49  }
0xd8: {  	[tilespmem:v20+s15+$0x0] =	vst.idx.msk $0xffff, v3;
	v3 =	vmul.f32 v1, v50  }
0xd9: {  	[tilespmem:v22+s15+$0x0] =	vst.idx.msk $0xffff, v2;
	v2 =	vmul.f32 v1, v51  }
0xda: {  	[tilespmem:v5+s15+$0x0] =	vst.idx.msk $0xffff, v3;
	v3 =	vmul.f32 v1, v52  }
0xdb: {  	[tilespmem:v21+s15+$0x0] =	vst.idx.msk $0xffff, v2;
	v2 =	vmul.f32 v1, v53  }
0xdc: {  	[tilespmem:v18+s15+$0x0] =	vst.idx.msk $0xffff, v3;
	v3 =	vmul.f32 v1, v54  }
0xdd: {  	[tilespmem:v23+s15+$0x0] =	vst.idx.msk $0xffff, v2;
	v2 =	vmul.f32 v1, v55  }
0xde: {  	[tilespmem:v24+s15+$0x0] =	vst.idx.msk $0xffff, v3  }
0xdf: {  	v3 =	vmul.f32 v1, v57;
	[tilespmem:v25+s15+$0x0] =	vst.idx.msk $0xffff, v2;
	v2 =	vld [tilespmem:$0x1FFF0]  }
0xe0: {  	v5 =	vmul.f32 v1, v58  }
0xe1: {  	s24 =	smov.u32 s23;
	[tilespmem:v26+s15+$0x0] =	vst.idx.msk $0xffff, v3;
	v3 =	vmul.f32 v1, v60  }
0xe2: {  	v4 =	vmov s24;
	[tilespmem:v29+s15+$0x0] =	vst.idx.msk $0xffff, v5;
	v5 =	vmul.f32 v1, v61  }
0xe3: {  	v4 =	vshll.u32 v4, $0x5;
	[tilespmem:v30+s15+$0x0] =	vst.idx.msk $0xffff, v3;
	v3 =	vmul.f32 v1, v62  }
0xe4: {  	v8 =	vmul.f32 v1, v63;
	[tilespmem:v31+s15+$0x0] =	vst.idx.msk $0xffff, v5;
	v2 =	vor.u32 v2, v4  }
0xe5: {  	v0 =	vmul.f32 v1, v0;
	[tilespmem:v27+s15+$0x0] =	vst.idx.msk $0xffff, v3;
	v4 =	vor.u32 $0x2, v2  }
0xe6: {  	v9 =	vor.u32 $0x3, v2;
	[tilespmem:v28+s15+$0x0] =	vst.idx.msk $0xffff, v8  }
0xe7: {  	s22 =	sadd.s32 $0x10, s22;
	v7 =	vor.u32 $0x4, v2;
	[tilespmem:v32+s15+$0x0] =	vst.idx.msk $0xffff, v0  }
0xe8: {  	v11 =	vor.u32 $0x5, v2;
	v33 =	vld [tilespmem:s22+$0x0]  }
0xe9: {  	v6 =	vor.u32 $0x13, v2;
	v18 =	vld.idx.msk [tilespmem:v2+s13+$0x0], $0xffff  }
0xea: {  	v13 =	vor.u32 $0x1, v2;
	v0 =	vld.idx.msk [tilespmem:v4+s13+$0x0], $0xffff  }
0xeb: {  	v12 =	vor.u32 $0x6, v2;
	v3 =	vld.idx.msk [tilespmem:v9+s13+$0x0], $0xffff  }
0xec: {  	v5 =	vor.u32 $0x9, v2;
	v10 =	vld.idx.msk [tilespmem:v7+s13+$0x0], $0xffff  }
0xed: {  	v8 =	vor.u32 $0xC, v2;
	v14 =	vld.idx.msk [tilespmem:v11+s13+$0x0], $0xffff  }
0xee: {  	[tilespmem:$0x1FF90] =	vst v4;
	v4 =	vor.u32 $0x7, v2;
	v1 =	vld.idx.msk [tilespmem:v6+s13+$0x0], $0xffff  }
0xef: {  	v15 =	vld.idx.msk [tilespmem:v13+s13+$0x0], $0xffff  }
0xf0: {  	v17 =	vld.idx.msk [tilespmem:v12+s13+$0x0], $0xffff  }
0xf1: {  	v24 =	vld.idx.msk [tilespmem:v5+s13+$0x0], $0xffff  }
0xf2: {  	v53 =	vld.idx.msk [tilespmem:v8+s13+$0x0], $0xffff  }
0xf3: {  	v19 =	vld.idx.msk [tilespmem:v4+s13+$0x0], $0xffff  }
0xf4: {  	v28 =	vld.idx.msk [tilespmem:v18+s4+$0x0], $0xffff  }
0xf5: {  	v0 =	vld.idx.msk [tilespmem:v0+s4+$0x0], $0xffff  }
0xf6: {  	[tilespmem:$0x1FFA0] =	vst v4;
	v4 =	vor.u32 $0x8, v2;
	v3 =	vld.idx.msk [tilespmem:v3+s4+$0x0], $0xffff  }
0xf7: {  	v20 =	vld.idx.msk [tilespmem:v10+s4+$0x0], $0xffff  }
0xf8: {  	v10 =	vor.u32 $0xA, v2;
	v21 =	vld.idx.msk [tilespmem:v14+s4+$0x0], $0xffff  }
0xf9: {  	v22 =	vld.idx.msk [tilespmem:v15+s4+$0x0], $0xffff;
	v14 =	vor.u32 $0xB, v2  }
0xfa: {  	v16 =	vor.u32 $0xE, v2;
	v30 =	vld.idx.msk [tilespmem:v17+s4+$0x0], $0xffff  }
0xfb: {  	v23 =	vld.idx.msk [tilespmem:v4+s13+$0x0], $0xffff  }
0xfc: {  	v25 =	vld.idx.msk [tilespmem:v19+s4+$0x0], $0xffff  }
0xfd: {  	v15 =	vor.u32 $0xD, v2;
	v27 =	vadd.f32 v20, v33;
	v20 =	vld.idx.msk [tilespmem:v10+s13+$0x0], $0xffff  }
0xfe: {  	v17 =	vor.u32 $0xF, v2;
	v19 =	vadd.f32 v21, v33;
	v21 =	vld.idx.msk [tilespmem:v14+s13+$0x0], $0xffff  }
0xff: {  	v32 =	vld.idx.msk [tilespmem:v16+s13+$0x0], $0xffff;
	v28 =	vadd.f32 v28, v33  }
0x100: {  	v24 =	vld.idx.msk [tilespmem:v24+s4+$0x0], $0xffff;
	v0 =	vadd.f32 v0, v33;
	v22 =	vadd.f32 v22, v33;
	v18 =	vmul.f32 $2.000000030e-01, v19  }
0x101: {  	v59 =	vld.idx.msk [tilespmem:v53+s4+$0x0], $0xffff;
	v3 =	vadd.f32 v3, v33;
	v30 =	vadd.f32 v30, v33  }
0x102: {  	v31 =	vld.idx.msk [tilespmem:v15+s13+$0x0], $0xffff;
	v51 =	vmul.f32 $2.000000030e-01, v22;
	v34 =	vmax.f32 v19, v18;
	v19 =	vor.u32 $0x10, v2  }
0x103: {  	v57 =	vld.idx.msk [tilespmem:v17+s13+$0x0], $0xffff;
	v55 =	vmul.f32 $2.000000030e-01, v28;
	v26 =	vmul.f32 $2.000000030e-01, v0;
	v18 =	vor.u32 $0x15, v2  }
0x104: {  	v35 =	vmax.f32 v22, v51;
	v22 =	vmul.f32 $2.000000030e-01, v3;
	v23 =	vld.idx.msk [tilespmem:v23+s4+$0x0], $0xffff;
	v25 =	vadd.f32 v25, v33  }
0x105: {  	v29 =	vmul.f32 $2.000000030e-01, v27;
	v56 =	vmul.f32 $2.000000030e-01, v30;
	v52 =	vld.idx.msk [tilespmem:v20+s4+$0x0], $0xffff  }
0x106: {  	v37 =	vmax.f32 v3, v22;
	v22 =	vor.u32 $0x12, v2;
	v3 =	vmul.f32 $2.000000030e-01, v25;
	v54 =	vld.idx.msk [tilespmem:v21+s4+$0x0], $0xffff  }
0x107: {  	v42 =	vmax.f32 v28, v55;
	v39 =	vmax.f32 v0, v26;
	v20 =	vor.u32 $0x11, v2;
	v26 =	vld.idx.msk [tilespmem:v19+s13+$0x0], $0xffff  }
0x108: {  	v21 =	vor.u32 $0x14, v2;
	v36 =	vmax.f32 v25, v3;
	v25 =	vadd.f32 v24, v33;
	v49 =	vld.idx.msk [tilespmem:v18+s13+$0x0], $0xffff  }
0x109: {  	v43 =	vmax.f32 v27, v29;
	v29 =	vld.idx.msk [tilespmem:v32+s4+$0x0], $0xffff;
	v0 =	vadd.f32 v23, v33;
	v23 =	vmax.f32 v42, v35  }
0x10a: {  	v3 =	vld.idx.msk [tilespmem:v31+s4+$0x0], $0xffff;
	v23 =	vmax.f32 v23, v39;
	v27 =	vmul.f32 $2.000000030e-01, v25  }
0x10b: {  	v38 =	vmax.f32 v30, v56;
	v47 =	vld.idx.msk [tilespmem:v22+s13+$0x0], $0xffff;
	v24 =	vmul.f32 $2.000000030e-01, v0;
	v23 =	vmax.f32 v23, v37  }
0x10c: {  	v28 =	vadd.f32 v52, v33;
	v30 =	vld.idx.msk [tilespmem:v20+s13+$0x0], $0xffff;
	v44 =	vmax.f32 v25, v27;
	v25 =	vor.u32 $0x18, v2  }
0x10d: {  	v31 =	vld.idx.msk [tilespmem:v21+s13+$0x0], $0xffff;
	v40 =	vmax.f32 v0, v24;
	v24 =	vmax.f32 v23, v43;
	v23 =	vor.u32 $0x16, v2  }
0x10e: {  	v62 =	vadd.f32 v59, v33;
	v45 =	vld.idx.msk [tilespmem:v57+s4+$0x0], $0xffff;
	v0 =	vmul.f32 $2.000000030e-01, v28  }
0x10f: {  	v29 =	vadd.f32 v29, v33;
	v58 =	vadd.f32 v54, v33;
	v24 =	vmax.f32 v24, v34;
	v32 =	vld.idx.msk [tilespmem:v26+s4+$0x0], $0xffff  }
0x110: {  	v3 =	vadd.f32 v3, v33;
	v41 =	vmax.f32 v28, v0;
	v0 =	vmax.f32 v24, v38;
	v52 =	vld.idx.msk [tilespmem:v49+s4+$0x0], $0xffff  }
0x111: {  	v27 =	vor.u32 $0x1D, v2;
	v28 =	vmul.f32 $2.000000030e-01, v58;
	v0 =	vmax.f32 v0, v36;
	v55 =	vld.idx.msk [tilespmem:v25+s13+$0x0], $0xffff  }
0x112: {  	v48 =	vmul.f32 $2.000000030e-01, v3;
	v24 =	vor.u32 $0x17, v2;
	v60 =	vmax.f32 v0, v40;
	v53 =	vld.idx.msk [tilespmem:v23+s13+$0x0], $0xffff  }
0x113: {  	v0 =	vmax.f32 v58, v28;
	v28 =	vor.u32 $0x1E, v2;
	v47 =	vld.idx.msk [tilespmem:v47+s4+$0x0], $0xffff;
	v26 =	vmax.f32 v60, v44  }
0x114: {  	v60 =	vadd.f32 v45, v33;
	v45 =	vmax.f32 v3, v48;
	v50 =	vld.idx.msk [tilespmem:v30+s4+$0x0], $0xffff;
	v61 =	vmax.f32 v26, v41  }
0x115: {  	v30 =	vmul.f32 $2.000000030e-01, v29;
	v63 =	vld.idx.msk [tilespmem:v31+s4+$0x0], $0xffff;
	v26 =	vor.u32 $0x19, v2;
	v31 =	vmul.f32 $2.000000030e-01, v62  }
0x116: {  	v56 =	vld.idx.msk [tilespmem:v1+s4+$0x0], $0xffff;
	v1 =	vmul.f32 $2.000000030e-01, v60;
	v32 =	vadd.f32 v32, v33;
	v51 =	vmax.f32 v61, v0  }
0x117: {  	v3 =	vld.idx.msk [tilespmem:v24+s13+$0x0], $0xffff;
	v52 =	vadd.f32 v52, v33;
	v46 =	vmax.f32 v29, v30;
	v30 =	vor.u32 $0x1B, v2  }
0x118: {  	v29 =	vor.u32 $0x1A, v2;
	v48 =	vmax.f32 v62, v31;
	v31 =	vor.u32 $0x1C, v2  }
0x119: {  	v1 =	vmax.f32 v60, v1;
	v61 =	vmul.f32 $2.000000030e-01, v32;
	v59 =	vadd.f32 v47, v33  }
0x11a: {  	v51 =	vmax.f32 v51, v48;
	v50 =	vadd.f32 v50, v33;
	v54 =	vadd.f32 v63, v33;
	v58 =	vld.idx.msk [tilespmem:v26+s13+$0x0], $0xffff  }
0x11b: {  	v51 =	vmax.f32 v51, v45;
	v49 =	vmax.f32 v32, v61;
	v32 =	vadd.f32 v56, v33;
	v56 =	vld.idx.msk [tilespmem:v53+s4+$0x0], $0xffff  }
0x11c: {  	v51 =	vmax.f32 v51, v46;
	v62 =	vmul.f32 $2.000000030e-01, v50;
	v53 =	vmul.f32 $2.000000030e-01, v54;
	v61 =	vld.idx.msk [tilespmem:v30+s13+$0x0], $0xffff  }
0x11d: {  	v63 =	vmul.f32 $2.000000030e-01, v52;
	v55 =	vld.idx.msk [tilespmem:v55+s4+$0x0], $0xffff;
	v51 =	vmax.f32 v51, v1;
	v60 =	vmul.f32 $2.000000030e-01, v32  }
0x11e: {  	v57 =	vld.idx.msk [tilespmem:v29+s13+$0x0], $0xffff;
	v50 =	vmax.f32 v50, v62;
	v47 =	vmax.f32 v54, v53;
	v53 =	vmul.f32 $2.000000030e-01, v59  }
0x11f: {  	v62 =	vmax.f32 v51, v49;
	v3 =	vld.idx.msk [tilespmem:v3+s4+$0x0], $0xffff;
	v51 =	vmax.f32 v32, v60;
	v32 =	vor.u32 $0x1F, v2  }
0x120: {  	v60 =	vld.idx.msk [tilespmem:v28+s13+$0x0], $0xffff;
	v54 =	vmax.f32 v62, v50;
	v53 =	vmax.f32 v59, v53;
	v56 =	vadd.f32 v56, v33  }
0x121: {  	v62 =	vld.idx.msk [tilespmem:v27+s13+$0x0], $0xffff;
	v54 =	vmax.f32 v54, v53  }
0x122: {  	v52 =	vmax.f32 v52, v63;
	v63 =	vld.idx.msk [tilespmem:v31+s13+$0x0], $0xffff;
	v54 =	vmax.f32 v54, v51;
	v59 =	vmul.f32 $2.000000030e-01, v56  }
0x123: {  	[tilespmem:$0x1FFB0] =	vst v4;
	v58 =	vld.idx.msk [tilespmem:v58+s4+$0x0], $0xffff;
	v54 =	vmax.f32 v54, v47  }
0x124: {  	v3 =	vadd.f32 v3, v33;
	v4 =	vmax.f32 v54, v52;
	v54 =	vmax.f32 v56, v59;
	v56 =	vld.idx.msk [tilespmem:v61+s4+$0x0], $0xffff  }
0x125: {  	v61 =	vld.idx.msk [tilespmem:v32+s13+$0x0], $0xffff  }
0x126: {  	[tilespmem:$0x1FFC0] =	vst v5;
	v5 =	vadd.f32 v55, v33;
	v59 =	vmul.f32 $2.000000030e-01, v3  }
0x127: {  	v57 =	vld.idx.msk [tilespmem:v57+s4+$0x0], $0xffff  }
0x128: {  	v60 =	vld.idx.msk [tilespmem:v60+s4+$0x0], $0xffff;
	v55 =	vmax.f32 v3, v59;
	v59 =	vmul.f32 $2.000000030e-01, v5  }
0x129: {  	v3 =	vadd.f32 v58, v33;
	v58 =	vld.idx.msk [tilespmem:v62+s4+$0x0], $0xffff  }
0x12a: {  	v5 =	vmax.f32 v5, v59;
	v59 =	vld.idx.msk [tilespmem:v63+s4+$0x0], $0xffff  }
0x12b: {  	v62 =	vmul.f32 $2.000000030e-01, v3  }
0x12c: {  	v4 =	vmax.f32 v4, v54;
	v57 =	vadd.f32 v57, v33;
	v56 =	vadd.f32 v56, v33  }
0x12d: {  	v4 =	vmax.f32 v4, v55;
	v3 =	vmax.f32 v3, v62;
	v61 =	vld.idx.msk [tilespmem:v61+s4+$0x0], $0xffff  }
0x12e: {  	v62 =	vmul.f32 $2.000000030e-01, v57;
	v63 =	vmul.f32 $2.000000030e-01, v56;
	v60 =	vadd.f32 v60, v33  }
0x12f: {  	v4 =	vmax.f32 v4, v5;
	v58 =	vadd.f32 v58, v33;
	v59 =	vadd.f32 v59, v33  }
0x130: {  	v4 =	vmax.f32 v4, v3;
	v57 =	vmax.f32 v57, v62;
	v62 =	vmax.f32 v56, v63  }
0x131: {  	v4 =	vmax.f32 v4, v57;
	v56 =	vmul.f32 $2.000000030e-01, v58;
	v63 =	vmul.f32 $2.000000030e-01, v59  }
0x132: {  	v4 =	vmax.f32 v4, v62;
	v33 =	vadd.f32 v61, v33  }
0x133: {  	v58 =	vmax.f32 v58, v56;
	v56 =	vmul.f32 $2.000000030e-01, v60;
	v61 =	vmax.f32 v59, v63  }
0x134: {  	v4 =	vmax.f32 v4, v61;
	v63 =	vmul.f32 $2.000000030e-01, v33  }
0x135: {  	v60 =	vmax.f32 v60, v56;
	v4 =	vmax.f32 v4, v58  }
0x136: {  	v4 =	vmax.f32 v4, v60;
	v63 =	vmax.f32 v33, v63  }
0x137: {  	v4 =	vmax.f32 v4, v63  }
0x138: {  	v56 =	vsub.f32 v42, v4;
	_ =	sdelay $0x1  }
0x139: {  	v35 =	vsub.f32 v35, v4;
	v33 =	vmul.f32 $1.442695020e+00, v56;
	_ =	sdelay $0x1  }
0x13a: {  	v39 =	vsub.f32 v39, v4;
	v35 =	vmul.f32 $1.442695020e+00, v35;
	(erf) = vpow2.f32 v33;
	_ =	sdelay $0x1  }
0x13b: {  	v37 =	vsub.f32 v37, v4;
	v39 =	vmul.f32 $1.442695020e+00, v39;
	(erf) = vpow2.f32 v35  }
0x13c: {  	v59 =	vsub.f32 v43, v4  }
0x13d: {  	v34 =	vsub.f32 v34, v4;
	v37 =	vmul.f32 $1.442695020e+00, v37;
	(erf) = vpow2.f32 v39  }
0x13e: {  	v38 =	vsub.f32 v38, v4;
	v56 =	vsub.f32 v44, v4  }
0x13f: {  	v43 =	vsub.f32 v36, v4;
	v42 =	vmul.f32 $1.442695020e+00, v59;
	(erf) = vpow2.f32 v37  }
0x140: {  	v36 =	vsub.f32 v40, v4;
	v59 =	vsub.f32 v41, v4;
	v33 =	vmul.f32 $1.442695020e+00, v34  }
0x141: {  	v45 =	vsub.f32 v45, v4;
	v35 =	vmul.f32 $1.442695020e+00, v38;
	(erf) = vpow2.f32 v42  }
0x142: {  	v38 =	vmul.f32 $1.442695020e+00, v56;
	v56 =	vpop (erf);
	(erf) = vpow2.f32 v33;
	v33 =	vsub.f32 v53, v4  }
0x143: {  	v0 =	vsub.f32 v0, v4;
	v34 =	vmul.f32 $1.442695020e+00, v43;
	v43 =	vsub.f32 v50, v4  }
0x144: {  	v1 =	vsub.f32 v1, v4;
	v39 =	vmul.f32 $1.442695020e+00, v59;
	v42 =	vmul.f32 $1.442695020e+00, v45;
	v59 =	vpop (erf)  }
0x145: {  	v45 =	vmul.f32 $1.442695020e+00, v43;
	(erf) = vpow2.f32 v35;
	v43 =	vadd.f32 v59, v56  }
0x146: {  	v44 =	vsub.f32 v48, v4;
	v48 =	vsub.f32 v46, v4;
	v46 =	vmul.f32 $1.442695020e+00, v33;
	v33 =	vpop (erf)  }
0x147: {  	v36 =	vmul.f32 $1.442695020e+00, v36;
	(erf) = vpow2.f32 v34;
	v43 =	vadd.f32 v43, v33  }
0x148: {  	v49 =	vsub.f32 v49, v4;
	v51 =	vsub.f32 v51, v4;
	v34 =	vpop (erf)  }
0x149: {  	v55 =	vsub.f32 v55, v4;
	(erf) = vpow2.f32 v36;
	v43 =	vadd.f32 v43, v34  }
0x14a: {  	v5 =	vsub.f32 v5, v4;
	v40 =	vmul.f32 $1.442695020e+00, v44;
	v37 =	vsub.f32 v52, v4;
	v35 =	vpop (erf)  }
0x14b: {  	v44 =	vmul.f32 $1.442695020e+00, v49;
	(erf) = vpow2.f32 v38;
	v49 =	vadd.f32 v43, v35  }
0x14c: {  	v62 =	vsub.f32 v62, v4;
	v53 =	vsub.f32 v47, v4;
	v36 =	vpop (erf)  }
0x14d: {  	v0 =	vmul.f32 $1.442695020e+00, v0;
	(erf) = vpow2.f32 v39;
	v49 =	vadd.f32 v49, v36  }
0x14e: {  	v50 =	vmul.f32 $1.442695020e+00, v37;
	v47 =	vmul.f32 $1.442695020e+00, v53;
	v53 =	vsub.f32 v54, v4;
	v37 =	vpop (erf)  }
0x14f: {  	v54 =	vmul.f32 $1.442695020e+00, v62;
	(erf) = vpow2.f32 v0;
	v62 =	vadd.f32 v49, v37  }
0x150: {  	v3 =	vsub.f32 v3, v4;
	v57 =	vsub.f32 v57, v4;
	v38 =	vpop (erf)  }
0x151: {  	v58 =	vsub.f32 v58, v4;
	(erf) = vpow2.f32 v40;
	v43 =	vadd.f32 v62, v38  }
0x152: {  	v60 =	vsub.f32 v60, v4;
	v1 =	vmul.f32 $1.442695020e+00, v1;
	v41 =	vmul.f32 $1.442695020e+00, v48;
	v39 =	vpop (erf)  }
0x153: {  	v48 =	vmul.f32 $1.442695020e+00, v51;
	(erf) = vpow2.f32 v42;
	v43 =	vadd.f32 v43, v39  }
0x154: {  	v51 =	vmul.f32 $1.442695020e+00, v53;
	v53 =	vmul.f32 $1.442695020e+00, v57;
	v57 =	vsub.f32 v61, v4;
	v40 =	vpop (erf)  }
0x155: {  	v4 =	vsub.f32 v63, v4;
	(erf) = vpow2.f32 v41;
	v63 =	vadd.f32 v43, v40  }
0x156: {  	v41 =	vpop (erf)  }
0x157: {  	(erf) = vpow2.f32 v1;
	v49 =	vadd.f32 v63, v41  }
0x158: {  	v42 =	vpop (erf)  }
0x159: {  	(erf) = vpow2.f32 v44;
	v1 =	vadd.f32 v49, v42  }
0x15a: {  	v43 =	vpop (erf)  }
0x15b: {  	(erf) = vpow2.f32 v45;
	v1 =	vadd.f32 v1, v43  }
0x15c: {  	v44 =	vpop (erf)  }
0x15d: {  	(erf) = vpow2.f32 v46;
	v1 =	vadd.f32 v1, v44  }
0x15e: {  	v45 =	vpop (erf)  }
0x15f: {  	(erf) = vpow2.f32 v48;
	v1 =	vadd.f32 v1, v45  }
0x160: {  	v46 =	vpop (erf)  }
0x161: {  	(erf) = vpow2.f32 v47;
	v1 =	vadd.f32 v1, v46  }
0x162: {  	v47 =	vpop (erf)  }
0x163: {  	(erf) = vpow2.f32 v50;
	v1 =	vadd.f32 v1, v47  }
0x164: {  	v48 =	vpop (erf)  }
0x165: {  	v52 =	vmul.f32 $1.442695020e+00, v55;
	(erf) = vpow2.f32 v51;
	v1 =	vadd.f32 v1, v48  }
0x166: {  	v49 =	vpop (erf)  }
0x167: {  	v5 =	vmul.f32 $1.442695020e+00, v5;
	(erf) = vpow2.f32 v52;
	v1 =	vadd.f32 v1, v49  }
0x168: {  	v50 =	vpop (erf)  }
0x169: {  	v3 =	vmul.f32 $1.442695020e+00, v3;
	(erf) = vpow2.f32 v5;
	v1 =	vadd.f32 v1, v50  }
0x16a: {  	v51 =	vpop (erf)  }
0x16b: {  	(erf) = vpow2.f32 v3;
	v1 =	vadd.f32 v1, v51  }
0x16c: {  	v52 =	vpop (erf)  }
0x16d: {  	(erf) = vpow2.f32 v53;
	v1 =	vadd.f32 v1, v52  }
0x16e: {  	v53 =	vpop (erf)  }
0x16f: {  	v0 =	vmul.f32 $1.442695020e+00, v57;
	(erf) = vpow2.f32 v54;
	v1 =	vadd.f32 v1, v53  }
0x170: {  	v54 =	vpop (erf)  }
0x171: {  	v61 =	vmul.f32 $1.442695020e+00, v58;
	(erf) = vpow2.f32 v0;
	v1 =	vadd.f32 v1, v54  }
0x172: {  	v55 =	vpop (erf)  }
0x173: {  	v62 =	vmul.f32 $1.442695020e+00, v60;
	(erf) = vpow2.f32 v61;
	v0 =	vadd.f32 v1, v55  }
0x174: {  	v57 =	vpop (erf)  }
0x175: {  	v4 =	vmul.f32 $1.442695020e+00, v4;
	(erf) = vpow2.f32 v62;
	v0 =	vadd.f32 v0, v57  }
0x176: {  	v58 =	vpop (erf)  }
0x177: {  	(erf) = vpow2.f32 v4;
	v0 =	vadd.f32 v0, v58  }
0x178: {  	v60 =	vpop (erf)  }
0x179: {  	v0 =	vadd.f32 v0, v60  }
0x17a: {  	v61 =	vpop (erf)  }
0x17b: {  	v0 =	vadd.f32 v0, v61  }
0x17c: {  	v62 =	vpop (erf)  }
0x17d: {  	v3 =	vadd.f32 v0, v62  }
0x17e: {  	v63 =	vpop (erf)  }
0x17f: {  	v1 =	vadd.f32 v3, v63  }
0x180: {  	v0 =	vpop (erf)  }
0x181: {  	v1 =	vadd.f32 v1, v0;
	_ =	sdelay $0x1  }
0x182: {  	(erf) = vrcp.f32 v1;
	_ =	sdelay $0x4  }
0x183: {  	p0 =	sne.s32 s23, $0x130  }
.Ltmp0:
0x184: {  	_ = 	snop;
	(pc) =	sbr.rel @p0 .LBB2_2-.Ltmp0, $3  }
0x185: {  	_ =	sdelay $0x1  }
0x186: {  	v1 =	vpop (erf)  }
0x187: {  	s23 =	sadd.s32 $0x10, s23;
	v5 =	vmovc v6;
	v6 =	vmov v7;
	v7 =	vld [tilespmem:$0x1FF90];
	v3 =	vmul.f32 v1, v56;
	v56 =	vmul.f32 v1, v59  }
0x188: {  	_ =	sdelay $0x2  }
0x189: {  	v59 =	vmul.f32 v1, v33  }
0x18a: {  	v33 =	vmul.f32 v1, v35;
	v35 =	vmul.f32 v1, v37;
	[tilespmem:v2+s15+$0x0] =	vst.idx.msk $0xffff, v3  }
0x18b: {  	v37 =	vmul.f32 v1, v39;
	v4 =	vld [tilespmem:$0x1FFA0];
	[tilespmem:v13+s15+$0x0] =	vst.idx.msk $0xffff, v56;
	v13 =	vmul.f32 v1, v34  }
0x18c: {  	v39 =	vld [tilespmem:$0x1FFB0];
	v34 =	vmul.f32 v1, v36;
	v36 =	vmul.f32 v1, v38  }
0x18d: {  	v38 =	vmul.f32 v1, v40;
	v40 =	vmul.f32 v1, v41;
	v41 =	vld [tilespmem:$0x1FFC0]  }
0x18e: {  	[tilespmem:v7+s15+$0x0] =	vst.idx.msk $0xffff, v59  }
0x18f: {  	[tilespmem:v9+s15+$0x0] =	vst.idx.msk $0xffff, v13  }
0x190: {  	[tilespmem:v6+s15+$0x0] =	vst.idx.msk $0xffff, v33  }
0x191: {  	[tilespmem:v11+s15+$0x0] =	vst.idx.msk $0xffff, v34  }
0x192: {  	[tilespmem:v12+s15+$0x0] =	vst.idx.msk $0xffff, v35  }
0x193: {  	[tilespmem:v4+s15+$0x0] =	vst.idx.msk $0xffff, v36  }
0x194: {  	[tilespmem:v39+s15+$0x0] =	vst.idx.msk $0xffff, v37  }
0x195: {  	v42 =	vmul.f32 v1, v42;
	[tilespmem:v41+s15+$0x0] =	vst.idx.msk $0xffff, v38  }
0x196: {  	v43 =	vmul.f32 v1, v43;
	[tilespmem:v10+s15+$0x0] =	vst.idx.msk $0xffff, v40  }
0x197: {  	v44 =	vmul.f32 v1, v44;
	[tilespmem:v14+s15+$0x0] =	vst.idx.msk $0xffff, v42  }
0x198: {  	v45 =	vmul.f32 v1, v45;
	[tilespmem:v8+s15+$0x0] =	vst.idx.msk $0xffff, v43  }
0x199: {  	v46 =	vmul.f32 v1, v46;
	[tilespmem:v15+s15+$0x0] =	vst.idx.msk $0xffff, v44  }
0x19a: {  	v47 =	vmul.f32 v1, v47;
	[tilespmem:v16+s15+$0x0] =	vst.idx.msk $0xffff, v45  }
0x19b: {  	v48 =	vmul.f32 v1, v48;
	[tilespmem:v17+s15+$0x0] =	vst.idx.msk $0xffff, v46  }
0x19c: {  	v49 =	vmul.f32 v1, v49;
	[tilespmem:v19+s15+$0x0] =	vst.idx.msk $0xffff, v47  }
0x19d: {  	v50 =	vmul.f32 v1, v50;
	[tilespmem:v20+s15+$0x0] =	vst.idx.msk $0xffff, v48  }
0x19e: {  	v51 =	vmul.f32 v1, v51;
	[tilespmem:v22+s15+$0x0] =	vst.idx.msk $0xffff, v49  }
0x19f: {  	v52 =	vmul.f32 v1, v52;
	[tilespmem:v5+s15+$0x0] =	vst.idx.msk $0xffff, v50  }
0x1a0: {  	v53 =	vmul.f32 v1, v53;
	[tilespmem:v21+s15+$0x0] =	vst.idx.msk $0xffff, v51  }
0x1a1: {  	v54 =	vmul.f32 v1, v54;
	[tilespmem:v18+s15+$0x0] =	vst.idx.msk $0xffff, v52  }
0x1a2: {  	v56 =	vmul.f32 v1, v55;
	[tilespmem:v23+s15+$0x0] =	vst.idx.msk $0xffff, v53  }
0x1a3: {  	v57 =	vmul.f32 v1, v57;
	[tilespmem:v24+s15+$0x0] =	vst.idx.msk $0xffff, v54  }
0x1a4: {  	v59 =	vmul.f32 v1, v58;
	[tilespmem:v25+s15+$0x0] =	vst.idx.msk $0xffff, v56  }
0x1a5: {  	v60 =	vmul.f32 v1, v60;
	[tilespmem:v26+s15+$0x0] =	vst.idx.msk $0xffff, v57  }
0x1a6: {  	v61 =	vmul.f32 v1, v61;
	[tilespmem:v29+s15+$0x0] =	vst.idx.msk $0xffff, v59  }
0x1a7: {  	v62 =	vmul.f32 v1, v62;
	[tilespmem:v30+s15+$0x0] =	vst.idx.msk $0xffff, v60  }
0x1a8: {  	v63 =	vmul.f32 v1, v63;
	[tilespmem:v31+s15+$0x0] =	vst.idx.msk $0xffff, v61  }
0x1a9: {  	v0 =	vmul.f32 v1, v0;
	[tilespmem:v27+s15+$0x0] =	vst.idx.msk $0xffff, v62  }
0x1aa: {  	[tilespmem:v28+s15+$0x0] =	vst.idx.msk $0xffff, v63  }
0x1ab: {  	[tilespmem:v32+s15+$0x0] =	vst.idx.msk $0xffff, v0  }
0x1ac: {  	_ =	swait.ge [sflag:s16], $0x2800  }
0x1ad: {  	[sflag:s16] =	ssyncset.done $0x0  }
0x1ae: {  	s26 =	simm.s32 $0x0;
	[sflag:s16] =	ssyncadd.s32 $0xFFFFD800  }
0x1af: {  	s22 =	simm.s32 $0x5190;
	s23 =	simm.s32 $0x0;
	[bflag:$0x0] =	sbarrier.arrive $0xFFFF  }
0x1b0: {  	[tilespmem:s18], [sflag:$0x1] =	stream.indirect.gather [spmem:s3], $0x80, s13, s17, $0xb8;
	[tilespmem:$0x1DA80] =	vst v63  }
.LBB2_4:
0x1b1: {  	s25 =	sand.u32 $0x1, s26;
	s24 =	sadd.s32 $0x1, s26  }
0x1b2: {  	s28 =	smin.u32 s24, $0x13F;
	s29 =	sxor.u32 $0x1, s25  }
0x1b3: {  	s30 =	sshll.u32 s29, $0xC;
	s28 =	sshll.u32 s28, $0x5  }
0x1b4: {  	s29 =	sadd.s32 $0x1, s29;
	s30 =	sadd.s32 $0x7980, s30;
	s28 =	sadd.s32 $0x2980, s28  }
0x1b5: {  	[tilespmem:s30], [sflag:s29] =	stream.indirect.gather [spmem:s3], $0x80, s28, s17, $0xb8;
	[tilespmem:$0x1DA80] =	vst v63  }
0x1b6: {  	s29 =	sadd.s32 $0x1, s25  }
0x1b7: {  	_ =	swait.ge [sflag:s29], $0x1000  }
0x1b8: {  	p0 =	slt.u32 s26, $0x2;
	[sflag:s29] =	ssyncset.done $0x0  }
0x1b9: {  	s26 =	sadd.s32 @!p0 $0x5, s25;
	[sflag:s29] =	ssyncadd.s32 $0xFFFFF000  }
0x1ba: {  	_ =	swait.ge @!p0 [sflag:s26], $0x80  }
0x1bb: {  	[sflag:s26] =	ssyncset.done @!p0 $0x0  }
0x1bc: {  	s30 =	sshll.u32 s25, $0xC;
	[sflag:s26] =	ssyncadd.s32 @!p0 $0xFFFFFF80  }
0x1bd: {  	v61 =	vld [tilespmem:s30+$0x7D40];
	_ =	sdelay $0x4  }
0x1be: {  	[tilespmem:$0x1FD60] =	vst v61;
	v61 =	vld [tilespmem:s30+$0x7D50];
	_ =	sdelay $0x4  }
0x1bf: {  	[tilespmem:$0x1FD70] =	vst v61;
	v61 =	vld [tilespmem:s30+$0x7D60];
	_ =	sdelay $0x4  }
0x1c0: {  	[tilespmem:$0x1FD80] =	vst v61;
	v61 =	vld [tilespmem:s30+$0x7D70];
	_ =	sdelay $0x4  }
0x1c1: {  	[tilespmem:$0x1FD90] =	vst v61;
	v61 =	vld [tilespmem:s30+$0x7D80];
	_ =	sdelay $0x4  }
0x1c2: {  	[tilespmem:$0x1FDA0] =	vst v61;
	v61 =	vld [tilespmem:s30+$0x7D90];
	_ =	sdelay $0x4  }
0x1c3: {  	[tilespmem:$0x1FDB0] =	vst v61;
	v61 =	vld [tilespmem:s30+$0x7DA0];
	_ =	sdelay $0x4  }
0x1c4: {  	[tilespmem:$0x1FDC0] =	vst v61;
	v61 =	vld [tilespmem:s30+$0x7DB0];
	_ =	sdelay $0x4  }
0x1c5: {  	[tilespmem:$0x1FDD0] =	vst v61;
	v61 =	vld [tilespmem:s30+$0x7DC0];
	_ =	sdelay $0x4  }
0x1c6: {  	[tilespmem:$0x1FDE0] =	vst v61;
	v61 =	vld [tilespmem:s30+$0x7DD0];
	_ =	sdelay $0x4  }
0x1c7: {  	[tilespmem:$0x1FDF0] =	vst v61;
	v61 =	vld [tilespmem:s30+$0x7DE0];
	_ =	sdelay $0x4  }
0x1c8: {  	[tilespmem:$0x1FE00] =	vst v61;
	v61 =	vld [tilespmem:s30+$0x7DF0]  }
0x1c9: {  	v33 =	vld [tilespmem:s22+$0xFFFFFFF0]  }
0x1ca: {  	v35 =	vld [tilespmem:s22+$0x0]  }
0x1cb: {  	v12 =	vld [tilespmem:s30+$0x7980]  }
0x1cc: {  	v15 =	vld [tilespmem:s30+$0x7990]  }
0x1cd: {  	[tilespmem:$0x1FE10] =	vst v61;
	v61 =	vld [tilespmem:s30+$0x7E00]  }
0x1ce: {  	v17 =	vld [tilespmem:s30+$0x79A0]  }
0x1cf: {  	v18 =	vld [tilespmem:s30+$0x79B0]  }
0x1d0: {  	v19 =	vld [tilespmem:s30+$0x79C0]  }
0x1d1: {  	v20 =	vld [tilespmem:s30+$0x79D0]  }
0x1d2: {  	[tilespmem:$0x1FE20] =	vst v61;
	v61 =	vld [tilespmem:s30+$0x7E10]  }
0x1d3: {  	v21 =	vld [tilespmem:s30+$0x79E0]  }
0x1d4: {  	v23 =	vld [tilespmem:s30+$0x79F0]  }
0x1d5: {  	v25 =	vld [tilespmem:s30+$0x7A00]  }
0x1d6: {  	v28 =	vld [tilespmem:s30+$0x7A10]  }
0x1d7: {  	[tilespmem:$0x1FE30] =	vst v61;
	v61 =	vld [tilespmem:s30+$0x7E20]  }
0x1d8: {  	v29 =	vld [tilespmem:s30+$0x7A20]  }
0x1d9: {  	v30 =	vld [tilespmem:s30+$0x7A30]  }
0x1da: {  	v31 =	vld [tilespmem:s30+$0x7A40]  }
0x1db: {  	v32 =	vld [tilespmem:s30+$0x7A50]  }
0x1dc: {  	[tilespmem:$0x1FE40] =	vst v61;
	v61 =	vld [tilespmem:s30+$0x7E30]  }
0x1dd: {  	v3 =	vld [tilespmem:s30+$0x7A60]  }
0x1de: {  	v4 =	vld [tilespmem:s30+$0x7A70]  }
0x1df: {  	v5 =	vld [tilespmem:s30+$0x7A80]  }
0x1e0: {  	v6 =	vld [tilespmem:s30+$0x7A90]  }
0x1e1: {  	[tilespmem:$0x1FE50] =	vst v61;
	v61 =	vld [tilespmem:s30+$0x7E40]  }
0x1e2: {  	v7 =	vld [tilespmem:s30+$0x7AA0]  }
0x1e3: {  	v8 =	vld [tilespmem:s30+$0x7AB0]  }
0x1e4: {  	v9 =	vld [tilespmem:s30+$0x7AC0]  }
0x1e5: {  	v10 =	vld [tilespmem:s30+$0x7AD0]  }
0x1e6: {  	[tilespmem:$0x1FE60] =	vst v61;
	v61 =	vld [tilespmem:s30+$0x7E50]  }
0x1e7: {  	v11 =	vld [tilespmem:s30+$0x7AE0]  }
0x1e8: {  	v13 =	vld [tilespmem:s30+$0x7AF0]  }
0x1e9: {  	v14 =	vld [tilespmem:s30+$0x7B00]  }
0x1ea: {  	v16 =	vld [tilespmem:s30+$0x7B10]  }
0x1eb: {  	[tilespmem:$0x1FE70] =	vst v61;
	v61 =	vld [tilespmem:s30+$0x7E60]  }
0x1ec: {  	v22 =	vld [tilespmem:s30+$0x7B20]  }
0x1ed: {  	v24 =	vld [tilespmem:s30+$0x7B30]  }
0x1ee: {  	v26 =	vld [tilespmem:s30+$0x7B40]  }
0x1ef: {  	v27 =	vld [tilespmem:s30+$0x7B50]  }
0x1f0: {  	[tilespmem:$0x1FE80] =	vst v61;
	v61 =	vld [tilespmem:s30+$0x7E70]  }
0x1f1: {  	v2 =	vld [tilespmem:s30+$0x7B60]  }
0x1f2: {  	v34 =	vld [tilespmem:s30+$0x7B70]  }
0x1f3: {  	v36 =	vld [tilespmem:s30+$0x7B80]  }
0x1f4: {  	v37 =	vld [tilespmem:s30+$0x7B90]  }
0x1f5: {  	[tilespmem:$0x1FE90] =	vst v61;
	v61 =	vld [tilespmem:s30+$0x7E90]  }
0x1f6: {  	v39 =	vld [tilespmem:s30+$0x7BA0]  }
0x1f7: {  	v40 =	vld [tilespmem:s30+$0x7BB0]  }
0x1f8: {  	v38 =	vld [tilespmem:s30+$0x7BC0]  }
0x1f9: {  	v41 =	vld [tilespmem:s30+$0x7BD0]  }
0x1fa: {  	[tilespmem:$0x1FEB0] =	vst v61;
	v61 =	vld [tilespmem:s30+$0x7EA0]  }
0x1fb: {  	v42 =	vld [tilespmem:s30+$0x7BE0]  }
0x1fc: {  	v44 =	vld [tilespmem:s30+$0x7BF0]  }
0x1fd: {  	v43 =	vld [tilespmem:s30+$0x7C00]  }
0x1fe: {  	v48 =	vld [tilespmem:s30+$0x7C10]  }
0x1ff: {  	[tilespmem:$0x1FEC0] =	vst v61;
	v61 =	vld [tilespmem:s30+$0x7EB0]  }
0x200: {  	v45 =	vld [tilespmem:s30+$0x7C20]  }
0x201: {  	v46 =	vld [tilespmem:s30+$0x7C30]  }
0x202: {  	v49 =	vld [tilespmem:s30+$0x7C40]  }
0x203: {  	v51 =	vld [tilespmem:s30+$0x7C50]  }
0x204: {  	[tilespmem:$0x1FED0] =	vst v61;
	v61 =	vld [tilespmem:s30+$0x7EC0]  }
0x205: {  	v53 =	vld [tilespmem:s30+$0x7C60]  }
0x206: {  	v47 =	vld [tilespmem:s30+$0x7C70]  }
0x207: {  	v54 =	vld [tilespmem:s30+$0x7C80]  }
0x208: {  	v0 =	vld [tilespmem:s30+$0x7D30]  }
0x209: {  	[tilespmem:$0x1FEE0] =	vst v61;
	v61 =	vld [tilespmem:s30+$0x7ED0]  }
0x20a: {  	v50 =	vld [tilespmem:s30+$0x7C90]  }
0x20b: {  	v1 =	vld [tilespmem:s30+$0x7E80]  }
0x20c: {  	v55 =	vld [tilespmem:s30+$0x7CA0]  }
0x20d: {  	v56 =	vld [tilespmem:s30+$0x7CB0];
	[tilespmem:$0x1FD50] =	vst v0  }
0x20e: {  	v0 =	vbroadcast v33, $0x0;
	[tilespmem:$0x1FEF0] =	vst v61;
	v61 =	vld [tilespmem:s30+$0x7EE0]  }
0x20f: {  	v58 =	vld [tilespmem:s30+$0x7CC0]  }
0x210: {  	v59 =	vld [tilespmem:s30+$0x7CD0];
	[tilespmem:$0x1FEA0] =	vst v1;
	v1 =	vbroadcast v33, $0x1;
	v12 =	vmul.f32 v12, v0  }
0x211: {  	v52 =	vld [tilespmem:s30+$0x7CE0];
	v15 =	vmul.f32 v15, v0;
	v17 =	vmul.f32 v17, v0  }
0x212: {  	v62 =	vld [tilespmem:s30+$0x7CF0];
	v18 =	vmul.f32 v18, v0;
	v19 =	vmul.f32 v19, v0  }
0x213: {  	v25 =	vmul.f32 v25, v1;
	[tilespmem:$0x1FF00] =	vst v61;
	v61 =	vmul.f32 v29, v1;
	v29 =	vld [tilespmem:s30+$0x7EF0]  }
0x214: {  	v57 =	vld [tilespmem:s30+$0x7D00];
	v20 =	vmul.f32 v20, v0;
	v21 =	vmul.f32 v21, v0  }
0x215: {  	v0 =	vmul.f32 v23, v0;
	v23 =	vmax.f32 v12, v25;
	v25 =	vmax.f32 v17, v61;
	v61 =	vld [tilespmem:s30+$0x7F10]  }
0x216: {  	v60 =	vld [tilespmem:s30+$0x7D10]  }
0x217: {  	v63 =	vld [tilespmem:s30+$0x7D20];
	v28 =	vmul.f32 v28, v1  }
0x218: {  	v12 =	vld [tilespmem:s30+$0x7F00];
	[tilespmem:$0x1FF10] =	vst v29;
	v29 =	vmul.f32 v30, v1;
	v30 =	vmul.f32 v31, v1  }
0x219: {  	v28 =	vmax.f32 v15, v28;
	v15 =	vld [tilespmem:s30+$0x7F30];
	v31 =	vmul.f32 v32, v1;
	v32 =	vbroadcast v33, $0x2  }
0x21a: {  	v17 =	vld [tilespmem:s30+$0x7F20];
	[tilespmem:$0x1FF20] =	vst v61;
	v29 =	vmax.f32 v18, v29;
	v61 =	vmul.f32 v3, v1  }
0x21b: {  	v31 =	vmax.f32 v20, v31;
	v1 =	vmul.f32 v4, v1;
	v20 =	vmul.f32 v5, v32;
	v18 =	vld [tilespmem:s30+$0x7F50]  }
0x21c: {  	v30 =	vmax.f32 v19, v30;
	v6 =	vmul.f32 v6, v32;
	v19 =	vld [tilespmem:s30+$0x7F70];
	v61 =	vmax.f32 v21, v61  }
0x21d: {  	v21 =	vld [tilespmem:s30+$0x7F40];
	v0 =	vmax.f32 v0, v1;
	v1 =	vmax.f32 v23, v20;
	v23 =	vmul.f32 v8, v32  }
0x21e: {  	v7 =	vmul.f32 v7, v32;
	v11 =	vmul.f32 v11, v32;
	v6 =	vmax.f32 v28, v6;
	v28 =	vld [tilespmem:s30+$0x7F60]  }
0x21f: {  	v20 =	vld [tilespmem:s30+$0x7F90];
	v4 =	vmax.f32 v29, v23;
	v29 =	vmul.f32 v10, v32;
	v10 =	vbroadcast v33, $0x3  }
0x220: {  	v13 =	vmul.f32 v13, v32;
	v7 =	vmax.f32 v25, v7;
	v25 =	vmul.f32 v9, v32;
	v32 =	vld [tilespmem:s30+$0x7F80]  }
0x221: {  	v5 =	vmax.f32 v61, v11;
	v23 =	vld [tilespmem:s30+$0x7FB0];
	v14 =	vmul.f32 v14, v10  }
0x222: {  	v8 =	vmax.f32 v30, v25;
	v25 =	vld [tilespmem:s30+$0x7FC0];
	v16 =	vmul.f32 v16, v10;
	v61 =	vmul.f32 v22, v10  }
0x223: {  	v9 =	vmax.f32 v31, v29;
	v29 =	vmul.f32 v27, v10;
	v30 =	vmul.f32 v2, v10;
	v31 =	vld [tilespmem:s30+$0x7FD0];
	[tilespmem:$0x1FF30] =	vst v21  }
0x224: {  	[tilespmem:$0x1FF40] =	vst v28;
	v21 =	vld [tilespmem:s30+$0x7FA0];
	v28 =	vmul.f32 v26, v10;
	v6 =	vmax.f32 v6, v16;
	v16 =	vmul.f32 v24, v10  }
0x225: {  	v1 =	vmax.f32 v1, v14;
	v14 =	vbroadcast v33, $0x4;
	v10 =	vmul.f32 v34, v10;
	v34 =	vld [tilespmem:s30+$0x7FE0]  }
0x226: {  	v9 =	vmax.f32 v9, v29;
	v29 =	vld [tilespmem:s30+$0x8010]  }
0x227: {  	v0 =	vmax.f32 v0, v13;
	v5 =	vmax.f32 v5, v30;
	v30 =	vld [tilespmem:s30+$0x8020];
	[tilespmem:$0x1FF50] =	vst v32;
	v32 =	vmul.f32 v36, v14  }
0x228: {  	v8 =	vmax.f32 v8, v28;
	v28 =	vld [tilespmem:s30+$0x7FF0];
	v36 =	vmul.f32 v37, v14;
	v37 =	vmul.f32 v39, v14  }
0x229: {  	v7 =	vmax.f32 v7, v61;
	v39 =	vld [tilespmem:s30+$0x8000];
	v40 =	vmul.f32 v40, v14;
	v61 =	vmul.f32 v38, v14  }
0x22a: {  	v4 =	vmax.f32 v4, v16;
	v2 =	vmul.f32 v41, v14;
	v16 =	vbroadcast v33, $0x5;
	[tilespmem:$0x1FF60] =	vst v31;
	v31 =	vld [tilespmem:s30+$0x8040]  }
0x22b: {  	v22 =	vmul.f32 v42, v14;
	v24 =	vmul.f32 v44, v14;
	v7 =	vmax.f32 v7, v37;
	v37 =	vld [tilespmem:s30+$0x8030]  }
0x22c: {  	v38 =	vbroadcast v33, $0x7;
	v1 =	vmax.f32 v1, v32;
	v26 =	vmul.f32 v43, v16;
	v32 =	vld [tilespmem:s30+$0x8060]  }
0x22d: {  	v0 =	vmax.f32 v0, v10;
	v27 =	vmul.f32 v48, v16;
	v44 =	vmul.f32 v49, v16;
	v49 =	vld [tilespmem:s30+$0x8070]  }
0x22e: {  	v6 =	vmax.f32 v6, v36;
	v42 =	vmul.f32 v45, v16;
	v45 =	vmul.f32 v51, v16;
	v51 =	vld [tilespmem:s30+$0x8080]  }
0x22f: {  	v8 =	vmax.f32 v8, v61;
	v43 =	vmul.f32 v46, v16;
	v61 =	vmul.f32 v53, v16;
	v53 =	vld [tilespmem:s30+$0x8090]  }
0x230: {  	v9 =	vmax.f32 v9, v2;
	v46 =	vbroadcast v33, $0x6;
	v2 =	vmul.f32 v47, v16;
	v47 =	vld [tilespmem:$0x1FD50]  }
0x231: {  	v4 =	vmax.f32 v4, v40;
	v5 =	vmax.f32 v5, v22;
	v0 =	vmax.f32 v0, v24;
	v16 =	vld [tilespmem:s30+$0x81F0]  }
0x232: {  	v1 =	vmax.f32 v1, v26;
	v6 =	vmax.f32 v6, v27;
	v22 =	vmul.f32 v54, v46;
	v54 =	vld [tilespmem:s30+$0x80A0]  }
0x233: {  	v4 =	vmax.f32 v4, v43;
	v24 =	vmul.f32 v50, v46;
	v26 =	vmax.f32 v0, v2;
	v50 =	vld [tilespmem:$0x1FD60]  }
0x234: {  	v27 =	vmul.f32 v55, v46;
	v43 =	vmul.f32 v60, v38;
	v1 =	vmax.f32 v1, v22;
	v22 =	vld [tilespmem:$0x1FD70]  }
0x235: {  	[tilespmem:$0x1FF70] =	vst v34;
	v55 =	vld [tilespmem:s30+$0x80B0];
	v34 =	vmul.f32 v56, v46;
	v13 =	vmul.f32 v62, v46;
	v6 =	vmax.f32 v6, v24  }
0x236: {  	v36 =	vmul.f32 v58, v46;
	v40 =	vmul.f32 v59, v46;
	v6 =	vmax.f32 v6, v43;
	v43 =	vld [tilespmem:$0x1FDB0]  }
0x237: {  	v41 =	vmul.f32 v52, v46;
	v46 =	vmul.f32 v63, v38;
	v11 =	vmax.f32 v26, v13;
	v26 =	vld [tilespmem:$0x1FD80]  }
0x238: {  	v4 =	vmax.f32 v4, v34;
	v34 =	vld [tilespmem:$0x1FD90];
	v48 =	vmul.f32 v47, v38;
	v52 =	vmul.f32 v50, v38  }
0x239: {  	v7 =	vmax.f32 v7, v42;
	v50 =	vld [tilespmem:$0x1FDD0];
	v24 =	vmul.f32 v22, v38;
	v22 =	vbroadcast v33, $0x8  }
0x23a: {  	v7 =	vmax.f32 v7, v27;
	v10 =	vmax.f32 v4, v48;
	v4 =	vld [tilespmem:$0x1FDE0]  }
0x23b: {  	v7 =	vmax.f32 v7, v46;
	v46 =	vmul.f32 v43, v22;
	v43 =	vld [tilespmem:$0x1FE00]  }
0x23c: {  	v8 =	vmax.f32 v8, v44;
	v9 =	vmax.f32 v9, v45;
	v47 =	vld [tilespmem:$0x1FDC0]  }
0x23d: {  	v5 =	vmax.f32 v5, v61;
	v8 =	vmax.f32 v8, v36;
	v36 =	vld [tilespmem:$0x1FDA0];
	v27 =	vmul.f32 v26, v38  }
0x23e: {  	v9 =	vmax.f32 v9, v40;
	v5 =	vmax.f32 v5, v41;
	v61 =	vmul.f32 v50, v22;
	v50 =	vld [tilespmem:$0x1FE20]  }
0x23f: {  	v9 =	vmax.f32 v9, v24;
	v24 =	vmax.f32 v5, v27;
	v5 =	vmul.f32 v4, v22;
	v4 =	vld [tilespmem:$0x1FE30]  }
0x240: {  	v14 =	vmul.f32 v34, v38;
	v34 =	vld [tilespmem:$0x1FDF0];
	v6 =	vmax.f32 v6, v46;
	v46 =	vmul.f32 v43, v22  }
0x241: {  	v48 =	vmul.f32 v47, v22;
	v47 =	vld [tilespmem:$0x1FE10]  }
0x242: {  	v27 =	vbroadcast v33, $0x9;
	v43 =	vmax.f32 v24, v46;
	v46 =	vld [tilespmem:$0x1FE40]  }
0x243: {  	v56 =	vld [tilespmem:s30+$0x80C0];
	v42 =	vmul.f32 v57, v38;
	v8 =	vmax.f32 v8, v52;
	v10 =	vmax.f32 v10, v61  }
0x244: {  	v8 =	vmax.f32 v8, v5;
	v61 =	vmul.f32 v50, v27;
	v5 =	vmul.f32 v4, v27;
	v50 =	vld [tilespmem:$0x1FE50]  }
0x245: {  	v38 =	vmul.f32 v36, v22;
	v4 =	vld [tilespmem:$0x1FEA0]  }
0x246: {  	v13 =	vmax.f32 v1, v42;
	v36 =	vmul.f32 v34, v22;
	v34 =	vmax.f32 v6, v5;
	v5 =	vld [tilespmem:$0x1FE70]  }
0x247: {  	v58 =	vld [tilespmem:s30+$0x80D0];
	v13 =	vmax.f32 v13, v38;
	v22 =	vmul.f32 v47, v22;
	v47 =	vmul.f32 v46, v27  }
0x248: {  	v11 =	vmax.f32 v11, v14;
	v7 =	vmax.f32 v7, v48;
	v14 =	vmax.f32 v13, v61;
	v6 =	vld [tilespmem:$0x1FE80]  }
0x249: {  	v61 =	vmul.f32 v50, v27;
	v46 =	vmax.f32 v7, v47;
	v7 =	vld [tilespmem:$0x1FE60];
	v47 =	vbroadcast v33, $0xA  }
0x24a: {  	v59 =	vld [tilespmem:s30+$0x80E0]  }
0x24b: {  	v62 =	vld [tilespmem:s30+$0x80F0];
	v50 =	vmax.f32 v10, v61;
	v10 =	vmul.f32 v5, v27;
	v5 =	vmul.f32 v4, v47  }
0x24c: {  	v45 =	vld [tilespmem:s30+$0x8100]  }
0x24d: {  	v3 =	vmax.f32 v14, v5;
	v14 =	vld [tilespmem:$0x1FED0]  }
0x24e: {  	v61 =	vmul.f32 v6, v27;
	v6 =	vld [tilespmem:$0x1FEF0];
	v13 =	vmul.f32 v7, v27  }
0x24f: {  	v4 =	vld [tilespmem:$0x1FEE0]  }
0x250: {  	v2 =	vmax.f32 v8, v13;
	v13 =	vld [tilespmem:$0x1FE90]  }
0x251: {  	v63 =	vld [tilespmem:s30+$0x8110]  }
0x252: {  	v60 =	vld [tilespmem:s30+$0x8120];
	v14 =	vmul.f32 v14, v47  }
0x253: {  	v57 =	vld [tilespmem:s30+$0x8130];
	v9 =	vmax.f32 v9, v36  }
0x254: {  	v1 =	vmul.f32 v6, v47;
	v5 =	vmul.f32 v4, v47;
	v50 =	vmax.f32 v50, v14;
	v14 =	vld [tilespmem:$0x1FF00]  }
0x255: {  	v44 =	vld [tilespmem:s30+$0x8150];
	v7 =	vmul.f32 v13, v27;
	v27 =	vmax.f32 v9, v10  }
0x256: {  	v4 =	vmax.f32 v2, v5;
	v5 =	vmax.f32 v27, v1;
	v27 =	vld [tilespmem:$0x1FF10]  }
0x257: {  	[tilespmem:$0x1FF80] =	vst v39;
	v39 =	vld [tilespmem:s30+$0x8050]  }
0x258: {  	v41 =	vld [tilespmem:s30+$0x8170]  }
0x259: {  	v40 =	vld [tilespmem:s30+$0x81A0];
	v14 =	vmul.f32 v14, v47  }
0x25a: {  	v43 =	vmax.f32 v43, v61;
	v10 =	vld [tilespmem:$0x1FEB0]  }
0x25b: {  	v11 =	vmax.f32 v11, v22;
	v27 =	vmul.f32 v27, v47;
	v43 =	vmax.f32 v43, v14;
	v14 =	vld [tilespmem:$0x1FF20]  }
0x25c: {  	v42 =	vld [tilespmem:s30+$0x8160];
	v61 =	vmax.f32 v11, v7  }
0x25d: {  	v0 =	vbroadcast v33, $0xB;
	v27 =	vmax.f32 v61, v27;
	v61 =	vld [tilespmem:$0x1FF30]  }
0x25e: {  	v52 =	vld [tilespmem:s30+$0x8140]  }
0x25f: {  	v6 =	vmul.f32 v12, v0;
	v11 =	vld [tilespmem:$0x1FEC0];
	v9 =	vmul.f32 v10, v47  }
0x260: {  	v26 =	vld [tilespmem:s30+$0x81E0];
	v1 =	vmul.f32 v14, v0  }
0x261: {  	v38 =	vld [tilespmem:s30+$0x8180];
	v3 =	vmax.f32 v3, v6;
	v34 =	vmax.f32 v34, v9  }
0x262: {  	v48 =	vld [tilespmem:s30+$0x8190];
	v6 =	vmul.f32 v15, v0;
	v2 =	vmax.f32 v34, v1;
	v1 =	vmul.f32 v61, v0  }
0x263: {  	v36 =	vld [tilespmem:s30+$0x81B0]  }
0x264: {  	v11 =	vmul.f32 v11, v47;
	v47 =	vmax.f32 v50, v6;
	v6 =	vmax.f32 v4, v1;
	v4 =	vld [tilespmem:$0x1FF40]  }
0x265: {  	v24 =	vld [tilespmem:s30+$0x81C0]  }
0x266: {  	v22 =	vld [tilespmem:s30+$0x81D0]  }
0x267: {  	v12 =	vld [tilespmem:s30+$0x8260];
	v50 =	vmul.f32 v18, v0  }
0x268: {  	v15 =	vld [tilespmem:s30+$0x8280]  }
0x269: {  	v34 =	vmul.f32 v4, v0;
	v4 =	vmax.f32 v5, v50;
	v5 =	vld [tilespmem:$0x1FF50]  }
0x26a: {  	v8 =	vld [tilespmem:s30+$0x8230]  }
0x26b: {  	v13 =	vld [tilespmem:s30+$0x8200]  }
0x26c: {  	v7 =	vld [tilespmem:s30+$0x8220];
	v61 =	vbroadcast v33, $0xC  }
0x26d: {  	v10 =	vld [tilespmem:s30+$0x8210]  }
0x26e: {  	v9 =	vld [tilespmem:s30+$0x8250];
	v50 =	vmul.f32 v5, v61  }
0x26f: {  	v17 =	vmul.f32 v17, v0;
	v18 =	vld [tilespmem:s30+$0x82A0];
	v11 =	vmax.f32 v46, v11  }
0x270: {  	v46 =	vld [tilespmem:s30+$0x8240];
	v1 =	vmul.f32 v20, v61;
	v3 =	vmax.f32 v3, v50;
	v50 =	vmul.f32 v23, v61  }
0x271: {  	v11 =	vmax.f32 v11, v17;
	v17 =	vld [tilespmem:s30+$0x8290]  }
0x272: {  	v1 =	vmax.f32 v2, v1;
	v2 =	vmax.f32 v47, v50;
	v47 =	vld [tilespmem:$0x1FF60]  }
0x273: {  	v50 =	vld [tilespmem:$0x1FF70]  }
0x274: {  	v14 =	vld [tilespmem:s30+$0x8270];
	v0 =	vmul.f32 v19, v0;
	v5 =	vmax.f32 v43, v34;
	v43 =	vmul.f32 v21, v61  }
0x275: {  	v20 =	vld [tilespmem:s30+$0x82C0];
	v34 =	vmul.f32 v25, v61  }
0x276: {  	v19 =	vld [tilespmem:s30+$0x82B0];
	v0 =	vmax.f32 v27, v0;
	v11 =	vmax.f32 v11, v43  }
0x277: {  	v27 =	vld [tilespmem:s30+$0x8300];
	v43 =	vbroadcast v33, $0xD;
	v6 =	vmax.f32 v6, v34;
	v34 =	vmul.f32 v28, v61  }
0x278: {  	v47 =	vmul.f32 v47, v61;
	v50 =	vmul.f32 v50, v61;
	v61 =	vld [tilespmem:$0x1FF80]  }
0x279: {  	v21 =	vld [tilespmem:s30+$0x82D0];
	v37 =	vmul.f32 v37, v43  }
0x27a: {  	v25 =	vld [tilespmem:s30+$0x82F0]  }
0x27b: {  	v23 =	vld [tilespmem:s30+$0x82E0];
	v2 =	vmax.f32 v2, v37  }
0x27c: {  	v28 =	vld [tilespmem:s30+$0x8310];
	v4 =	vmax.f32 v4, v47;
	v5 =	vmax.f32 v5, v50;
	v47 =	vmul.f32 v29, v43  }
0x27d: {  	v37 =	vld [tilespmem:s30+$0x8380];
	v50 =	vmax.f32 v0, v34;
	v34 =	vmul.f32 v30, v43;
	v61 =	vmul.f32 v61, v43  }
0x27e: {  	v29 =	vld [tilespmem:s30+$0x8320];
	v0 =	vmul.f32 v39, v43;
	v1 =	vmax.f32 v1, v47;
	v47 =	vmul.f32 v31, v43  }
0x27f: {  	v30 =	vld [tilespmem:s30+$0x8330];
	v39 =	vmul.f32 v49, v43;
	v3 =	vmax.f32 v3, v61;
	v61 =	vbroadcast v33, $0xE  }
0x280: {  	v49 =	vld [tilespmem:s30+$0x83A0];
	v6 =	vmax.f32 v6, v47;
	v47 =	vmul.f32 v32, v43;
	v33 =	vbroadcast v33, $0xF  }
0x281: {  	v31 =	vld [tilespmem:s30+$0x8340];
	v11 =	vmax.f32 v11, v34;
	v43 =	vmul.f32 v51, v61;
	v53 =	vmul.f32 v53, v61  }
0x282: {  	v34 =	vld [tilespmem:s30+$0x8350];
	v4 =	vmax.f32 v4, v0;
	v54 =	vmul.f32 v54, v61;
	v55 =	vmul.f32 v55, v61  }
0x283: {  	v0 =	vld [tilespmem:s30+$0x8370];
	v5 =	vmax.f32 v5, v47;
	v56 =	vmul.f32 v56, v61;
	v47 =	vmul.f32 v59, v61  }
0x284: {  	v50 =	vmax.f32 v50, v39;
	v39 =	vld [tilespmem:s30+$0x8390];
	v59 =	vmul.f32 v45, v33;
	v42 =	vmul.f32 v42, v33  }
0x285: {  	v32 =	vld [tilespmem:s30+$0x8360];
	v3 =	vmax.f32 v3, v43;
	v1 =	vmax.f32 v1, v53;
	v11 =	vmax.f32 v11, v54  }
0x286: {  	v51 =	vld [tilespmem:s30+$0x83B0];
	v2 =	vmax.f32 v2, v55;
	v43 =	vmul.f32 v58, v61;
	v58 =	vmul.f32 v62, v61  }
0x287: {  	v45 =	vld [tilespmem:s30+$0x83F0];
	v6 =	vmax.f32 v6, v56;
	v61 =	vmul.f32 v63, v33;
	v62 =	vmul.f32 v60, v33  }
0x288: {  	v54 =	vld [tilespmem:s30+$0x83C0];
	v5 =	vmax.f32 v5, v47;
	v63 =	vmul.f32 v57, v33;
	v60 =	vmul.f32 v52, v33  }
0x289: {  	v55 =	vld [tilespmem:s30+$0x83D0];
	v52 =	vbroadcast v35, $0x3;
	v5 =	vmax.f32 v5, v42;
	v1 =	vmax.f32 v1, v61  }
0x28a: {  	v53 =	vld [tilespmem:s30+$0x83E0];
	v11 =	vmax.f32 v11, v62;
	v61 =	vbroadcast v35, $0x0;
	v62 =	vmul.f32 v44, v33  }
0x28b: {  	v56 =	vld [tilespmem:s30+$0x8400];
	v47 =	vmax.f32 v50, v58;
	v33 =	vmul.f32 v41, v33;
	v50 =	vbroadcast v35, $0x1  }
0x28c: {  	v42 =	vld [tilespmem:s30+$0x8450];
	v6 =	vmax.f32 v6, v60;
	v60 =	vbroadcast v35, $0x2;
	v38 =	vmul.f32 v38, v61  }
0x28d: {  	v2 =	vmax.f32 v2, v63;
	v44 =	vld [tilespmem:s30+$0x8410];
	v63 =	vmul.f32 v48, v61;
	v48 =	vmul.f32 v40, v61  }
0x28e: {  	v41 =	vld [tilespmem:s30+$0x8420];
	v36 =	vmul.f32 v36, v61;
	v24 =	vmul.f32 v24, v61  }
0x28f: {  	v4 =	vmax.f32 v4, v43;
	v43 =	vld [tilespmem:s30+$0x8430];
	v22 =	vmul.f32 v22, v61;
	v57 =	vmul.f32 v26, v61  }
0x290: {  	v40 =	vld [tilespmem:s30+$0x8440];
	v16 =	vmul.f32 v16, v61;
	v13 =	vmul.f32 v13, v50  }
0x291: {  	v33 =	vmax.f32 v47, v33;
	v47 =	vld [tilespmem:s30+$0x8460];
	v10 =	vmul.f32 v10, v50;
	v7 =	vmul.f32 v7, v50  }
0x292: {  	v3 =	vmax.f32 v3, v59;
	v26 =	vld [tilespmem:s30+$0x8470];
	v8 =	vmul.f32 v8, v50;
	v58 =	vmul.f32 v46, v50  }
0x293: {  	v4 =	vmax.f32 v4, v62;
	v59 =	vmul.f32 v9, v50;
	v62 =	vmul.f32 v14, v50;
	v14 =	vld [tilespmem:s30+$0x84D0]  }
0x294: {  	v61 =	vmul.f32 v12, v50;
	v50 =	vmul.f32 v20, v60;
	v20 =	vld [tilespmem:s30+$0x8540]  }
0x295: {  	v34 =	vmul.f32 v34, v52;
	v0 =	vmul.f32 v0, v52;
	v12 =	vld [tilespmem:s30+$0x8550]  }
0x296: {  	v46 =	vmul.f32 v18, v60;
	v9 =	vmul.f32 v25, v60;
	v25 =	vld [tilespmem:s30+$0x8580];
	v3 =	vmax.f32 v3, v38  }
0x297: {  	v18 =	vld [tilespmem:s30+$0x8590];
	v1 =	vmax.f32 v1, v63;
	v11 =	vmax.f32 v11, v48;
	v2 =	vmax.f32 v2, v36  }
0x298: {  	v6 =	vmax.f32 v6, v24;
	v4 =	vmax.f32 v4, v22;
	v22 =	vld [tilespmem:s30+$0x8480];
	v5 =	vmax.f32 v5, v57  }
0x299: {  	v24 =	vld [tilespmem:s30+$0x8490];
	v16 =	vmax.f32 v33, v16;
	v63 =	vmul.f32 v15, v60;
	v36 =	vmul.f32 v17, v60  }
0x29a: {  	v33 =	vld [tilespmem:s30+$0x84C0];
	v48 =	vmul.f32 v19, v60;
	v57 =	vmul.f32 v21, v60;
	v3 =	vmax.f32 v3, v13  }
0x29b: {  	v17 =	vld [tilespmem:s30+$0x84E0];
	v1 =	vmax.f32 v1, v10;
	v7 =	vmax.f32 v11, v7;
	v2 =	vmax.f32 v2, v8  }
0x29c: {  	v15 =	vld [tilespmem:s30+$0x8500];
	v6 =	vmax.f32 v6, v58;
	v4 =	vmax.f32 v4, v59;
	v58 =	vmul.f32 v23, v60  }
0x29d: {  	v19 =	vld [tilespmem:s30+$0x8510];
	v5 =	vmax.f32 v5, v61;
	v59 =	vmul.f32 v27, v52;
	v60 =	vmul.f32 v28, v52  }
0x29e: {  	v21 =	vld [tilespmem:s30+$0x8520];
	v38 =	vmax.f32 v16, v62;
	v61 =	vmul.f32 v29, v52;
	v62 =	vmul.f32 v30, v52  }
0x29f: {  	v13 =	vld [tilespmem:s30+$0x84A0];
	v3 =	vmax.f32 v3, v63;
	v1 =	vmax.f32 v1, v36;
	v7 =	vmax.f32 v7, v46  }
0x2a0: {  	v11 =	vld [tilespmem:s30+$0x84B0];
	v2 =	vmax.f32 v2, v48;
	v6 =	vmax.f32 v6, v50;
	v4 =	vmax.f32 v4, v57  }
0x2a1: {  	v16 =	vld [tilespmem:s30+$0x84F0];
	v9 =	vmax.f32 v38, v9;
	v63 =	vmul.f32 v31, v52;
	v36 =	vbroadcast v35, $0x4  }
0x2a2: {  	v23 =	vld [tilespmem:s30+$0x8530];
	v38 =	vmul.f32 v32, v52;
	v5 =	vmax.f32 v5, v58;
	v3 =	vmax.f32 v3, v59  }
0x2a3: {  	v27 =	vld [tilespmem:s30+$0x8560];
	v1 =	vmax.f32 v1, v60;
	v7 =	vmax.f32 v7, v61;
	v61 =	vbroadcast v35, $0x6  }
0x2a4: {  	v29 =	vld [tilespmem:s30+$0x8570];
	v2 =	vmax.f32 v2, v62;
	v46 =	vmul.f32 v37, v36;
	v48 =	vmul.f32 v39, v36  }
0x2a5: {  	v10 =	vld [tilespmem:s30+$0x85B0];
	v4 =	vmax.f32 v4, v34;
	v49 =	vmul.f32 v49, v36;
	v50 =	vmul.f32 v51, v36  }
0x2a6: {  	v30 =	vld [tilespmem:s30+$0x85C0];
	v0 =	vmax.f32 v9, v0;
	v51 =	vmul.f32 v54, v36;
	v52 =	vmul.f32 v55, v36  }
0x2a7: {  	v31 =	vld [tilespmem:s30+$0x85A0];
	v6 =	vmax.f32 v6, v63;
	v54 =	vbroadcast v35, $0x5;
	v55 =	vmul.f32 v53, v36  }
0x2a8: {  	v32 =	vld [tilespmem:s30+$0x8680];
	v5 =	vmax.f32 v5, v38;
	v28 =	vmul.f32 v45, v36;
	v22 =	vmul.f32 v22, v61  }
0x2a9: {  	v34 =	vld [tilespmem:s30+$0x85D0];
	v45 =	vmul.f32 v24, v61;
	v3 =	vmax.f32 v3, v46;
	v56 =	vmul.f32 v56, v54  }
0x2aa: {  	v36 =	vld [tilespmem:s30+$0x85E0];
	v1 =	vmax.f32 v1, v48;
	v57 =	vmul.f32 v44, v54;
	v58 =	vmul.f32 v41, v54  }
0x2ab: {  	v38 =	vld [tilespmem:s30+$0x85F0];
	v7 =	vmax.f32 v7, v49;
	v59 =	vmul.f32 v43, v54;
	v60 =	vmul.f32 v40, v54  }
0x2ac: {  	v37 =	vld [tilespmem:s30+$0x8610];
	v2 =	vmax.f32 v2, v50;
	v62 =	vmul.f32 v42, v54;
	v63 =	vmul.f32 v47, v54  }
0x2ad: {  	v24 =	vld [tilespmem:s30+$0x8650];
	v6 =	vmax.f32 v6, v51;
	v44 =	vmul.f32 v26, v54;
	v46 =	vmul.f32 v13, v61  }
0x2ae: {  	v0 =	vmax.f32 v0, v28;
	v28 =	vld [tilespmem:s30+$0x8600];
	v47 =	vmul.f32 v11, v61;
	v48 =	vmul.f32 v33, v61  }
0x2af: {  	v4 =	vmax.f32 v4, v52;
	v40 =	vld [tilespmem:s30+$0x8620];
	v49 =	vmul.f32 v14, v61;
	v50 =	vbroadcast v35, $0x7  }
0x2b0: {  	v5 =	vmax.f32 v5, v55;
	v42 =	vld [tilespmem:s30+$0x8630];
	v51 =	vmul.f32 v17, v61;
	v52 =	vmul.f32 v16, v61  }
0x2b1: {  	v26 =	vld [tilespmem:s30+$0x8640];
	v33 =	vbroadcast v35, $0x9;
	v3 =	vmax.f32 v3, v56;
	v1 =	vmax.f32 v1, v57  }
0x2b2: {  	v13 =	vld [tilespmem:s30+$0x8660];
	v7 =	vmax.f32 v7, v58;
	v2 =	vmax.f32 v2, v59;
	v15 =	vmul.f32 v15, v50  }
0x2b3: {  	v11 =	vld [tilespmem:s30+$0x8690];
	v6 =	vmax.f32 v6, v60;
	v53 =	vmul.f32 v19, v50;
	v54 =	vmul.f32 v21, v50  }
0x2b4: {  	v16 =	vld [tilespmem:s30+$0x86A0];
	v4 =	vmax.f32 v4, v62;
	v55 =	vmul.f32 v23, v50;
	v56 =	vmul.f32 v20, v50  }
0x2b5: {  	v17 =	vld [tilespmem:s30+$0x86D0];
	v5 =	vmax.f32 v5, v63;
	v57 =	vmul.f32 v12, v50;
	v58 =	vbroadcast v35, $0x8  }
0x2b6: {  	v0 =	vmax.f32 v0, v44;
	v19 =	vld [tilespmem:s30+$0x86B0];
	v59 =	vmul.f32 v27, v50;
	v14 =	vmul.f32 v29, v50  }
0x2b7: {  	v20 =	vld [tilespmem:s30+$0x86E0];
	v3 =	vmax.f32 v3, v22;
	v1 =	vmax.f32 v1, v45;
	v7 =	vmax.f32 v7, v46  }
0x2b8: {  	v21 =	vld [tilespmem:s30+$0x86F0];
	v2 =	vmax.f32 v2, v47;
	v6 =	vmax.f32 v6, v48;
	v4 =	vmax.f32 v4, v49  }
0x2b9: {  	v23 =	vld [tilespmem:s30+$0x8700];
	v5 =	vmax.f32 v5, v51;
	v0 =	vmax.f32 v0, v52;
	v43 =	vmul.f32 v37, v33  }
0x2ba: {  	v29 =	vld [tilespmem:s30+$0x8740];
	v48 =	vbroadcast v35, $0xA;
	v3 =	vmax.f32 v3, v15;
	v60 =	vmul.f32 v25, v58  }
0x2bb: {  	v44 =	vld [tilespmem:s30+$0x8760];
	v1 =	vmax.f32 v1, v53;
	v18 =	vmul.f32 v18, v58;
	v61 =	vmul.f32 v31, v58  }
0x2bc: {  	v12 =	vld [tilespmem:s30+$0x8770];
	v7 =	vmax.f32 v7, v54;
	v62 =	vmul.f32 v10, v58;
	v63 =	vmul.f32 v30, v58  }
0x2bd: {  	v22 =	vld [tilespmem:s30+$0x8670];
	v2 =	vmax.f32 v2, v55;
	v34 =	vmul.f32 v34, v58;
	v36 =	vmul.f32 v36, v58  }
0x2be: {  	v49 =	vld [tilespmem:s30+$0x8790];
	v6 =	vmax.f32 v6, v56;
	v39 =	vmul.f32 v38, v58;
	v47 =	vmul.f32 v24, v33  }
0x2bf: {  	v37 =	vld [tilespmem:s30+$0x8820];
	v4 =	vmax.f32 v4, v57;
	v41 =	vmul.f32 v28, v33;
	v45 =	vmul.f32 v40, v33  }
0x2c0: {  	v15 =	vld [tilespmem:s30+$0x86C0];
	v5 =	vmax.f32 v5, v59;
	v46 =	vmul.f32 v42, v33;
	v26 =	vmul.f32 v26, v33  }
0x2c1: {  	v0 =	vmax.f32 v0, v14;
	v14 =	vld [tilespmem:s30+$0x8710];
	v50 =	vmul.f32 v13, v33;
	v52 =	vmul.f32 v32, v48  }
0x2c2: {  	v10 =	vld [tilespmem:s30+$0x8720];
	v53 =	vmul.f32 v11, v48;
	v54 =	vmul.f32 v16, v48;
	v3 =	vmax.f32 v3, v60  }
0x2c3: {  	v25 =	vld [tilespmem:s30+$0x8730];
	v1 =	vmax.f32 v1, v18;
	v7 =	vmax.f32 v7, v61;
	v2 =	vmax.f32 v2, v62  }
0x2c4: {  	v30 =	vld [tilespmem:s30+$0x8780];
	v6 =	vmax.f32 v6, v63;
	v4 =	vmax.f32 v4, v34;
	v5 =	vmax.f32 v5, v36  }
0x2c5: {  	v55 =	vld [tilespmem:s30+$0x87C0];
	v0 =	vmax.f32 v0, v39;
	v60 =	vmul.f32 v17, v48;
	v61 =	vbroadcast v35, $0xB  }
0x2c6: {  	v57 =	vld [tilespmem:s30+$0x87D0];
	v3 =	vmax.f32 v3, v41;
	v1 =	vmax.f32 v1, v43;
	v7 =	vmax.f32 v7, v45  }
0x2c7: {  	v59 =	vld [tilespmem:s30+$0x87E0];
	v2 =	vmax.f32 v2, v46;
	v6 =	vmax.f32 v6, v26;
	v56 =	vmul.f32 v19, v48  }
0x2c8: {  	v28 =	vld [tilespmem:s30+$0x8750];
	v4 =	vmax.f32 v4, v47;
	v63 =	vmul.f32 v20, v48;
	v26 =	vmul.f32 v21, v48  }
0x2c9: {  	v13 =	vld [tilespmem:s30+$0x87A0];
	v5 =	vmax.f32 v5, v50;
	v41 =	vbroadcast v35, $0xC;
	v51 =	vmul.f32 v22, v33  }
0x2ca: {  	v32 =	vld [tilespmem:s30+$0x8800];
	v3 =	vmax.f32 v3, v52;
	v33 =	vmul.f32 v23, v61;
	v40 =	vmul.f32 v29, v61  }
0x2cb: {  	v42 =	vld [tilespmem:s30+$0x8840];
	v1 =	vmax.f32 v1, v53;
	v44 =	vmul.f32 v44, v61;
	v46 =	vmul.f32 v12, v61  }
0x2cc: {  	v62 =	vld [tilespmem:s30+$0x87F0];
	v7 =	vmax.f32 v7, v54;
	v58 =	vmul.f32 v15, v48;
	v14 =	vmul.f32 v14, v61  }
0x2cd: {  	v34 =	vld [tilespmem:s30+$0x8810];
	v4 =	vmax.f32 v4, v60;
	v36 =	vmul.f32 v10, v61;
	v38 =	vmul.f32 v25, v61  }
0x2ce: {  	v39 =	vld [tilespmem:s30+$0x8830];
	v2 =	vmax.f32 v2, v56;
	v47 =	vmul.f32 v30, v41;
	v49 =	vmul.f32 v49, v41  }
0x2cf: {  	v45 =	vld [tilespmem:s30+$0x8850];
	v5 =	vmax.f32 v5, v63;
	v54 =	vmul.f32 v55, v41;
	v56 =	vmul.f32 v57, v41  }
0x2d0: {  	v50 =	vld [tilespmem:s30+$0x8870];
	v57 =	vbroadcast v35, $0xD;
	v59 =	vmul.f32 v59, v41;
	v0 =	vmax.f32 v0, v51  }
0x2d1: {  	v22 =	vld [tilespmem:s30+$0x87B0];
	v3 =	vmax.f32 v3, v33;
	v43 =	vmul.f32 v28, v61;
	v5 =	vmax.f32 v5, v44  }
0x2d2: {  	v52 =	vld [tilespmem:s30+$0x8880];
	v51 =	vmul.f32 v13, v41;
	v6 =	vmax.f32 v6, v58;
	v0 =	vmax.f32 v0, v26  }
0x2d3: {  	v60 =	vld [tilespmem:s30+$0x88B0];
	v1 =	vmax.f32 v1, v14;
	v7 =	vmax.f32 v7, v36;
	v61 =	vmul.f32 v62, v41  }
0x2d4: {  	v48 =	vld [tilespmem:s30+$0x8860];
	v2 =	vmax.f32 v2, v38;
	v62 =	vmul.f32 v32, v57;
	v21 =	vmul.f32 v34, v57  }
0x2d5: {  	v55 =	vld [tilespmem:s30+$0x8890];
	v3 =	vmax.f32 v3, v47;
	v10 =	vmul.f32 v37, v57;
	v27 =	vmul.f32 v39, v57  }
0x2d6: {  	v63 =	vld [tilespmem:s30+$0x88C0];
	v5 =	vmax.f32 v5, v59;
	v29 =	vmul.f32 v42, v57;
	v32 =	vbroadcast v35, $0xE  }
0x2d7: {  	v30 =	vld [tilespmem:s30+$0x88F0];
	v42 =	vbroadcast v35, $0xF;
	v6 =	vmax.f32 v6, v40;
	v4 =	vmax.f32 v4, v43  }
0x2d8: {  	v28 =	vld [tilespmem:s30+$0x88E0];
	v0 =	vmax.f32 v0, v46;
	v1 =	vmax.f32 v1, v49;
	v31 =	vmul.f32 v45, v57  }
0x2d9: {  	v33 =	vld [tilespmem:s30+$0x8900];
	v7 =	vmax.f32 v7, v51;
	v36 =	vmul.f32 v50, v57;
	v53 =	vmul.f32 v22, v41  }
0x2da: {  	v58 =	vld [tilespmem:s30+$0x88A0];
	v6 =	vmax.f32 v6, v54;
	v4 =	vmax.f32 v4, v56;
	v0 =	vmax.f32 v0, v61  }
0x2db: {  	v26 =	vld [tilespmem:s30+$0x88D0];
	v3 =	vmax.f32 v3, v62;
	v1 =	vmax.f32 v1, v21;
	v7 =	vmax.f32 v7, v10  }
0x2dc: {  	v37 =	vld [tilespmem:s30+$0x8910];
	v38 =	vmul.f32 v52, v32;
	v44 =	vmul.f32 v60, v32;
	v6 =	vmax.f32 v6, v29  }
0x2dd: {  	v40 =	vld [tilespmem:s30+$0x8920];
	v34 =	vmul.f32 v48, v57;
	v4 =	vmax.f32 v4, v31;
	v39 =	vmul.f32 v55, v32  }
0x2de: {  	v43 =	vld [tilespmem:s30+$0x8930];
	v0 =	vmax.f32 v0, v36;
	v48 =	vmul.f32 v63, v32;
	v2 =	vmax.f32 v2, v53  }
0x2df: {  	v45 =	vld [tilespmem:s30+$0x8940];
	v3 =	vmax.f32 v3, v38;
	v46 =	vmul.f32 v33, v42;
	v56 =	vmul.f32 v28, v32  }
0x2e0: {  	v47 =	vld [tilespmem:s30+$0x8950];
	v2 =	vmax.f32 v2, v27;
	v5 =	vmax.f32 v5, v34;
	v41 =	vmul.f32 v58, v32  }
0x2e1: {  	v50 =	vld [tilespmem:s30+$0x8960];
	v1 =	vmax.f32 v1, v39;
	v49 =	vmul.f32 v37, v42;
	v51 =	vmul.f32 v26, v32  }
0x2e2: {  	s26 =	sshll.u32 s25, $0x7;
	v53 =	vld [tilespmem:s30+$0x8970];
	v6 =	vmax.f32 v6, v48;
	v3 =	vmax.f32 v3, v46;
	v52 =	vmul.f32 v40, v42  }
0x2e3: {  	v54 =	vmul.f32 v43, v42;
	v7 =	vmax.f32 v7, v41;
	v1 =	vmax.f32 v1, v49;
	[tilespmem:s26+$0x9980] =	vst v3  }
0x2e4: {  	v2 =	vmax.f32 v2, v44;
	v55 =	vmul.f32 v45, v42;
	v7 =	vmax.f32 v7, v52;
	[tilespmem:s26+$0x9990] =	vst v1  }
0x2e5: {  	v57 =	vmul.f32 v47, v42;
	v58 =	vmul.f32 v30, v32;
	v2 =	vmax.f32 v2, v54;
	[tilespmem:s26+$0x99A0] =	vst v7  }
0x2e6: {  	p0 =	sne.s32 s24, $0x140;
	v59 =	vmul.f32 v50, v42;
	v4 =	vmax.f32 v4, v51;
	v1 =	vmax.f32 v6, v55;
	[tilespmem:s26+$0x99B0] =	vst v2  }
.Ltmp1:
0x2e7: {  	s31 =	sadd.s32 s23, s11;
	v60 =	vmax.f32 v5, v56;
	v61 =	vmax.f32 v4, v57;
	v62 =	vmul.f32 v53, v42;
	[tilespmem:s26+$0x99C0] =	vst v1;
	(pc) =	sbr.rel @p0 .LBB2_4-.Ltmp1, $4  }
0x2e8: {  	s28 =	sand.u32 $0x7FF80, s31;
	s25 =	sadd.s32 $0x5, s25;
	s30 =	sand.u32 $0x70, s23;
	v0 =	vmax.f32 v0, v58;
	v63 =	vmax.f32 v60, v59;
	[tilespmem:s26+$0x99D0] =	vst v61  }
0x2e9: {  	s22 =	sadd.s32 $0x20, s22;
	s23 =	sadd.s32 $0x10, s23;
	s29 =	sadd.s32 s2, s30;
	[tilespmem:s26+$0x99E0] =	vst v63;
	v0 =	vmax.f32 v0, v62  }
0x2ea: {  	s30 =	sadd.s32 $0x9980, s26;
	s31 =	sadd.s32 s28, s29;
	[tilespmem:s26+$0x99F0] =	vst v0;
	s26 =	smov.u32 s24  }
0x2eb: {  	[hbm4b:s31+s4] =	stream.linear.scatter [tilespmem:s30], [sflag:s25], $0x80, $0x38;
	[tilespmem:$0x1DA80] =	vst v63  }
0x2ec: {  	s21 =	sadd.s32 $0x1, s21  }
0x2ed: {  	_ =	swait.ge [sflag:s19], $0x80;
	p0 =	sne.s32 s21, s10  }
.Ltmp2:
0x2ee: {  	[sflag:s19] =	ssyncset.done $0x0;
	(pc) =	sbr.rel @p0 .LBB2_1-.Ltmp2, $4  }
0x2ef: {  	[sflag:s19] =	ssyncadd.s32 $0xFFFFFF80  }
0x2f0: {  	_ =	swait.ge [sflag:s20], $0x80  }
0x2f1: {  	[sflag:s20] =	ssyncset.done $0x0  }
0x2f2: {  	v1 =	vld [tilespmem:$0x1FFF0];
	[sflag:s20] =	ssyncadd.s32 $0xFFFFFF80  }
0x2f3: {  	_ =	sfence.sel $0x180000  }
0x2f4: {  	[bflag:$0x0] =	sbarrier.arrive $0xFFFF  }
0x2f5: {  	p0 =	sne.s32 s0, $0x0;
	_ =	strace $0x90000047  }
0x2f6: {  	s0 =	sadd.s32 @!p0 $0x100000, s1;
	[bflag:$0x2] =	sbarrier.arrive $0xFFFF  }
0x2f7: {  	[sflag:s0] =	ssyncadd.tile.s32 @!p0 $0x1;
	_ =	shalt  }
.Lfunc_end2:
_tile_overlayer_lowered:
.L_overlay_start_2:
0x2f8: {  	(tag) =	ssettag $0x2  }
0x2f9: {  	s0 =	rddreg [dreg:$0x0];
	s2 =	stileid.u32  }
0x2fa: {  	s1 =	rddreg [dreg:$0x1];
	p0 =	sne.s32 s2, $0x0  }
0x2fb: {  	s3 =	rddreg [dreg:$0x2];
	[bflag:$0x3] =	sbarrier.arrive $0xFFFF;
	s2 =	simm.s32 @!p0 $0x1C07  }
0x2fc: {  	[timem:s3], [sflag:s2] =	dma.local @!p0 [hbm:s0], s1  }
0x2fd: {  	s0 =	simm.s32 @!p0 $0x7  }
0x2fe: {  	_ =	swait.ge @!p0 [sflag:s0], s1  }
0x2ff: {  	s1 =	ssub.s32 @!p0 $0x0, s1;
	[sflag:s0] =	ssyncset.done @!p0 $0x0  }
0x300: {  	[sflag:s0] =	ssyncadd.s32 @!p0 s1  }
0x301: {  	[bflag:$0x3] =	sbarrier.arrive $0xFFFF  }
0x302: {  	_ =	shalt  }

</sc_bundles>
